<compile_context>
chip_gen: v7x
topology: tpu7x:2x2x1
jax: 0.10.2.dev20260603
libtpu: 0.0.44.dev20260713+nightly
codegen_flags: <defaults>
</compile_context>

<pallas_src>
import functools

import jax
import jax.numpy as jnp
from jax import lax
from jax.experimental import pallas as pl
from jax.experimental.pallas import tpu as pltpu
from jax.experimental.pallas import tpu_sc as plsc

D = 128
EDGE_ALIGN = 32 * 128




def _word_feats(word_h, W_w, W_w_att, W_ws_att, W_wsuper_att):
    n = word_h.shape[0]
    blk = 2000
    grid = n // blk

    def body(x_ref, ww_ref, watt_ref, wws_ref, wwsup_ref, u_ref, aws_ref, awsup_ref):
        x = x_ref[...]
        u_ref[...] = jnp.dot(x, watt_ref[...], preferred_element_type=jnp.float32)
        c1 = jnp.dot(ww_ref[...], wws_ref[...][:D, :], preferred_element_type=jnp.float32)
        c2 = jnp.dot(ww_ref[...], wwsup_ref[...][:D, :], preferred_element_type=jnp.float32)
        aws_ref[...] = jnp.dot(x, c1, preferred_element_type=jnp.float32).reshape(8, blk // 8)
        awsup_ref[...] = jnp.dot(x, c2, preferred_element_type=jnp.float32).reshape(8, blk // 8)

    u, a_ws, a_wsup = pl.pallas_call(
        body,
        grid=(grid,),
        in_specs=[
            pl.BlockSpec((blk, D), lambda i: (i, 0)),
            pl.BlockSpec((D, D), lambda i: (0, 0)),
            pl.BlockSpec((D, D), lambda i: (0, 0)),
            pl.BlockSpec((2 * D, 1), lambda i: (0, 0)),
            pl.BlockSpec((2 * D, 1), lambda i: (0, 0)),
        ],
        out_specs=[
            pl.BlockSpec((blk, D), lambda i: (i, 0)),
            pl.BlockSpec((8, blk // 8), lambda i: (i, 0)),
            pl.BlockSpec((8, blk // 8), lambda i: (i, 0)),
        ],
        out_shape=[
            jax.ShapeDtypeStruct((n, D), jnp.float32),
            jax.ShapeDtypeStruct((grid * 8, blk // 8), jnp.float32),
            jax.ShapeDtypeStruct((grid * 8, blk // 8), jnp.float32),
        ],
    )(word_h, W_w, W_w_att, W_ws_att, W_wsuper_att)
    return u, a_ws.reshape(n), a_wsup.reshape(n)


def _sent_super_feats(sent_h, score2, super_h, W_s, W_s_att, W_super,
                      W_ss_att, W_ws_att, W_ssuper_att, W_wsuper_att):
    ns = sent_h.shape[0]
    b = super_h.shape[0]
    s = ns // b

    def body(sh_ref, sc_ref, sup_ref, ws_ref, wsatt_ref, wsup_ref,
             wss_ref, wws_ref, wssup_ref, wwsup_ref,
             sh2_ref, su_ref, scal_ref, supscal_ref, nsc_ref):
        sh2 = sc_ref[...] * sh_ref[...]
        sh2_ref[...] = sh2
        su_ref[...] = jnp.dot(sh2, wsatt_ref[...], preferred_element_type=jnp.float32)
        cat = jnp.concatenate(
            [wss_ref[...][:D, :], wss_ref[...][D:, :], wws_ref[...][D:, :],
             wssup_ref[...][:D, :]], axis=1)
        cs = jnp.dot(ws_ref[...], cat, preferred_element_type=jnp.float32)
        scal_ref[...] = jnp.dot(sh2, cs, preferred_element_type=jnp.float32).T
        csup = jnp.concatenate([wssup_ref[...][D:, :], wwsup_ref[...][D:, :]], axis=1)
        c2 = jnp.dot(wsup_ref[...], csup, preferred_element_type=jnp.float32)
        sup = sup_ref[...]
        supscal_ref[...] = jnp.dot(sup, c2, preferred_element_type=jnp.float32).T
        raw = jnp.sum(sh2.reshape(b, s, D) * sup[:, None, :], axis=-1)
        nrm = jnp.sqrt(jnp.sum(sup * sup, axis=-1, keepdims=True))
        x = raw / nrm
        x = x - jnp.max(x, axis=1, keepdims=True)
        e = jnp.exp(x)
        nsc_ref[...] = e / jnp.sum(e, axis=1, keepdims=True)

    return pl.pallas_call(
        body,
        out_shape=[
            jax.ShapeDtypeStruct((ns, D), jnp.float32),
            jax.ShapeDtypeStruct((ns, D), jnp.float32),
            jax.ShapeDtypeStruct((4, ns), jnp.float32),
            jax.ShapeDtypeStruct((2, b), jnp.float32),
            jax.ShapeDtypeStruct((b, s), jnp.float32),
        ],
    )(sent_h, score2, super_h, W_s, W_s_att, W_super,
      W_ss_att, W_ws_att, W_ssuper_att, W_wsuper_att)


def _combine(acc_all, s_all, sent_h2, super_h, W_s_h, W_super_h):
    ns = sent_h2.shape[0]
    b = super_h.shape[0]

    def body(acc_ref, s_ref, sh2_ref, sup_ref, wsh_ref, wsuph_ref,
             sh_out, sup_out):
        eps = 1e-16
        acc = acc_ref[0] + acc_ref[1]
        s = s_ref[0] + s_ref[1] + eps
        ns_sent = jax.nn.sigmoid(acc[:ns] / s[:ns][:, None])
        nw_sent = jax.nn.sigmoid(acc[ns:2 * ns] / s[ns:2 * ns][:, None])
        wsh = wsh_ref[...]
        sh_out[...] = jax.nn.sigmoid(
            jnp.dot(ns_sent, wsh[:D, :], preferred_element_type=jnp.float32)
            + jnp.dot(nw_sent, wsh[D:2 * D, :], preferred_element_type=jnp.float32)
            + jnp.dot(sh2_ref[...], wsh[2 * D:, :], preferred_element_type=jnp.float32))
        ns_sup = jax.nn.sigmoid(acc[2 * ns:2 * ns + b] / s[2 * ns:2 * ns + b][:, None])
        nw_sup = jax.nn.sigmoid(acc[2 * ns + b:] / s[2 * ns + b:][:, None])
        wsup = wsuph_ref[...]
        sup_out[...] = jax.nn.sigmoid(
            jnp.dot(ns_sup, wsup[:D, :], preferred_element_type=jnp.float32)
            + jnp.dot(nw_sup, wsup[D:2 * D, :], preferred_element_type=jnp.float32)
            + jnp.dot(sup_ref[...], wsup[2 * D:, :], preferred_element_type=jnp.float32))

    return pl.pallas_call(
        body,
        out_shape=[
            jax.ShapeDtypeStruct((ns, D), jnp.float32),
            jax.ShapeDtypeStruct((b, D), jnp.float32),
        ],
    )(acc_all, s_all, sent_h2, super_h, W_s_h, W_super_h)




def _seg_attn_sc(ns, nw, nb, types):
    ntot = 2 * ns + 2 * nb
    nmax = max(e_pad // 128 // 32 for _, e_pad, _, _ in types)
    mesh = plsc.VectorSubcoreMesh(core_axis_name="c", subcore_axis_name="s")

    @functools.partial(
        pl.kernel,
        mesh=mesh,
        compiler_params=pltpu.CompilerParams(needs_layout_passes=False),
        out_type=[
            jax.ShapeDtypeStruct((2, ntot, D), jnp.float32),
            jax.ShapeDtypeStruct((2, ntot), jnp.float32),
        ],
        scratch_types=[
            pltpu.VMEM((nw,), jnp.float32),
            pltpu.VMEM((ns,), jnp.float32),
            pltpu.VMEM((nmax, 128), jnp.int32),
            pltpu.VMEM((nmax, 128), jnp.int32),
            pltpu.VMEM((128, D), jnp.float32),
            pltpu.VMEM((128,), jnp.float32),
            pltpu.VMEM_SHARED((ntot, D), jnp.float32),
            pltpu.VMEM_SHARED((ntot,), jnp.float32),
            pltpu.SemaphoreType.DMA,
        ],
    )
    def k(ss_s, ss_d, ws_s, ws_d, ssup_s, ssup_d, wsup_s, wsup_d,
          sent_u_hbm, word_u_hbm,
          a_ss, b_ss, a_ws, b_ws, a_ssup, b_ssup, a_wsup, b_wsup,
          zrows_hbm, zs_hbm,
          acc_out, s_out,
          a_tab, b_tab, src_big, dst_big, rows, wbuf, acc_sh, s_sh, gsem):
        cid = lax.axis_index("c")
        sid = lax.axis_index("s")

        @pl.when(sid == 0)
        def _():
            pltpu.sync_copy(zrows_hbm, acc_sh)
            pltpu.sync_copy(zs_hbm, s_sh)

        plsc.subcore_barrier()
        base0 = cid * 16 + sid

        srcs = [ss_s, ws_s, ssup_s, wsup_s]
        dsts = [ss_d, ws_d, ssup_d, wsup_d]
        utabs = [sent_u_hbm, word_u_hbm, sent_u_hbm, word_u_hbm]
        atabs = [a_ss, a_ws, a_ssup, a_wsup]
        btabs = [b_ss, b_ws, b_ssup, b_wsup]

        for t, (n_edges, e_pad, n_src, off) in enumerate(types):
            n_dst = btabs[t].shape[0]
            nblk = e_pad // (32 * 128)
            tb = base0 * nblk
            u_hbm = utabs[t]
            pltpu.sync_copy(atabs[t], a_tab.at[pl.ds(0, n_src)])
            pltpu.sync_copy(btabs[t], b_tab.at[pl.ds(0, n_dst)])
            pltpu.sync_copy(srcs[t].at[base0], src_big.at[pl.ds(0, nblk)])
            pltpu.sync_copy(dsts[t].at[base0], dst_big.at[pl.ds(0, nblk)])

            def block(jb, carry):
                cp = pltpu.async_copy(u_hbm.at[src_big.at[jb]], rows, gsem)

                def wgrp(g, c, jb=jb):
                    sl = pl.ds(g * 16, 16)
                    s16 = src_big[jb, sl]
                    d16 = dst_big[jb, sl]
                    a = plsc.load_gather(a_tab, [s16])
                    bv = plsc.load_gather(b_tab, [d16 - off])
                    x = a + bv
                    att = jnp.maximum(x, x * 0.01)
                    wv = jnp.exp(att)
                    gi = (tb + jb) * 128 + g * 16 + lax.iota(jnp.int32, 16)
                    wv = jnp.where(gi < n_edges, wv, 0.0)
                    wbuf[sl] = wv
                    return c

                lax.fori_loop(0, 8, wgrp, 0)
                cp.wait()

                def escale(e4, c):
                    e = e4 * 4
                    wes = [
                        plsc.load_gather(wbuf, [jnp.full((16,), e + i, jnp.int32)])
                        for i in range(4)
                    ]
                    for cc in range(D // 16):
                        csl = pl.ds(cc * 16, 16)
                        for i in range(4):
                            rows[e + i, csl] = rows[e + i, csl] * wes[i]
                    return c

                lax.fori_loop(0, 32, escale, 0)

                pltpu.sync_copy(rows, acc_sh.at[dst_big.at[jb]], add=True)
                pltpu.sync_copy(wbuf, s_sh.at[dst_big.at[jb]], add=True)
                return carry

            lax.fori_loop(0, nblk, block, 0)

        plsc.subcore_barrier()

        @pl.when(sid == 0)
        def _():
            pltpu.sync_copy(acc_sh, acc_out.at[cid])
            pltpu.sync_copy(s_sh, s_out.at[cid])

    return k


def _pad_edges(src, dst, off):
    e = src.shape[0]
    ep = ((e + EDGE_ALIGN - 1) // EDGE_ALIGN) * EDGE_ALIGN
    if ep != e:
        src = jnp.pad(src, (0, ep - e))
        dst = jnp.pad(dst, (0, ep - e))
    nblk = ep // (32 * 128)
    return (src.reshape(32, nblk, 128), (dst + off).reshape(32, nblk, 128), e, ep)




def kernel(word_h, sent_h, super_h, score, sw_src, sw_dst, ss_src, ss_dst,
           ws_src, ws_dst, ssuper_src, ssuper_dst, wsuper_src, wsuper_dst,
           W_w, W_s, W_super, W_w_att, W_s_att, W_sw_att, W_w_h,
           W_ss_att, W_ws_att, W_s_h, W_wsuper_att, W_ssuper_att, W_super_h):
    nw = word_h.shape[0]
    ns = sent_h.shape[0]
    b = super_h.shape[0]

    word_u, a_ws, a_wsup = _word_feats(word_h, W_w, W_w_att, W_ws_att, W_wsuper_att)
    sent_h2, sent_u, sent_scal, sup_scal, new_scores = _sent_super_feats(
        sent_h, score.reshape(ns, 1), super_h, W_s, W_s_att, W_super,
        W_ss_att, W_ws_att, W_ssuper_att, W_wsuper_att)
    a_ss = sent_scal[0]
    b_ss = sent_scal[1]
    b_ws = sent_scal[2]
    a_ssup = sent_scal[3]
    b_ssup = sup_scal[0]
    b_wsup = sup_scal[1]

    ntot = 2 * ns + 2 * b
    z_rows = jnp.zeros((ntot, D), jnp.float32)
    z_s = jnp.zeros((ntot,), jnp.float32)

    ss_s, ss_d, ss_e, ss_ep = _pad_edges(ss_src, ss_dst, 0)
    ws_s, ws_d, ws_e, ws_ep = _pad_edges(ws_src, ws_dst, ns)
    ssup_s, ssup_d, ssup_e, ssup_ep = _pad_edges(ssuper_src, ssuper_dst, 2 * ns)
    wsup_s, wsup_d, wsup_e, wsup_ep = _pad_edges(wsuper_src, wsuper_dst, 2 * ns + b)

    types = [
        (ss_e, ss_ep, ns, 0),
        (ws_e, ws_ep, nw, ns),
        (ssup_e, ssup_ep, ns, 2 * ns),
        (wsup_e, wsup_ep, nw, 2 * ns + b),
    ]
    acc_all, s_all = _seg_attn_sc(ns, nw, b, types)(
        ss_s, ss_d, ws_s, ws_d, ssup_s, ssup_d, wsup_s, wsup_d,
        sent_u, word_u,
        a_ss, b_ss, a_ws, b_ws, a_ssup, b_ssup, a_wsup, b_wsup,
        z_rows, z_s)

    s_h, super_h_new = _combine(acc_all, s_all, sent_h2, super_h, W_s_h, W_super_h)

    return new_scores, s_h, super_h_new

# --- scband reference (transcript-rebuilt; emitter-appended) ---
"""Pipeline reference for scband-graph-attention-layer-69544110457400 (READ-ONLY COPY).

The authoritative reference and input builder live on the scoring server;
editing this copy changes nothing except your own understanding.
"""

import jax, jax.numpy as jnp
import numpy as np

NW = 50000; NS = 2048; B = 64; S = 32; D = 128
E_SW = 400000; E_SS = 65536; E_WS = 100000; E_SSUP = 2048; E_WSUP = 50000


def _edge_softmax(att, dst, n):
    # softmax over incoming edges grouped by destination node (DGL mailbox softmax)
    m = jax.ops.segment_max(att, dst, num_segments=n)
    m = jnp.where(jnp.isfinite(m), m, 0.0)
    e = jnp.exp(att - m[dst])
    s = jax.ops.segment_sum(e, dst, num_segments=n)
    return e / (s[dst] + 1e-16)


def _attn_aggregate(src_z, dst_z, src_u, src_idx, dst_idx, W_att, n_dst):
    u = jnp.concatenate([src_z[src_idx], dst_z[dst_idx]], axis=1)
    att = jax.nn.leaky_relu(u @ W_att, negative_slope=0.01)  # [E, 1]
    a = _edge_softmax(att, dst_idx, n_dst)
    return jax.nn.sigmoid(jax.ops.segment_sum(a * src_u[src_idx], dst_idx, num_segments=n_dst))


def setup_inputs(seed: int = 0) -> dict:
    key = jax.random.key(seed)
    ks = jax.random.split(key, 32)
    inp = {}
    inp["word_h"] = jax.random.normal(ks[0], (NW, D), jnp.float32)
    inp["sent_h"] = jax.random.normal(ks[1], (NS, D), jnp.float32)
    inp["super_h"] = jax.random.normal(ks[2], (B, D), jnp.float32)
    inp["score"] = jax.random.uniform(ks[3], (NS,), jnp.float32)
    inp["sw_src"] = jax.random.randint(ks[4], (E_SW,), 0, NS, jnp.int32)
    inp["sw_dst"] = jax.random.randint(ks[5], (E_SW,), 0, NW, jnp.int32)
    inp["ss_src"] = jax.random.randint(ks[6], (E_SS,), 0, NS, jnp.int32)
    inp["ss_dst"] = jax.random.randint(ks[7], (E_SS,), 0, NS, jnp.int32)
    inp["ws_src"] = jax.random.randint(ks[8], (E_WS,), 0, NW, jnp.int32)
    inp["ws_dst"] = jax.random.randint(ks[9], (E_WS,), 0, NS, jnp.int32)
    inp["ssuper_src"] = jax.random.randint(ks[10], (E_SSUP,), 0, NS, jnp.int32)
    inp["ssuper_dst"] = jax.random.randint(ks[11], (E_SSUP,), 0, B, jnp.int32)
    inp["wsuper_src"] = jax.random.randint(ks[12], (E_WSUP,), 0, NW, jnp.int32)
    inp["wsuper_dst"] = jax.random.randint(ks[13], (E_WSUP,), 0, B, jnp.int32)
    w = lambda k, i, o: jax.random.normal(k, (i, o), jnp.float32) * 0.05
    inp["W_w"] = w(ks[14], D, D)
    inp["W_s"] = w(ks[15], D, D)
    inp["W_super"] = w(ks[16], D, D)
    inp["W_w_att"] = w(ks[17], D, D)
    inp["W_s_att"] = w(ks[18], D, D)
    inp["W_sw_att"] = w(ks[19], 2 * D, 1)
    inp["W_w_h"] = w(ks[20], 2 * D, D)
    inp["W_ss_att"] = w(ks[21], 2 * D, 1)
    inp["W_ws_att"] = w(ks[22], 2 * D, 1)
    inp["W_s_h"] = w(ks[23], 3 * D, D)
    inp["W_wsuper_att"] = w(ks[24], 2 * D, 1)
    inp["W_ssuper_att"] = w(ks[25], 2 * D, 1)
    inp["W_super_h"] = w(ks[26], 3 * D, D)
    return inp


def reference(word_h, sent_h, super_h, score,
              sw_src, sw_dst, ss_src, ss_dst, ws_src, ws_dst,
              ssuper_src, ssuper_dst, wsuper_src, wsuper_dst,
              W_w, W_s, W_super, W_w_att, W_s_att, W_sw_att, W_w_h,
              W_ss_att, W_ws_att, W_s_h, W_wsuper_att, W_ssuper_att, W_super_h):
    score2 = score.reshape(-1, 1)
    sent_h2 = score2 * sent_h  # g.nodes['sentence'].data['h'] = score * h

    word_z = word_h @ W_w
    sent_z = sent_h2 @ W_s
    super_z = super_h @ W_super
    word_u = word_h @ W_w_att
    sent_u = sent_h2 @ W_s_att

    # sw: sentence -> word
    n_word = _attn_aggregate(sent_z, word_z, sent_u, sw_src, sw_dst, W_sw_att, NW)
    w_h = jax.nn.sigmoid(jnp.concatenate([word_h, n_word], axis=1) @ W_w_h)

    # ss: sentence -> sentence ; ws: word -> sentence
    ns_sent = _attn_aggregate(sent_z, sent_z, sent_u, ss_src, ss_dst, W_ss_att, NS)
    nw_sent = _attn_aggregate(word_z, sent_z, word_u, ws_src, ws_dst, W_ws_att, NS)
    s_h = jax.nn.sigmoid(jnp.concatenate([ns_sent, nw_sent, sent_h2], axis=1) @ W_s_h)

    # ssuper: sentence -> supernode ; wsuper: word -> supernode
    ns_super = _attn_aggregate(sent_z, super_z, sent_u, ssuper_src, ssuper_dst, W_ssuper_att, B)
    nw_super = _attn_aggregate(word_z, super_z, word_u, wsuper_src, wsuper_dst, W_wsuper_att, B)
    super_h_new = jax.nn.sigmoid(jnp.concatenate([ns_super, nw_super, super_h], axis=1) @ W_super_h)

    # new_scores: bmm(sent_h2 per-doc, supernode_h) / ||supernode_h||, softmax over sentences
    sentences_h = sent_h2.reshape(B, S, D)
    sup = super_h[:, :, None]  # [B, D, 1]
    raw = jnp.squeeze(jnp.matmul(sentences_h, sup), axis=-1)  # [B, S]
    nrm = jnp.linalg.norm(super_h, axis=1, keepdims=True)  # [B, 1]
    new_scores = jax.nn.softmax(raw / nrm, axis=1)

    # w_h updates word node state in the graph but is not returned by the torch module
    _ = w_h
    return (new_scores, s_h, super_h_new)

if __name__ == "__main__":
    import jax
    _d = setup_inputs()
    print(jax.jit(kernel)(*tuple(_d.values())))

</pallas_src>

<mosaic_0001>
#map = affine_map<(d0, d1) -> (0, 0, 0)>
#map1 = affine_map<(d0, d1) -> (0, 0)>
#map2 = affine_map<(d0, d1) -> (0)>
module attributes {stable_mosaic.version = 14 : i64} {
  func.func @k(%arg0: i32, %arg1: i32, %arg2: memref<32x16x128xi32, #tpu.memory_space<hbm>>, %arg3: memref<32x16x128xi32, #tpu.memory_space<hbm>>, %arg4: memref<32x25x128xi32, #tpu.memory_space<hbm>>, %arg5: memref<32x25x128xi32, #tpu.memory_space<hbm>>, %arg6: memref<32x1x128xi32, #tpu.memory_space<hbm>>, %arg7: memref<32x1x128xi32, #tpu.memory_space<hbm>>, %arg8: memref<32x13x128xi32, #tpu.memory_space<hbm>>, %arg9: memref<32x13x128xi32, #tpu.memory_space<hbm>>, %arg10: memref<2048x128xf32, #tpu.memory_space<hbm>>, %arg11: memref<50000x128xf32, #tpu.memory_space<hbm>>, %arg12: memref<2048xf32, #tpu.memory_space<hbm>>, %arg13: memref<2048xf32, #tpu.memory_space<hbm>>, %arg14: memref<50000xf32, #tpu.memory_space<hbm>>, %arg15: memref<2048xf32, #tpu.memory_space<hbm>>, %arg16: memref<2048xf32, #tpu.memory_space<hbm>>, %arg17: memref<64xf32, #tpu.memory_space<hbm>>, %arg18: memref<50000xf32, #tpu.memory_space<hbm>>, %arg19: memref<64xf32, #tpu.memory_space<hbm>>, %arg20: memref<4224x128xf32, #tpu.memory_space<hbm>>, %arg21: memref<4224xf32, #tpu.memory_space<hbm>>, %arg22: memref<2x4224x128xf32, #tpu.memory_space<hbm>>, %arg23: memref<2x4224xf32, #tpu.memory_space<hbm>>, %arg24: memref<50000xf32, #tpu.memory_space<vmem>>, %arg25: memref<2048xf32, #tpu.memory_space<vmem>>, %arg26: memref<25x128xi32, #tpu.memory_space<vmem>>, %arg27: memref<25x128xi32, #tpu.memory_space<vmem>>, %arg28: memref<128x128xf32, #tpu.memory_space<vmem>>, %arg29: memref<128xf32, #tpu.memory_space<vmem>>, %arg30: memref<4224x128xf32, #tpu.memory_space<vmem_shared>>, %arg31: memref<4224xf32, #tpu.memory_space<vmem_shared>>, %arg32: memref<!tpu.dma_semaphore, #tpu.memory_space<semaphore_mem>>) attributes {dimension_semantics = [#tpu.dimension_semantics<core_parallel>, #tpu.dimension_semantics<subcore_parallel>], iteration_bounds = array<i64: 2, 16>, scalar_prefetch = 0 : i64, scratch_operands = 9 : i64, tpu.core_type = #tpu.core_type<sc_vector_subcore>, window_params = [{transform_indices = #map}, {transform_indices = #map}, {transform_indices = #map}, {transform_indices = #map}, {transform_indices = #map}, {transform_indices = #map}, {transform_indices = #map}, {transform_indices = #map}, {transform_indices = #map1}, {transform_indices = #map1}, {transform_indices = #map2}, {transform_indices = #map2}, {transform_indices = #map2}, {transform_indices = #map2}, {transform_indices = #map2}, {transform_indices = #map2}, {transform_indices = #map2}, {transform_indices = #map2}, {transform_indices = #map1}, {transform_indices = #map2}, {transform_indices = #map}, {transform_indices = #map1}]} {
    %eq3A = arith.constant 0 : i32
    %eq3A_0 = arith.cmpi eq, %arg1, %eq3A : i32
    %convert_element_type3A = arith.extui %eq3A_0 : i1 to i32
    %cond3A = arith.constant 0 : i32
    %cond3A_1 = arith.cmpi ne, %convert_element_type3A, %cond3A : i32
    scf.if %cond3A_1 {
      "tpu.region"() ({
        %run_scoped3A = tpu.sem_alloc : memref<!tpu.dma_semaphore, #tpu.memory_space<semaphore_mem>>
        tpu.enqueue_dma source(%arg20 : memref<4224x128xf32, #tpu.memory_space<hbm>>) target(%arg30 : memref<4224x128xf32, #tpu.memory_space<vmem_shared>>) target_semaphore(%run_scoped3A : memref<!tpu.dma_semaphore, #tpu.memory_space<semaphore_mem>>)
        tpu.wait_dma2 semaphore(%run_scoped3A : memref<!tpu.dma_semaphore, #tpu.memory_space<semaphore_mem>>) src(%arg20 : memref<4224x128xf32, #tpu.memory_space<hbm>>) dst(%arg30 : memref<4224x128xf32, #tpu.memory_space<vmem_shared>>)
        tpu.yield
      }) : () -> ()
      "tpu.region"() ({
        %run_scoped3A = tpu.sem_alloc : memref<!tpu.dma_semaphore, #tpu.memory_space<semaphore_mem>>
        tpu.enqueue_dma source(%arg21 : memref<4224xf32, #tpu.memory_space<hbm>>) target(%arg31 : memref<4224xf32, #tpu.memory_space<vmem_shared>>) target_semaphore(%run_scoped3A : memref<!tpu.dma_semaphore, #tpu.memory_space<semaphore_mem>>)
        tpu.wait_dma2 semaphore(%run_scoped3A : memref<!tpu.dma_semaphore, #tpu.memory_space<semaphore_mem>>) src(%arg21 : memref<4224xf32, #tpu.memory_space<hbm>>) dst(%arg31 : memref<4224xf32, #tpu.memory_space<vmem_shared>>)
        tpu.yield
      }) : () -> ()
    } else {
    }
    %barrier3A = arith.constant 0 : index
    tpu.barrier barrier_id(%barrier3A)
    %mul3A = arith.constant 16 : i32
    %mul3A_2 = arith.muli %arg0, %mul3A : i32
    %add3A = arith.addi %mul3A_2, %arg1 : i32
    %mul3A_3 = arith.constant 16 : i32
    %mul3A_4 = arith.muli %add3A, %mul3A_3 : i32
    "tpu.region"() ({
      %run_scoped3A = tpu.sem_alloc : memref<!tpu.dma_semaphore, #tpu.memory_space<semaphore_mem>>
      %dma_start3A_59 = arith.constant 0 : i32
      %dma_start3A_60 = tpu.memref_slice %arg24[%dma_start3A_59] : memref<50000xf32, #tpu.memory_space<vmem>> -> memref<2048xf32, #tpu.memory_space<vmem>>
      %dma_start3A_61 = arith.constant 0 : i32
      %dma_start3A_62 = tpu.memref_slice %arg24[%dma_start3A_61] : memref<50000xf32, #tpu.memory_space<vmem>> -> memref<2048xf32, #tpu.memory_space<vmem>>
      tpu.enqueue_dma source(%arg12 : memref<2048xf32, #tpu.memory_space<hbm>>) target(%dma_start3A_62 : memref<2048xf32, #tpu.memory_space<vmem>>) target_semaphore(%run_scoped3A : memref<!tpu.dma_semaphore, #tpu.memory_space<semaphore_mem>>)
      %dma_wait3A_63 = arith.constant 0 : i32
      %dma_wait3A_64 = tpu.memref_slice %arg24[%dma_wait3A_63] : memref<50000xf32, #tpu.memory_space<vmem>> -> memref<2048xf32, #tpu.memory_space<vmem>>
      %dma_wait3A_65 = arith.constant 0 : i32
      %dma_wait3A_66 = tpu.memref_slice %arg24[%dma_wait3A_65] : memref<50000xf32, #tpu.memory_space<vmem>> -> memref<2048xf32, #tpu.memory_space<vmem>>
      tpu.wait_dma2 semaphore(%run_scoped3A : memref<!tpu.dma_semaphore, #tpu.memory_space<semaphore_mem>>) src(%arg12 : memref<2048xf32, #tpu.memory_space<hbm>>) dst(%dma_wait3A_66 : memref<2048xf32, #tpu.memory_space<vmem>>)
      tpu.yield
    }) : () -> ()
    "tpu.region"() ({
      %run_scoped3A = tpu.sem_alloc : memref<!tpu.dma_semaphore, #tpu.memory_space<semaphore_mem>>
      %dma_start3A_59 = arith.constant 0 : i32
      %dma_start3A_60 = tpu.memref_slice %arg25[%dma_start3A_59] : memref<2048xf32, #tpu.memory_space<vmem>> -> memref<2048xf32, #tpu.memory_space<vmem>>
      %dma_start3A_61 = arith.constant 0 : i32
      %dma_start3A_62 = tpu.memref_slice %arg25[%dma_start3A_61] : memref<2048xf32, #tpu.memory_space<vmem>> -> memref<2048xf32, #tpu.memory_space<vmem>>
      tpu.enqueue_dma source(%arg13 : memref<2048xf32, #tpu.memory_space<hbm>>) target(%dma_start3A_62 : memref<2048xf32, #tpu.memory_space<vmem>>) target_semaphore(%run_scoped3A : memref<!tpu.dma_semaphore, #tpu.memory_space<semaphore_mem>>)
      %dma_wait3A_63 = arith.constant 0 : i32
      %dma_wait3A_64 = tpu.memref_slice %arg25[%dma_wait3A_63] : memref<2048xf32, #tpu.memory_space<vmem>> -> memref<2048xf32, #tpu.memory_space<vmem>>
      %dma_wait3A_65 = arith.constant 0 : i32
      %dma_wait3A_66 = tpu.memref_slice %arg25[%dma_wait3A_65] : memref<2048xf32, #tpu.memory_space<vmem>> -> memref<2048xf32, #tpu.memory_space<vmem>>
      tpu.wait_dma2 semaphore(%run_scoped3A : memref<!tpu.dma_semaphore, #tpu.memory_space<semaphore_mem>>) src(%arg13 : memref<2048xf32, #tpu.memory_space<hbm>>) dst(%dma_wait3A_66 : memref<2048xf32, #tpu.memory_space<vmem>>)
      tpu.yield
    }) : () -> ()
    "tpu.region"() ({
      %run_scoped3A = tpu.sem_alloc : memref<!tpu.dma_semaphore, #tpu.memory_space<semaphore_mem>>
      %dma_start3A_59 = arith.constant 0 : i32
      %dma_start3A_60 = arith.constant 0 : i32
      %dma_start3A_61 = tpu.memref_slice %arg26[%dma_start3A_59, %dma_start3A_60] : memref<25x128xi32, #tpu.memory_space<vmem>> -> memref<16x128xi32, #tpu.memory_space<vmem>>
      %dma_start3A_62 = arith.constant 0 : i32
      %dma_start3A_63 = arith.constant 0 : i32
      %dma_start3A_64 = tpu.memref_slice %arg2[%add3A, %dma_start3A_62, %dma_start3A_63] : memref<32x16x128xi32, #tpu.memory_space<hbm>> -> memref<1x16x128xi32, #tpu.memory_space<hbm>>
      %dma_start3A_65 = tpu.memref_squeeze %dma_start3A_64 : memref<1x16x128xi32, #tpu.memory_space<hbm>> -> memref<16x128xi32, #tpu.memory_space<hbm>>
      %dma_start3A_66 = arith.constant 0 : i32
      %dma_start3A_67 = arith.constant 0 : i32
      %dma_start3A_68 = tpu.memref_slice %arg26[%dma_start3A_66, %dma_start3A_67] : memref<25x128xi32, #tpu.memory_space<vmem>> -> memref<16x128xi32, #tpu.memory_space<vmem>>
      %dma_start3A_69 = arith.constant 0 : i32
      %dma_start3A_70 = arith.constant 0 : i32
      %dma_start3A_71 = tpu.memref_slice %arg2[%add3A, %dma_start3A_69, %dma_start3A_70] : memref<32x16x128xi32, #tpu.memory_space<hbm>> -> memref<1x16x128xi32, #tpu.memory_space<hbm>>
      %dma_start3A_72 = tpu.memref_squeeze %dma_start3A_71 : memref<1x16x128xi32, #tpu.memory_space<hbm>> -> memref<16x128xi32, #tpu.memory_space<hbm>>
      tpu.enqueue_dma source(%dma_start3A_72 : memref<16x128xi32, #tpu.memory_space<hbm>>) target(%dma_start3A_68 : memref<16x128xi32, #tpu.memory_space<vmem>>) target_semaphore(%run_scoped3A : memref<!tpu.dma_semaphore, #tpu.memory_space<semaphore_mem>>)
      %dma_wait3A_73 = arith.constant 0 : i32
      %dma_wait3A_74 = arith.constant 0 : i32
      %dma_wait3A_75 = tpu.memref_slice %arg26[%dma_wait3A_73, %dma_wait3A_74] : memref<25x128xi32, #tpu.memory_space<vmem>> -> memref<16x128xi32, #tpu.memory_space<vmem>>
      %dma_wait3A_76 = arith.constant 0 : i32
      %dma_wait3A_77 = arith.constant 0 : i32
      %dma_wait3A_78 = tpu.memref_slice %arg2[%add3A, %dma_wait3A_76, %dma_wait3A_77] : memref<32x16x128xi32, #tpu.memory_space<hbm>> -> memref<1x16x128xi32, #tpu.memory_space<hbm>>
      %dma_wait3A_79 = tpu.memref_squeeze %dma_wait3A_78 : memref<1x16x128xi32, #tpu.memory_space<hbm>> -> memref<16x128xi32, #tpu.memory_space<hbm>>
      %dma_wait3A_80 = arith.constant 0 : i32
      %dma_wait3A_81 = arith.constant 0 : i32
      %dma_wait3A_82 = tpu.memref_slice %arg26[%dma_wait3A_80, %dma_wait3A_81] : memref<25x128xi32, #tpu.memory_space<vmem>> -> memref<16x128xi32, #tpu.memory_space<vmem>>
      %dma_wait3A_83 = arith.constant 0 : i32
      %dma_wait3A_84 = arith.constant 0 : i32
      %dma_wait3A_85 = tpu.memref_slice %arg2[%add3A, %dma_wait3A_83, %dma_wait3A_84] : memref<32x16x128xi32, #tpu.memory_space<hbm>> -> memref<1x16x128xi32, #tpu.memory_space<hbm>>
      %dma_wait3A_86 = tpu.memref_squeeze %dma_wait3A_85 : memref<1x16x128xi32, #tpu.memory_space<hbm>> -> memref<16x128xi32, #tpu.memory_space<hbm>>
      tpu.wait_dma2 semaphore(%run_scoped3A : memref<!tpu.dma_semaphore, #tpu.memory_space<semaphore_mem>>) src(%dma_wait3A_86 : memref<16x128xi32, #tpu.memory_space<hbm>>) dst(%dma_wait3A_82 : memref<16x128xi32, #tpu.memory_space<vmem>>)
      tpu.yield
    }) : () -> ()
    "tpu.region"() ({
      %run_scoped3A = tpu.sem_alloc : memref<!tpu.dma_semaphore, #tpu.memory_space<semaphore_mem>>
      %dma_start3A_59 = arith.constant 0 : i32
      %dma_start3A_60 = arith.constant 0 : i32
      %dma_start3A_61 = tpu.memref_slice %arg27[%dma_start3A_59, %dma_start3A_60] : memref<25x128xi32, #tpu.memory_space<vmem>> -> memref<16x128xi32, #tpu.memory_space<vmem>>
      %dma_start3A_62 = arith.constant 0 : i32
      %dma_start3A_63 = arith.constant 0 : i32
      %dma_start3A_64 = tpu.memref_slice %arg3[%add3A, %dma_start3A_62, %dma_start3A_63] : memref<32x16x128xi32, #tpu.memory_space<hbm>> -> memref<1x16x128xi32, #tpu.memory_space<hbm>>
      %dma_start3A_65 = tpu.memref_squeeze %dma_start3A_64 : memref<1x16x128xi32, #tpu.memory_space<hbm>> -> memref<16x128xi32, #tpu.memory_space<hbm>>
      %dma_start3A_66 = arith.constant 0 : i32
      %dma_start3A_67 = arith.constant 0 : i32
      %dma_start3A_68 = tpu.memref_slice %arg27[%dma_start3A_66, %dma_start3A_67] : memref<25x128xi32, #tpu.memory_space<vmem>> -> memref<16x128xi32, #tpu.memory_space<vmem>>
      %dma_start3A_69 = arith.constant 0 : i32
      %dma_start3A_70 = arith.constant 0 : i32
      %dma_start3A_71 = tpu.memref_slice %arg3[%add3A, %dma_start3A_69, %dma_start3A_70] : memref<32x16x128xi32, #tpu.memory_space<hbm>> -> memref<1x16x128xi32, #tpu.memory_space<hbm>>
      %dma_start3A_72 = tpu.memref_squeeze %dma_start3A_71 : memref<1x16x128xi32, #tpu.memory_space<hbm>> -> memref<16x128xi32, #tpu.memory_space<hbm>>
      tpu.enqueue_dma source(%dma_start3A_72 : memref<16x128xi32, #tpu.memory_space<hbm>>) target(%dma_start3A_68 : memref<16x128xi32, #tpu.memory_space<vmem>>) target_semaphore(%run_scoped3A : memref<!tpu.dma_semaphore, #tpu.memory_space<semaphore_mem>>)
      %dma_wait3A_73 = arith.constant 0 : i32
      %dma_wait3A_74 = arith.constant 0 : i32
      %dma_wait3A_75 = tpu.memref_slice %arg27[%dma_wait3A_73, %dma_wait3A_74] : memref<25x128xi32, #tpu.memory_space<vmem>> -> memref<16x128xi32, #tpu.memory_space<vmem>>
      %dma_wait3A_76 = arith.constant 0 : i32
      %dma_wait3A_77 = arith.constant 0 : i32
      %dma_wait3A_78 = tpu.memref_slice %arg3[%add3A, %dma_wait3A_76, %dma_wait3A_77] : memref<32x16x128xi32, #tpu.memory_space<hbm>> -> memref<1x16x128xi32, #tpu.memory_space<hbm>>
      %dma_wait3A_79 = tpu.memref_squeeze %dma_wait3A_78 : memref<1x16x128xi32, #tpu.memory_space<hbm>> -> memref<16x128xi32, #tpu.memory_space<hbm>>
      %dma_wait3A_80 = arith.constant 0 : i32
      %dma_wait3A_81 = arith.constant 0 : i32
      %dma_wait3A_82 = tpu.memref_slice %arg27[%dma_wait3A_80, %dma_wait3A_81] : memref<25x128xi32, #tpu.memory_space<vmem>> -> memref<16x128xi32, #tpu.memory_space<vmem>>
      %dma_wait3A_83 = arith.constant 0 : i32
      %dma_wait3A_84 = arith.constant 0 : i32
      %dma_wait3A_85 = tpu.memref_slice %arg3[%add3A, %dma_wait3A_83, %dma_wait3A_84] : memref<32x16x128xi32, #tpu.memory_space<hbm>> -> memref<1x16x128xi32, #tpu.memory_space<hbm>>
      %dma_wait3A_86 = tpu.memref_squeeze %dma_wait3A_85 : memref<1x16x128xi32, #tpu.memory_space<hbm>> -> memref<16x128xi32, #tpu.memory_space<hbm>>
      tpu.wait_dma2 semaphore(%run_scoped3A : memref<!tpu.dma_semaphore, #tpu.memory_space<semaphore_mem>>) src(%dma_wait3A_86 : memref<16x128xi32, #tpu.memory_space<hbm>>) dst(%dma_wait3A_82 : memref<16x128xi32, #tpu.memory_space<vmem>>)
      tpu.yield
    }) : () -> ()
    %scan3A = arith.constant 0 : i32
    %scan3A_5 = arith.constant 0 : i32
    %scan3A_6 = arith.constant 16 : i32
    %scan3A_7 = arith.addi %scan3A_5, %scan3A_6 : i32
    %scan3A_8 = arith.constant 1 : i32
    scf.for %scan3A_59 = %scan3A_5 to %scan3A_7 step %scan3A_8  : i32 {
      %dma_start3A_60 = arith.constant 0 : i32
      %dma_start3A_61 = tpu.memref_slice %arg26[%scan3A_59, %dma_start3A_60] : memref<25x128xi32, #tpu.memory_space<vmem>> -> memref<1x128xi32, #tpu.memory_space<vmem>>
      %dma_start3A_62 = tpu.memref_squeeze %dma_start3A_61 : memref<1x128xi32, #tpu.memory_space<vmem>> -> memref<128xi32, #tpu.memory_space<vmem>>
      %dma_start3A_63 = arith.constant 0 : i32
      %dma_start3A_64 = arith.constant 0 : i32
      %dma_start3A_65 = tpu.memref_slice %arg10[%dma_start3A_63, %dma_start3A_64] : memref<2048x128xf32, #tpu.memory_space<hbm>> -> memref<2048x128xf32, #tpu.memory_space<hbm>>
      tpu.enqueue_indirect_dma source(%dma_start3A_65 : memref<2048x128xf32, #tpu.memory_space<hbm>>) target(%arg28 : memref<128x128xf32, #tpu.memory_space<vmem>>) offsets(%dma_start3A_62 : memref<128xi32, #tpu.memory_space<vmem>>) semaphore(%arg32 : memref<!tpu.dma_semaphore, #tpu.memory_space<semaphore_mem>>)
      %scan3A_66 = arith.constant 0 : i32
      %scan3A_67 = arith.constant 0 : i32
      %scan3A_68 = arith.constant 8 : i32
      %scan3A_69 = arith.addi %scan3A_67, %scan3A_68 : i32
      %scan3A_70 = arith.constant 1 : i32
      scf.for %scan3A_84 = %scan3A_67 to %scan3A_69 step %scan3A_70  : i32 {
        %mul3A_85 = arith.constant 16 : i32
        %mul3A_86 = arith.muli %scan3A_84, %mul3A_85 : i32
        %get3A = arith.index_cast %scan3A_59 : i32 to index
        %get3A_87 = arith.index_cast %mul3A_86 : i32 to index
        %get3A_88 = tpu.vector_load %arg26[%get3A, %get3A_87] {strides = array<i32>} : memref<25x128xi32, #tpu.memory_space<vmem>>, vector<16xi32>,
        %get3A_89 = arith.index_cast %scan3A_59 : i32 to index
        %get3A_90 = arith.index_cast %mul3A_86 : i32 to index
        %get3A_91 = tpu.vector_load %arg27[%get3A_89, %get3A_90] {strides = array<i32>} : memref<25x128xi32, #tpu.memory_space<vmem>>, vector<16xi32>,
        %gather3A = tpu.vector_load_idx %arg24[%get3A_88] : memref<50000xf32, #tpu.memory_space<vmem>>[vector<16xi32>], vector<16xf32>,
        %sub3A = arith.constant 0 : i32
        %sub3A_92 = vector.broadcast %sub3A : i32 to vector<16xi32>
        %sub3A_93 = arith.subi %get3A_91, %sub3A_92 : vector<16xi32>
        %gather3A_94 = tpu.vector_load_idx %arg25[%sub3A_93] : memref<2048xf32, #tpu.memory_space<vmem>>[vector<16xi32>], vector<16xf32>,
        %add3A_95 = arith.addf %gather3A, %gather3A_94 : vector<16xf32>
        %mul3A_96 = arith.constant 0.00999999977 : f32
        %mul3A_97 = vector.broadcast %mul3A_96 : f32 to vector<16xf32>
        %mul3A_98 = arith.mulf %add3A_95, %mul3A_97 : vector<16xf32>
        %max3A = arith.maximumf %add3A_95, %mul3A_98 : vector<16xf32>
        %exp3A = math.exp %max3A : vector<16xf32>
        %add3A_99 = arith.addi %mul3A_4, %scan3A_59 : i32
        %mul3A_100 = arith.constant 128 : i32
        %mul3A_101 = arith.muli %add3A_99, %mul3A_100 : i32
        %mul3A_102 = arith.constant 16 : i32
        %mul3A_103 = arith.muli %scan3A_84, %mul3A_102 : i32
        %add3A_104 = arith.addi %mul3A_101, %mul3A_103 : i32
        %iota3A = tpu.iota {dimensions = array<i32: 0>} : vector<16xi32>
        %add3A_105 = vector.broadcast %add3A_104 : i32 to vector<16xi32>
        %add3A_106 = arith.addi %add3A_105, %iota3A : vector<16xi32>
        %lt3A = arith.constant 65536 : i32
        %lt3A_107 = vector.broadcast %lt3A : i32 to vector<16xi32>
        %lt3A_108 = arith.cmpi slt, %add3A_106, %lt3A_107 : vector<16xi32>
        %jit3A = arith.constant 0.000000e+00 : f32
        %broadcast_in_dim3A = vector.broadcast %jit3A : f32 to vector<16xf32>
        %select_n3A = arith.select %lt3A_108, %exp3A, %broadcast_in_dim3A : vector<16xi1>, vector<16xf32>
        %swap3A = arith.index_cast %mul3A_86 : i32 to index
        %swap3A_109 = tpu.vector_load %arg29[%swap3A] {strides = array<i32>} : memref<128xf32, #tpu.memory_space<vmem>>, vector<16xf32>,
        tpu.vector_store %arg29[%swap3A], %select_n3A {strides = array<i32>} : memref<128xf32, #tpu.memory_space<vmem>>, vector<16xf32>,
      }
      %scan3A_71 = arith.constant 8 : i32
      %dma_wait3A_72 = arith.constant 0 : i32
      %dma_wait3A_73 = tpu.memref_slice %arg26[%scan3A_59, %dma_wait3A_72] : memref<25x128xi32, #tpu.memory_space<vmem>> -> memref<1x128xi32, #tpu.memory_space<vmem>>
      %dma_wait3A_74 = tpu.memref_squeeze %dma_wait3A_73 : memref<1x128xi32, #tpu.memory_space<vmem>> -> memref<128xi32, #tpu.memory_space<vmem>>
      %dma_wait3A_75 = arith.constant 0 : i32
      %dma_wait3A_76 = arith.constant 0 : i32
      %dma_wait3A_77 = tpu.memref_slice %arg10[%dma_wait3A_75, %dma_wait3A_76] : memref<2048x128xf32, #tpu.memory_space<hbm>> -> memref<2048x128xf32, #tpu.memory_space<hbm>>
      tpu.wait_indirect_dma semaphore(%arg32 : memref<!tpu.dma_semaphore, #tpu.memory_space<semaphore_mem>>) src(%dma_wait3A_77 : memref<2048x128xf32, #tpu.memory_space<hbm>>) dst(%arg28 : memref<128x128xf32, #tpu.memory_space<vmem>>)
      %scan3A_78 = arith.constant 0 : i32
      %scan3A_79 = arith.constant 0 : i32
      %scan3A_80 = arith.constant 32 : i32
      %scan3A_81 = arith.addi %scan3A_79, %scan3A_80 : i32
      %scan3A_82 = arith.constant 1 : i32
      scf.for %scan3A_84 = %scan3A_79 to %scan3A_81 step %scan3A_82  : i32 {
        %mul3A_85 = arith.constant 4 : i32
        %mul3A_86 = arith.muli %scan3A_84, %mul3A_85 : i32
        %add3A_87 = arith.constant 0 : i32
        %add3A_88 = arith.addi %mul3A_86, %add3A_87 : i32
        %broadcast_in_dim3A = vector.broadcast %add3A_88 : i32 to vector<16xi32>
        %gather3A = tpu.vector_load_idx %arg29[%broadcast_in_dim3A] : memref<128xf32, #tpu.memory_space<vmem>>[vector<16xi32>], vector<16xf32>,
        %add3A_89 = arith.constant 1 : i32
        %add3A_90 = arith.addi %mul3A_86, %add3A_89 : i32
        %broadcast_in_dim3A_91 = vector.broadcast %add3A_90 : i32 to vector<16xi32>
        %gather3A_92 = tpu.vector_load_idx %arg29[%broadcast_in_dim3A_91] : memref<128xf32, #tpu.memory_space<vmem>>[vector<16xi32>], vector<16xf32>,
        %add3A_93 = arith.constant 2 : i32
        %add3A_94 = arith.addi %mul3A_86, %add3A_93 : i32
        %broadcast_in_dim3A_95 = vector.broadcast %add3A_94 : i32 to vector<16xi32>
        %gather3A_96 = tpu.vector_load_idx %arg29[%broadcast_in_dim3A_95] : memref<128xf32, #tpu.memory_space<vmem>>[vector<16xi32>], vector<16xf32>,
        %add3A_97 = arith.constant 3 : i32
        %add3A_98 = arith.addi %mul3A_86, %add3A_97 : i32
        %broadcast_in_dim3A_99 = vector.broadcast %add3A_98 : i32 to vector<16xi32>
        %gather3A_100 = tpu.vector_load_idx %arg29[%broadcast_in_dim3A_99] : memref<128xf32, #tpu.memory_space<vmem>>[vector<16xi32>], vector<16xf32>,
        %add3A_101 = arith.constant 0 : i32
        %add3A_102 = arith.addi %mul3A_86, %add3A_101 : i32
        %get3A = arith.index_cast %add3A_102 : i32 to index
        %get3A_103 = arith.constant 0 : index
        %get3A_104 = tpu.vector_load %arg28[%get3A, %get3A_103] {strides = array<i32>} : memref<128x128xf32, #tpu.memory_space<vmem>>, vector<16xf32>,
        %mul3A_105 = arith.mulf %get3A_104, %gather3A : vector<16xf32>
        %add3A_106 = arith.constant 0 : i32
        %add3A_107 = arith.addi %mul3A_86, %add3A_106 : i32
        %swap3A = arith.index_cast %add3A_107 : i32 to index
        %swap3A_108 = arith.constant 0 : index
        %swap3A_109 = tpu.vector_load %arg28[%swap3A, %swap3A_108] {strides = array<i32>} : memref<128x128xf32, #tpu.memory_space<vmem>>, vector<16xf32>,
        tpu.vector_store %arg28[%swap3A, %swap3A_108], %mul3A_105 {strides = array<i32>} : memref<128x128xf32, #tpu.memory_space<vmem>>, vector<16xf32>,
        %add3A_110 = arith.constant 1 : i32
        %add3A_111 = arith.addi %mul3A_86, %add3A_110 : i32
        %get3A_112 = arith.index_cast %add3A_111 : i32 to index
        %get3A_113 = arith.constant 0 : index
        %get3A_114 = tpu.vector_load %arg28[%get3A_112, %get3A_113] {strides = array<i32>} : memref<128x128xf32, #tpu.memory_space<vmem>>, vector<16xf32>,
        %mul3A_115 = arith.mulf %get3A_114, %gather3A_92 : vector<16xf32>
        %add3A_116 = arith.constant 1 : i32
        %add3A_117 = arith.addi %mul3A_86, %add3A_116 : i32
        %swap3A_118 = arith.index_cast %add3A_117 : i32 to index
        %swap3A_119 = arith.constant 0 : index
        %swap3A_120 = tpu.vector_load %arg28[%swap3A_118, %swap3A_119] {strides = array<i32>} : memref<128x128xf32, #tpu.memory_space<vmem>>, vector<16xf32>,
        tpu.vector_store %arg28[%swap3A_118, %swap3A_119], %mul3A_115 {strides = array<i32>} : memref<128x128xf32, #tpu.memory_space<vmem>>, vector<16xf32>,
        %add3A_121 = arith.constant 2 : i32
        %add3A_122 = arith.addi %mul3A_86, %add3A_121 : i32
        %get3A_123 = arith.index_cast %add3A_122 : i32 to index
        %get3A_124 = arith.constant 0 : index
        %get3A_125 = tpu.vector_load %arg28[%get3A_123, %get3A_124] {strides = array<i32>} : memref<128x128xf32, #tpu.memory_space<vmem>>, vector<16xf32>,
        %mul3A_126 = arith.mulf %get3A_125, %gather3A_96 : vector<16xf32>
        %add3A_127 = arith.constant 2 : i32
        %add3A_128 = arith.addi %mul3A_86, %add3A_127 : i32
        %swap3A_129 = arith.index_cast %add3A_128 : i32 to index
        %swap3A_130 = arith.constant 0 : index
        %swap3A_131 = tpu.vector_load %arg28[%swap3A_129, %swap3A_130] {strides = array<i32>} : memref<128x128xf32, #tpu.memory_space<vmem>>, vector<16xf32>,
        tpu.vector_store %arg28[%swap3A_129, %swap3A_130], %mul3A_126 {strides = array<i32>} : memref<128x128xf32, #tpu.memory_space<vmem>>, vector<16xf32>,
        %add3A_132 = arith.constant 3 : i32
        %add3A_133 = arith.addi %mul3A_86, %add3A_132 : i32
        %get3A_134 = arith.index_cast %add3A_133 : i32 to index
        %get3A_135 = arith.constant 0 : index
        %get3A_136 = tpu.vector_load %arg28[%get3A_134, %get3A_135] {strides = array<i32>} : memref<128x128xf32, #tpu.memory_space<vmem>>, vector<16xf32>,
        %mul3A_137 = arith.mulf %get3A_136, %gather3A_100 : vector<16xf32>
        %add3A_138 = arith.constant 3 : i32
        %add3A_139 = arith.addi %mul3A_86, %add3A_138 : i32
        %swap3A_140 = arith.index_cast %add3A_139 : i32 to index
        %swap3A_141 = arith.constant 0 : index
        %swap3A_142 = tpu.vector_load %arg28[%swap3A_140, %swap3A_141] {strides = array<i32>} : memref<128x128xf32, #tpu.memory_space<vmem>>, vector<16xf32>,
        tpu.vector_store %arg28[%swap3A_140, %swap3A_141], %mul3A_137 {strides = array<i32>} : memref<128x128xf32, #tpu.memory_space<vmem>>, vector<16xf32>,
        %add3A_143 = arith.constant 0 : i32
        %add3A_144 = arith.addi %mul3A_86, %add3A_143 : i32
        %get3A_145 = arith.index_cast %add3A_144 : i32 to index
        %get3A_146 = arith.constant 16 : index
        %get3A_147 = tpu.vector_load %arg28[%get3A_145, %get3A_146] {strides = array<i32>} : memref<128x128xf32, #tpu.memory_space<vmem>>, vector<16xf32>,
        %mul3A_148 = arith.mulf %get3A_147, %gather3A : vector<16xf32>
        %add3A_149 = arith.constant 0 : i32
        %add3A_150 = arith.addi %mul3A_86, %add3A_149 : i32
        %swap3A_151 = arith.index_cast %add3A_150 : i32 to index
        %swap3A_152 = arith.constant 16 : index
        %swap3A_153 = tpu.vector_load %arg28[%swap3A_151, %swap3A_152] {strides = array<i32>} : memref<128x128xf32, #tpu.memory_space<vmem>>, vector<16xf32>,
        tpu.vector_store %arg28[%swap3A_151, %swap3A_152], %mul3A_148 {strides = array<i32>} : memref<128x128xf32, #tpu.memory_space<vmem>>, vector<16xf32>,
        %add3A_154 = arith.constant 1 : i32
        %add3A_155 = arith.addi %mul3A_86, %add3A_154 : i32
        %get3A_156 = arith.index_cast %add3A_155 : i32 to index
        %get3A_157 = arith.constant 16 : index
        %get3A_158 = tpu.vector_load %arg28[%get3A_156, %get3A_157] {strides = array<i32>} : memref<128x128xf32, #tpu.memory_space<vmem>>, vector<16xf32>,
        %mul3A_159 = arith.mulf %get3A_158, %gather3A_92 : vector<16xf32>
        %add3A_160 = arith.constant 1 : i32
        %add3A_161 = arith.addi %mul3A_86, %add3A_160 : i32
        %swap3A_162 = arith.index_cast %add3A_161 : i32 to index
        %swap3A_163 = arith.constant 16 : index
        %swap3A_164 = tpu.vector_load %arg28[%swap3A_162, %swap3A_163] {strides = array<i32>} : memref<128x128xf32, #tpu.memory_space<vmem>>, vector<16xf32>,
        tpu.vector_store %arg28[%swap3A_162, %swap3A_163], %mul3A_159 {strides = array<i32>} : memref<128x128xf32, #tpu.memory_space<vmem>>, vector<16xf32>,
        %add3A_165 = arith.constant 2 : i32
        %add3A_166 = arith.addi %mul3A_86, %add3A_165 : i32
        %get3A_167 = arith.index_cast %add3A_166 : i32 to index
        %get3A_168 = arith.constant 16 : index
        %get3A_169 = tpu.vector_load %arg28[%get3A_167, %get3A_168] {strides = array<i32>} : memref<128x128xf32, #tpu.memory_space<vmem>>, vector<16xf32>,
        %mul3A_170 = arith.mulf %get3A_169, %gather3A_96 : vector<16xf32>
        %add3A_171 = arith.constant 2 : i32
        %add3A_172 = arith.addi %mul3A_86, %add3A_171 : i32
        %swap3A_173 = arith.index_cast %add3A_172 : i32 to index
        %swap3A_174 = arith.constant 16 : index
        %swap3A_175 = tpu.vector_load %arg28[%swap3A_173, %swap3A_174] {strides = array<i32>} : memref<128x128xf32, #tpu.memory_space<vmem>>, vector<16xf32>,
        tpu.vector_store %arg28[%swap3A_173, %swap3A_174], %mul3A_170 {strides = array<i32>} : memref<128x128xf32, #tpu.memory_space<vmem>>, vector<16xf32>,
        %add3A_176 = arith.constant 3 : i32
        %add3A_177 = arith.addi %mul3A_86, %add3A_176 : i32
        %get3A_178 = arith.index_cast %add3A_177 : i32 to index
        %get3A_179 = arith.constant 16 : index
        %get3A_180 = tpu.vector_load %arg28[%get3A_178, %get3A_179] {strides = array<i32>} : memref<128x128xf32, #tpu.memory_space<vmem>>, vector<16xf32>,
        %mul3A_181 = arith.mulf %get3A_180, %gather3A_100 : vector<16xf32>
        %add3A_182 = arith.constant 3 : i32
        %add3A_183 = arith.addi %mul3A_86, %add3A_182 : i32
        %swap3A_184 = arith.index_cast %add3A_183 : i32 to index
        %swap3A_185 = arith.constant 16 : index
        %swap3A_186 = tpu.vector_load %arg28[%swap3A_184, %swap3A_185] {strides = array<i32>} : memref<128x128xf32, #tpu.memory_space<vmem>>, vector<16xf32>,
        tpu.vector_store %arg28[%swap3A_184, %swap3A_185], %mul3A_181 {strides = array<i32>} : memref<128x128xf32, #tpu.memory_space<vmem>>, vector<16xf32>,
        %add3A_187 = arith.constant 0 : i32
        %add3A_188 = arith.addi %mul3A_86, %add3A_187 : i32
        %get3A_189 = arith.index_cast %add3A_188 : i32 to index
        %get3A_190 = arith.constant 32 : index
        %get3A_191 = tpu.vector_load %arg28[%get3A_189, %get3A_190] {strides = array<i32>} : memref<128x128xf32, #tpu.memory_space<vmem>>, vector<16xf32>,
        %mul3A_192 = arith.mulf %get3A_191, %gather3A : vector<16xf32>
        %add3A_193 = arith.constant 0 : i32
        %add3A_194 = arith.addi %mul3A_86, %add3A_193 : i32
        %swap3A_195 = arith.index_cast %add3A_194 : i32 to index
        %swap3A_196 = arith.constant 32 : index
        %swap3A_197 = tpu.vector_load %arg28[%swap3A_195, %swap3A_196] {strides = array<i32>} : memref<128x128xf32, #tpu.memory_space<vmem>>, vector<16xf32>,
        tpu.vector_store %arg28[%swap3A_195, %swap3A_196], %mul3A_192 {strides = array<i32>} : memref<128x128xf32, #tpu.memory_space<vmem>>, vector<16xf32>,
        %add3A_198 = arith.constant 1 : i32
        %add3A_199 = arith.addi %mul3A_86, %add3A_198 : i32
        %get3A_200 = arith.index_cast %add3A_199 : i32 to index
        %get3A_201 = arith.constant 32 : index
        %get3A_202 = tpu.vector_load %arg28[%get3A_200, %get3A_201] {strides = array<i32>} : memref<128x128xf32, #tpu.memory_space<vmem>>, vector<16xf32>,
        %mul3A_203 = arith.mulf %get3A_202, %gather3A_92 : vector<16xf32>
        %add3A_204 = arith.constant 1 : i32
        %add3A_205 = arith.addi %mul3A_86, %add3A_204 : i32
        %swap3A_206 = arith.index_cast %add3A_205 : i32 to index
        %swap3A_207 = arith.constant 32 : index
        %swap3A_208 = tpu.vector_load %arg28[%swap3A_206, %swap3A_207] {strides = array<i32>} : memref<128x128xf32, #tpu.memory_space<vmem>>, vector<16xf32>,
        tpu.vector_store %arg28[%swap3A_206, %swap3A_207], %mul3A_203 {strides = array<i32>} : memref<128x128xf32, #tpu.memory_space<vmem>>, vector<16xf32>,
        %add3A_209 = arith.constant 2 : i32
        %add3A_210 = arith.addi %mul3A_86, %add3A_209 : i32
        %get3A_211 = arith.index_cast %add3A_210 : i32 to index
        %get3A_212 = arith.constant 32 : index
        %get3A_213 = tpu.vector_load %arg28[%get3A_211, %get3A_212] {strides = array<i32>} : memref<128x128xf32, #tpu.memory_space<vmem>>, vector<16xf32>,
        %mul3A_214 = arith.mulf %get3A_213, %gather3A_96 : vector<16xf32>
        %add3A_215 = arith.constant 2 : i32
        %add3A_216 = arith.addi %mul3A_86, %add3A_215 : i32
        %swap3A_217 = arith.index_cast %add3A_216 : i32 to index
        %swap3A_218 = arith.constant 32 : index
        %swap3A_219 = tpu.vector_load %arg28[%swap3A_217, %swap3A_218] {strides = array<i32>} : memref<128x128xf32, #tpu.memory_space<vmem>>, vector<16xf32>,
        tpu.vector_store %arg28[%swap3A_217, %swap3A_218], %mul3A_214 {strides = array<i32>} : memref<128x128xf32, #tpu.memory_space<vmem>>, vector<16xf32>,
        %add3A_220 = arith.constant 3 : i32
        %add3A_221 = arith.addi %mul3A_86, %add3A_220 : i32
        %get3A_222 = arith.index_cast %add3A_221 : i32 to index
        %get3A_223 = arith.constant 32 : index
        %get3A_224 = tpu.vector_load %arg28[%get3A_222, %get3A_223] {strides = array<i32>} : memref<128x128xf32, #tpu.memory_space<vmem>>, vector<16xf32>,
        %mul3A_225 = arith.mulf %get3A_224, %gather3A_100 : vector<16xf32>
        %add3A_226 = arith.constant 3 : i32
        %add3A_227 = arith.addi %mul3A_86, %add3A_226 : i32
        %swap3A_228 = arith.index_cast %add3A_227 : i32 to index
        %swap3A_229 = arith.constant 32 : index
        %swap3A_230 = tpu.vector_load %arg28[%swap3A_228, %swap3A_229] {strides = array<i32>} : memref<128x128xf32, #tpu.memory_space<vmem>>, vector<16xf32>,
        tpu.vector_store %arg28[%swap3A_228, %swap3A_229], %mul3A_225 {strides = array<i32>} : memref<128x128xf32, #tpu.memory_space<vmem>>, vector<16xf32>,
        %add3A_231 = arith.constant 0 : i32
        %add3A_232 = arith.addi %mul3A_86, %add3A_231 : i32
        %get3A_233 = arith.index_cast %add3A_232 : i32 to index
        %get3A_234 = arith.constant 48 : index
        %get3A_235 = tpu.vector_load %arg28[%get3A_233, %get3A_234] {strides = array<i32>} : memref<128x128xf32, #tpu.memory_space<vmem>>, vector<16xf32>,
        %mul3A_236 = arith.mulf %get3A_235, %gather3A : vector<16xf32>
        %add3A_237 = arith.constant 0 : i32
        %add3A_238 = arith.addi %mul3A_86, %add3A_237 : i32
        %swap3A_239 = arith.index_cast %add3A_238 : i32 to index
        %swap3A_240 = arith.constant 48 : index
        %swap3A_241 = tpu.vector_load %arg28[%swap3A_239, %swap3A_240] {strides = array<i32>} : memref<128x128xf32, #tpu.memory_space<vmem>>, vector<16xf32>,
        tpu.vector_store %arg28[%swap3A_239, %swap3A_240], %mul3A_236 {strides = array<i32>} : memref<128x128xf32, #tpu.memory_space<vmem>>, vector<16xf32>,
        %add3A_242 = arith.constant 1 : i32
        %add3A_243 = arith.addi %mul3A_86, %add3A_242 : i32
        %get3A_244 = arith.index_cast %add3A_243 : i32 to index
        %get3A_245 = arith.constant 48 : index
        %get3A_246 = tpu.vector_load %arg28[%get3A_244, %get3A_245] {strides = array<i32>} : memref<128x128xf32, #tpu.memory_space<vmem>>, vector<16xf32>,
        %mul3A_247 = arith.mulf %get3A_246, %gather3A_92 : vector<16xf32>
        %add3A_248 = arith.constant 1 : i32
        %add3A_249 = arith.addi %mul3A_86, %add3A_248 : i32
        %swap3A_250 = arith.index_cast %add3A_249 : i32 to index
        %swap3A_251 = arith.constant 48 : index
        %swap3A_252 = tpu.vector_load %arg28[%swap3A_250, %swap3A_251] {strides = array<i32>} : memref<128x128xf32, #tpu.memory_space<vmem>>, vector<16xf32>,
        tpu.vector_store %arg28[%swap3A_250, %swap3A_251], %mul3A_247 {strides = array<i32>} : memref<128x128xf32, #tpu.memory_space<vmem>>, vector<16xf32>,
        %add3A_253 = arith.constant 2 : i32
        %add3A_254 = arith.addi %mul3A_86, %add3A_253 : i32
        %get3A_255 = arith.index_cast %add3A_254 : i32 to index
        %get3A_256 = arith.constant 48 : index
        %get3A_257 = tpu.vector_load %arg28[%get3A_255, %get3A_256] {strides = array<i32>} : memref<128x128xf32, #tpu.memory_space<vmem>>, vector<16xf32>,
        %mul3A_258 = arith.mulf %get3A_257, %gather3A_96 : vector<16xf32>
        %add3A_259 = arith.constant 2 : i32
        %add3A_260 = arith.addi %mul3A_86, %add3A_259 : i32
        %swap3A_261 = arith.index_cast %add3A_260 : i32 to index
        %swap3A_262 = arith.constant 48 : index
        %swap3A_263 = tpu.vector_load %arg28[%swap3A_261, %swap3A_262] {strides = array<i32>} : memref<128x128xf32, #tpu.memory_space<vmem>>, vector<16xf32>,
        tpu.vector_store %arg28[%swap3A_261, %swap3A_262], %mul3A_258 {strides = array<i32>} : memref<128x128xf32, #tpu.memory_space<vmem>>, vector<16xf32>,
        %add3A_264 = arith.constant 3 : i32
        %add3A_265 = arith.addi %mul3A_86, %add3A_264 : i32
        %get3A_266 = arith.index_cast %add3A_265 : i32 to index
        %get3A_267 = arith.constant 48 : index
        %get3A_268 = tpu.vector_load %arg28[%get3A_266, %get3A_267] {strides = array<i32>} : memref<128x128xf32, #tpu.memory_space<vmem>>, vector<16xf32>,
        %mul3A_269 = arith.mulf %get3A_268, %gather3A_100 : vector<16xf32>
        %add3A_270 = arith.constant 3 : i32
        %add3A_271 = arith.addi %mul3A_86, %add3A_270 : i32
        %swap3A_272 = arith.index_cast %add3A_271 : i32 to index
        %swap3A_273 = arith.constant 48 : index
        %swap3A_274 = tpu.vector_load %arg28[%swap3A_272, %swap3A_273] {strides = array<i32>} : memref<128x128xf32, #tpu.memory_space<vmem>>, vector<16xf32>,
        tpu.vector_store %arg28[%swap3A_272, %swap3A_273], %mul3A_269 {strides = array<i32>} : memref<128x128xf32, #tpu.memory_space<vmem>>, vector<16xf32>,
        %add3A_275 = arith.constant 0 : i32
        %add3A_276 = arith.addi %mul3A_86, %add3A_275 : i32
        %get3A_277 = arith.index_cast %add3A_276 : i32 to index
        %get3A_278 = arith.constant 64 : index
        %get3A_279 = tpu.vector_load %arg28[%get3A_277, %get3A_278] {strides = array<i32>} : memref<128x128xf32, #tpu.memory_space<vmem>>, vector<16xf32>,
        %mul3A_280 = arith.mulf %get3A_279, %gather3A : vector<16xf32>
        %add3A_281 = arith.constant 0 : i32
        %add3A_282 = arith.addi %mul3A_86, %add3A_281 : i32
        %swap3A_283 = arith.index_cast %add3A_282 : i32 to index
        %swap3A_284 = arith.constant 64 : index
        %swap3A_285 = tpu.vector_load %arg28[%swap3A_283, %swap3A_284] {strides = array<i32>} : memref<128x128xf32, #tpu.memory_space<vmem>>, vector<16xf32>,
        tpu.vector_store %arg28[%swap3A_283, %swap3A_284], %mul3A_280 {strides = array<i32>} : memref<128x128xf32, #tpu.memory_space<vmem>>, vector<16xf32>,
        %add3A_286 = arith.constant 1 : i32
        %add3A_287 = arith.addi %mul3A_86, %add3A_286 : i32
        %get3A_288 = arith.index_cast %add3A_287 : i32 to index
        %get3A_289 = arith.constant 64 : index
        %get3A_290 = tpu.vector_load %arg28[%get3A_288, %get3A_289] {strides = array<i32>} : memref<128x128xf32, #tpu.memory_space<vmem>>, vector<16xf32>,
        %mul3A_291 = arith.mulf %get3A_290, %gather3A_92 : vector<16xf32>
        %add3A_292 = arith.constant 1 : i32
        %add3A_293 = arith.addi %mul3A_86, %add3A_292 : i32
        %swap3A_294 = arith.index_cast %add3A_293 : i32 to index
        %swap3A_295 = arith.constant 64 : index
        %swap3A_296 = tpu.vector_load %arg28[%swap3A_294, %swap3A_295] {strides = array<i32>} : memref<128x128xf32, #tpu.memory_space<vmem>>, vector<16xf32>,
        tpu.vector_store %arg28[%swap3A_294, %swap3A_295], %mul3A_291 {strides = array<i32>} : memref<128x128xf32, #tpu.memory_space<vmem>>, vector<16xf32>,
        %add3A_297 = arith.constant 2 : i32
        %add3A_298 = arith.addi %mul3A_86, %add3A_297 : i32
        %get3A_299 = arith.index_cast %add3A_298 : i32 to index
        %get3A_300 = arith.constant 64 : index
        %get3A_301 = tpu.vector_load %arg28[%get3A_299, %get3A_300] {strides = array<i32>} : memref<128x128xf32, #tpu.memory_space<vmem>>, vector<16xf32>,
        %mul3A_302 = arith.mulf %get3A_301, %gather3A_96 : vector<16xf32>
        %add3A_303 = arith.constant 2 : i32
        %add3A_304 = arith.addi %mul3A_86, %add3A_303 : i32
        %swap3A_305 = arith.index_cast %add3A_304 : i32 to index
        %swap3A_306 = arith.constant 64 : index
        %swap3A_307 = tpu.vector_load %arg28[%swap3A_305, %swap3A_306] {strides = array<i32>} : memref<128x128xf32, #tpu.memory_space<vmem>>, vector<16xf32>,
        tpu.vector_store %arg28[%swap3A_305, %swap3A_306], %mul3A_302 {strides = array<i32>} : memref<128x128xf32, #tpu.memory_space<vmem>>, vector<16xf32>,
        %add3A_308 = arith.constant 3 : i32
        %add3A_309 = arith.addi %mul3A_86, %add3A_308 : i32
        %get3A_310 = arith.index_cast %add3A_309 : i32 to index
        %get3A_311 = arith.constant 64 : index
        %get3A_312 = tpu.vector_load %arg28[%get3A_310, %get3A_311] {strides = array<i32>} : memref<128x128xf32, #tpu.memory_space<vmem>>, vector<16xf32>,
        %mul3A_313 = arith.mulf %get3A_312, %gather3A_100 : vector<16xf32>
        %add3A_314 = arith.constant 3 : i32
        %add3A_315 = arith.addi %mul3A_86, %add3A_314 : i32
        %swap3A_316 = arith.index_cast %add3A_315 : i32 to index
        %swap3A_317 = arith.constant 64 : index
        %swap3A_318 = tpu.vector_load %arg28[%swap3A_316, %swap3A_317] {strides = array<i32>} : memref<128x128xf32, #tpu.memory_space<vmem>>, vector<16xf32>,
        tpu.vector_store %arg28[%swap3A_316, %swap3A_317], %mul3A_313 {strides = array<i32>} : memref<128x128xf32, #tpu.memory_space<vmem>>, vector<16xf32>,
        %add3A_319 = arith.constant 0 : i32
        %add3A_320 = arith.addi %mul3A_86, %add3A_319 : i32
        %get3A_321 = arith.index_cast %add3A_320 : i32 to index
        %get3A_322 = arith.constant 80 : index
        %get3A_323 = tpu.vector_load %arg28[%get3A_321, %get3A_322] {strides = array<i32>} : memref<128x128xf32, #tpu.memory_space<vmem>>, vector<16xf32>,
        %mul3A_324 = arith.mulf %get3A_323, %gather3A : vector<16xf32>
        %add3A_325 = arith.constant 0 : i32
        %add3A_326 = arith.addi %mul3A_86, %add3A_325 : i32
        %swap3A_327 = arith.index_cast %add3A_326 : i32 to index
        %swap3A_328 = arith.constant 80 : index
        %swap3A_329 = tpu.vector_load %arg28[%swap3A_327, %swap3A_328] {strides = array<i32>} : memref<128x128xf32, #tpu.memory_space<vmem>>, vector<16xf32>,
        tpu.vector_store %arg28[%swap3A_327, %swap3A_328], %mul3A_324 {strides = array<i32>} : memref<128x128xf32, #tpu.memory_space<vmem>>, vector<16xf32>,
        %add3A_330 = arith.constant 1 : i32
        %add3A_331 = arith.addi %mul3A_86, %add3A_330 : i32
        %get3A_332 = arith.index_cast %add3A_331 : i32 to index
        %get3A_333 = arith.constant 80 : index
        %get3A_334 = tpu.vector_load %arg28[%get3A_332, %get3A_333] {strides = array<i32>} : memref<128x128xf32, #tpu.memory_space<vmem>>, vector<16xf32>,
        %mul3A_335 = arith.mulf %get3A_334, %gather3A_92 : vector<16xf32>
        %add3A_336 = arith.constant 1 : i32
        %add3A_337 = arith.addi %mul3A_86, %add3A_336 : i32
        %swap3A_338 = arith.index_cast %add3A_337 : i32 to index
        %swap3A_339 = arith.constant 80 : index
        %swap3A_340 = tpu.vector_load %arg28[%swap3A_338, %swap3A_339] {strides = array<i32>} : memref<128x128xf32, #tpu.memory_space<vmem>>, vector<16xf32>,
        tpu.vector_store %arg28[%swap3A_338, %swap3A_339], %mul3A_335 {strides = array<i32>} : memref<128x128xf32, #tpu.memory_space<vmem>>, vector<16xf32>,
        %add3A_341 = arith.constant 2 : i32
        %add3A_342 = arith.addi %mul3A_86, %add3A_341 : i32
        %get3A_343 = arith.index_cast %add3A_342 : i32 to index
        %get3A_344 = arith.constant 80 : index
        %get3A_345 = tpu.vector_load %arg28[%get3A_343, %get3A_344] {strides = array<i32>} : memref<128x128xf32, #tpu.memory_space<vmem>>, vector<16xf32>,
        %mul3A_346 = arith.mulf %get3A_345, %gather3A_96 : vector<16xf32>
        %add3A_347 = arith.constant 2 : i32
        %add3A_348 = arith.addi %mul3A_86, %add3A_347 : i32
        %swap3A_349 = arith.index_cast %add3A_348 : i32 to index
        %swap3A_350 = arith.constant 80 : index
        %swap3A_351 = tpu.vector_load %arg28[%swap3A_349, %swap3A_350] {strides = array<i32>} : memref<128x128xf32, #tpu.memory_space<vmem>>, vector<16xf32>,
        tpu.vector_store %arg28[%swap3A_349, %swap3A_350], %mul3A_346 {strides = array<i32>} : memref<128x128xf32, #tpu.memory_space<vmem>>, vector<16xf32>,
        %add3A_352 = arith.constant 3 : i32
        %add3A_353 = arith.addi %mul3A_86, %add3A_352 : i32
        %get3A_354 = arith.index_cast %add3A_353 : i32 to index
        %get3A_355 = arith.constant 80 : index
        %get3A_356 = tpu.vector_load %arg28[%get3A_354, %get3A_355] {strides = array<i32>} : memref<128x128xf32, #tpu.memory_space<vmem>>, vector<16xf32>,
        %mul3A_357 = arith.mulf %get3A_356, %gather3A_100 : vector<16xf32>
        %add3A_358 = arith.constant 3 : i32
        %add3A_359 = arith.addi %mul3A_86, %add3A_358 : i32
        %swap3A_360 = arith.index_cast %add3A_359 : i32 to index
        %swap3A_361 = arith.constant 80 : index
        %swap3A_362 = tpu.vector_load %arg28[%swap3A_360, %swap3A_361] {strides = array<i32>} : memref<128x128xf32, #tpu.memory_space<vmem>>, vector<16xf32>,
        tpu.vector_store %arg28[%swap3A_360, %swap3A_361], %mul3A_357 {strides = array<i32>} : memref<128x128xf32, #tpu.memory_space<vmem>>, vector<16xf32>,
        %add3A_363 = arith.constant 0 : i32
        %add3A_364 = arith.addi %mul3A_86, %add3A_363 : i32
        %get3A_365 = arith.index_cast %add3A_364 : i32 to index
        %get3A_366 = arith.constant 96 : index
        %get3A_367 = tpu.vector_load %arg28[%get3A_365, %get3A_366] {strides = array<i32>} : memref<128x128xf32, #tpu.memory_space<vmem>>, vector<16xf32>,
        %mul3A_368 = arith.mulf %get3A_367, %gather3A : vector<16xf32>
        %add3A_369 = arith.constant 0 : i32
        %add3A_370 = arith.addi %mul3A_86, %add3A_369 : i32
        %swap3A_371 = arith.index_cast %add3A_370 : i32 to index
        %swap3A_372 = arith.constant 96 : index
        %swap3A_373 = tpu.vector_load %arg28[%swap3A_371, %swap3A_372] {strides = array<i32>} : memref<128x128xf32, #tpu.memory_space<vmem>>, vector<16xf32>,
        tpu.vector_store %arg28[%swap3A_371, %swap3A_372], %mul3A_368 {strides = array<i32>} : memref<128x128xf32, #tpu.memory_space<vmem>>, vector<16xf32>,
        %add3A_374 = arith.constant 1 : i32
        %add3A_375 = arith.addi %mul3A_86, %add3A_374 : i32
        %get3A_376 = arith.index_cast %add3A_375 : i32 to index
        %get3A_377 = arith.constant 96 : index
        %get3A_378 = tpu.vector_load %arg28[%get3A_376, %get3A_377] {strides = array<i32>} : memref<128x128xf32, #tpu.memory_space<vmem>>, vector<16xf32>,
        %mul3A_379 = arith.mulf %get3A_378, %gather3A_92 : vector<16xf32>
        %add3A_380 = arith.constant 1 : i32
        %add3A_381 = arith.addi %mul3A_86, %add3A_380 : i32
        %swap3A_382 = arith.index_cast %add3A_381 : i32 to index
        %swap3A_383 = arith.constant 96 : index
        %swap3A_384 = tpu.vector_load %arg28[%swap3A_382, %swap3A_383] {strides = array<i32>} : memref<128x128xf32, #tpu.memory_space<vmem>>, vector<16xf32>,
        tpu.vector_store %arg28[%swap3A_382, %swap3A_383], %mul3A_379 {strides = array<i32>} : memref<128x128xf32, #tpu.memory_space<vmem>>, vector<16xf32>,
        %add3A_385 = arith.constant 2 : i32
        %add3A_386 = arith.addi %mul3A_86, %add3A_385 : i32
        %get3A_387 = arith.index_cast %add3A_386 : i32 to index
        %get3A_388 = arith.constant 96 : index
        %get3A_389 = tpu.vector_load %arg28[%get3A_387, %get3A_388] {strides = array<i32>} : memref<128x128xf32, #tpu.memory_space<vmem>>, vector<16xf32>,
        %mul3A_390 = arith.mulf %get3A_389, %gather3A_96 : vector<16xf32>
        %add3A_391 = arith.constant 2 : i32
        %add3A_392 = arith.addi %mul3A_86, %add3A_391 : i32
        %swap3A_393 = arith.index_cast %add3A_392 : i32 to index
        %swap3A_394 = arith.constant 96 : index
        %swap3A_395 = tpu.vector_load %arg28[%swap3A_393, %swap3A_394] {strides = array<i32>} : memref<128x128xf32, #tpu.memory_space<vmem>>, vector<16xf32>,
        tpu.vector_store %arg28[%swap3A_393, %swap3A_394], %mul3A_390 {strides = array<i32>} : memref<128x128xf32, #tpu.memory_space<vmem>>, vector<16xf32>,
        %add3A_396 = arith.constant 3 : i32
        %add3A_397 = arith.addi %mul3A_86, %add3A_396 : i32
        %get3A_398 = arith.index_cast %add3A_397 : i32 to index
        %get3A_399 = arith.constant 96 : index
        %get3A_400 = tpu.vector_load %arg28[%get3A_398, %get3A_399] {strides = array<i32>} : memref<128x128xf32, #tpu.memory_space<vmem>>, vector<16xf32>,
        %mul3A_401 = arith.mulf %get3A_400, %gather3A_100 : vector<16xf32>
        %add3A_402 = arith.constant 3 : i32
        %add3A_403 = arith.addi %mul3A_86, %add3A_402 : i32
        %swap3A_404 = arith.index_cast %add3A_403 : i32 to index
        %swap3A_405 = arith.constant 96 : index
        %swap3A_406 = tpu.vector_load %arg28[%swap3A_404, %swap3A_405] {strides = array<i32>} : memref<128x128xf32, #tpu.memory_space<vmem>>, vector<16xf32>,
        tpu.vector_store %arg28[%swap3A_404, %swap3A_405], %mul3A_401 {strides = array<i32>} : memref<128x128xf32, #tpu.memory_space<vmem>>, vector<16xf32>,
        %add3A_407 = arith.constant 0 : i32
        %add3A_408 = arith.addi %mul3A_86, %add3A_407 : i32
        %get3A_409 = arith.index_cast %add3A_408 : i32 to index
        %get3A_410 = arith.constant 112 : index
        %get3A_411 = tpu.vector_load %arg28[%get3A_409, %get3A_410] {strides = array<i32>} : memref<128x128xf32, #tpu.memory_space<vmem>>, vector<16xf32>,
        %mul3A_412 = arith.mulf %get3A_411, %gather3A : vector<16xf32>
        %add3A_413 = arith.constant 0 : i32
        %add3A_414 = arith.addi %mul3A_86, %add3A_413 : i32
        %swap3A_415 = arith.index_cast %add3A_414 : i32 to index
        %swap3A_416 = arith.constant 112 : index
        %swap3A_417 = tpu.vector_load %arg28[%swap3A_415, %swap3A_416] {strides = array<i32>} : memref<128x128xf32, #tpu.memory_space<vmem>>, vector<16xf32>,
        tpu.vector_store %arg28[%swap3A_415, %swap3A_416], %mul3A_412 {strides = array<i32>} : memref<128x128xf32, #tpu.memory_space<vmem>>, vector<16xf32>,
        %add3A_418 = arith.constant 1 : i32
        %add3A_419 = arith.addi %mul3A_86, %add3A_418 : i32
        %get3A_420 = arith.index_cast %add3A_419 : i32 to index
        %get3A_421 = arith.constant 112 : index
        %get3A_422 = tpu.vector_load %arg28[%get3A_420, %get3A_421] {strides = array<i32>} : memref<128x128xf32, #tpu.memory_space<vmem>>, vector<16xf32>,
        %mul3A_423 = arith.mulf %get3A_422, %gather3A_92 : vector<16xf32>
        %add3A_424 = arith.constant 1 : i32
        %add3A_425 = arith.addi %mul3A_86, %add3A_424 : i32
        %swap3A_426 = arith.index_cast %add3A_425 : i32 to index
        %swap3A_427 = arith.constant 112 : index
        %swap3A_428 = tpu.vector_load %arg28[%swap3A_426, %swap3A_427] {strides = array<i32>} : memref<128x128xf32, #tpu.memory_space<vmem>>, vector<16xf32>,
        tpu.vector_store %arg28[%swap3A_426, %swap3A_427], %mul3A_423 {strides = array<i32>} : memref<128x128xf32, #tpu.memory_space<vmem>>, vector<16xf32>,
        %add3A_429 = arith.constant 2 : i32
        %add3A_430 = arith.addi %mul3A_86, %add3A_429 : i32
        %get3A_431 = arith.index_cast %add3A_430 : i32 to index
        %get3A_432 = arith.constant 112 : index
        %get3A_433 = tpu.vector_load %arg28[%get3A_431, %get3A_432] {strides = array<i32>} : memref<128x128xf32, #tpu.memory_space<vmem>>, vector<16xf32>,
        %mul3A_434 = arith.mulf %get3A_433, %gather3A_96 : vector<16xf32>
        %add3A_435 = arith.constant 2 : i32
        %add3A_436 = arith.addi %mul3A_86, %add3A_435 : i32
        %swap3A_437 = arith.index_cast %add3A_436 : i32 to index
        %swap3A_438 = arith.constant 112 : index
        %swap3A_439 = tpu.vector_load %arg28[%swap3A_437, %swap3A_438] {strides = array<i32>} : memref<128x128xf32, #tpu.memory_space<vmem>>, vector<16xf32>,
        tpu.vector_store %arg28[%swap3A_437, %swap3A_438], %mul3A_434 {strides = array<i32>} : memref<128x128xf32, #tpu.memory_space<vmem>>, vector<16xf32>,
        %add3A_440 = arith.constant 3 : i32
        %add3A_441 = arith.addi %mul3A_86, %add3A_440 : i32
        %get3A_442 = arith.index_cast %add3A_441 : i32 to index
        %get3A_443 = arith.constant 112 : index
        %get3A_444 = tpu.vector_load %arg28[%get3A_442, %get3A_443] {strides = array<i32>} : memref<128x128xf32, #tpu.memory_space<vmem>>, vector<16xf32>,
        %mul3A_445 = arith.mulf %get3A_444, %gather3A_100 : vector<16xf32>
        %add3A_446 = arith.constant 3 : i32
        %add3A_447 = arith.addi %mul3A_86, %add3A_446 : i32
        %swap3A_448 = arith.index_cast %add3A_447 : i32 to index
        %swap3A_449 = arith.constant 112 : index
        %swap3A_450 = tpu.vector_load %arg28[%swap3A_448, %swap3A_449] {strides = array<i32>} : memref<128x128xf32, #tpu.memory_space<vmem>>, vector<16xf32>,
        tpu.vector_store %arg28[%swap3A_448, %swap3A_449], %mul3A_445 {strides = array<i32>} : memref<128x128xf32, #tpu.memory_space<vmem>>, vector<16xf32>,
      }
      %scan3A_83 = arith.constant 32 : i32
      "tpu.region"() ({
        %run_scoped3A = tpu.sem_alloc : memref<!tpu.dma_semaphore, #tpu.memory_space<semaphore_mem>>
        %dma_start3A_84 = arith.constant 0 : i32
        %dma_start3A_85 = tpu.memref_slice %arg27[%scan3A_59, %dma_start3A_84] : memref<25x128xi32, #tpu.memory_space<vmem>> -> memref<1x128xi32, #tpu.memory_space<vmem>>
        %dma_start3A_86 = tpu.memref_squeeze %dma_start3A_85 : memref<1x128xi32, #tpu.memory_space<vmem>> -> memref<128xi32, #tpu.memory_space<vmem>>
        %dma_start3A_87 = arith.constant 0 : i32
        %dma_start3A_88 = arith.constant 0 : i32
        %dma_start3A_89 = tpu.memref_slice %arg30[%dma_start3A_87, %dma_start3A_88] : memref<4224x128xf32, #tpu.memory_space<vmem_shared>> -> memref<4224x128xf32, #tpu.memory_space<vmem_shared>>
        tpu.enqueue_indirect_dma source(%arg28 : memref<128x128xf32, #tpu.memory_space<vmem>>) target(%dma_start3A_89 : memref<4224x128xf32, #tpu.memory_space<vmem_shared>>) offsets(%dma_start3A_86 : memref<128xi32, #tpu.memory_space<vmem>>) semaphore(%run_scoped3A : memref<!tpu.dma_semaphore, #tpu.memory_space<semaphore_mem>>) {add = true}
        %dma_wait3A_90 = arith.constant 0 : i32
        %dma_wait3A_91 = tpu.memref_slice %arg27[%scan3A_59, %dma_wait3A_90] : memref<25x128xi32, #tpu.memory_space<vmem>> -> memref<1x128xi32, #tpu.memory_space<vmem>>
        %dma_wait3A_92 = tpu.memref_squeeze %dma_wait3A_91 : memref<1x128xi32, #tpu.memory_space<vmem>> -> memref<128xi32, #tpu.memory_space<vmem>>
        %dma_wait3A_93 = arith.constant 0 : i32
        %dma_wait3A_94 = arith.constant 0 : i32
        %dma_wait3A_95 = tpu.memref_slice %arg30[%dma_wait3A_93, %dma_wait3A_94] : memref<4224x128xf32, #tpu.memory_space<vmem_shared>> -> memref<4224x128xf32, #tpu.memory_space<vmem_shared>>
        tpu.wait_indirect_dma semaphore(%run_scoped3A : memref<!tpu.dma_semaphore, #tpu.memory_space<semaphore_mem>>) src(%arg28 : memref<128x128xf32, #tpu.memory_space<vmem>>) dst(%dma_wait3A_95 : memref<4224x128xf32, #tpu.memory_space<vmem_shared>>)
        tpu.yield
      }) : () -> ()
      "tpu.region"() ({
        %run_scoped3A = tpu.sem_alloc : memref<!tpu.dma_semaphore, #tpu.memory_space<semaphore_mem>>
        %dma_start3A_84 = arith.constant 0 : i32
        %dma_start3A_85 = tpu.memref_slice %arg27[%scan3A_59, %dma_start3A_84] : memref<25x128xi32, #tpu.memory_space<vmem>> -> memref<1x128xi32, #tpu.memory_space<vmem>>
        %dma_start3A_86 = tpu.memref_squeeze %dma_start3A_85 : memref<1x128xi32, #tpu.memory_space<vmem>> -> memref<128xi32, #tpu.memory_space<vmem>>
        %dma_start3A_87 = arith.constant 0 : i32
        %dma_start3A_88 = tpu.memref_slice %arg31[%dma_start3A_87] : memref<4224xf32, #tpu.memory_space<vmem_shared>> -> memref<4224xf32, #tpu.memory_space<vmem_shared>>
        tpu.enqueue_indirect_dma source(%arg29 : memref<128xf32, #tpu.memory_space<vmem>>) target(%dma_start3A_88 : memref<4224xf32, #tpu.memory_space<vmem_shared>>) offsets(%dma_start3A_86 : memref<128xi32, #tpu.memory_space<vmem>>) semaphore(%run_scoped3A : memref<!tpu.dma_semaphore, #tpu.memory_space<semaphore_mem>>) {add = true}
        %dma_wait3A_89 = arith.constant 0 : i32
        %dma_wait3A_90 = tpu.memref_slice %arg27[%scan3A_59, %dma_wait3A_89] : memref<25x128xi32, #tpu.memory_space<vmem>> -> memref<1x128xi32, #tpu.memory_space<vmem>>
        %dma_wait3A_91 = tpu.memref_squeeze %dma_wait3A_90 : memref<1x128xi32, #tpu.memory_space<vmem>> -> memref<128xi32, #tpu.memory_space<vmem>>
        %dma_wait3A_92 = arith.constant 0 : i32
        %dma_wait3A_93 = tpu.memref_slice %arg31[%dma_wait3A_92] : memref<4224xf32, #tpu.memory_space<vmem_shared>> -> memref<4224xf32, #tpu.memory_space<vmem_shared>>
        tpu.wait_indirect_dma semaphore(%run_scoped3A : memref<!tpu.dma_semaphore, #tpu.memory_space<semaphore_mem>>) src(%arg29 : memref<128xf32, #tpu.memory_space<vmem>>) dst(%dma_wait3A_93 : memref<4224xf32, #tpu.memory_space<vmem_shared>>)
        tpu.yield
      }) : () -> ()
    }
    %scan3A_9 = arith.constant 16 : i32
    %mul3A_10 = arith.constant 25 : i32
    %mul3A_11 = arith.muli %add3A, %mul3A_10 : i32
    "tpu.region"() ({
      %run_scoped3A = tpu.sem_alloc : memref<!tpu.dma_semaphore, #tpu.memory_space<semaphore_mem>>
      %dma_start3A_59 = arith.constant 0 : i32
      %dma_start3A_60 = tpu.memref_slice %arg24[%dma_start3A_59] : memref<50000xf32, #tpu.memory_space<vmem>> -> memref<50000xf32, #tpu.memory_space<vmem>>
      %dma_start3A_61 = arith.constant 0 : i32
      %dma_start3A_62 = tpu.memref_slice %arg24[%dma_start3A_61] : memref<50000xf32, #tpu.memory_space<vmem>> -> memref<50000xf32, #tpu.memory_space<vmem>>
      tpu.enqueue_dma source(%arg14 : memref<50000xf32, #tpu.memory_space<hbm>>) target(%dma_start3A_62 : memref<50000xf32, #tpu.memory_space<vmem>>) target_semaphore(%run_scoped3A : memref<!tpu.dma_semaphore, #tpu.memory_space<semaphore_mem>>)
      %dma_wait3A_63 = arith.constant 0 : i32
      %dma_wait3A_64 = tpu.memref_slice %arg24[%dma_wait3A_63] : memref<50000xf32, #tpu.memory_space<vmem>> -> memref<50000xf32, #tpu.memory_space<vmem>>
      %dma_wait3A_65 = arith.constant 0 : i32
      %dma_wait3A_66 = tpu.memref_slice %arg24[%dma_wait3A_65] : memref<50000xf32, #tpu.memory_space<vmem>> -> memref<50000xf32, #tpu.memory_space<vmem>>
      tpu.wait_dma2 semaphore(%run_scoped3A : memref<!tpu.dma_semaphore, #tpu.memory_space<semaphore_mem>>) src(%arg14 : memref<50000xf32, #tpu.memory_space<hbm>>) dst(%dma_wait3A_66 : memref<50000xf32, #tpu.memory_space<vmem>>)
      tpu.yield
    }) : () -> ()
    "tpu.region"() ({
      %run_scoped3A = tpu.sem_alloc : memref<!tpu.dma_semaphore, #tpu.memory_space<semaphore_mem>>
      %dma_start3A_59 = arith.constant 0 : i32
      %dma_start3A_60 = tpu.memref_slice %arg25[%dma_start3A_59] : memref<2048xf32, #tpu.memory_space<vmem>> -> memref<2048xf32, #tpu.memory_space<vmem>>
      %dma_start3A_61 = arith.constant 0 : i32
      %dma_start3A_62 = tpu.memref_slice %arg25[%dma_start3A_61] : memref<2048xf32, #tpu.memory_space<vmem>> -> memref<2048xf32, #tpu.memory_space<vmem>>
      tpu.enqueue_dma source(%arg15 : memref<2048xf32, #tpu.memory_space<hbm>>) target(%dma_start3A_62 : memref<2048xf32, #tpu.memory_space<vmem>>) target_semaphore(%run_scoped3A : memref<!tpu.dma_semaphore, #tpu.memory_space<semaphore_mem>>)
      %dma_wait3A_63 = arith.constant 0 : i32
      %dma_wait3A_64 = tpu.memref_slice %arg25[%dma_wait3A_63] : memref<2048xf32, #tpu.memory_space<vmem>> -> memref<2048xf32, #tpu.memory_space<vmem>>
      %dma_wait3A_65 = arith.constant 0 : i32
      %dma_wait3A_66 = tpu.memref_slice %arg25[%dma_wait3A_65] : memref<2048xf32, #tpu.memory_space<vmem>> -> memref<2048xf32, #tpu.memory_space<vmem>>
      tpu.wait_dma2 semaphore(%run_scoped3A : memref<!tpu.dma_semaphore, #tpu.memory_space<semaphore_mem>>) src(%arg15 : memref<2048xf32, #tpu.memory_space<hbm>>) dst(%dma_wait3A_66 : memref<2048xf32, #tpu.memory_space<vmem>>)
      tpu.yield
    }) : () -> ()
    "tpu.region"() ({
      %run_scoped3A = tpu.sem_alloc : memref<!tpu.dma_semaphore, #tpu.memory_space<semaphore_mem>>
      %dma_start3A_59 = arith.constant 0 : i32
      %dma_start3A_60 = arith.constant 0 : i32
      %dma_start3A_61 = tpu.memref_slice %arg26[%dma_start3A_59, %dma_start3A_60] : memref<25x128xi32, #tpu.memory_space<vmem>> -> memref<25x128xi32, #tpu.memory_space<vmem>>
      %dma_start3A_62 = arith.constant 0 : i32
      %dma_start3A_63 = arith.constant 0 : i32
      %dma_start3A_64 = tpu.memref_slice %arg4[%add3A, %dma_start3A_62, %dma_start3A_63] : memref<32x25x128xi32, #tpu.memory_space<hbm>> -> memref<1x25x128xi32, #tpu.memory_space<hbm>>
      %dma_start3A_65 = tpu.memref_squeeze %dma_start3A_64 : memref<1x25x128xi32, #tpu.memory_space<hbm>> -> memref<25x128xi32, #tpu.memory_space<hbm>>
      %dma_start3A_66 = arith.constant 0 : i32
      %dma_start3A_67 = arith.constant 0 : i32
      %dma_start3A_68 = tpu.memref_slice %arg26[%dma_start3A_66, %dma_start3A_67] : memref<25x128xi32, #tpu.memory_space<vmem>> -> memref<25x128xi32, #tpu.memory_space<vmem>>
      %dma_start3A_69 = arith.constant 0 : i32
      %dma_start3A_70 = arith.constant 0 : i32
      %dma_start3A_71 = tpu.memref_slice %arg4[%add3A, %dma_start3A_69, %dma_start3A_70] : memref<32x25x128xi32, #tpu.memory_space<hbm>> -> memref<1x25x128xi32, #tpu.memory_space<hbm>>
      %dma_start3A_72 = tpu.memref_squeeze %dma_start3A_71 : memref<1x25x128xi32, #tpu.memory_space<hbm>> -> memref<25x128xi32, #tpu.memory_space<hbm>>
      tpu.enqueue_dma source(%dma_start3A_72 : memref<25x128xi32, #tpu.memory_space<hbm>>) target(%dma_start3A_68 : memref<25x128xi32, #tpu.memory_space<vmem>>) target_semaphore(%run_scoped3A : memref<!tpu.dma_semaphore, #tpu.memory_space<semaphore_mem>>)
      %dma_wait3A_73 = arith.constant 0 : i32
      %dma_wait3A_74 = arith.constant 0 : i32
      %dma_wait3A_75 = tpu.memref_slice %arg26[%dma_wait3A_73, %dma_wait3A_74] : memref<25x128xi32, #tpu.memory_space<vmem>> -> memref<25x128xi32, #tpu.memory_space<vmem>>
      %dma_wait3A_76 = arith.constant 0 : i32
      %dma_wait3A_77 = arith.constant 0 : i32
      %dma_wait3A_78 = tpu.memref_slice %arg4[%add3A, %dma_wait3A_76, %dma_wait3A_77] : memref<32x25x128xi32, #tpu.memory_space<hbm>> -> memref<1x25x128xi32, #tpu.memory_space<hbm>>
      %dma_wait3A_79 = tpu.memref_squeeze %dma_wait3A_78 : memref<1x25x128xi32, #tpu.memory_space<hbm>> -> memref<25x128xi32, #tpu.memory_space<hbm>>
      %dma_wait3A_80 = arith.constant 0 : i32
      %dma_wait3A_81 = arith.constant 0 : i32
      %dma_wait3A_82 = tpu.memref_slice %arg26[%dma_wait3A_80, %dma_wait3A_81] : memref<25x128xi32, #tpu.memory_space<vmem>> -> memref<25x128xi32, #tpu.memory_space<vmem>>
      %dma_wait3A_83 = arith.constant 0 : i32
      %dma_wait3A_84 = arith.constant 0 : i32
      %dma_wait3A_85 = tpu.memref_slice %arg4[%add3A, %dma_wait3A_83, %dma_wait3A_84] : memref<32x25x128xi32, #tpu.memory_space<hbm>> -> memref<1x25x128xi32, #tpu.memory_space<hbm>>
      %dma_wait3A_86 = tpu.memref_squeeze %dma_wait3A_85 : memref<1x25x128xi32, #tpu.memory_space<hbm>> -> memref<25x128xi32, #tpu.memory_space<hbm>>
      tpu.wait_dma2 semaphore(%run_scoped3A : memref<!tpu.dma_semaphore, #tpu.memory_space<semaphore_mem>>) src(%dma_wait3A_86 : memref<25x128xi32, #tpu.memory_space<hbm>>) dst(%dma_wait3A_82 : memref<25x128xi32, #tpu.memory_space<vmem>>)
      tpu.yield
    }) : () -> ()
    "tpu.region"() ({
      %run_scoped3A = tpu.sem_alloc : memref<!tpu.dma_semaphore, #tpu.memory_space<semaphore_mem>>
      %dma_start3A_59 = arith.constant 0 : i32
      %dma_start3A_60 = arith.constant 0 : i32
      %dma_start3A_61 = tpu.memref_slice %arg27[%dma_start3A_59, %dma_start3A_60] : memref<25x128xi32, #tpu.memory_space<vmem>> -> memref<25x128xi32, #tpu.memory_space<vmem>>
      %dma_start3A_62 = arith.constant 0 : i32
      %dma_start3A_63 = arith.constant 0 : i32
      %dma_start3A_64 = tpu.memref_slice %arg5[%add3A, %dma_start3A_62, %dma_start3A_63] : memref<32x25x128xi32, #tpu.memory_space<hbm>> -> memref<1x25x128xi32, #tpu.memory_space<hbm>>
      %dma_start3A_65 = tpu.memref_squeeze %dma_start3A_64 : memref<1x25x128xi32, #tpu.memory_space<hbm>> -> memref<25x128xi32, #tpu.memory_space<hbm>>
      %dma_start3A_66 = arith.constant 0 : i32
      %dma_start3A_67 = arith.constant 0 : i32
      %dma_start3A_68 = tpu.memref_slice %arg27[%dma_start3A_66, %dma_start3A_67] : memref<25x128xi32, #tpu.memory_space<vmem>> -> memref<25x128xi32, #tpu.memory_space<vmem>>
      %dma_start3A_69 = arith.constant 0 : i32
      %dma_start3A_70 = arith.constant 0 : i32
      %dma_start3A_71 = tpu.memref_slice %arg5[%add3A, %dma_start3A_69, %dma_start3A_70] : memref<32x25x128xi32, #tpu.memory_space<hbm>> -> memref<1x25x128xi32, #tpu.memory_space<hbm>>
      %dma_start3A_72 = tpu.memref_squeeze %dma_start3A_71 : memref<1x25x128xi32, #tpu.memory_space<hbm>> -> memref<25x128xi32, #tpu.memory_space<hbm>>
      tpu.enqueue_dma source(%dma_start3A_72 : memref<25x128xi32, #tpu.memory_space<hbm>>) target(%dma_start3A_68 : memref<25x128xi32, #tpu.memory_space<vmem>>) target_semaphore(%run_scoped3A : memref<!tpu.dma_semaphore, #tpu.memory_space<semaphore_mem>>)
      %dma_wait3A_73 = arith.constant 0 : i32
      %dma_wait3A_74 = arith.constant 0 : i32
      %dma_wait3A_75 = tpu.memref_slice %arg27[%dma_wait3A_73, %dma_wait3A_74] : memref<25x128xi32, #tpu.memory_space<vmem>> -> memref<25x128xi32, #tpu.memory_space<vmem>>
      %dma_wait3A_76 = arith.constant 0 : i32
      %dma_wait3A_77 = arith.constant 0 : i32
      %dma_wait3A_78 = tpu.memref_slice %arg5[%add3A, %dma_wait3A_76, %dma_wait3A_77] : memref<32x25x128xi32, #tpu.memory_space<hbm>> -> memref<1x25x128xi32, #tpu.memory_space<hbm>>
      %dma_wait3A_79 = tpu.memref_squeeze %dma_wait3A_78 : memref<1x25x128xi32, #tpu.memory_space<hbm>> -> memref<25x128xi32, #tpu.memory_space<hbm>>
      %dma_wait3A_80 = arith.constant 0 : i32
      %dma_wait3A_81 = arith.constant 0 : i32
      %dma_wait3A_82 = tpu.memref_slice %arg27[%dma_wait3A_80, %dma_wait3A_81] : memref<25x128xi32, #tpu.memory_space<vmem>> -> memref<25x128xi32, #tpu.memory_space<vmem>>
      %dma_wait3A_83 = arith.constant 0 : i32
      %dma_wait3A_84 = arith.constant 0 : i32
      %dma_wait3A_85 = tpu.memref_slice %arg5[%add3A, %dma_wait3A_83, %dma_wait3A_84] : memref<32x25x128xi32, #tpu.memory_space<hbm>> -> memref<1x25x128xi32, #tpu.memory_space<hbm>>
      %dma_wait3A_86 = tpu.memref_squeeze %dma_wait3A_85 : memref<1x25x128xi32, #tpu.memory_space<hbm>> -> memref<25x128xi32, #tpu.memory_space<hbm>>
      tpu.wait_dma2 semaphore(%run_scoped3A : memref<!tpu.dma_semaphore, #tpu.memory_space<semaphore_mem>>) src(%dma_wait3A_86 : memref<25x128xi32, #tpu.memory_space<hbm>>) dst(%dma_wait3A_82 : memref<25x128xi32, #tpu.memory_space<vmem>>)
      tpu.yield
    }) : () -> ()
    %scan3A_12 = arith.constant 0 : i32
    %scan3A_13 = arith.constant 0 : i32
    %scan3A_14 = arith.constant 25 : i32
    %scan3A_15 = arith.addi %scan3A_13, %scan3A_14 : i32
    %scan3A_16 = arith.constant 1 : i32
    scf.for %scan3A_59 = %scan3A_13 to %scan3A_15 step %scan3A_16  : i32 {
      %dma_start3A_60 = arith.constant 0 : i32
      %dma_start3A_61 = tpu.memref_slice %arg26[%scan3A_59, %dma_start3A_60] : memref<25x128xi32, #tpu.memory_space<vmem>> -> memref<1x128xi32, #tpu.memory_space<vmem>>
      %dma_start3A_62 = tpu.memref_squeeze %dma_start3A_61 : memref<1x128xi32, #tpu.memory_space<vmem>> -> memref<128xi32, #tpu.memory_space<vmem>>
      %dma_start3A_63 = arith.constant 0 : i32
      %dma_start3A_64 = arith.constant 0 : i32
      %dma_start3A_65 = tpu.memref_slice %arg11[%dma_start3A_63, %dma_start3A_64] : memref<50000x128xf32, #tpu.memory_space<hbm>> -> memref<50000x128xf32, #tpu.memory_space<hbm>>
      tpu.enqueue_indirect_dma source(%dma_start3A_65 : memref<50000x128xf32, #tpu.memory_space<hbm>>) target(%arg28 : memref<128x128xf32, #tpu.memory_space<vmem>>) offsets(%dma_start3A_62 : memref<128xi32, #tpu.memory_space<vmem>>) semaphore(%arg32 : memref<!tpu.dma_semaphore, #tpu.memory_space<semaphore_mem>>)
      %scan3A_66 = arith.constant 0 : i32
      %scan3A_67 = arith.constant 0 : i32
      %scan3A_68 = arith.constant 8 : i32
      %scan3A_69 = arith.addi %scan3A_67, %scan3A_68 : i32
      %scan3A_70 = arith.constant 1 : i32
      scf.for %scan3A_84 = %scan3A_67 to %scan3A_69 step %scan3A_70  : i32 {
        %mul3A_85 = arith.constant 16 : i32
        %mul3A_86 = arith.muli %scan3A_84, %mul3A_85 : i32
        %get3A = arith.index_cast %scan3A_59 : i32 to index
        %get3A_87 = arith.index_cast %mul3A_86 : i32 to index
        %get3A_88 = tpu.vector_load %arg26[%get3A, %get3A_87] {strides = array<i32>} : memref<25x128xi32, #tpu.memory_space<vmem>>, vector<16xi32>,
        %get3A_89 = arith.index_cast %scan3A_59 : i32 to index
        %get3A_90 = arith.index_cast %mul3A_86 : i32 to index
        %get3A_91 = tpu.vector_load %arg27[%get3A_89, %get3A_90] {strides = array<i32>} : memref<25x128xi32, #tpu.memory_space<vmem>>, vector<16xi32>,
        %gather3A = tpu.vector_load_idx %arg24[%get3A_88] : memref<50000xf32, #tpu.memory_space<vmem>>[vector<16xi32>], vector<16xf32>,
        %sub3A = arith.constant 2048 : i32
        %sub3A_92 = vector.broadcast %sub3A : i32 to vector<16xi32>
        %sub3A_93 = arith.subi %get3A_91, %sub3A_92 : vector<16xi32>
        %gather3A_94 = tpu.vector_load_idx %arg25[%sub3A_93] : memref<2048xf32, #tpu.memory_space<vmem>>[vector<16xi32>], vector<16xf32>,
        %add3A_95 = arith.addf %gather3A, %gather3A_94 : vector<16xf32>
        %mul3A_96 = arith.constant 0.00999999977 : f32
        %mul3A_97 = vector.broadcast %mul3A_96 : f32 to vector<16xf32>
        %mul3A_98 = arith.mulf %add3A_95, %mul3A_97 : vector<16xf32>
        %max3A = arith.maximumf %add3A_95, %mul3A_98 : vector<16xf32>
        %exp3A = math.exp %max3A : vector<16xf32>
        %add3A_99 = arith.addi %mul3A_11, %scan3A_59 : i32
        %mul3A_100 = arith.constant 128 : i32
        %mul3A_101 = arith.muli %add3A_99, %mul3A_100 : i32
        %mul3A_102 = arith.constant 16 : i32
        %mul3A_103 = arith.muli %scan3A_84, %mul3A_102 : i32
        %add3A_104 = arith.addi %mul3A_101, %mul3A_103 : i32
        %iota3A = tpu.iota {dimensions = array<i32: 0>} : vector<16xi32>
        %add3A_105 = vector.broadcast %add3A_104 : i32 to vector<16xi32>
        %add3A_106 = arith.addi %add3A_105, %iota3A : vector<16xi32>
        %lt3A = arith.constant 100000 : i32
        %lt3A_107 = vector.broadcast %lt3A : i32 to vector<16xi32>
        %lt3A_108 = arith.cmpi slt, %add3A_106, %lt3A_107 : vector<16xi32>
        %jit3A = arith.constant 0.000000e+00 : f32
        %broadcast_in_dim3A = vector.broadcast %jit3A : f32 to vector<16xf32>
        %select_n3A = arith.select %lt3A_108, %exp3A, %broadcast_in_dim3A : vector<16xi1>, vector<16xf32>
        %swap3A = arith.index_cast %mul3A_86 : i32 to index
        %swap3A_109 = tpu.vector_load %arg29[%swap3A] {strides = array<i32>} : memref<128xf32, #tpu.memory_space<vmem>>, vector<16xf32>,
        tpu.vector_store %arg29[%swap3A], %select_n3A {strides = array<i32>} : memref<128xf32, #tpu.memory_space<vmem>>, vector<16xf32>,
      }
      %scan3A_71 = arith.constant 8 : i32
      %dma_wait3A_72 = arith.constant 0 : i32
      %dma_wait3A_73 = tpu.memref_slice %arg26[%scan3A_59, %dma_wait3A_72] : memref<25x128xi32, #tpu.memory_space<vmem>> -> memref<1x128xi32, #tpu.memory_space<vmem>>
      %dma_wait3A_74 = tpu.memref_squeeze %dma_wait3A_73 : memref<1x128xi32, #tpu.memory_space<vmem>> -> memref<128xi32, #tpu.memory_space<vmem>>
      %dma_wait3A_75 = arith.constant 0 : i32
      %dma_wait3A_76 = arith.constant 0 : i32
      %dma_wait3A_77 = tpu.memref_slice %arg11[%dma_wait3A_75, %dma_wait3A_76] : memref<50000x128xf32, #tpu.memory_space<hbm>> -> memref<50000x128xf32, #tpu.memory_space<hbm>>
      tpu.wait_indirect_dma semaphore(%arg32 : memref<!tpu.dma_semaphore, #tpu.memory_space<semaphore_mem>>) src(%dma_wait3A_77 : memref<50000x128xf32, #tpu.memory_space<hbm>>) dst(%arg28 : memref<128x128xf32, #tpu.memory_space<vmem>>)
      %scan3A_78 = arith.constant 0 : i32
      %scan3A_79 = arith.constant 0 : i32
      %scan3A_80 = arith.constant 32 : i32
      %scan3A_81 = arith.addi %scan3A_79, %scan3A_80 : i32
      %scan3A_82 = arith.constant 1 : i32
      scf.for %scan3A_84 = %scan3A_79 to %scan3A_81 step %scan3A_82  : i32 {
        %mul3A_85 = arith.constant 4 : i32
        %mul3A_86 = arith.muli %scan3A_84, %mul3A_85 : i32
        %add3A_87 = arith.constant 0 : i32
        %add3A_88 = arith.addi %mul3A_86, %add3A_87 : i32
        %broadcast_in_dim3A = vector.broadcast %add3A_88 : i32 to vector<16xi32>
        %gather3A = tpu.vector_load_idx %arg29[%broadcast_in_dim3A] : memref<128xf32, #tpu.memory_space<vmem>>[vector<16xi32>], vector<16xf32>,
        %add3A_89 = arith.constant 1 : i32
        %add3A_90 = arith.addi %mul3A_86, %add3A_89 : i32
        %broadcast_in_dim3A_91 = vector.broadcast %add3A_90 : i32 to vector<16xi32>
        %gather3A_92 = tpu.vector_load_idx %arg29[%broadcast_in_dim3A_91] : memref<128xf32, #tpu.memory_space<vmem>>[vector<16xi32>], vector<16xf32>,
        %add3A_93 = arith.constant 2 : i32
        %add3A_94 = arith.addi %mul3A_86, %add3A_93 : i32
        %broadcast_in_dim3A_95 = vector.broadcast %add3A_94 : i32 to vector<16xi32>
        %gather3A_96 = tpu.vector_load_idx %arg29[%broadcast_in_dim3A_95] : memref<128xf32, #tpu.memory_space<vmem>>[vector<16xi32>], vector<16xf32>,
        %add3A_97 = arith.constant 3 : i32
        %add3A_98 = arith.addi %mul3A_86, %add3A_97 : i32
        %broadcast_in_dim3A_99 = vector.broadcast %add3A_98 : i32 to vector<16xi32>
        %gather3A_100 = tpu.vector_load_idx %arg29[%broadcast_in_dim3A_99] : memref<128xf32, #tpu.memory_space<vmem>>[vector<16xi32>], vector<16xf32>,
        %add3A_101 = arith.constant 0 : i32
        %add3A_102 = arith.addi %mul3A_86, %add3A_101 : i32
        %get3A = arith.index_cast %add3A_102 : i32 to index
        %get3A_103 = arith.constant 0 : index
        %get3A_104 = tpu.vector_load %arg28[%get3A, %get3A_103] {strides = array<i32>} : memref<128x128xf32, #tpu.memory_space<vmem>>, vector<16xf32>,
        %mul3A_105 = arith.mulf %get3A_104, %gather3A : vector<16xf32>
        %add3A_106 = arith.constant 0 : i32
        %add3A_107 = arith.addi %mul3A_86, %add3A_106 : i32
        %swap3A = arith.index_cast %add3A_107 : i32 to index
        %swap3A_108 = arith.constant 0 : index
        %swap3A_109 = tpu.vector_load %arg28[%swap3A, %swap3A_108] {strides = array<i32>} : memref<128x128xf32, #tpu.memory_space<vmem>>, vector<16xf32>,
        tpu.vector_store %arg28[%swap3A, %swap3A_108], %mul3A_105 {strides = array<i32>} : memref<128x128xf32, #tpu.memory_space<vmem>>, vector<16xf32>,
        %add3A_110 = arith.constant 1 : i32
        %add3A_111 = arith.addi %mul3A_86, %add3A_110 : i32
        %get3A_112 = arith.index_cast %add3A_111 : i32 to index
        %get3A_113 = arith.constant 0 : index
        %get3A_114 = tpu.vector_load %arg28[%get3A_112, %get3A_113] {strides = array<i32>} : memref<128x128xf32, #tpu.memory_space<vmem>>, vector<16xf32>,
        %mul3A_115 = arith.mulf %get3A_114, %gather3A_92 : vector<16xf32>
        %add3A_116 = arith.constant 1 : i32
        %add3A_117 = arith.addi %mul3A_86, %add3A_116 : i32
        %swap3A_118 = arith.index_cast %add3A_117 : i32 to index
        %swap3A_119 = arith.constant 0 : index
        %swap3A_120 = tpu.vector_load %arg28[%swap3A_118, %swap3A_119] {strides = array<i32>} : memref<128x128xf32, #tpu.memory_space<vmem>>, vector<16xf32>,
        tpu.vector_store %arg28[%swap3A_118, %swap3A_119], %mul3A_115 {strides = array<i32>} : memref<128x128xf32, #tpu.memory_space<vmem>>, vector<16xf32>,
        %add3A_121 = arith.constant 2 : i32
        %add3A_122 = arith.addi %mul3A_86, %add3A_121 : i32
        %get3A_123 = arith.index_cast %add3A_122 : i32 to index
        %get3A_124 = arith.constant 0 : index
        %get3A_125 = tpu.vector_load %arg28[%get3A_123, %get3A_124] {strides = array<i32>} : memref<128x128xf32, #tpu.memory_space<vmem>>, vector<16xf32>,
        %mul3A_126 = arith.mulf %get3A_125, %gather3A_96 : vector<16xf32>
        %add3A_127 = arith.constant 2 : i32
        %add3A_128 = arith.addi %mul3A_86, %add3A_127 : i32
        %swap3A_129 = arith.index_cast %add3A_128 : i32 to index
        %swap3A_130 = arith.constant 0 : index
        %swap3A_131 = tpu.vector_load %arg28[%swap3A_129, %swap3A_130] {strides = array<i32>} : memref<128x128xf32, #tpu.memory_space<vmem>>, vector<16xf32>,
        tpu.vector_store %arg28[%swap3A_129, %swap3A_130], %mul3A_126 {strides = array<i32>} : memref<128x128xf32, #tpu.memory_space<vmem>>, vector<16xf32>,
        %add3A_132 = arith.constant 3 : i32
        %add3A_133 = arith.addi %mul3A_86, %add3A_132 : i32
        %get3A_134 = arith.index_cast %add3A_133 : i32 to index
        %get3A_135 = arith.constant 0 : index
        %get3A_136 = tpu.vector_load %arg28[%get3A_134, %get3A_135] {strides = array<i32>} : memref<128x128xf32, #tpu.memory_space<vmem>>, vector<16xf32>,
        %mul3A_137 = arith.mulf %get3A_136, %gather3A_100 : vector<16xf32>
        %add3A_138 = arith.constant 3 : i32
        %add3A_139 = arith.addi %mul3A_86, %add3A_138 : i32
        %swap3A_140 = arith.index_cast %add3A_139 : i32 to index
        %swap3A_141 = arith.constant 0 : index
        %swap3A_142 = tpu.vector_load %arg28[%swap3A_140, %swap3A_141] {strides = array<i32>} : memref<128x128xf32, #tpu.memory_space<vmem>>, vector<16xf32>,
        tpu.vector_store %arg28[%swap3A_140, %swap3A_141], %mul3A_137 {strides = array<i32>} : memref<128x128xf32, #tpu.memory_space<vmem>>, vector<16xf32>,
        %add3A_143 = arith.constant 0 : i32
        %add3A_144 = arith.addi %mul3A_86, %add3A_143 : i32
        %get3A_145 = arith.index_cast %add3A_144 : i32 to index
        %get3A_146 = arith.constant 16 : index
        %get3A_147 = tpu.vector_load %arg28[%get3A_145, %get3A_146] {strides = array<i32>} : memref<128x128xf32, #tpu.memory_space<vmem>>, vector<16xf32>,
        %mul3A_148 = arith.mulf %get3A_147, %gather3A : vector<16xf32>
        %add3A_149 = arith.constant 0 : i32
        %add3A_150 = arith.addi %mul3A_86, %add3A_149 : i32
        %swap3A_151 = arith.index_cast %add3A_150 : i32 to index
        %swap3A_152 = arith.constant 16 : index
        %swap3A_153 = tpu.vector_load %arg28[%swap3A_151, %swap3A_152] {strides = array<i32>} : memref<128x128xf32, #tpu.memory_space<vmem>>, vector<16xf32>,
        tpu.vector_store %arg28[%swap3A_151, %swap3A_152], %mul3A_148 {strides = array<i32>} : memref<128x128xf32, #tpu.memory_space<vmem>>, vector<16xf32>,
        %add3A_154 = arith.constant 1 : i32
        %add3A_155 = arith.addi %mul3A_86, %add3A_154 : i32
        %get3A_156 = arith.index_cast %add3A_155 : i32 to index
        %get3A_157 = arith.constant 16 : index
        %get3A_158 = tpu.vector_load %arg28[%get3A_156, %get3A_157] {strides = array<i32>} : memref<128x128xf32, #tpu.memory_space<vmem>>, vector<16xf32>,
        %mul3A_159 = arith.mulf %get3A_158, %gather3A_92 : vector<16xf32>
        %add3A_160 = arith.constant 1 : i32
        %add3A_161 = arith.addi %mul3A_86, %add3A_160 : i32
        %swap3A_162 = arith.index_cast %add3A_161 : i32 to index
        %swap3A_163 = arith.constant 16 : index
        %swap3A_164 = tpu.vector_load %arg28[%swap3A_162, %swap3A_163] {strides = array<i32>} : memref<128x128xf32, #tpu.memory_space<vmem>>, vector<16xf32>,
        tpu.vector_store %arg28[%swap3A_162, %swap3A_163], %mul3A_159 {strides = array<i32>} : memref<128x128xf32, #tpu.memory_space<vmem>>, vector<16xf32>,
        %add3A_165 = arith.constant 2 : i32
        %add3A_166 = arith.addi %mul3A_86, %add3A_165 : i32
        %get3A_167 = arith.index_cast %add3A_166 : i32 to index
        %get3A_168 = arith.constant 16 : index
        %get3A_169 = tpu.vector_load %arg28[%get3A_167, %get3A_168] {strides = array<i32>} : memref<128x128xf32, #tpu.memory_space<vmem>>, vector<16xf32>,
        %mul3A_170 = arith.mulf %get3A_169, %gather3A_96 : vector<16xf32>
        %add3A_171 = arith.constant 2 : i32
        %add3A_172 = arith.addi %mul3A_86, %add3A_171 : i32
        %swap3A_173 = arith.index_cast %add3A_172 : i32 to index
        %swap3A_174 = arith.constant 16 : index
        %swap3A_175 = tpu.vector_load %arg28[%swap3A_173, %swap3A_174] {strides = array<i32>} : memref<128x128xf32, #tpu.memory_space<vmem>>, vector<16xf32>,
        tpu.vector_store %arg28[%swap3A_173, %swap3A_174], %mul3A_170 {strides = array<i32>} : memref<128x128xf32, #tpu.memory_space<vmem>>, vector<16xf32>,
        %add3A_176 = arith.constant 3 : i32
        %add3A_177 = arith.addi %mul3A_86, %add3A_176 : i32
        %get3A_178 = arith.index_cast %add3A_177 : i32 to index
        %get3A_179 = arith.constant 16 : index
        %get3A_180 = tpu.vector_load %arg28[%get3A_178, %get3A_179] {strides = array<i32>} : memref<128x128xf32, #tpu.memory_space<vmem>>, vector<16xf32>,
        %mul3A_181 = arith.mulf %get3A_180, %gather3A_100 : vector<16xf32>
        %add3A_182 = arith.constant 3 : i32
        %add3A_183 = arith.addi %mul3A_86, %add3A_182 : i32
        %swap3A_184 = arith.index_cast %add3A_183 : i32 to index
        %swap3A_185 = arith.constant 16 : index
        %swap3A_186 = tpu.vector_load %arg28[%swap3A_184, %swap3A_185] {strides = array<i32>} : memref<128x128xf32, #tpu.memory_space<vmem>>, vector<16xf32>,
        tpu.vector_store %arg28[%swap3A_184, %swap3A_185], %mul3A_181 {strides = array<i32>} : memref<128x128xf32, #tpu.memory_space<vmem>>, vector<16xf32>,
        %add3A_187 = arith.constant 0 : i32
        %add3A_188 = arith.addi %mul3A_86, %add3A_187 : i32
        %get3A_189 = arith.index_cast %add3A_188 : i32 to index
        %get3A_190 = arith.constant 32 : index
        %get3A_191 = tpu.vector_load %arg28[%get3A_189, %get3A_190] {strides = array<i32>} : memref<128x128xf32, #tpu.memory_space<vmem>>, vector<16xf32>,
        %mul3A_192 = arith.mulf %get3A_191, %gather3A : vector<16xf32>
        %add3A_193 = arith.constant 0 : i32
        %add3A_194 = arith.addi %mul3A_86, %add3A_193 : i32
        %swap3A_195 = arith.index_cast %add3A_194 : i32 to index
        %swap3A_196 = arith.constant 32 : index
        %swap3A_197 = tpu.vector_load %arg28[%swap3A_195, %swap3A_196] {strides = array<i32>} : memref<128x128xf32, #tpu.memory_space<vmem>>, vector<16xf32>,
        tpu.vector_store %arg28[%swap3A_195, %swap3A_196], %mul3A_192 {strides = array<i32>} : memref<128x128xf32, #tpu.memory_space<vmem>>, vector<16xf32>,
        %add3A_198 = arith.constant 1 : i32
        %add3A_199 = arith.addi %mul3A_86, %add3A_198 : i32
        %get3A_200 = arith.index_cast %add3A_199 : i32 to index
        %get3A_201 = arith.constant 32 : index
        %get3A_202 = tpu.vector_load %arg28[%get3A_200, %get3A_201] {strides = array<i32>} : memref<128x128xf32, #tpu.memory_space<vmem>>, vector<16xf32>,
        %mul3A_203 = arith.mulf %get3A_202, %gather3A_92 : vector<16xf32>
        %add3A_204 = arith.constant 1 : i32
        %add3A_205 = arith.addi %mul3A_86, %add3A_204 : i32
        %swap3A_206 = arith.index_cast %add3A_205 : i32 to index
        %swap3A_207 = arith.constant 32 : index
        %swap3A_208 = tpu.vector_load %arg28[%swap3A_206, %swap3A_207] {strides = array<i32>} : memref<128x128xf32, #tpu.memory_space<vmem>>, vector<16xf32>,
        tpu.vector_store %arg28[%swap3A_206, %swap3A_207], %mul3A_203 {strides = array<i32>} : memref<128x128xf32, #tpu.memory_space<vmem>>, vector<16xf32>,
        %add3A_209 = arith.constant 2 : i32
        %add3A_210 = arith.addi %mul3A_86, %add3A_209 : i32
        %get3A_211 = arith.index_cast %add3A_210 : i32 to index
        %get3A_212 = arith.constant 32 : index
        %get3A_213 = tpu.vector_load %arg28[%get3A_211, %get3A_212] {strides = array<i32>} : memref<128x128xf32, #tpu.memory_space<vmem>>, vector<16xf32>,
        %mul3A_214 = arith.mulf %get3A_213, %gather3A_96 : vector<16xf32>
        %add3A_215 = arith.constant 2 : i32
        %add3A_216 = arith.addi %mul3A_86, %add3A_215 : i32
        %swap3A_217 = arith.index_cast %add3A_216 : i32 to index
        %swap3A_218 = arith.constant 32 : index
        %swap3A_219 = tpu.vector_load %arg28[%swap3A_217, %swap3A_218] {strides = array<i32>} : memref<128x128xf32, #tpu.memory_space<vmem>>, vector<16xf32>,
        tpu.vector_store %arg28[%swap3A_217, %swap3A_218], %mul3A_214 {strides = array<i32>} : memref<128x128xf32, #tpu.memory_space<vmem>>, vector<16xf32>,
        %add3A_220 = arith.constant 3 : i32
        %add3A_221 = arith.addi %mul3A_86, %add3A_220 : i32
        %get3A_222 = arith.index_cast %add3A_221 : i32 to index
        %get3A_223 = arith.constant 32 : index
        %get3A_224 = tpu.vector_load %arg28[%get3A_222, %get3A_223] {strides = array<i32>} : memref<128x128xf32, #tpu.memory_space<vmem>>, vector<16xf32>,
        %mul3A_225 = arith.mulf %get3A_224, %gather3A_100 : vector<16xf32>
        %add3A_226 = arith.constant 3 : i32
        %add3A_227 = arith.addi %mul3A_86, %add3A_226 : i32
        %swap3A_228 = arith.index_cast %add3A_227 : i32 to index
        %swap3A_229 = arith.constant 32 : index
        %swap3A_230 = tpu.vector_load %arg28[%swap3A_228, %swap3A_229] {strides = array<i32>} : memref<128x128xf32, #tpu.memory_space<vmem>>, vector<16xf32>,
        tpu.vector_store %arg28[%swap3A_228, %swap3A_229], %mul3A_225 {strides = array<i32>} : memref<128x128xf32, #tpu.memory_space<vmem>>, vector<16xf32>,
        %add3A_231 = arith.constant 0 : i32
        %add3A_232 = arith.addi %mul3A_86, %add3A_231 : i32
        %get3A_233 = arith.index_cast %add3A_232 : i32 to index
        %get3A_234 = arith.constant 48 : index
        %get3A_235 = tpu.vector_load %arg28[%get3A_233, %get3A_234] {strides = array<i32>} : memref<128x128xf32, #tpu.memory_space<vmem>>, vector<16xf32>,
        %mul3A_236 = arith.mulf %get3A_235, %gather3A : vector<16xf32>
        %add3A_237 = arith.constant 0 : i32
        %add3A_238 = arith.addi %mul3A_86, %add3A_237 : i32
        %swap3A_239 = arith.index_cast %add3A_238 : i32 to index
        %swap3A_240 = arith.constant 48 : index
        %swap3A_241 = tpu.vector_load %arg28[%swap3A_239, %swap3A_240] {strides = array<i32>} : memref<128x128xf32, #tpu.memory_space<vmem>>, vector<16xf32>,
        tpu.vector_store %arg28[%swap3A_239, %swap3A_240], %mul3A_236 {strides = array<i32>} : memref<128x128xf32, #tpu.memory_space<vmem>>, vector<16xf32>,
        %add3A_242 = arith.constant 1 : i32
        %add3A_243 = arith.addi %mul3A_86, %add3A_242 : i32
        %get3A_244 = arith.index_cast %add3A_243 : i32 to index
        %get3A_245 = arith.constant 48 : index
        %get3A_246 = tpu.vector_load %arg28[%get3A_244, %get3A_245] {strides = array<i32>} : memref<128x128xf32, #tpu.memory_space<vmem>>, vector<16xf32>,
        %mul3A_247 = arith.mulf %get3A_246, %gather3A_92 : vector<16xf32>
        %add3A_248 = arith.constant 1 : i32
        %add3A_249 = arith.addi %mul3A_86, %add3A_248 : i32
        %swap3A_250 = arith.index_cast %add3A_249 : i32 to index
        %swap3A_251 = arith.constant 48 : index
        %swap3A_252 = tpu.vector_load %arg28[%swap3A_250, %swap3A_251] {strides = array<i32>} : memref<128x128xf32, #tpu.memory_space<vmem>>, vector<16xf32>,
        tpu.vector_store %arg28[%swap3A_250, %swap3A_251], %mul3A_247 {strides = array<i32>} : memref<128x128xf32, #tpu.memory_space<vmem>>, vector<16xf32>,
        %add3A_253 = arith.constant 2 : i32
        %add3A_254 = arith.addi %mul3A_86, %add3A_253 : i32
        %get3A_255 = arith.index_cast %add3A_254 : i32 to index
        %get3A_256 = arith.constant 48 : index
        %get3A_257 = tpu.vector_load %arg28[%get3A_255, %get3A_256] {strides = array<i32>} : memref<128x128xf32, #tpu.memory_space<vmem>>, vector<16xf32>,
        %mul3A_258 = arith.mulf %get3A_257, %gather3A_96 : vector<16xf32>
        %add3A_259 = arith.constant 2 : i32
        %add3A_260 = arith.addi %mul3A_86, %add3A_259 : i32
        %swap3A_261 = arith.index_cast %add3A_260 : i32 to index
        %swap3A_262 = arith.constant 48 : index
        %swap3A_263 = tpu.vector_load %arg28[%swap3A_261, %swap3A_262] {strides = array<i32>} : memref<128x128xf32, #tpu.memory_space<vmem>>, vector<16xf32>,
        tpu.vector_store %arg28[%swap3A_261, %swap3A_262], %mul3A_258 {strides = array<i32>} : memref<128x128xf32, #tpu.memory_space<vmem>>, vector<16xf32>,
        %add3A_264 = arith.constant 3 : i32
        %add3A_265 = arith.addi %mul3A_86, %add3A_264 : i32
        %get3A_266 = arith.index_cast %add3A_265 : i32 to index
        %get3A_267 = arith.constant 48 : index
        %get3A_268 = tpu.vector_load %arg28[%get3A_266, %get3A_267] {strides = array<i32>} : memref<128x128xf32, #tpu.memory_space<vmem>>, vector<16xf32>,
        %mul3A_269 = arith.mulf %get3A_268, %gather3A_100 : vector<16xf32>
        %add3A_270 = arith.constant 3 : i32
        %add3A_271 = arith.addi %mul3A_86, %add3A_270 : i32
        %swap3A_272 = arith.index_cast %add3A_271 : i32 to index
        %swap3A_273 = arith.constant 48 : index
        %swap3A_274 = tpu.vector_load %arg28[%swap3A_272, %swap3A_273] {strides = array<i32>} : memref<128x128xf32, #tpu.memory_space<vmem>>, vector<16xf32>,
        tpu.vector_store %arg28[%swap3A_272, %swap3A_273], %mul3A_269 {strides = array<i32>} : memref<128x128xf32, #tpu.memory_space<vmem>>, vector<16xf32>,
        %add3A_275 = arith.constant 0 : i32
        %add3A_276 = arith.addi %mul3A_86, %add3A_275 : i32
        %get3A_277 = arith.index_cast %add3A_276 : i32 to index
        %get3A_278 = arith.constant 64 : index
        %get3A_279 = tpu.vector_load %arg28[%get3A_277, %get3A_278] {strides = array<i32>} : memref<128x128xf32, #tpu.memory_space<vmem>>, vector<16xf32>,
        %mul3A_280 = arith.mulf %get3A_279, %gather3A : vector<16xf32>
        %add3A_281 = arith.constant 0 : i32
        %add3A_282 = arith.addi %mul3A_86, %add3A_281 : i32
        %swap3A_283 = arith.index_cast %add3A_282 : i32 to index
        %swap3A_284 = arith.constant 64 : index
        %swap3A_285 = tpu.vector_load %arg28[%swap3A_283, %swap3A_284] {strides = array<i32>} : memref<128x128xf32, #tpu.memory_space<vmem>>, vector<16xf32>,
        tpu.vector_store %arg28[%swap3A_283, %swap3A_284], %mul3A_280 {strides = array<i32>} : memref<128x128xf32, #tpu.memory_space<vmem>>, vector<16xf32>,
        %add3A_286 = arith.constant 1 : i32
        %add3A_287 = arith.addi %mul3A_86, %add3A_286 : i32
        %get3A_288 = arith.index_cast %add3A_287 : i32 to index
        %get3A_289 = arith.constant 64 : index
        %get3A_290 = tpu.vector_load %arg28[%get3A_288, %get3A_289] {strides = array<i32>} : memref<128x128xf32, #tpu.memory_space<vmem>>, vector<16xf32>,
        %mul3A_291 = arith.mulf %get3A_290, %gather3A_92 : vector<16xf32>
        %add3A_292 = arith.constant 1 : i32
        %add3A_293 = arith.addi %mul3A_86, %add3A_292 : i32
        %swap3A_294 = arith.index_cast %add3A_293 : i32 to index
        %swap3A_295 = arith.constant 64 : index
        %swap3A_296 = tpu.vector_load %arg28[%swap3A_294, %swap3A_295] {strides = array<i32>} : memref<128x128xf32, #tpu.memory_space<vmem>>, vector<16xf32>,
        tpu.vector_store %arg28[%swap3A_294, %swap3A_295], %mul3A_291 {strides = array<i32>} : memref<128x128xf32, #tpu.memory_space<vmem>>, vector<16xf32>,
        %add3A_297 = arith.constant 2 : i32
        %add3A_298 = arith.addi %mul3A_86, %add3A_297 : i32
        %get3A_299 = arith.index_cast %add3A_298 : i32 to index
        %get3A_300 = arith.constant 64 : index
        %get3A_301 = tpu.vector_load %arg28[%get3A_299, %get3A_300] {strides = array<i32>} : memref<128x128xf32, #tpu.memory_space<vmem>>, vector<16xf32>,
        %mul3A_302 = arith.mulf %get3A_301, %gather3A_96 : vector<16xf32>
        %add3A_303 = arith.constant 2 : i32
        %add3A_304 = arith.addi %mul3A_86, %add3A_303 : i32
        %swap3A_305 = arith.index_cast %add3A_304 : i32 to index
        %swap3A_306 = arith.constant 64 : index
        %swap3A_307 = tpu.vector_load %arg28[%swap3A_305, %swap3A_306] {strides = array<i32>} : memref<128x128xf32, #tpu.memory_space<vmem>>, vector<16xf32>,
        tpu.vector_store %arg28[%swap3A_305, %swap3A_306], %mul3A_302 {strides = array<i32>} : memref<128x128xf32, #tpu.memory_space<vmem>>, vector<16xf32>,
        %add3A_308 = arith.constant 3 : i32
        %add3A_309 = arith.addi %mul3A_86, %add3A_308 : i32
        %get3A_310 = arith.index_cast %add3A_309 : i32 to index
        %get3A_311 = arith.constant 64 : index
        %get3A_312 = tpu.vector_load %arg28[%get3A_310, %get3A_311] {strides = array<i32>} : memref<128x128xf32, #tpu.memory_space<vmem>>, vector<16xf32>,
        %mul3A_313 = arith.mulf %get3A_312, %gather3A_100 : vector<16xf32>
        %add3A_314 = arith.constant 3 : i32
        %add3A_315 = arith.addi %mul3A_86, %add3A_314 : i32
        %swap3A_316 = arith.index_cast %add3A_315 : i32 to index
        %swap3A_317 = arith.constant 64 : index
        %swap3A_318 = tpu.vector_load %arg28[%swap3A_316, %swap3A_317] {strides = array<i32>} : memref<128x128xf32, #tpu.memory_space<vmem>>, vector<16xf32>,
        tpu.vector_store %arg28[%swap3A_316, %swap3A_317], %mul3A_313 {strides = array<i32>} : memref<128x128xf32, #tpu.memory_space<vmem>>, vector<16xf32>,
        %add3A_319 = arith.constant 0 : i32
        %add3A_320 = arith.addi %mul3A_86, %add3A_319 : i32
        %get3A_321 = arith.index_cast %add3A_320 : i32 to index
        %get3A_322 = arith.constant 80 : index
        %get3A_323 = tpu.vector_load %arg28[%get3A_321, %get3A_322] {strides = array<i32>} : memref<128x128xf32, #tpu.memory_space<vmem>>, vector<16xf32>,
        %mul3A_324 = arith.mulf %get3A_323, %gather3A : vector<16xf32>
        %add3A_325 = arith.constant 0 : i32
        %add3A_326 = arith.addi %mul3A_86, %add3A_325 : i32
        %swap3A_327 = arith.index_cast %add3A_326 : i32 to index
        %swap3A_328 = arith.constant 80 : index
        %swap3A_329 = tpu.vector_load %arg28[%swap3A_327, %swap3A_328] {strides = array<i32>} : memref<128x128xf32, #tpu.memory_space<vmem>>, vector<16xf32>,
        tpu.vector_store %arg28[%swap3A_327, %swap3A_328], %mul3A_324 {strides = array<i32>} : memref<128x128xf32, #tpu.memory_space<vmem>>, vector<16xf32>,
        %add3A_330 = arith.constant 1 : i32
        %add3A_331 = arith.addi %mul3A_86, %add3A_330 : i32
        %get3A_332 = arith.index_cast %add3A_331 : i32 to index
        %get3A_333 = arith.constant 80 : index
        %get3A_334 = tpu.vector_load %arg28[%get3A_332, %get3A_333] {strides = array<i32>} : memref<128x128xf32, #tpu.memory_space<vmem>>, vector<16xf32>,
        %mul3A_335 = arith.mulf %get3A_334, %gather3A_92 : vector<16xf32>
        %add3A_336 = arith.constant 1 : i32
        %add3A_337 = arith.addi %mul3A_86, %add3A_336 : i32
        %swap3A_338 = arith.index_cast %add3A_337 : i32 to index
        %swap3A_339 = arith.constant 80 : index
        %swap3A_340 = tpu.vector_load %arg28[%swap3A_338, %swap3A_339] {strides = array<i32>} : memref<128x128xf32, #tpu.memory_space<vmem>>, vector<16xf32>,
        tpu.vector_store %arg28[%swap3A_338, %swap3A_339], %mul3A_335 {strides = array<i32>} : memref<128x128xf32, #tpu.memory_space<vmem>>, vector<16xf32>,
        %add3A_341 = arith.constant 2 : i32
        %add3A_342 = arith.addi %mul3A_86, %add3A_341 : i32
        %get3A_343 = arith.index_cast %add3A_342 : i32 to index
        %get3A_344 = arith.constant 80 : index
        %get3A_345 = tpu.vector_load %arg28[%get3A_343, %get3A_344] {strides = array<i32>} : memref<128x128xf32, #tpu.memory_space<vmem>>, vector<16xf32>,
        %mul3A_346 = arith.mulf %get3A_345, %gather3A_96 : vector<16xf32>
        %add3A_347 = arith.constant 2 : i32
        %add3A_348 = arith.addi %mul3A_86, %add3A_347 : i32
        %swap3A_349 = arith.index_cast %add3A_348 : i32 to index
        %swap3A_350 = arith.constant 80 : index
        %swap3A_351 = tpu.vector_load %arg28[%swap3A_349, %swap3A_350] {strides = array<i32>} : memref<128x128xf32, #tpu.memory_space<vmem>>, vector<16xf32>,
        tpu.vector_store %arg28[%swap3A_349, %swap3A_350], %mul3A_346 {strides = array<i32>} : memref<128x128xf32, #tpu.memory_space<vmem>>, vector<16xf32>,
        %add3A_352 = arith.constant 3 : i32
        %add3A_353 = arith.addi %mul3A_86, %add3A_352 : i32
        %get3A_354 = arith.index_cast %add3A_353 : i32 to index
        %get3A_355 = arith.constant 80 : index
        %get3A_356 = tpu.vector_load %arg28[%get3A_354, %get3A_355] {strides = array<i32>} : memref<128x128xf32, #tpu.memory_space<vmem>>, vector<16xf32>,
        %mul3A_357 = arith.mulf %get3A_356, %gather3A_100 : vector<16xf32>
        %add3A_358 = arith.constant 3 : i32
        %add3A_359 = arith.addi %mul3A_86, %add3A_358 : i32
        %swap3A_360 = arith.index_cast %add3A_359 : i32 to index
        %swap3A_361 = arith.constant 80 : index
        %swap3A_362 = tpu.vector_load %arg28[%swap3A_360, %swap3A_361] {strides = array<i32>} : memref<128x128xf32, #tpu.memory_space<vmem>>, vector<16xf32>,
        tpu.vector_store %arg28[%swap3A_360, %swap3A_361], %mul3A_357 {strides = array<i32>} : memref<128x128xf32, #tpu.memory_space<vmem>>, vector<16xf32>,
        %add3A_363 = arith.constant 0 : i32
        %add3A_364 = arith.addi %mul3A_86, %add3A_363 : i32
        %get3A_365 = arith.index_cast %add3A_364 : i32 to index
        %get3A_366 = arith.constant 96 : index
        %get3A_367 = tpu.vector_load %arg28[%get3A_365, %get3A_366] {strides = array<i32>} : memref<128x128xf32, #tpu.memory_space<vmem>>, vector<16xf32>,
        %mul3A_368 = arith.mulf %get3A_367, %gather3A : vector<16xf32>
        %add3A_369 = arith.constant 0 : i32
        %add3A_370 = arith.addi %mul3A_86, %add3A_369 : i32
        %swap3A_371 = arith.index_cast %add3A_370 : i32 to index
        %swap3A_372 = arith.constant 96 : index
        %swap3A_373 = tpu.vector_load %arg28[%swap3A_371, %swap3A_372] {strides = array<i32>} : memref<128x128xf32, #tpu.memory_space<vmem>>, vector<16xf32>,
        tpu.vector_store %arg28[%swap3A_371, %swap3A_372], %mul3A_368 {strides = array<i32>} : memref<128x128xf32, #tpu.memory_space<vmem>>, vector<16xf32>,
        %add3A_374 = arith.constant 1 : i32
        %add3A_375 = arith.addi %mul3A_86, %add3A_374 : i32
        %get3A_376 = arith.index_cast %add3A_375 : i32 to index
        %get3A_377 = arith.constant 96 : index
        %get3A_378 = tpu.vector_load %arg28[%get3A_376, %get3A_377] {strides = array<i32>} : memref<128x128xf32, #tpu.memory_space<vmem>>, vector<16xf32>,
        %mul3A_379 = arith.mulf %get3A_378, %gather3A_92 : vector<16xf32>
        %add3A_380 = arith.constant 1 : i32
        %add3A_381 = arith.addi %mul3A_86, %add3A_380 : i32
        %swap3A_382 = arith.index_cast %add3A_381 : i32 to index
        %swap3A_383 = arith.constant 96 : index
        %swap3A_384 = tpu.vector_load %arg28[%swap3A_382, %swap3A_383] {strides = array<i32>} : memref<128x128xf32, #tpu.memory_space<vmem>>, vector<16xf32>,
        tpu.vector_store %arg28[%swap3A_382, %swap3A_383], %mul3A_379 {strides = array<i32>} : memref<128x128xf32, #tpu.memory_space<vmem>>, vector<16xf32>,
        %add3A_385 = arith.constant 2 : i32
        %add3A_386 = arith.addi %mul3A_86, %add3A_385 : i32
        %get3A_387 = arith.index_cast %add3A_386 : i32 to index
        %get3A_388 = arith.constant 96 : index
        %get3A_389 = tpu.vector_load %arg28[%get3A_387, %get3A_388] {strides = array<i32>} : memref<128x128xf32, #tpu.memory_space<vmem>>, vector<16xf32>,
        %mul3A_390 = arith.mulf %get3A_389, %gather3A_96 : vector<16xf32>
        %add3A_391 = arith.constant 2 : i32
        %add3A_392 = arith.addi %mul3A_86, %add3A_391 : i32
        %swap3A_393 = arith.index_cast %add3A_392 : i32 to index
        %swap3A_394 = arith.constant 96 : index
        %swap3A_395 = tpu.vector_load %arg28[%swap3A_393, %swap3A_394] {strides = array<i32>} : memref<128x128xf32, #tpu.memory_space<vmem>>, vector<16xf32>,
        tpu.vector_store %arg28[%swap3A_393, %swap3A_394], %mul3A_390 {strides = array<i32>} : memref<128x128xf32, #tpu.memory_space<vmem>>, vector<16xf32>,
        %add3A_396 = arith.constant 3 : i32
        %add3A_397 = arith.addi %mul3A_86, %add3A_396 : i32
        %get3A_398 = arith.index_cast %add3A_397 : i32 to index
        %get3A_399 = arith.constant 96 : index
        %get3A_400 = tpu.vector_load %arg28[%get3A_398, %get3A_399] {strides = array<i32>} : memref<128x128xf32, #tpu.memory_space<vmem>>, vector<16xf32>,
        %mul3A_401 = arith.mulf %get3A_400, %gather3A_100 : vector<16xf32>
        %add3A_402 = arith.constant 3 : i32
        %add3A_403 = arith.addi %mul3A_86, %add3A_402 : i32
        %swap3A_404 = arith.index_cast %add3A_403 : i32 to index
        %swap3A_405 = arith.constant 96 : index
        %swap3A_406 = tpu.vector_load %arg28[%swap3A_404, %swap3A_405] {strides = array<i32>} : memref<128x128xf32, #tpu.memory_space<vmem>>, vector<16xf32>,
        tpu.vector_store %arg28[%swap3A_404, %swap3A_405], %mul3A_401 {strides = array<i32>} : memref<128x128xf32, #tpu.memory_space<vmem>>, vector<16xf32>,
        %add3A_407 = arith.constant 0 : i32
        %add3A_408 = arith.addi %mul3A_86, %add3A_407 : i32
        %get3A_409 = arith.index_cast %add3A_408 : i32 to index
        %get3A_410 = arith.constant 112 : index
        %get3A_411 = tpu.vector_load %arg28[%get3A_409, %get3A_410] {strides = array<i32>} : memref<128x128xf32, #tpu.memory_space<vmem>>, vector<16xf32>,
        %mul3A_412 = arith.mulf %get3A_411, %gather3A : vector<16xf32>
        %add3A_413 = arith.constant 0 : i32
        %add3A_414 = arith.addi %mul3A_86, %add3A_413 : i32
        %swap3A_415 = arith.index_cast %add3A_414 : i32 to index
        %swap3A_416 = arith.constant 112 : index
        %swap3A_417 = tpu.vector_load %arg28[%swap3A_415, %swap3A_416] {strides = array<i32>} : memref<128x128xf32, #tpu.memory_space<vmem>>, vector<16xf32>,
        tpu.vector_store %arg28[%swap3A_415, %swap3A_416], %mul3A_412 {strides = array<i32>} : memref<128x128xf32, #tpu.memory_space<vmem>>, vector<16xf32>,
        %add3A_418 = arith.constant 1 : i32
        %add3A_419 = arith.addi %mul3A_86, %add3A_418 : i32
        %get3A_420 = arith.index_cast %add3A_419 : i32 to index
        %get3A_421 = arith.constant 112 : index
        %get3A_422 = tpu.vector_load %arg28[%get3A_420, %get3A_421] {strides = array<i32>} : memref<128x128xf32, #tpu.memory_space<vmem>>, vector<16xf32>,
        %mul3A_423 = arith.mulf %get3A_422, %gather3A_92 : vector<16xf32>
        %add3A_424 = arith.constant 1 : i32
        %add3A_425 = arith.addi %mul3A_86, %add3A_424 : i32
        %swap3A_426 = arith.index_cast %add3A_425 : i32 to index
        %swap3A_427 = arith.constant 112 : index
        %swap3A_428 = tpu.vector_load %arg28[%swap3A_426, %swap3A_427] {strides = array<i32>} : memref<128x128xf32, #tpu.memory_space<vmem>>, vector<16xf32>,
        tpu.vector_store %arg28[%swap3A_426, %swap3A_427], %mul3A_423 {strides = array<i32>} : memref<128x128xf32, #tpu.memory_space<vmem>>, vector<16xf32>,
        %add3A_429 = arith.constant 2 : i32
        %add3A_430 = arith.addi %mul3A_86, %add3A_429 : i32
        %get3A_431 = arith.index_cast %add3A_430 : i32 to index
        %get3A_432 = arith.constant 112 : index
        %get3A_433 = tpu.vector_load %arg28[%get3A_431, %get3A_432] {strides = array<i32>} : memref<128x128xf32, #tpu.memory_space<vmem>>, vector<16xf32>,
        %mul3A_434 = arith.mulf %get3A_433, %gather3A_96 : vector<16xf32>
        %add3A_435 = arith.constant 2 : i32
        %add3A_436 = arith.addi %mul3A_86, %add3A_435 : i32
        %swap3A_437 = arith.index_cast %add3A_436 : i32 to index
        %swap3A_438 = arith.constant 112 : index
        %swap3A_439 = tpu.vector_load %arg28[%swap3A_437, %swap3A_438] {strides = array<i32>} : memref<128x128xf32, #tpu.memory_space<vmem>>, vector<16xf32>,
        tpu.vector_store %arg28[%swap3A_437, %swap3A_438], %mul3A_434 {strides = array<i32>} : memref<128x128xf32, #tpu.memory_space<vmem>>, vector<16xf32>,
        %add3A_440 = arith.constant 3 : i32
        %add3A_441 = arith.addi %mul3A_86, %add3A_440 : i32
        %get3A_442 = arith.index_cast %add3A_441 : i32 to index
        %get3A_443 = arith.constant 112 : index
        %get3A_444 = tpu.vector_load %arg28[%get3A_442, %get3A_443] {strides = array<i32>} : memref<128x128xf32, #tpu.memory_space<vmem>>, vector<16xf32>,
        %mul3A_445 = arith.mulf %get3A_444, %gather3A_100 : vector<16xf32>
        %add3A_446 = arith.constant 3 : i32
        %add3A_447 = arith.addi %mul3A_86, %add3A_446 : i32
        %swap3A_448 = arith.index_cast %add3A_447 : i32 to index
        %swap3A_449 = arith.constant 112 : index
        %swap3A_450 = tpu.vector_load %arg28[%swap3A_448, %swap3A_449] {strides = array<i32>} : memref<128x128xf32, #tpu.memory_space<vmem>>, vector<16xf32>,
        tpu.vector_store %arg28[%swap3A_448, %swap3A_449], %mul3A_445 {strides = array<i32>} : memref<128x128xf32, #tpu.memory_space<vmem>>, vector<16xf32>,
      }
      %scan3A_83 = arith.constant 32 : i32
      "tpu.region"() ({
        %run_scoped3A = tpu.sem_alloc : memref<!tpu.dma_semaphore, #tpu.memory_space<semaphore_mem>>
        %dma_start3A_84 = arith.constant 0 : i32
        %dma_start3A_85 = tpu.memref_slice %arg27[%scan3A_59, %dma_start3A_84] : memref<25x128xi32, #tpu.memory_space<vmem>> -> memref<1x128xi32, #tpu.memory_space<vmem>>
        %dma_start3A_86 = tpu.memref_squeeze %dma_start3A_85 : memref<1x128xi32, #tpu.memory_space<vmem>> -> memref<128xi32, #tpu.memory_space<vmem>>
        %dma_start3A_87 = arith.constant 0 : i32
        %dma_start3A_88 = arith.constant 0 : i32
        %dma_start3A_89 = tpu.memref_slice %arg30[%dma_start3A_87, %dma_start3A_88] : memref<4224x128xf32, #tpu.memory_space<vmem_shared>> -> memref<4224x128xf32, #tpu.memory_space<vmem_shared>>
        tpu.enqueue_indirect_dma source(%arg28 : memref<128x128xf32, #tpu.memory_space<vmem>>) target(%dma_start3A_89 : memref<4224x128xf32, #tpu.memory_space<vmem_shared>>) offsets(%dma_start3A_86 : memref<128xi32, #tpu.memory_space<vmem>>) semaphore(%run_scoped3A : memref<!tpu.dma_semaphore, #tpu.memory_space<semaphore_mem>>) {add = true}
        %dma_wait3A_90 = arith.constant 0 : i32
        %dma_wait3A_91 = tpu.memref_slice %arg27[%scan3A_59, %dma_wait3A_90] : memref<25x128xi32, #tpu.memory_space<vmem>> -> memref<1x128xi32, #tpu.memory_space<vmem>>
        %dma_wait3A_92 = tpu.memref_squeeze %dma_wait3A_91 : memref<1x128xi32, #tpu.memory_space<vmem>> -> memref<128xi32, #tpu.memory_space<vmem>>
        %dma_wait3A_93 = arith.constant 0 : i32
        %dma_wait3A_94 = arith.constant 0 : i32
        %dma_wait3A_95 = tpu.memref_slice %arg30[%dma_wait3A_93, %dma_wait3A_94] : memref<4224x128xf32, #tpu.memory_space<vmem_shared>> -> memref<4224x128xf32, #tpu.memory_space<vmem_shared>>
        tpu.wait_indirect_dma semaphore(%run_scoped3A : memref<!tpu.dma_semaphore, #tpu.memory_space<semaphore_mem>>) src(%arg28 : memref<128x128xf32, #tpu.memory_space<vmem>>) dst(%dma_wait3A_95 : memref<4224x128xf32, #tpu.memory_space<vmem_shared>>)
        tpu.yield
      }) : () -> ()
      "tpu.region"() ({
        %run_scoped3A = tpu.sem_alloc : memref<!tpu.dma_semaphore, #tpu.memory_space<semaphore_mem>>
        %dma_start3A_84 = arith.constant 0 : i32
        %dma_start3A_85 = tpu.memref_slice %arg27[%scan3A_59, %dma_start3A_84] : memref<25x128xi32, #tpu.memory_space<vmem>> -> memref<1x128xi32, #tpu.memory_space<vmem>>
        %dma_start3A_86 = tpu.memref_squeeze %dma_start3A_85 : memref<1x128xi32, #tpu.memory_space<vmem>> -> memref<128xi32, #tpu.memory_space<vmem>>
        %dma_start3A_87 = arith.constant 0 : i32
        %dma_start3A_88 = tpu.memref_slice %arg31[%dma_start3A_87] : memref<4224xf32, #tpu.memory_space<vmem_shared>> -> memref<4224xf32, #tpu.memory_space<vmem_shared>>
        tpu.enqueue_indirect_dma source(%arg29 : memref<128xf32, #tpu.memory_space<vmem>>) target(%dma_start3A_88 : memref<4224xf32, #tpu.memory_space<vmem_shared>>) offsets(%dma_start3A_86 : memref<128xi32, #tpu.memory_space<vmem>>) semaphore(%run_scoped3A : memref<!tpu.dma_semaphore, #tpu.memory_space<semaphore_mem>>) {add = true}
        %dma_wait3A_89 = arith.constant 0 : i32
        %dma_wait3A_90 = tpu.memref_slice %arg27[%scan3A_59, %dma_wait3A_89] : memref<25x128xi32, #tpu.memory_space<vmem>> -> memref<1x128xi32, #tpu.memory_space<vmem>>
        %dma_wait3A_91 = tpu.memref_squeeze %dma_wait3A_90 : memref<1x128xi32, #tpu.memory_space<vmem>> -> memref<128xi32, #tpu.memory_space<vmem>>
        %dma_wait3A_92 = arith.constant 0 : i32
        %dma_wait3A_93 = tpu.memref_slice %arg31[%dma_wait3A_92] : memref<4224xf32, #tpu.memory_space<vmem_shared>> -> memref<4224xf32, #tpu.memory_space<vmem_shared>>
        tpu.wait_indirect_dma semaphore(%run_scoped3A : memref<!tpu.dma_semaphore, #tpu.memory_space<semaphore_mem>>) src(%arg29 : memref<128xf32, #tpu.memory_space<vmem>>) dst(%dma_wait3A_93 : memref<4224xf32, #tpu.memory_space<vmem_shared>>)
        tpu.yield
      }) : () -> ()
    }
    %scan3A_17 = arith.constant 25 : i32
    %mul3A_18 = arith.constant 1 : i32
    %mul3A_19 = arith.muli %add3A, %mul3A_18 : i32
    "tpu.region"() ({
      %run_scoped3A = tpu.sem_alloc : memref<!tpu.dma_semaphore, #tpu.memory_space<semaphore_mem>>
      %dma_start3A_59 = arith.constant 0 : i32
      %dma_start3A_60 = tpu.memref_slice %arg24[%dma_start3A_59] : memref<50000xf32, #tpu.memory_space<vmem>> -> memref<2048xf32, #tpu.memory_space<vmem>>
      %dma_start3A_61 = arith.constant 0 : i32
      %dma_start3A_62 = tpu.memref_slice %arg24[%dma_start3A_61] : memref<50000xf32, #tpu.memory_space<vmem>> -> memref<2048xf32, #tpu.memory_space<vmem>>
      tpu.enqueue_dma source(%arg16 : memref<2048xf32, #tpu.memory_space<hbm>>) target(%dma_start3A_62 : memref<2048xf32, #tpu.memory_space<vmem>>) target_semaphore(%run_scoped3A : memref<!tpu.dma_semaphore, #tpu.memory_space<semaphore_mem>>)
      %dma_wait3A_63 = arith.constant 0 : i32
      %dma_wait3A_64 = tpu.memref_slice %arg24[%dma_wait3A_63] : memref<50000xf32, #tpu.memory_space<vmem>> -> memref<2048xf32, #tpu.memory_space<vmem>>
      %dma_wait3A_65 = arith.constant 0 : i32
      %dma_wait3A_66 = tpu.memref_slice %arg24[%dma_wait3A_65] : memref<50000xf32, #tpu.memory_space<vmem>> -> memref<2048xf32, #tpu.memory_space<vmem>>
      tpu.wait_dma2 semaphore(%run_scoped3A : memref<!tpu.dma_semaphore, #tpu.memory_space<semaphore_mem>>) src(%arg16 : memref<2048xf32, #tpu.memory_space<hbm>>) dst(%dma_wait3A_66 : memref<2048xf32, #tpu.memory_space<vmem>>)
      tpu.yield
    }) : () -> ()
    "tpu.region"() ({
      %run_scoped3A = tpu.sem_alloc : memref<!tpu.dma_semaphore, #tpu.memory_space<semaphore_mem>>
      %dma_start3A_59 = arith.constant 0 : i32
      %dma_start3A_60 = tpu.memref_slice %arg25[%dma_start3A_59] : memref<2048xf32, #tpu.memory_space<vmem>> -> memref<64xf32, #tpu.memory_space<vmem>>
      %dma_start3A_61 = arith.constant 0 : i32
      %dma_start3A_62 = tpu.memref_slice %arg25[%dma_start3A_61] : memref<2048xf32, #tpu.memory_space<vmem>> -> memref<64xf32, #tpu.memory_space<vmem>>
      tpu.enqueue_dma source(%arg17 : memref<64xf32, #tpu.memory_space<hbm>>) target(%dma_start3A_62 : memref<64xf32, #tpu.memory_space<vmem>>) target_semaphore(%run_scoped3A : memref<!tpu.dma_semaphore, #tpu.memory_space<semaphore_mem>>)
      %dma_wait3A_63 = arith.constant 0 : i32
      %dma_wait3A_64 = tpu.memref_slice %arg25[%dma_wait3A_63] : memref<2048xf32, #tpu.memory_space<vmem>> -> memref<64xf32, #tpu.memory_space<vmem>>
      %dma_wait3A_65 = arith.constant 0 : i32
      %dma_wait3A_66 = tpu.memref_slice %arg25[%dma_wait3A_65] : memref<2048xf32, #tpu.memory_space<vmem>> -> memref<64xf32, #tpu.memory_space<vmem>>
      tpu.wait_dma2 semaphore(%run_scoped3A : memref<!tpu.dma_semaphore, #tpu.memory_space<semaphore_mem>>) src(%arg17 : memref<64xf32, #tpu.memory_space<hbm>>) dst(%dma_wait3A_66 : memref<64xf32, #tpu.memory_space<vmem>>)
      tpu.yield
    }) : () -> ()
    "tpu.region"() ({
      %run_scoped3A = tpu.sem_alloc : memref<!tpu.dma_semaphore, #tpu.memory_space<semaphore_mem>>
      %dma_start3A_59 = arith.constant 0 : i32
      %dma_start3A_60 = arith.constant 0 : i32
      %dma_start3A_61 = tpu.memref_slice %arg26[%dma_start3A_59, %dma_start3A_60] : memref<25x128xi32, #tpu.memory_space<vmem>> -> memref<1x128xi32, #tpu.memory_space<vmem>>
      %dma_start3A_62 = arith.constant 0 : i32
      %dma_start3A_63 = arith.constant 0 : i32
      %dma_start3A_64 = tpu.memref_slice %arg6[%add3A, %dma_start3A_62, %dma_start3A_63] : memref<32x1x128xi32, #tpu.memory_space<hbm>> -> memref<1x1x128xi32, #tpu.memory_space<hbm>>
      %dma_start3A_65 = tpu.memref_squeeze %dma_start3A_64 : memref<1x1x128xi32, #tpu.memory_space<hbm>> -> memref<1x128xi32, #tpu.memory_space<hbm>>
      %dma_start3A_66 = arith.constant 0 : i32
      %dma_start3A_67 = arith.constant 0 : i32
      %dma_start3A_68 = tpu.memref_slice %arg26[%dma_start3A_66, %dma_start3A_67] : memref<25x128xi32, #tpu.memory_space<vmem>> -> memref<1x128xi32, #tpu.memory_space<vmem>>
      %dma_start3A_69 = arith.constant 0 : i32
      %dma_start3A_70 = arith.constant 0 : i32
      %dma_start3A_71 = tpu.memref_slice %arg6[%add3A, %dma_start3A_69, %dma_start3A_70] : memref<32x1x128xi32, #tpu.memory_space<hbm>> -> memref<1x1x128xi32, #tpu.memory_space<hbm>>
      %dma_start3A_72 = tpu.memref_squeeze %dma_start3A_71 : memref<1x1x128xi32, #tpu.memory_space<hbm>> -> memref<1x128xi32, #tpu.memory_space<hbm>>
      tpu.enqueue_dma source(%dma_start3A_72 : memref<1x128xi32, #tpu.memory_space<hbm>>) target(%dma_start3A_68 : memref<1x128xi32, #tpu.memory_space<vmem>>) target_semaphore(%run_scoped3A : memref<!tpu.dma_semaphore, #tpu.memory_space<semaphore_mem>>)
      %dma_wait3A_73 = arith.constant 0 : i32
      %dma_wait3A_74 = arith.constant 0 : i32
      %dma_wait3A_75 = tpu.memref_slice %arg26[%dma_wait3A_73, %dma_wait3A_74] : memref<25x128xi32, #tpu.memory_space<vmem>> -> memref<1x128xi32, #tpu.memory_space<vmem>>
      %dma_wait3A_76 = arith.constant 0 : i32
      %dma_wait3A_77 = arith.constant 0 : i32
      %dma_wait3A_78 = tpu.memref_slice %arg6[%add3A, %dma_wait3A_76, %dma_wait3A_77] : memref<32x1x128xi32, #tpu.memory_space<hbm>> -> memref<1x1x128xi32, #tpu.memory_space<hbm>>
      %dma_wait3A_79 = tpu.memref_squeeze %dma_wait3A_78 : memref<1x1x128xi32, #tpu.memory_space<hbm>> -> memref<1x128xi32, #tpu.memory_space<hbm>>
      %dma_wait3A_80 = arith.constant 0 : i32
      %dma_wait3A_81 = arith.constant 0 : i32
      %dma_wait3A_82 = tpu.memref_slice %arg26[%dma_wait3A_80, %dma_wait3A_81] : memref<25x128xi32, #tpu.memory_space<vmem>> -> memref<1x128xi32, #tpu.memory_space<vmem>>
      %dma_wait3A_83 = arith.constant 0 : i32
      %dma_wait3A_84 = arith.constant 0 : i32
      %dma_wait3A_85 = tpu.memref_slice %arg6[%add3A, %dma_wait3A_83, %dma_wait3A_84] : memref<32x1x128xi32, #tpu.memory_space<hbm>> -> memref<1x1x128xi32, #tpu.memory_space<hbm>>
      %dma_wait3A_86 = tpu.memref_squeeze %dma_wait3A_85 : memref<1x1x128xi32, #tpu.memory_space<hbm>> -> memref<1x128xi32, #tpu.memory_space<hbm>>
      tpu.wait_dma2 semaphore(%run_scoped3A : memref<!tpu.dma_semaphore, #tpu.memory_space<semaphore_mem>>) src(%dma_wait3A_86 : memref<1x128xi32, #tpu.memory_space<hbm>>) dst(%dma_wait3A_82 : memref<1x128xi32, #tpu.memory_space<vmem>>)
      tpu.yield
    }) : () -> ()
    "tpu.region"() ({
      %run_scoped3A = tpu.sem_alloc : memref<!tpu.dma_semaphore, #tpu.memory_space<semaphore_mem>>
      %dma_start3A_59 = arith.constant 0 : i32
      %dma_start3A_60 = arith.constant 0 : i32
      %dma_start3A_61 = tpu.memref_slice %arg27[%dma_start3A_59, %dma_start3A_60] : memref<25x128xi32, #tpu.memory_space<vmem>> -> memref<1x128xi32, #tpu.memory_space<vmem>>
      %dma_start3A_62 = arith.constant 0 : i32
      %dma_start3A_63 = arith.constant 0 : i32
      %dma_start3A_64 = tpu.memref_slice %arg7[%add3A, %dma_start3A_62, %dma_start3A_63] : memref<32x1x128xi32, #tpu.memory_space<hbm>> -> memref<1x1x128xi32, #tpu.memory_space<hbm>>
      %dma_start3A_65 = tpu.memref_squeeze %dma_start3A_64 : memref<1x1x128xi32, #tpu.memory_space<hbm>> -> memref<1x128xi32, #tpu.memory_space<hbm>>
      %dma_start3A_66 = arith.constant 0 : i32
      %dma_start3A_67 = arith.constant 0 : i32
      %dma_start3A_68 = tpu.memref_slice %arg27[%dma_start3A_66, %dma_start3A_67] : memref<25x128xi32, #tpu.memory_space<vmem>> -> memref<1x128xi32, #tpu.memory_space<vmem>>
      %dma_start3A_69 = arith.constant 0 : i32
      %dma_start3A_70 = arith.constant 0 : i32
      %dma_start3A_71 = tpu.memref_slice %arg7[%add3A, %dma_start3A_69, %dma_start3A_70] : memref<32x1x128xi32, #tpu.memory_space<hbm>> -> memref<1x1x128xi32, #tpu.memory_space<hbm>>
      %dma_start3A_72 = tpu.memref_squeeze %dma_start3A_71 : memref<1x1x128xi32, #tpu.memory_space<hbm>> -> memref<1x128xi32, #tpu.memory_space<hbm>>
      tpu.enqueue_dma source(%dma_start3A_72 : memref<1x128xi32, #tpu.memory_space<hbm>>) target(%dma_start3A_68 : memref<1x128xi32, #tpu.memory_space<vmem>>) target_semaphore(%run_scoped3A : memref<!tpu.dma_semaphore, #tpu.memory_space<semaphore_mem>>)
      %dma_wait3A_73 = arith.constant 0 : i32
      %dma_wait3A_74 = arith.constant 0 : i32
      %dma_wait3A_75 = tpu.memref_slice %arg27[%dma_wait3A_73, %dma_wait3A_74] : memref<25x128xi32, #tpu.memory_space<vmem>> -> memref<1x128xi32, #tpu.memory_space<vmem>>
      %dma_wait3A_76 = arith.constant 0 : i32
      %dma_wait3A_77 = arith.constant 0 : i32
      %dma_wait3A_78 = tpu.memref_slice %arg7[%add3A, %dma_wait3A_76, %dma_wait3A_77] : memref<32x1x128xi32, #tpu.memory_space<hbm>> -> memref<1x1x128xi32, #tpu.memory_space<hbm>>
      %dma_wait3A_79 = tpu.memref_squeeze %dma_wait3A_78 : memref<1x1x128xi32, #tpu.memory_space<hbm>> -> memref<1x128xi32, #tpu.memory_space<hbm>>
      %dma_wait3A_80 = arith.constant 0 : i32
      %dma_wait3A_81 = arith.constant 0 : i32
      %dma_wait3A_82 = tpu.memref_slice %arg27[%dma_wait3A_80, %dma_wait3A_81] : memref<25x128xi32, #tpu.memory_space<vmem>> -> memref<1x128xi32, #tpu.memory_space<vmem>>
      %dma_wait3A_83 = arith.constant 0 : i32
      %dma_wait3A_84 = arith.constant 0 : i32
      %dma_wait3A_85 = tpu.memref_slice %arg7[%add3A, %dma_wait3A_83, %dma_wait3A_84] : memref<32x1x128xi32, #tpu.memory_space<hbm>> -> memref<1x1x128xi32, #tpu.memory_space<hbm>>
      %dma_wait3A_86 = tpu.memref_squeeze %dma_wait3A_85 : memref<1x1x128xi32, #tpu.memory_space<hbm>> -> memref<1x128xi32, #tpu.memory_space<hbm>>
      tpu.wait_dma2 semaphore(%run_scoped3A : memref<!tpu.dma_semaphore, #tpu.memory_space<semaphore_mem>>) src(%dma_wait3A_86 : memref<1x128xi32, #tpu.memory_space<hbm>>) dst(%dma_wait3A_82 : memref<1x128xi32, #tpu.memory_space<vmem>>)
      tpu.yield
    }) : () -> ()
    %scan3A_20 = arith.constant 0 : i32
    %scan3A_21 = arith.constant 0 : i32
    %dma_start3A = arith.constant 0 : i32
    %dma_start3A_22 = tpu.memref_slice %arg26[%scan3A_21, %dma_start3A] : memref<25x128xi32, #tpu.memory_space<vmem>> -> memref<1x128xi32, #tpu.memory_space<vmem>>
    %dma_start3A_23 = tpu.memref_squeeze %dma_start3A_22 : memref<1x128xi32, #tpu.memory_space<vmem>> -> memref<128xi32, #tpu.memory_space<vmem>>
    %dma_start3A_24 = arith.constant 0 : i32
    %dma_start3A_25 = arith.constant 0 : i32
    %dma_start3A_26 = tpu.memref_slice %arg10[%dma_start3A_24, %dma_start3A_25] : memref<2048x128xf32, #tpu.memory_space<hbm>> -> memref<2048x128xf32, #tpu.memory_space<hbm>>
    tpu.enqueue_indirect_dma source(%dma_start3A_26 : memref<2048x128xf32, #tpu.memory_space<hbm>>) target(%arg28 : memref<128x128xf32, #tpu.memory_space<vmem>>) offsets(%dma_start3A_23 : memref<128xi32, #tpu.memory_space<vmem>>) semaphore(%arg32 : memref<!tpu.dma_semaphore, #tpu.memory_space<semaphore_mem>>)
    %scan3A_27 = arith.constant 0 : i32
    %scan3A_28 = arith.constant 0 : i32
    %scan3A_29 = arith.constant 8 : i32
    %scan3A_30 = arith.addi %scan3A_28, %scan3A_29 : i32
    %scan3A_31 = arith.constant 1 : i32
    scf.for %scan3A_59 = %scan3A_28 to %scan3A_30 step %scan3A_31  : i32 {
      %mul3A_60 = arith.constant 16 : i32
      %mul3A_61 = arith.muli %scan3A_59, %mul3A_60 : i32
      %get3A = arith.index_cast %scan3A_21 : i32 to index
      %get3A_62 = arith.index_cast %mul3A_61 : i32 to index
      %get3A_63 = tpu.vector_load %arg26[%get3A, %get3A_62] {strides = array<i32>} : memref<25x128xi32, #tpu.memory_space<vmem>>, vector<16xi32>,
      %get3A_64 = arith.index_cast %scan3A_21 : i32 to index
      %get3A_65 = arith.index_cast %mul3A_61 : i32 to index
      %get3A_66 = tpu.vector_load %arg27[%get3A_64, %get3A_65] {strides = array<i32>} : memref<25x128xi32, #tpu.memory_space<vmem>>, vector<16xi32>,
      %gather3A = tpu.vector_load_idx %arg24[%get3A_63] : memref<50000xf32, #tpu.memory_space<vmem>>[vector<16xi32>], vector<16xf32>,
      %sub3A = arith.constant 4096 : i32
      %sub3A_67 = vector.broadcast %sub3A : i32 to vector<16xi32>
      %sub3A_68 = arith.subi %get3A_66, %sub3A_67 : vector<16xi32>
      %gather3A_69 = tpu.vector_load_idx %arg25[%sub3A_68] : memref<2048xf32, #tpu.memory_space<vmem>>[vector<16xi32>], vector<16xf32>,
      %add3A_70 = arith.addf %gather3A, %gather3A_69 : vector<16xf32>
      %mul3A_71 = arith.constant 0.00999999977 : f32
      %mul3A_72 = vector.broadcast %mul3A_71 : f32 to vector<16xf32>
      %mul3A_73 = arith.mulf %add3A_70, %mul3A_72 : vector<16xf32>
      %max3A = arith.maximumf %add3A_70, %mul3A_73 : vector<16xf32>
      %exp3A = math.exp %max3A : vector<16xf32>
      %add3A_74 = arith.addi %mul3A_19, %scan3A_21 : i32
      %mul3A_75 = arith.constant 128 : i32
      %mul3A_76 = arith.muli %add3A_74, %mul3A_75 : i32
      %mul3A_77 = arith.constant 16 : i32
      %mul3A_78 = arith.muli %scan3A_59, %mul3A_77 : i32
      %add3A_79 = arith.addi %mul3A_76, %mul3A_78 : i32
      %iota3A = tpu.iota {dimensions = array<i32: 0>} : vector<16xi32>
      %add3A_80 = vector.broadcast %add3A_79 : i32 to vector<16xi32>
      %add3A_81 = arith.addi %add3A_80, %iota3A : vector<16xi32>
      %lt3A = arith.constant 2048 : i32
      %lt3A_82 = vector.broadcast %lt3A : i32 to vector<16xi32>
      %lt3A_83 = arith.cmpi slt, %add3A_81, %lt3A_82 : vector<16xi32>
      %jit3A = arith.constant 0.000000e+00 : f32
      %broadcast_in_dim3A = vector.broadcast %jit3A : f32 to vector<16xf32>
      %select_n3A = arith.select %lt3A_83, %exp3A, %broadcast_in_dim3A : vector<16xi1>, vector<16xf32>
      %swap3A = arith.index_cast %mul3A_61 : i32 to index
      %swap3A_84 = tpu.vector_load %arg29[%swap3A] {strides = array<i32>} : memref<128xf32, #tpu.memory_space<vmem>>, vector<16xf32>,
      tpu.vector_store %arg29[%swap3A], %select_n3A {strides = array<i32>} : memref<128xf32, #tpu.memory_space<vmem>>, vector<16xf32>,
    }
    %scan3A_32 = arith.constant 8 : i32
    %dma_wait3A = arith.constant 0 : i32
    %dma_wait3A_33 = tpu.memref_slice %arg26[%scan3A_21, %dma_wait3A] : memref<25x128xi32, #tpu.memory_space<vmem>> -> memref<1x128xi32, #tpu.memory_space<vmem>>
    %dma_wait3A_34 = tpu.memref_squeeze %dma_wait3A_33 : memref<1x128xi32, #tpu.memory_space<vmem>> -> memref<128xi32, #tpu.memory_space<vmem>>
    %dma_wait3A_35 = arith.constant 0 : i32
    %dma_wait3A_36 = arith.constant 0 : i32
    %dma_wait3A_37 = tpu.memref_slice %arg10[%dma_wait3A_35, %dma_wait3A_36] : memref<2048x128xf32, #tpu.memory_space<hbm>> -> memref<2048x128xf32, #tpu.memory_space<hbm>>
    tpu.wait_indirect_dma semaphore(%arg32 : memref<!tpu.dma_semaphore, #tpu.memory_space<semaphore_mem>>) src(%dma_wait3A_37 : memref<2048x128xf32, #tpu.memory_space<hbm>>) dst(%arg28 : memref<128x128xf32, #tpu.memory_space<vmem>>)
    %scan3A_38 = arith.constant 0 : i32
    %scan3A_39 = arith.constant 0 : i32
    %scan3A_40 = arith.constant 32 : i32
    %scan3A_41 = arith.addi %scan3A_39, %scan3A_40 : i32
    %scan3A_42 = arith.constant 1 : i32
    scf.for %scan3A_59 = %scan3A_39 to %scan3A_41 step %scan3A_42  : i32 {
      %mul3A_60 = arith.constant 4 : i32
      %mul3A_61 = arith.muli %scan3A_59, %mul3A_60 : i32
      %add3A_62 = arith.constant 0 : i32
      %add3A_63 = arith.addi %mul3A_61, %add3A_62 : i32
      %broadcast_in_dim3A = vector.broadcast %add3A_63 : i32 to vector<16xi32>
      %gather3A = tpu.vector_load_idx %arg29[%broadcast_in_dim3A] : memref<128xf32, #tpu.memory_space<vmem>>[vector<16xi32>], vector<16xf32>,
      %add3A_64 = arith.constant 1 : i32
      %add3A_65 = arith.addi %mul3A_61, %add3A_64 : i32
      %broadcast_in_dim3A_66 = vector.broadcast %add3A_65 : i32 to vector<16xi32>
      %gather3A_67 = tpu.vector_load_idx %arg29[%broadcast_in_dim3A_66] : memref<128xf32, #tpu.memory_space<vmem>>[vector<16xi32>], vector<16xf32>,
      %add3A_68 = arith.constant 2 : i32
      %add3A_69 = arith.addi %mul3A_61, %add3A_68 : i32
      %broadcast_in_dim3A_70 = vector.broadcast %add3A_69 : i32 to vector<16xi32>
      %gather3A_71 = tpu.vector_load_idx %arg29[%broadcast_in_dim3A_70] : memref<128xf32, #tpu.memory_space<vmem>>[vector<16xi32>], vector<16xf32>,
      %add3A_72 = arith.constant 3 : i32
      %add3A_73 = arith.addi %mul3A_61, %add3A_72 : i32
      %broadcast_in_dim3A_74 = vector.broadcast %add3A_73 : i32 to vector<16xi32>
      %gather3A_75 = tpu.vector_load_idx %arg29[%broadcast_in_dim3A_74] : memref<128xf32, #tpu.memory_space<vmem>>[vector<16xi32>], vector<16xf32>,
      %add3A_76 = arith.constant 0 : i32
      %add3A_77 = arith.addi %mul3A_61, %add3A_76 : i32
      %get3A = arith.index_cast %add3A_77 : i32 to index
      %get3A_78 = arith.constant 0 : index
      %get3A_79 = tpu.vector_load %arg28[%get3A, %get3A_78] {strides = array<i32>} : memref<128x128xf32, #tpu.memory_space<vmem>>, vector<16xf32>,
      %mul3A_80 = arith.mulf %get3A_79, %gather3A : vector<16xf32>
      %add3A_81 = arith.constant 0 : i32
      %add3A_82 = arith.addi %mul3A_61, %add3A_81 : i32
      %swap3A = arith.index_cast %add3A_82 : i32 to index
      %swap3A_83 = arith.constant 0 : index
      %swap3A_84 = tpu.vector_load %arg28[%swap3A, %swap3A_83] {strides = array<i32>} : memref<128x128xf32, #tpu.memory_space<vmem>>, vector<16xf32>,
      tpu.vector_store %arg28[%swap3A, %swap3A_83], %mul3A_80 {strides = array<i32>} : memref<128x128xf32, #tpu.memory_space<vmem>>, vector<16xf32>,
      %add3A_85 = arith.constant 1 : i32
      %add3A_86 = arith.addi %mul3A_61, %add3A_85 : i32
      %get3A_87 = arith.index_cast %add3A_86 : i32 to index
      %get3A_88 = arith.constant 0 : index
      %get3A_89 = tpu.vector_load %arg28[%get3A_87, %get3A_88] {strides = array<i32>} : memref<128x128xf32, #tpu.memory_space<vmem>>, vector<16xf32>,
      %mul3A_90 = arith.mulf %get3A_89, %gather3A_67 : vector<16xf32>
      %add3A_91 = arith.constant 1 : i32
      %add3A_92 = arith.addi %mul3A_61, %add3A_91 : i32
      %swap3A_93 = arith.index_cast %add3A_92 : i32 to index
      %swap3A_94 = arith.constant 0 : index
      %swap3A_95 = tpu.vector_load %arg28[%swap3A_93, %swap3A_94] {strides = array<i32>} : memref<128x128xf32, #tpu.memory_space<vmem>>, vector<16xf32>,
      tpu.vector_store %arg28[%swap3A_93, %swap3A_94], %mul3A_90 {strides = array<i32>} : memref<128x128xf32, #tpu.memory_space<vmem>>, vector<16xf32>,
      %add3A_96 = arith.constant 2 : i32
      %add3A_97 = arith.addi %mul3A_61, %add3A_96 : i32
      %get3A_98 = arith.index_cast %add3A_97 : i32 to index
      %get3A_99 = arith.constant 0 : index
      %get3A_100 = tpu.vector_load %arg28[%get3A_98, %get3A_99] {strides = array<i32>} : memref<128x128xf32, #tpu.memory_space<vmem>>, vector<16xf32>,
      %mul3A_101 = arith.mulf %get3A_100, %gather3A_71 : vector<16xf32>
      %add3A_102 = arith.constant 2 : i32
      %add3A_103 = arith.addi %mul3A_61, %add3A_102 : i32
      %swap3A_104 = arith.index_cast %add3A_103 : i32 to index
      %swap3A_105 = arith.constant 0 : index
      %swap3A_106 = tpu.vector_load %arg28[%swap3A_104, %swap3A_105] {strides = array<i32>} : memref<128x128xf32, #tpu.memory_space<vmem>>, vector<16xf32>,
      tpu.vector_store %arg28[%swap3A_104, %swap3A_105], %mul3A_101 {strides = array<i32>} : memref<128x128xf32, #tpu.memory_space<vmem>>, vector<16xf32>,
      %add3A_107 = arith.constant 3 : i32
      %add3A_108 = arith.addi %mul3A_61, %add3A_107 : i32
      %get3A_109 = arith.index_cast %add3A_108 : i32 to index
      %get3A_110 = arith.constant 0 : index
      %get3A_111 = tpu.vector_load %arg28[%get3A_109, %get3A_110] {strides = array<i32>} : memref<128x128xf32, #tpu.memory_space<vmem>>, vector<16xf32>,
      %mul3A_112 = arith.mulf %get3A_111, %gather3A_75 : vector<16xf32>
      %add3A_113 = arith.constant 3 : i32
      %add3A_114 = arith.addi %mul3A_61, %add3A_113 : i32
      %swap3A_115 = arith.index_cast %add3A_114 : i32 to index
      %swap3A_116 = arith.constant 0 : index
      %swap3A_117 = tpu.vector_load %arg28[%swap3A_115, %swap3A_116] {strides = array<i32>} : memref<128x128xf32, #tpu.memory_space<vmem>>, vector<16xf32>,
      tpu.vector_store %arg28[%swap3A_115, %swap3A_116], %mul3A_112 {strides = array<i32>} : memref<128x128xf32, #tpu.memory_space<vmem>>, vector<16xf32>,
      %add3A_118 = arith.constant 0 : i32
      %add3A_119 = arith.addi %mul3A_61, %add3A_118 : i32
      %get3A_120 = arith.index_cast %add3A_119 : i32 to index
      %get3A_121 = arith.constant 16 : index
      %get3A_122 = tpu.vector_load %arg28[%get3A_120, %get3A_121] {strides = array<i32>} : memref<128x128xf32, #tpu.memory_space<vmem>>, vector<16xf32>,
      %mul3A_123 = arith.mulf %get3A_122, %gather3A : vector<16xf32>
      %add3A_124 = arith.constant 0 : i32
      %add3A_125 = arith.addi %mul3A_61, %add3A_124 : i32
      %swap3A_126 = arith.index_cast %add3A_125 : i32 to index
      %swap3A_127 = arith.constant 16 : index
      %swap3A_128 = tpu.vector_load %arg28[%swap3A_126, %swap3A_127] {strides = array<i32>} : memref<128x128xf32, #tpu.memory_space<vmem>>, vector<16xf32>,
      tpu.vector_store %arg28[%swap3A_126, %swap3A_127], %mul3A_123 {strides = array<i32>} : memref<128x128xf32, #tpu.memory_space<vmem>>, vector<16xf32>,
      %add3A_129 = arith.constant 1 : i32
      %add3A_130 = arith.addi %mul3A_61, %add3A_129 : i32
      %get3A_131 = arith.index_cast %add3A_130 : i32 to index
      %get3A_132 = arith.constant 16 : index
      %get3A_133 = tpu.vector_load %arg28[%get3A_131, %get3A_132] {strides = array<i32>} : memref<128x128xf32, #tpu.memory_space<vmem>>, vector<16xf32>,
      %mul3A_134 = arith.mulf %get3A_133, %gather3A_67 : vector<16xf32>
      %add3A_135 = arith.constant 1 : i32
      %add3A_136 = arith.addi %mul3A_61, %add3A_135 : i32
      %swap3A_137 = arith.index_cast %add3A_136 : i32 to index
      %swap3A_138 = arith.constant 16 : index
      %swap3A_139 = tpu.vector_load %arg28[%swap3A_137, %swap3A_138] {strides = array<i32>} : memref<128x128xf32, #tpu.memory_space<vmem>>, vector<16xf32>,
      tpu.vector_store %arg28[%swap3A_137, %swap3A_138], %mul3A_134 {strides = array<i32>} : memref<128x128xf32, #tpu.memory_space<vmem>>, vector<16xf32>,
      %add3A_140 = arith.constant 2 : i32
      %add3A_141 = arith.addi %mul3A_61, %add3A_140 : i32
      %get3A_142 = arith.index_cast %add3A_141 : i32 to index
      %get3A_143 = arith.constant 16 : index
      %get3A_144 = tpu.vector_load %arg28[%get3A_142, %get3A_143] {strides = array<i32>} : memref<128x128xf32, #tpu.memory_space<vmem>>, vector<16xf32>,
      %mul3A_145 = arith.mulf %get3A_144, %gather3A_71 : vector<16xf32>
      %add3A_146 = arith.constant 2 : i32
      %add3A_147 = arith.addi %mul3A_61, %add3A_146 : i32
      %swap3A_148 = arith.index_cast %add3A_147 : i32 to index
      %swap3A_149 = arith.constant 16 : index
      %swap3A_150 = tpu.vector_load %arg28[%swap3A_148, %swap3A_149] {strides = array<i32>} : memref<128x128xf32, #tpu.memory_space<vmem>>, vector<16xf32>,
      tpu.vector_store %arg28[%swap3A_148, %swap3A_149], %mul3A_145 {strides = array<i32>} : memref<128x128xf32, #tpu.memory_space<vmem>>, vector<16xf32>,
      %add3A_151 = arith.constant 3 : i32
      %add3A_152 = arith.addi %mul3A_61, %add3A_151 : i32
      %get3A_153 = arith.index_cast %add3A_152 : i32 to index
      %get3A_154 = arith.constant 16 : index
      %get3A_155 = tpu.vector_load %arg28[%get3A_153, %get3A_154] {strides = array<i32>} : memref<128x128xf32, #tpu.memory_space<vmem>>, vector<16xf32>,
      %mul3A_156 = arith.mulf %get3A_155, %gather3A_75 : vector<16xf32>
      %add3A_157 = arith.constant 3 : i32
      %add3A_158 = arith.addi %mul3A_61, %add3A_157 : i32
      %swap3A_159 = arith.index_cast %add3A_158 : i32 to index
      %swap3A_160 = arith.constant 16 : index
      %swap3A_161 = tpu.vector_load %arg28[%swap3A_159, %swap3A_160] {strides = array<i32>} : memref<128x128xf32, #tpu.memory_space<vmem>>, vector<16xf32>,
      tpu.vector_store %arg28[%swap3A_159, %swap3A_160], %mul3A_156 {strides = array<i32>} : memref<128x128xf32, #tpu.memory_space<vmem>>, vector<16xf32>,
      %add3A_162 = arith.constant 0 : i32
      %add3A_163 = arith.addi %mul3A_61, %add3A_162 : i32
      %get3A_164 = arith.index_cast %add3A_163 : i32 to index
      %get3A_165 = arith.constant 32 : index
      %get3A_166 = tpu.vector_load %arg28[%get3A_164, %get3A_165] {strides = array<i32>} : memref<128x128xf32, #tpu.memory_space<vmem>>, vector<16xf32>,
      %mul3A_167 = arith.mulf %get3A_166, %gather3A : vector<16xf32>
      %add3A_168 = arith.constant 0 : i32
      %add3A_169 = arith.addi %mul3A_61, %add3A_168 : i32
      %swap3A_170 = arith.index_cast %add3A_169 : i32 to index
      %swap3A_171 = arith.constant 32 : index
      %swap3A_172 = tpu.vector_load %arg28[%swap3A_170, %swap3A_171] {strides = array<i32>} : memref<128x128xf32, #tpu.memory_space<vmem>>, vector<16xf32>,
      tpu.vector_store %arg28[%swap3A_170, %swap3A_171], %mul3A_167 {strides = array<i32>} : memref<128x128xf32, #tpu.memory_space<vmem>>, vector<16xf32>,
      %add3A_173 = arith.constant 1 : i32
      %add3A_174 = arith.addi %mul3A_61, %add3A_173 : i32
      %get3A_175 = arith.index_cast %add3A_174 : i32 to index
      %get3A_176 = arith.constant 32 : index
      %get3A_177 = tpu.vector_load %arg28[%get3A_175, %get3A_176] {strides = array<i32>} : memref<128x128xf32, #tpu.memory_space<vmem>>, vector<16xf32>,
      %mul3A_178 = arith.mulf %get3A_177, %gather3A_67 : vector<16xf32>
      %add3A_179 = arith.constant 1 : i32
      %add3A_180 = arith.addi %mul3A_61, %add3A_179 : i32
      %swap3A_181 = arith.index_cast %add3A_180 : i32 to index
      %swap3A_182 = arith.constant 32 : index
      %swap3A_183 = tpu.vector_load %arg28[%swap3A_181, %swap3A_182] {strides = array<i32>} : memref<128x128xf32, #tpu.memory_space<vmem>>, vector<16xf32>,
      tpu.vector_store %arg28[%swap3A_181, %swap3A_182], %mul3A_178 {strides = array<i32>} : memref<128x128xf32, #tpu.memory_space<vmem>>, vector<16xf32>,
      %add3A_184 = arith.constant 2 : i32
      %add3A_185 = arith.addi %mul3A_61, %add3A_184 : i32
      %get3A_186 = arith.index_cast %add3A_185 : i32 to index
      %get3A_187 = arith.constant 32 : index
      %get3A_188 = tpu.vector_load %arg28[%get3A_186, %get3A_187] {strides = array<i32>} : memref<128x128xf32, #tpu.memory_space<vmem>>, vector<16xf32>,
      %mul3A_189 = arith.mulf %get3A_188, %gather3A_71 : vector<16xf32>
      %add3A_190 = arith.constant 2 : i32
      %add3A_191 = arith.addi %mul3A_61, %add3A_190 : i32
      %swap3A_192 = arith.index_cast %add3A_191 : i32 to index
      %swap3A_193 = arith.constant 32 : index
      %swap3A_194 = tpu.vector_load %arg28[%swap3A_192, %swap3A_193] {strides = array<i32>} : memref<128x128xf32, #tpu.memory_space<vmem>>, vector<16xf32>,
      tpu.vector_store %arg28[%swap3A_192, %swap3A_193], %mul3A_189 {strides = array<i32>} : memref<128x128xf32, #tpu.memory_space<vmem>>, vector<16xf32>,
      %add3A_195 = arith.constant 3 : i32
      %add3A_196 = arith.addi %mul3A_61, %add3A_195 : i32
      %get3A_197 = arith.index_cast %add3A_196 : i32 to index
      %get3A_198 = arith.constant 32 : index
      %get3A_199 = tpu.vector_load %arg28[%get3A_197, %get3A_198] {strides = array<i32>} : memref<128x128xf32, #tpu.memory_space<vmem>>, vector<16xf32>,
      %mul3A_200 = arith.mulf %get3A_199, %gather3A_75 : vector<16xf32>
      %add3A_201 = arith.constant 3 : i32
      %add3A_202 = arith.addi %mul3A_61, %add3A_201 : i32
      %swap3A_203 = arith.index_cast %add3A_202 : i32 to index
      %swap3A_204 = arith.constant 32 : index
      %swap3A_205 = tpu.vector_load %arg28[%swap3A_203, %swap3A_204] {strides = array<i32>} : memref<128x128xf32, #tpu.memory_space<vmem>>, vector<16xf32>,
      tpu.vector_store %arg28[%swap3A_203, %swap3A_204], %mul3A_200 {strides = array<i32>} : memref<128x128xf32, #tpu.memory_space<vmem>>, vector<16xf32>,
      %add3A_206 = arith.constant 0 : i32
      %add3A_207 = arith.addi %mul3A_61, %add3A_206 : i32
      %get3A_208 = arith.index_cast %add3A_207 : i32 to index
      %get3A_209 = arith.constant 48 : index
      %get3A_210 = tpu.vector_load %arg28[%get3A_208, %get3A_209] {strides = array<i32>} : memref<128x128xf32, #tpu.memory_space<vmem>>, vector<16xf32>,
      %mul3A_211 = arith.mulf %get3A_210, %gather3A : vector<16xf32>
      %add3A_212 = arith.constant 0 : i32
      %add3A_213 = arith.addi %mul3A_61, %add3A_212 : i32
      %swap3A_214 = arith.index_cast %add3A_213 : i32 to index
      %swap3A_215 = arith.constant 48 : index
      %swap3A_216 = tpu.vector_load %arg28[%swap3A_214, %swap3A_215] {strides = array<i32>} : memref<128x128xf32, #tpu.memory_space<vmem>>, vector<16xf32>,
      tpu.vector_store %arg28[%swap3A_214, %swap3A_215], %mul3A_211 {strides = array<i32>} : memref<128x128xf32, #tpu.memory_space<vmem>>, vector<16xf32>,
      %add3A_217 = arith.constant 1 : i32
      %add3A_218 = arith.addi %mul3A_61, %add3A_217 : i32
      %get3A_219 = arith.index_cast %add3A_218 : i32 to index
      %get3A_220 = arith.constant 48 : index
      %get3A_221 = tpu.vector_load %arg28[%get3A_219, %get3A_220] {strides = array<i32>} : memref<128x128xf32, #tpu.memory_space<vmem>>, vector<16xf32>,
      %mul3A_222 = arith.mulf %get3A_221, %gather3A_67 : vector<16xf32>
      %add3A_223 = arith.constant 1 : i32
      %add3A_224 = arith.addi %mul3A_61, %add3A_223 : i32
      %swap3A_225 = arith.index_cast %add3A_224 : i32 to index
      %swap3A_226 = arith.constant 48 : index
      %swap3A_227 = tpu.vector_load %arg28[%swap3A_225, %swap3A_226] {strides = array<i32>} : memref<128x128xf32, #tpu.memory_space<vmem>>, vector<16xf32>,
      tpu.vector_store %arg28[%swap3A_225, %swap3A_226], %mul3A_222 {strides = array<i32>} : memref<128x128xf32, #tpu.memory_space<vmem>>, vector<16xf32>,
      %add3A_228 = arith.constant 2 : i32
      %add3A_229 = arith.addi %mul3A_61, %add3A_228 : i32
      %get3A_230 = arith.index_cast %add3A_229 : i32 to index
      %get3A_231 = arith.constant 48 : index
      %get3A_232 = tpu.vector_load %arg28[%get3A_230, %get3A_231] {strides = array<i32>} : memref<128x128xf32, #tpu.memory_space<vmem>>, vector<16xf32>,
      %mul3A_233 = arith.mulf %get3A_232, %gather3A_71 : vector<16xf32>
      %add3A_234 = arith.constant 2 : i32
      %add3A_235 = arith.addi %mul3A_61, %add3A_234 : i32
      %swap3A_236 = arith.index_cast %add3A_235 : i32 to index
      %swap3A_237 = arith.constant 48 : index
      %swap3A_238 = tpu.vector_load %arg28[%swap3A_236, %swap3A_237] {strides = array<i32>} : memref<128x128xf32, #tpu.memory_space<vmem>>, vector<16xf32>,
      tpu.vector_store %arg28[%swap3A_236, %swap3A_237], %mul3A_233 {strides = array<i32>} : memref<128x128xf32, #tpu.memory_space<vmem>>, vector<16xf32>,
      %add3A_239 = arith.constant 3 : i32
      %add3A_240 = arith.addi %mul3A_61, %add3A_239 : i32
      %get3A_241 = arith.index_cast %add3A_240 : i32 to index
      %get3A_242 = arith.constant 48 : index
      %get3A_243 = tpu.vector_load %arg28[%get3A_241, %get3A_242] {strides = array<i32>} : memref<128x128xf32, #tpu.memory_space<vmem>>, vector<16xf32>,
      %mul3A_244 = arith.mulf %get3A_243, %gather3A_75 : vector<16xf32>
      %add3A_245 = arith.constant 3 : i32
      %add3A_246 = arith.addi %mul3A_61, %add3A_245 : i32
      %swap3A_247 = arith.index_cast %add3A_246 : i32 to index
      %swap3A_248 = arith.constant 48 : index
      %swap3A_249 = tpu.vector_load %arg28[%swap3A_247, %swap3A_248] {strides = array<i32>} : memref<128x128xf32, #tpu.memory_space<vmem>>, vector<16xf32>,
      tpu.vector_store %arg28[%swap3A_247, %swap3A_248], %mul3A_244 {strides = array<i32>} : memref<128x128xf32, #tpu.memory_space<vmem>>, vector<16xf32>,
      %add3A_250 = arith.constant 0 : i32
      %add3A_251 = arith.addi %mul3A_61, %add3A_250 : i32
      %get3A_252 = arith.index_cast %add3A_251 : i32 to index
      %get3A_253 = arith.constant 64 : index
      %get3A_254 = tpu.vector_load %arg28[%get3A_252, %get3A_253] {strides = array<i32>} : memref<128x128xf32, #tpu.memory_space<vmem>>, vector<16xf32>,
      %mul3A_255 = arith.mulf %get3A_254, %gather3A : vector<16xf32>
      %add3A_256 = arith.constant 0 : i32
      %add3A_257 = arith.addi %mul3A_61, %add3A_256 : i32
      %swap3A_258 = arith.index_cast %add3A_257 : i32 to index
      %swap3A_259 = arith.constant 64 : index
      %swap3A_260 = tpu.vector_load %arg28[%swap3A_258, %swap3A_259] {strides = array<i32>} : memref<128x128xf32, #tpu.memory_space<vmem>>, vector<16xf32>,
      tpu.vector_store %arg28[%swap3A_258, %swap3A_259], %mul3A_255 {strides = array<i32>} : memref<128x128xf32, #tpu.memory_space<vmem>>, vector<16xf32>,
      %add3A_261 = arith.constant 1 : i32
      %add3A_262 = arith.addi %mul3A_61, %add3A_261 : i32
      %get3A_263 = arith.index_cast %add3A_262 : i32 to index
      %get3A_264 = arith.constant 64 : index
      %get3A_265 = tpu.vector_load %arg28[%get3A_263, %get3A_264] {strides = array<i32>} : memref<128x128xf32, #tpu.memory_space<vmem>>, vector<16xf32>,
      %mul3A_266 = arith.mulf %get3A_265, %gather3A_67 : vector<16xf32>
      %add3A_267 = arith.constant 1 : i32
      %add3A_268 = arith.addi %mul3A_61, %add3A_267 : i32
      %swap3A_269 = arith.index_cast %add3A_268 : i32 to index
      %swap3A_270 = arith.constant 64 : index
      %swap3A_271 = tpu.vector_load %arg28[%swap3A_269, %swap3A_270] {strides = array<i32>} : memref<128x128xf32, #tpu.memory_space<vmem>>, vector<16xf32>,
      tpu.vector_store %arg28[%swap3A_269, %swap3A_270], %mul3A_266 {strides = array<i32>} : memref<128x128xf32, #tpu.memory_space<vmem>>, vector<16xf32>,
      %add3A_272 = arith.constant 2 : i32
      %add3A_273 = arith.addi %mul3A_61, %add3A_272 : i32
      %get3A_274 = arith.index_cast %add3A_273 : i32 to index
      %get3A_275 = arith.constant 64 : index
      %get3A_276 = tpu.vector_load %arg28[%get3A_274, %get3A_275] {strides = array<i32>} : memref<128x128xf32, #tpu.memory_space<vmem>>, vector<16xf32>,
      %mul3A_277 = arith.mulf %get3A_276, %gather3A_71 : vector<16xf32>
      %add3A_278 = arith.constant 2 : i32
      %add3A_279 = arith.addi %mul3A_61, %add3A_278 : i32
      %swap3A_280 = arith.index_cast %add3A_279 : i32 to index
      %swap3A_281 = arith.constant 64 : index
      %swap3A_282 = tpu.vector_load %arg28[%swap3A_280, %swap3A_281] {strides = array<i32>} : memref<128x128xf32, #tpu.memory_space<vmem>>, vector<16xf32>,
      tpu.vector_store %arg28[%swap3A_280, %swap3A_281], %mul3A_277 {strides = array<i32>} : memref<128x128xf32, #tpu.memory_space<vmem>>, vector<16xf32>,
      %add3A_283 = arith.constant 3 : i32
      %add3A_284 = arith.addi %mul3A_61, %add3A_283 : i32
      %get3A_285 = arith.index_cast %add3A_284 : i32 to index
      %get3A_286 = arith.constant 64 : index
      %get3A_287 = tpu.vector_load %arg28[%get3A_285, %get3A_286] {strides = array<i32>} : memref<128x128xf32, #tpu.memory_space<vmem>>, vector<16xf32>,
      %mul3A_288 = arith.mulf %get3A_287, %gather3A_75 : vector<16xf32>
      %add3A_289 = arith.constant 3 : i32
      %add3A_290 = arith.addi %mul3A_61, %add3A_289 : i32
      %swap3A_291 = arith.index_cast %add3A_290 : i32 to index
      %swap3A_292 = arith.constant 64 : index
      %swap3A_293 = tpu.vector_load %arg28[%swap3A_291, %swap3A_292] {strides = array<i32>} : memref<128x128xf32, #tpu.memory_space<vmem>>, vector<16xf32>,
      tpu.vector_store %arg28[%swap3A_291, %swap3A_292], %mul3A_288 {strides = array<i32>} : memref<128x128xf32, #tpu.memory_space<vmem>>, vector<16xf32>,
      %add3A_294 = arith.constant 0 : i32
      %add3A_295 = arith.addi %mul3A_61, %add3A_294 : i32
      %get3A_296 = arith.index_cast %add3A_295 : i32 to index
      %get3A_297 = arith.constant 80 : index
      %get3A_298 = tpu.vector_load %arg28[%get3A_296, %get3A_297] {strides = array<i32>} : memref<128x128xf32, #tpu.memory_space<vmem>>, vector<16xf32>,
      %mul3A_299 = arith.mulf %get3A_298, %gather3A : vector<16xf32>
      %add3A_300 = arith.constant 0 : i32
      %add3A_301 = arith.addi %mul3A_61, %add3A_300 : i32
      %swap3A_302 = arith.index_cast %add3A_301 : i32 to index
      %swap3A_303 = arith.constant 80 : index
      %swap3A_304 = tpu.vector_load %arg28[%swap3A_302, %swap3A_303] {strides = array<i32>} : memref<128x128xf32, #tpu.memory_space<vmem>>, vector<16xf32>,
      tpu.vector_store %arg28[%swap3A_302, %swap3A_303], %mul3A_299 {strides = array<i32>} : memref<128x128xf32, #tpu.memory_space<vmem>>, vector<16xf32>,
      %add3A_305 = arith.constant 1 : i32
      %add3A_306 = arith.addi %mul3A_61, %add3A_305 : i32
      %get3A_307 = arith.index_cast %add3A_306 : i32 to index
      %get3A_308 = arith.constant 80 : index
      %get3A_309 = tpu.vector_load %arg28[%get3A_307, %get3A_308] {strides = array<i32>} : memref<128x128xf32, #tpu.memory_space<vmem>>, vector<16xf32>,
      %mul3A_310 = arith.mulf %get3A_309, %gather3A_67 : vector<16xf32>
      %add3A_311 = arith.constant 1 : i32
      %add3A_312 = arith.addi %mul3A_61, %add3A_311 : i32
      %swap3A_313 = arith.index_cast %add3A_312 : i32 to index
      %swap3A_314 = arith.constant 80 : index
      %swap3A_315 = tpu.vector_load %arg28[%swap3A_313, %swap3A_314] {strides = array<i32>} : memref<128x128xf32, #tpu.memory_space<vmem>>, vector<16xf32>,
      tpu.vector_store %arg28[%swap3A_313, %swap3A_314], %mul3A_310 {strides = array<i32>} : memref<128x128xf32, #tpu.memory_space<vmem>>, vector<16xf32>,
      %add3A_316 = arith.constant 2 : i32
      %add3A_317 = arith.addi %mul3A_61, %add3A_316 : i32
      %get3A_318 = arith.index_cast %add3A_317 : i32 to index
      %get3A_319 = arith.constant 80 : index
      %get3A_320 = tpu.vector_load %arg28[%get3A_318, %get3A_319] {strides = array<i32>} : memref<128x128xf32, #tpu.memory_space<vmem>>, vector<16xf32>,
      %mul3A_321 = arith.mulf %get3A_320, %gather3A_71 : vector<16xf32>
      %add3A_322 = arith.constant 2 : i32
      %add3A_323 = arith.addi %mul3A_61, %add3A_322 : i32
      %swap3A_324 = arith.index_cast %add3A_323 : i32 to index
      %swap3A_325 = arith.constant 80 : index
      %swap3A_326 = tpu.vector_load %arg28[%swap3A_324, %swap3A_325] {strides = array<i32>} : memref<128x128xf32, #tpu.memory_space<vmem>>, vector<16xf32>,
      tpu.vector_store %arg28[%swap3A_324, %swap3A_325], %mul3A_321 {strides = array<i32>} : memref<128x128xf32, #tpu.memory_space<vmem>>, vector<16xf32>,
      %add3A_327 = arith.constant 3 : i32
      %add3A_328 = arith.addi %mul3A_61, %add3A_327 : i32
      %get3A_329 = arith.index_cast %add3A_328 : i32 to index
      %get3A_330 = arith.constant 80 : index
      %get3A_331 = tpu.vector_load %arg28[%get3A_329, %get3A_330] {strides = array<i32>} : memref<128x128xf32, #tpu.memory_space<vmem>>, vector<16xf32>,
      %mul3A_332 = arith.mulf %get3A_331, %gather3A_75 : vector<16xf32>
      %add3A_333 = arith.constant 3 : i32
      %add3A_334 = arith.addi %mul3A_61, %add3A_333 : i32
      %swap3A_335 = arith.index_cast %add3A_334 : i32 to index
      %swap3A_336 = arith.constant 80 : index
      %swap3A_337 = tpu.vector_load %arg28[%swap3A_335, %swap3A_336] {strides = array<i32>} : memref<128x128xf32, #tpu.memory_space<vmem>>, vector<16xf32>,
      tpu.vector_store %arg28[%swap3A_335, %swap3A_336], %mul3A_332 {strides = array<i32>} : memref<128x128xf32, #tpu.memory_space<vmem>>, vector<16xf32>,
      %add3A_338 = arith.constant 0 : i32
      %add3A_339 = arith.addi %mul3A_61, %add3A_338 : i32
      %get3A_340 = arith.index_cast %add3A_339 : i32 to index
      %get3A_341 = arith.constant 96 : index
      %get3A_342 = tpu.vector_load %arg28[%get3A_340, %get3A_341] {strides = array<i32>} : memref<128x128xf32, #tpu.memory_space<vmem>>, vector<16xf32>,
      %mul3A_343 = arith.mulf %get3A_342, %gather3A : vector<16xf32>
      %add3A_344 = arith.constant 0 : i32
      %add3A_345 = arith.addi %mul3A_61, %add3A_344 : i32
      %swap3A_346 = arith.index_cast %add3A_345 : i32 to index
      %swap3A_347 = arith.constant 96 : index
      %swap3A_348 = tpu.vector_load %arg28[%swap3A_346, %swap3A_347] {strides = array<i32>} : memref<128x128xf32, #tpu.memory_space<vmem>>, vector<16xf32>,
      tpu.vector_store %arg28[%swap3A_346, %swap3A_347], %mul3A_343 {strides = array<i32>} : memref<128x128xf32, #tpu.memory_space<vmem>>, vector<16xf32>,
      %add3A_349 = arith.constant 1 : i32
      %add3A_350 = arith.addi %mul3A_61, %add3A_349 : i32
      %get3A_351 = arith.index_cast %add3A_350 : i32 to index
      %get3A_352 = arith.constant 96 : index
      %get3A_353 = tpu.vector_load %arg28[%get3A_351, %get3A_352] {strides = array<i32>} : memref<128x128xf32, #tpu.memory_space<vmem>>, vector<16xf32>,
      %mul3A_354 = arith.mulf %get3A_353, %gather3A_67 : vector<16xf32>
      %add3A_355 = arith.constant 1 : i32
      %add3A_356 = arith.addi %mul3A_61, %add3A_355 : i32
      %swap3A_357 = arith.index_cast %add3A_356 : i32 to index
      %swap3A_358 = arith.constant 96 : index
      %swap3A_359 = tpu.vector_load %arg28[%swap3A_357, %swap3A_358] {strides = array<i32>} : memref<128x128xf32, #tpu.memory_space<vmem>>, vector<16xf32>,
      tpu.vector_store %arg28[%swap3A_357, %swap3A_358], %mul3A_354 {strides = array<i32>} : memref<128x128xf32, #tpu.memory_space<vmem>>, vector<16xf32>,
      %add3A_360 = arith.constant 2 : i32
      %add3A_361 = arith.addi %mul3A_61, %add3A_360 : i32
      %get3A_362 = arith.index_cast %add3A_361 : i32 to index
      %get3A_363 = arith.constant 96 : index
      %get3A_364 = tpu.vector_load %arg28[%get3A_362, %get3A_363] {strides = array<i32>} : memref<128x128xf32, #tpu.memory_space<vmem>>, vector<16xf32>,
      %mul3A_365 = arith.mulf %get3A_364, %gather3A_71 : vector<16xf32>
      %add3A_366 = arith.constant 2 : i32
      %add3A_367 = arith.addi %mul3A_61, %add3A_366 : i32
      %swap3A_368 = arith.index_cast %add3A_367 : i32 to index
      %swap3A_369 = arith.constant 96 : index
      %swap3A_370 = tpu.vector_load %arg28[%swap3A_368, %swap3A_369] {strides = array<i32>} : memref<128x128xf32, #tpu.memory_space<vmem>>, vector<16xf32>,
      tpu.vector_store %arg28[%swap3A_368, %swap3A_369], %mul3A_365 {strides = array<i32>} : memref<128x128xf32, #tpu.memory_space<vmem>>, vector<16xf32>,
      %add3A_371 = arith.constant 3 : i32
      %add3A_372 = arith.addi %mul3A_61, %add3A_371 : i32
      %get3A_373 = arith.index_cast %add3A_372 : i32 to index
      %get3A_374 = arith.constant 96 : index
      %get3A_375 = tpu.vector_load %arg28[%get3A_373, %get3A_374] {strides = array<i32>} : memref<128x128xf32, #tpu.memory_space<vmem>>, vector<16xf32>,
      %mul3A_376 = arith.mulf %get3A_375, %gather3A_75 : vector<16xf32>
      %add3A_377 = arith.constant 3 : i32
      %add3A_378 = arith.addi %mul3A_61, %add3A_377 : i32
      %swap3A_379 = arith.index_cast %add3A_378 : i32 to index
      %swap3A_380 = arith.constant 96 : index
      %swap3A_381 = tpu.vector_load %arg28[%swap3A_379, %swap3A_380] {strides = array<i32>} : memref<128x128xf32, #tpu.memory_space<vmem>>, vector<16xf32>,
      tpu.vector_store %arg28[%swap3A_379, %swap3A_380], %mul3A_376 {strides = array<i32>} : memref<128x128xf32, #tpu.memory_space<vmem>>, vector<16xf32>,
      %add3A_382 = arith.constant 0 : i32
      %add3A_383 = arith.addi %mul3A_61, %add3A_382 : i32
      %get3A_384 = arith.index_cast %add3A_383 : i32 to index
      %get3A_385 = arith.constant 112 : index
      %get3A_386 = tpu.vector_load %arg28[%get3A_384, %get3A_385] {strides = array<i32>} : memref<128x128xf32, #tpu.memory_space<vmem>>, vector<16xf32>,
      %mul3A_387 = arith.mulf %get3A_386, %gather3A : vector<16xf32>
      %add3A_388 = arith.constant 0 : i32
      %add3A_389 = arith.addi %mul3A_61, %add3A_388 : i32
      %swap3A_390 = arith.index_cast %add3A_389 : i32 to index
      %swap3A_391 = arith.constant 112 : index
      %swap3A_392 = tpu.vector_load %arg28[%swap3A_390, %swap3A_391] {strides = array<i32>} : memref<128x128xf32, #tpu.memory_space<vmem>>, vector<16xf32>,
      tpu.vector_store %arg28[%swap3A_390, %swap3A_391], %mul3A_387 {strides = array<i32>} : memref<128x128xf32, #tpu.memory_space<vmem>>, vector<16xf32>,
      %add3A_393 = arith.constant 1 : i32
      %add3A_394 = arith.addi %mul3A_61, %add3A_393 : i32
      %get3A_395 = arith.index_cast %add3A_394 : i32 to index
      %get3A_396 = arith.constant 112 : index
      %get3A_397 = tpu.vector_load %arg28[%get3A_395, %get3A_396] {strides = array<i32>} : memref<128x128xf32, #tpu.memory_space<vmem>>, vector<16xf32>,
      %mul3A_398 = arith.mulf %get3A_397, %gather3A_67 : vector<16xf32>
      %add3A_399 = arith.constant 1 : i32
      %add3A_400 = arith.addi %mul3A_61, %add3A_399 : i32
      %swap3A_401 = arith.index_cast %add3A_400 : i32 to index
      %swap3A_402 = arith.constant 112 : index
      %swap3A_403 = tpu.vector_load %arg28[%swap3A_401, %swap3A_402] {strides = array<i32>} : memref<128x128xf32, #tpu.memory_space<vmem>>, vector<16xf32>,
      tpu.vector_store %arg28[%swap3A_401, %swap3A_402], %mul3A_398 {strides = array<i32>} : memref<128x128xf32, #tpu.memory_space<vmem>>, vector<16xf32>,
      %add3A_404 = arith.constant 2 : i32
      %add3A_405 = arith.addi %mul3A_61, %add3A_404 : i32
      %get3A_406 = arith.index_cast %add3A_405 : i32 to index
      %get3A_407 = arith.constant 112 : index
      %get3A_408 = tpu.vector_load %arg28[%get3A_406, %get3A_407] {strides = array<i32>} : memref<128x128xf32, #tpu.memory_space<vmem>>, vector<16xf32>,
      %mul3A_409 = arith.mulf %get3A_408, %gather3A_71 : vector<16xf32>
      %add3A_410 = arith.constant 2 : i32
      %add3A_411 = arith.addi %mul3A_61, %add3A_410 : i32
      %swap3A_412 = arith.index_cast %add3A_411 : i32 to index
      %swap3A_413 = arith.constant 112 : index
      %swap3A_414 = tpu.vector_load %arg28[%swap3A_412, %swap3A_413] {strides = array<i32>} : memref<128x128xf32, #tpu.memory_space<vmem>>, vector<16xf32>,
      tpu.vector_store %arg28[%swap3A_412, %swap3A_413], %mul3A_409 {strides = array<i32>} : memref<128x128xf32, #tpu.memory_space<vmem>>, vector<16xf32>,
      %add3A_415 = arith.constant 3 : i32
      %add3A_416 = arith.addi %mul3A_61, %add3A_415 : i32
      %get3A_417 = arith.index_cast %add3A_416 : i32 to index
      %get3A_418 = arith.constant 112 : index
      %get3A_419 = tpu.vector_load %arg28[%get3A_417, %get3A_418] {strides = array<i32>} : memref<128x128xf32, #tpu.memory_space<vmem>>, vector<16xf32>,
      %mul3A_420 = arith.mulf %get3A_419, %gather3A_75 : vector<16xf32>
      %add3A_421 = arith.constant 3 : i32
      %add3A_422 = arith.addi %mul3A_61, %add3A_421 : i32
      %swap3A_423 = arith.index_cast %add3A_422 : i32 to index
      %swap3A_424 = arith.constant 112 : index
      %swap3A_425 = tpu.vector_load %arg28[%swap3A_423, %swap3A_424] {strides = array<i32>} : memref<128x128xf32, #tpu.memory_space<vmem>>, vector<16xf32>,
      tpu.vector_store %arg28[%swap3A_423, %swap3A_424], %mul3A_420 {strides = array<i32>} : memref<128x128xf32, #tpu.memory_space<vmem>>, vector<16xf32>,
    }
    %scan3A_43 = arith.constant 32 : i32
    "tpu.region"() ({
      %run_scoped3A = tpu.sem_alloc : memref<!tpu.dma_semaphore, #tpu.memory_space<semaphore_mem>>
      %dma_start3A_59 = arith.constant 0 : i32
      %dma_start3A_60 = tpu.memref_slice %arg27[%scan3A_21, %dma_start3A_59] : memref<25x128xi32, #tpu.memory_space<vmem>> -> memref<1x128xi32, #tpu.memory_space<vmem>>
      %dma_start3A_61 = tpu.memref_squeeze %dma_start3A_60 : memref<1x128xi32, #tpu.memory_space<vmem>> -> memref<128xi32, #tpu.memory_space<vmem>>
      %dma_start3A_62 = arith.constant 0 : i32
      %dma_start3A_63 = arith.constant 0 : i32
      %dma_start3A_64 = tpu.memref_slice %arg30[%dma_start3A_62, %dma_start3A_63] : memref<4224x128xf32, #tpu.memory_space<vmem_shared>> -> memref<4224x128xf32, #tpu.memory_space<vmem_shared>>
      tpu.enqueue_indirect_dma source(%arg28 : memref<128x128xf32, #tpu.memory_space<vmem>>) target(%dma_start3A_64 : memref<4224x128xf32, #tpu.memory_space<vmem_shared>>) offsets(%dma_start3A_61 : memref<128xi32, #tpu.memory_space<vmem>>) semaphore(%run_scoped3A : memref<!tpu.dma_semaphore, #tpu.memory_space<semaphore_mem>>) {add = true}
      %dma_wait3A_65 = arith.constant 0 : i32
      %dma_wait3A_66 = tpu.memref_slice %arg27[%scan3A_21, %dma_wait3A_65] : memref<25x128xi32, #tpu.memory_space<vmem>> -> memref<1x128xi32, #tpu.memory_space<vmem>>
      %dma_wait3A_67 = tpu.memref_squeeze %dma_wait3A_66 : memref<1x128xi32, #tpu.memory_space<vmem>> -> memref<128xi32, #tpu.memory_space<vmem>>
      %dma_wait3A_68 = arith.constant 0 : i32
      %dma_wait3A_69 = arith.constant 0 : i32
      %dma_wait3A_70 = tpu.memref_slice %arg30[%dma_wait3A_68, %dma_wait3A_69] : memref<4224x128xf32, #tpu.memory_space<vmem_shared>> -> memref<4224x128xf32, #tpu.memory_space<vmem_shared>>
      tpu.wait_indirect_dma semaphore(%run_scoped3A : memref<!tpu.dma_semaphore, #tpu.memory_space<semaphore_mem>>) src(%arg28 : memref<128x128xf32, #tpu.memory_space<vmem>>) dst(%dma_wait3A_70 : memref<4224x128xf32, #tpu.memory_space<vmem_shared>>)
      tpu.yield
    }) : () -> ()
    "tpu.region"() ({
      %run_scoped3A = tpu.sem_alloc : memref<!tpu.dma_semaphore, #tpu.memory_space<semaphore_mem>>
      %dma_start3A_59 = arith.constant 0 : i32
      %dma_start3A_60 = tpu.memref_slice %arg27[%scan3A_21, %dma_start3A_59] : memref<25x128xi32, #tpu.memory_space<vmem>> -> memref<1x128xi32, #tpu.memory_space<vmem>>
      %dma_start3A_61 = tpu.memref_squeeze %dma_start3A_60 : memref<1x128xi32, #tpu.memory_space<vmem>> -> memref<128xi32, #tpu.memory_space<vmem>>
      %dma_start3A_62 = arith.constant 0 : i32
      %dma_start3A_63 = tpu.memref_slice %arg31[%dma_start3A_62] : memref<4224xf32, #tpu.memory_space<vmem_shared>> -> memref<4224xf32, #tpu.memory_space<vmem_shared>>
      tpu.enqueue_indirect_dma source(%arg29 : memref<128xf32, #tpu.memory_space<vmem>>) target(%dma_start3A_63 : memref<4224xf32, #tpu.memory_space<vmem_shared>>) offsets(%dma_start3A_61 : memref<128xi32, #tpu.memory_space<vmem>>) semaphore(%run_scoped3A : memref<!tpu.dma_semaphore, #tpu.memory_space<semaphore_mem>>) {add = true}
      %dma_wait3A_64 = arith.constant 0 : i32
      %dma_wait3A_65 = tpu.memref_slice %arg27[%scan3A_21, %dma_wait3A_64] : memref<25x128xi32, #tpu.memory_space<vmem>> -> memref<1x128xi32, #tpu.memory_space<vmem>>
      %dma_wait3A_66 = tpu.memref_squeeze %dma_wait3A_65 : memref<1x128xi32, #tpu.memory_space<vmem>> -> memref<128xi32, #tpu.memory_space<vmem>>
      %dma_wait3A_67 = arith.constant 0 : i32
      %dma_wait3A_68 = tpu.memref_slice %arg31[%dma_wait3A_67] : memref<4224xf32, #tpu.memory_space<vmem_shared>> -> memref<4224xf32, #tpu.memory_space<vmem_shared>>
      tpu.wait_indirect_dma semaphore(%run_scoped3A : memref<!tpu.dma_semaphore, #tpu.memory_space<semaphore_mem>>) src(%arg29 : memref<128xf32, #tpu.memory_space<vmem>>) dst(%dma_wait3A_68 : memref<4224xf32, #tpu.memory_space<vmem_shared>>)
      tpu.yield
    }) : () -> ()
    %scan3A_44 = arith.constant 1 : i32
    %mul3A_45 = arith.constant 13 : i32
    %mul3A_46 = arith.muli %add3A, %mul3A_45 : i32
    "tpu.region"() ({
      %run_scoped3A = tpu.sem_alloc : memref<!tpu.dma_semaphore, #tpu.memory_space<semaphore_mem>>
      %dma_start3A_59 = arith.constant 0 : i32
      %dma_start3A_60 = tpu.memref_slice %arg24[%dma_start3A_59] : memref<50000xf32, #tpu.memory_space<vmem>> -> memref<50000xf32, #tpu.memory_space<vmem>>
      %dma_start3A_61 = arith.constant 0 : i32
      %dma_start3A_62 = tpu.memref_slice %arg24[%dma_start3A_61] : memref<50000xf32, #tpu.memory_space<vmem>> -> memref<50000xf32, #tpu.memory_space<vmem>>
      tpu.enqueue_dma source(%arg18 : memref<50000xf32, #tpu.memory_space<hbm>>) target(%dma_start3A_62 : memref<50000xf32, #tpu.memory_space<vmem>>) target_semaphore(%run_scoped3A : memref<!tpu.dma_semaphore, #tpu.memory_space<semaphore_mem>>)
      %dma_wait3A_63 = arith.constant 0 : i32
      %dma_wait3A_64 = tpu.memref_slice %arg24[%dma_wait3A_63] : memref<50000xf32, #tpu.memory_space<vmem>> -> memref<50000xf32, #tpu.memory_space<vmem>>
      %dma_wait3A_65 = arith.constant 0 : i32
      %dma_wait3A_66 = tpu.memref_slice %arg24[%dma_wait3A_65] : memref<50000xf32, #tpu.memory_space<vmem>> -> memref<50000xf32, #tpu.memory_space<vmem>>
      tpu.wait_dma2 semaphore(%run_scoped3A : memref<!tpu.dma_semaphore, #tpu.memory_space<semaphore_mem>>) src(%arg18 : memref<50000xf32, #tpu.memory_space<hbm>>) dst(%dma_wait3A_66 : memref<50000xf32, #tpu.memory_space<vmem>>)
      tpu.yield
    }) : () -> ()
    "tpu.region"() ({
      %run_scoped3A = tpu.sem_alloc : memref<!tpu.dma_semaphore, #tpu.memory_space<semaphore_mem>>
      %dma_start3A_59 = arith.constant 0 : i32
      %dma_start3A_60 = tpu.memref_slice %arg25[%dma_start3A_59] : memref<2048xf32, #tpu.memory_space<vmem>> -> memref<64xf32, #tpu.memory_space<vmem>>
      %dma_start3A_61 = arith.constant 0 : i32
      %dma_start3A_62 = tpu.memref_slice %arg25[%dma_start3A_61] : memref<2048xf32, #tpu.memory_space<vmem>> -> memref<64xf32, #tpu.memory_space<vmem>>
      tpu.enqueue_dma source(%arg19 : memref<64xf32, #tpu.memory_space<hbm>>) target(%dma_start3A_62 : memref<64xf32, #tpu.memory_space<vmem>>) target_semaphore(%run_scoped3A : memref<!tpu.dma_semaphore, #tpu.memory_space<semaphore_mem>>)
      %dma_wait3A_63 = arith.constant 0 : i32
      %dma_wait3A_64 = tpu.memref_slice %arg25[%dma_wait3A_63] : memref<2048xf32, #tpu.memory_space<vmem>> -> memref<64xf32, #tpu.memory_space<vmem>>
      %dma_wait3A_65 = arith.constant 0 : i32
      %dma_wait3A_66 = tpu.memref_slice %arg25[%dma_wait3A_65] : memref<2048xf32, #tpu.memory_space<vmem>> -> memref<64xf32, #tpu.memory_space<vmem>>
      tpu.wait_dma2 semaphore(%run_scoped3A : memref<!tpu.dma_semaphore, #tpu.memory_space<semaphore_mem>>) src(%arg19 : memref<64xf32, #tpu.memory_space<hbm>>) dst(%dma_wait3A_66 : memref<64xf32, #tpu.memory_space<vmem>>)
      tpu.yield
    }) : () -> ()
    "tpu.region"() ({
      %run_scoped3A = tpu.sem_alloc : memref<!tpu.dma_semaphore, #tpu.memory_space<semaphore_mem>>
      %dma_start3A_59 = arith.constant 0 : i32
      %dma_start3A_60 = arith.constant 0 : i32
      %dma_start3A_61 = tpu.memref_slice %arg26[%dma_start3A_59, %dma_start3A_60] : memref<25x128xi32, #tpu.memory_space<vmem>> -> memref<13x128xi32, #tpu.memory_space<vmem>>
      %dma_start3A_62 = arith.constant 0 : i32
      %dma_start3A_63 = arith.constant 0 : i32
      %dma_start3A_64 = tpu.memref_slice %arg8[%add3A, %dma_start3A_62, %dma_start3A_63] : memref<32x13x128xi32, #tpu.memory_space<hbm>> -> memref<1x13x128xi32, #tpu.memory_space<hbm>>
      %dma_start3A_65 = tpu.memref_squeeze %dma_start3A_64 : memref<1x13x128xi32, #tpu.memory_space<hbm>> -> memref<13x128xi32, #tpu.memory_space<hbm>>
      %dma_start3A_66 = arith.constant 0 : i32
      %dma_start3A_67 = arith.constant 0 : i32
      %dma_start3A_68 = tpu.memref_slice %arg26[%dma_start3A_66, %dma_start3A_67] : memref<25x128xi32, #tpu.memory_space<vmem>> -> memref<13x128xi32, #tpu.memory_space<vmem>>
      %dma_start3A_69 = arith.constant 0 : i32
      %dma_start3A_70 = arith.constant 0 : i32
      %dma_start3A_71 = tpu.memref_slice %arg8[%add3A, %dma_start3A_69, %dma_start3A_70] : memref<32x13x128xi32, #tpu.memory_space<hbm>> -> memref<1x13x128xi32, #tpu.memory_space<hbm>>
      %dma_start3A_72 = tpu.memref_squeeze %dma_start3A_71 : memref<1x13x128xi32, #tpu.memory_space<hbm>> -> memref<13x128xi32, #tpu.memory_space<hbm>>
      tpu.enqueue_dma source(%dma_start3A_72 : memref<13x128xi32, #tpu.memory_space<hbm>>) target(%dma_start3A_68 : memref<13x128xi32, #tpu.memory_space<vmem>>) target_semaphore(%run_scoped3A : memref<!tpu.dma_semaphore, #tpu.memory_space<semaphore_mem>>)
      %dma_wait3A_73 = arith.constant 0 : i32
      %dma_wait3A_74 = arith.constant 0 : i32
      %dma_wait3A_75 = tpu.memref_slice %arg26[%dma_wait3A_73, %dma_wait3A_74] : memref<25x128xi32, #tpu.memory_space<vmem>> -> memref<13x128xi32, #tpu.memory_space<vmem>>
      %dma_wait3A_76 = arith.constant 0 : i32
      %dma_wait3A_77 = arith.constant 0 : i32
      %dma_wait3A_78 = tpu.memref_slice %arg8[%add3A, %dma_wait3A_76, %dma_wait3A_77] : memref<32x13x128xi32, #tpu.memory_space<hbm>> -> memref<1x13x128xi32, #tpu.memory_space<hbm>>
      %dma_wait3A_79 = tpu.memref_squeeze %dma_wait3A_78 : memref<1x13x128xi32, #tpu.memory_space<hbm>> -> memref<13x128xi32, #tpu.memory_space<hbm>>
      %dma_wait3A_80 = arith.constant 0 : i32
      %dma_wait3A_81 = arith.constant 0 : i32
      %dma_wait3A_82 = tpu.memref_slice %arg26[%dma_wait3A_80, %dma_wait3A_81] : memref<25x128xi32, #tpu.memory_space<vmem>> -> memref<13x128xi32, #tpu.memory_space<vmem>>
      %dma_wait3A_83 = arith.constant 0 : i32
      %dma_wait3A_84 = arith.constant 0 : i32
      %dma_wait3A_85 = tpu.memref_slice %arg8[%add3A, %dma_wait3A_83, %dma_wait3A_84] : memref<32x13x128xi32, #tpu.memory_space<hbm>> -> memref<1x13x128xi32, #tpu.memory_space<hbm>>
      %dma_wait3A_86 = tpu.memref_squeeze %dma_wait3A_85 : memref<1x13x128xi32, #tpu.memory_space<hbm>> -> memref<13x128xi32, #tpu.memory_space<hbm>>
      tpu.wait_dma2 semaphore(%run_scoped3A : memref<!tpu.dma_semaphore, #tpu.memory_space<semaphore_mem>>) src(%dma_wait3A_86 : memref<13x128xi32, #tpu.memory_space<hbm>>) dst(%dma_wait3A_82 : memref<13x128xi32, #tpu.memory_space<vmem>>)
      tpu.yield
    }) : () -> ()
    "tpu.region"() ({
      %run_scoped3A = tpu.sem_alloc : memref<!tpu.dma_semaphore, #tpu.memory_space<semaphore_mem>>
      %dma_start3A_59 = arith.constant 0 : i32
      %dma_start3A_60 = arith.constant 0 : i32
      %dma_start3A_61 = tpu.memref_slice %arg27[%dma_start3A_59, %dma_start3A_60] : memref<25x128xi32, #tpu.memory_space<vmem>> -> memref<13x128xi32, #tpu.memory_space<vmem>>
      %dma_start3A_62 = arith.constant 0 : i32
      %dma_start3A_63 = arith.constant 0 : i32
      %dma_start3A_64 = tpu.memref_slice %arg9[%add3A, %dma_start3A_62, %dma_start3A_63] : memref<32x13x128xi32, #tpu.memory_space<hbm>> -> memref<1x13x128xi32, #tpu.memory_space<hbm>>
      %dma_start3A_65 = tpu.memref_squeeze %dma_start3A_64 : memref<1x13x128xi32, #tpu.memory_space<hbm>> -> memref<13x128xi32, #tpu.memory_space<hbm>>
      %dma_start3A_66 = arith.constant 0 : i32
      %dma_start3A_67 = arith.constant 0 : i32
      %dma_start3A_68 = tpu.memref_slice %arg27[%dma_start3A_66, %dma_start3A_67] : memref<25x128xi32, #tpu.memory_space<vmem>> -> memref<13x128xi32, #tpu.memory_space<vmem>>
      %dma_start3A_69 = arith.constant 0 : i32
      %dma_start3A_70 = arith.constant 0 : i32
      %dma_start3A_71 = tpu.memref_slice %arg9[%add3A, %dma_start3A_69, %dma_start3A_70] : memref<32x13x128xi32, #tpu.memory_space<hbm>> -> memref<1x13x128xi32, #tpu.memory_space<hbm>>
      %dma_start3A_72 = tpu.memref_squeeze %dma_start3A_71 : memref<1x13x128xi32, #tpu.memory_space<hbm>> -> memref<13x128xi32, #tpu.memory_space<hbm>>
      tpu.enqueue_dma source(%dma_start3A_72 : memref<13x128xi32, #tpu.memory_space<hbm>>) target(%dma_start3A_68 : memref<13x128xi32, #tpu.memory_space<vmem>>) target_semaphore(%run_scoped3A : memref<!tpu.dma_semaphore, #tpu.memory_space<semaphore_mem>>)
      %dma_wait3A_73 = arith.constant 0 : i32
      %dma_wait3A_74 = arith.constant 0 : i32
      %dma_wait3A_75 = tpu.memref_slice %arg27[%dma_wait3A_73, %dma_wait3A_74] : memref<25x128xi32, #tpu.memory_space<vmem>> -> memref<13x128xi32, #tpu.memory_space<vmem>>
      %dma_wait3A_76 = arith.constant 0 : i32
      %dma_wait3A_77 = arith.constant 0 : i32
      %dma_wait3A_78 = tpu.memref_slice %arg9[%add3A, %dma_wait3A_76, %dma_wait3A_77] : memref<32x13x128xi32, #tpu.memory_space<hbm>> -> memref<1x13x128xi32, #tpu.memory_space<hbm>>
      %dma_wait3A_79 = tpu.memref_squeeze %dma_wait3A_78 : memref<1x13x128xi32, #tpu.memory_space<hbm>> -> memref<13x128xi32, #tpu.memory_space<hbm>>
      %dma_wait3A_80 = arith.constant 0 : i32
      %dma_wait3A_81 = arith.constant 0 : i32
      %dma_wait3A_82 = tpu.memref_slice %arg27[%dma_wait3A_80, %dma_wait3A_81] : memref<25x128xi32, #tpu.memory_space<vmem>> -> memref<13x128xi32, #tpu.memory_space<vmem>>
      %dma_wait3A_83 = arith.constant 0 : i32
      %dma_wait3A_84 = arith.constant 0 : i32
      %dma_wait3A_85 = tpu.memref_slice %arg9[%add3A, %dma_wait3A_83, %dma_wait3A_84] : memref<32x13x128xi32, #tpu.memory_space<hbm>> -> memref<1x13x128xi32, #tpu.memory_space<hbm>>
      %dma_wait3A_86 = tpu.memref_squeeze %dma_wait3A_85 : memref<1x13x128xi32, #tpu.memory_space<hbm>> -> memref<13x128xi32, #tpu.memory_space<hbm>>
      tpu.wait_dma2 semaphore(%run_scoped3A : memref<!tpu.dma_semaphore, #tpu.memory_space<semaphore_mem>>) src(%dma_wait3A_86 : memref<13x128xi32, #tpu.memory_space<hbm>>) dst(%dma_wait3A_82 : memref<13x128xi32, #tpu.memory_space<vmem>>)
      tpu.yield
    }) : () -> ()
    %scan3A_47 = arith.constant 0 : i32
    %scan3A_48 = arith.constant 0 : i32
    %scan3A_49 = arith.constant 13 : i32
    %scan3A_50 = arith.addi %scan3A_48, %scan3A_49 : i32
    %scan3A_51 = arith.constant 1 : i32
    scf.for %scan3A_59 = %scan3A_48 to %scan3A_50 step %scan3A_51  : i32 {
      %dma_start3A_60 = arith.constant 0 : i32
      %dma_start3A_61 = tpu.memref_slice %arg26[%scan3A_59, %dma_start3A_60] : memref<25x128xi32, #tpu.memory_space<vmem>> -> memref<1x128xi32, #tpu.memory_space<vmem>>
      %dma_start3A_62 = tpu.memref_squeeze %dma_start3A_61 : memref<1x128xi32, #tpu.memory_space<vmem>> -> memref<128xi32, #tpu.memory_space<vmem>>
      %dma_start3A_63 = arith.constant 0 : i32
      %dma_start3A_64 = arith.constant 0 : i32
      %dma_start3A_65 = tpu.memref_slice %arg11[%dma_start3A_63, %dma_start3A_64] : memref<50000x128xf32, #tpu.memory_space<hbm>> -> memref<50000x128xf32, #tpu.memory_space<hbm>>
      tpu.enqueue_indirect_dma source(%dma_start3A_65 : memref<50000x128xf32, #tpu.memory_space<hbm>>) target(%arg28 : memref<128x128xf32, #tpu.memory_space<vmem>>) offsets(%dma_start3A_62 : memref<128xi32, #tpu.memory_space<vmem>>) semaphore(%arg32 : memref<!tpu.dma_semaphore, #tpu.memory_space<semaphore_mem>>)
      %scan3A_66 = arith.constant 0 : i32
      %scan3A_67 = arith.constant 0 : i32
      %scan3A_68 = arith.constant 8 : i32
      %scan3A_69 = arith.addi %scan3A_67, %scan3A_68 : i32
      %scan3A_70 = arith.constant 1 : i32
      scf.for %scan3A_84 = %scan3A_67 to %scan3A_69 step %scan3A_70  : i32 {
        %mul3A_85 = arith.constant 16 : i32
        %mul3A_86 = arith.muli %scan3A_84, %mul3A_85 : i32
        %get3A = arith.index_cast %scan3A_59 : i32 to index
        %get3A_87 = arith.index_cast %mul3A_86 : i32 to index
        %get3A_88 = tpu.vector_load %arg26[%get3A, %get3A_87] {strides = array<i32>} : memref<25x128xi32, #tpu.memory_space<vmem>>, vector<16xi32>,
        %get3A_89 = arith.index_cast %scan3A_59 : i32 to index
        %get3A_90 = arith.index_cast %mul3A_86 : i32 to index
        %get3A_91 = tpu.vector_load %arg27[%get3A_89, %get3A_90] {strides = array<i32>} : memref<25x128xi32, #tpu.memory_space<vmem>>, vector<16xi32>,
        %gather3A = tpu.vector_load_idx %arg24[%get3A_88] : memref<50000xf32, #tpu.memory_space<vmem>>[vector<16xi32>], vector<16xf32>,
        %sub3A = arith.constant 4160 : i32
        %sub3A_92 = vector.broadcast %sub3A : i32 to vector<16xi32>
        %sub3A_93 = arith.subi %get3A_91, %sub3A_92 : vector<16xi32>
        %gather3A_94 = tpu.vector_load_idx %arg25[%sub3A_93] : memref<2048xf32, #tpu.memory_space<vmem>>[vector<16xi32>], vector<16xf32>,
        %add3A_95 = arith.addf %gather3A, %gather3A_94 : vector<16xf32>
        %mul3A_96 = arith.constant 0.00999999977 : f32
        %mul3A_97 = vector.broadcast %mul3A_96 : f32 to vector<16xf32>
        %mul3A_98 = arith.mulf %add3A_95, %mul3A_97 : vector<16xf32>
        %max3A = arith.maximumf %add3A_95, %mul3A_98 : vector<16xf32>
        %exp3A = math.exp %max3A : vector<16xf32>
        %add3A_99 = arith.addi %mul3A_46, %scan3A_59 : i32
        %mul3A_100 = arith.constant 128 : i32
        %mul3A_101 = arith.muli %add3A_99, %mul3A_100 : i32
        %mul3A_102 = arith.constant 16 : i32
        %mul3A_103 = arith.muli %scan3A_84, %mul3A_102 : i32
        %add3A_104 = arith.addi %mul3A_101, %mul3A_103 : i32
        %iota3A = tpu.iota {dimensions = array<i32: 0>} : vector<16xi32>
        %add3A_105 = vector.broadcast %add3A_104 : i32 to vector<16xi32>
        %add3A_106 = arith.addi %add3A_105, %iota3A : vector<16xi32>
        %lt3A = arith.constant 50000 : i32
        %lt3A_107 = vector.broadcast %lt3A : i32 to vector<16xi32>
        %lt3A_108 = arith.cmpi slt, %add3A_106, %lt3A_107 : vector<16xi32>
        %jit3A = arith.constant 0.000000e+00 : f32
        %broadcast_in_dim3A = vector.broadcast %jit3A : f32 to vector<16xf32>
        %select_n3A = arith.select %lt3A_108, %exp3A, %broadcast_in_dim3A : vector<16xi1>, vector<16xf32>
        %swap3A = arith.index_cast %mul3A_86 : i32 to index
        %swap3A_109 = tpu.vector_load %arg29[%swap3A] {strides = array<i32>} : memref<128xf32, #tpu.memory_space<vmem>>, vector<16xf32>,
        tpu.vector_store %arg29[%swap3A], %select_n3A {strides = array<i32>} : memref<128xf32, #tpu.memory_space<vmem>>, vector<16xf32>,
      }
      %scan3A_71 = arith.constant 8 : i32
      %dma_wait3A_72 = arith.constant 0 : i32
      %dma_wait3A_73 = tpu.memref_slice %arg26[%scan3A_59, %dma_wait3A_72] : memref<25x128xi32, #tpu.memory_space<vmem>> -> memref<1x128xi32, #tpu.memory_space<vmem>>
      %dma_wait3A_74 = tpu.memref_squeeze %dma_wait3A_73 : memref<1x128xi32, #tpu.memory_space<vmem>> -> memref<128xi32, #tpu.memory_space<vmem>>
      %dma_wait3A_75 = arith.constant 0 : i32
      %dma_wait3A_76 = arith.constant 0 : i32
      %dma_wait3A_77 = tpu.memref_slice %arg11[%dma_wait3A_75, %dma_wait3A_76] : memref<50000x128xf32, #tpu.memory_space<hbm>> -> memref<50000x128xf32, #tpu.memory_space<hbm>>
      tpu.wait_indirect_dma semaphore(%arg32 : memref<!tpu.dma_semaphore, #tpu.memory_space<semaphore_mem>>) src(%dma_wait3A_77 : memref<50000x128xf32, #tpu.memory_space<hbm>>) dst(%arg28 : memref<128x128xf32, #tpu.memory_space<vmem>>)
      %scan3A_78 = arith.constant 0 : i32
      %scan3A_79 = arith.constant 0 : i32
      %scan3A_80 = arith.constant 32 : i32
      %scan3A_81 = arith.addi %scan3A_79, %scan3A_80 : i32
      %scan3A_82 = arith.constant 1 : i32
      scf.for %scan3A_84 = %scan3A_79 to %scan3A_81 step %scan3A_82  : i32 {
        %mul3A_85 = arith.constant 4 : i32
        %mul3A_86 = arith.muli %scan3A_84, %mul3A_85 : i32
        %add3A_87 = arith.constant 0 : i32
        %add3A_88 = arith.addi %mul3A_86, %add3A_87 : i32
        %broadcast_in_dim3A = vector.broadcast %add3A_88 : i32 to vector<16xi32>
        %gather3A = tpu.vector_load_idx %arg29[%broadcast_in_dim3A] : memref<128xf32, #tpu.memory_space<vmem>>[vector<16xi32>], vector<16xf32>,
        %add3A_89 = arith.constant 1 : i32
        %add3A_90 = arith.addi %mul3A_86, %add3A_89 : i32
        %broadcast_in_dim3A_91 = vector.broadcast %add3A_90 : i32 to vector<16xi32>
        %gather3A_92 = tpu.vector_load_idx %arg29[%broadcast_in_dim3A_91] : memref<128xf32, #tpu.memory_space<vmem>>[vector<16xi32>], vector<16xf32>,
        %add3A_93 = arith.constant 2 : i32
        %add3A_94 = arith.addi %mul3A_86, %add3A_93 : i32
        %broadcast_in_dim3A_95 = vector.broadcast %add3A_94 : i32 to vector<16xi32>
        %gather3A_96 = tpu.vector_load_idx %arg29[%broadcast_in_dim3A_95] : memref<128xf32, #tpu.memory_space<vmem>>[vector<16xi32>], vector<16xf32>,
        %add3A_97 = arith.constant 3 : i32
        %add3A_98 = arith.addi %mul3A_86, %add3A_97 : i32
        %broadcast_in_dim3A_99 = vector.broadcast %add3A_98 : i32 to vector<16xi32>
        %gather3A_100 = tpu.vector_load_idx %arg29[%broadcast_in_dim3A_99] : memref<128xf32, #tpu.memory_space<vmem>>[vector<16xi32>], vector<16xf32>,
        %add3A_101 = arith.constant 0 : i32
        %add3A_102 = arith.addi %mul3A_86, %add3A_101 : i32
        %get3A = arith.index_cast %add3A_102 : i32 to index
        %get3A_103 = arith.constant 0 : index
        %get3A_104 = tpu.vector_load %arg28[%get3A, %get3A_103] {strides = array<i32>} : memref<128x128xf32, #tpu.memory_space<vmem>>, vector<16xf32>,
        %mul3A_105 = arith.mulf %get3A_104, %gather3A : vector<16xf32>
        %add3A_106 = arith.constant 0 : i32
        %add3A_107 = arith.addi %mul3A_86, %add3A_106 : i32
        %swap3A = arith.index_cast %add3A_107 : i32 to index
        %swap3A_108 = arith.constant 0 : index
        %swap3A_109 = tpu.vector_load %arg28[%swap3A, %swap3A_108] {strides = array<i32>} : memref<128x128xf32, #tpu.memory_space<vmem>>, vector<16xf32>,
        tpu.vector_store %arg28[%swap3A, %swap3A_108], %mul3A_105 {strides = array<i32>} : memref<128x128xf32, #tpu.memory_space<vmem>>, vector<16xf32>,
        %add3A_110 = arith.constant 1 : i32
        %add3A_111 = arith.addi %mul3A_86, %add3A_110 : i32
        %get3A_112 = arith.index_cast %add3A_111 : i32 to index
        %get3A_113 = arith.constant 0 : index
        %get3A_114 = tpu.vector_load %arg28[%get3A_112, %get3A_113] {strides = array<i32>} : memref<128x128xf32, #tpu.memory_space<vmem>>, vector<16xf32>,
        %mul3A_115 = arith.mulf %get3A_114, %gather3A_92 : vector<16xf32>
        %add3A_116 = arith.constant 1 : i32
        %add3A_117 = arith.addi %mul3A_86, %add3A_116 : i32
        %swap3A_118 = arith.index_cast %add3A_117 : i32 to index
        %swap3A_119 = arith.constant 0 : index
        %swap3A_120 = tpu.vector_load %arg28[%swap3A_118, %swap3A_119] {strides = array<i32>} : memref<128x128xf32, #tpu.memory_space<vmem>>, vector<16xf32>,
        tpu.vector_store %arg28[%swap3A_118, %swap3A_119], %mul3A_115 {strides = array<i32>} : memref<128x128xf32, #tpu.memory_space<vmem>>, vector<16xf32>,
        %add3A_121 = arith.constant 2 : i32
        %add3A_122 = arith.addi %mul3A_86, %add3A_121 : i32
        %get3A_123 = arith.index_cast %add3A_122 : i32 to index
        %get3A_124 = arith.constant 0 : index
        %get3A_125 = tpu.vector_load %arg28[%get3A_123, %get3A_124] {strides = array<i32>} : memref<128x128xf32, #tpu.memory_space<vmem>>, vector<16xf32>,
        %mul3A_126 = arith.mulf %get3A_125, %gather3A_96 : vector<16xf32>
        %add3A_127 = arith.constant 2 : i32
        %add3A_128 = arith.addi %mul3A_86, %add3A_127 : i32
        %swap3A_129 = arith.index_cast %add3A_128 : i32 to index
        %swap3A_130 = arith.constant 0 : index
        %swap3A_131 = tpu.vector_load %arg28[%swap3A_129, %swap3A_130] {strides = array<i32>} : memref<128x128xf32, #tpu.memory_space<vmem>>, vector<16xf32>,
        tpu.vector_store %arg28[%swap3A_129, %swap3A_130], %mul3A_126 {strides = array<i32>} : memref<128x128xf32, #tpu.memory_space<vmem>>, vector<16xf32>,
        %add3A_132 = arith.constant 3 : i32
        %add3A_133 = arith.addi %mul3A_86, %add3A_132 : i32
        %get3A_134 = arith.index_cast %add3A_133 : i32 to index
        %get3A_135 = arith.constant 0 : index
        %get3A_136 = tpu.vector_load %arg28[%get3A_134, %get3A_135] {strides = array<i32>} : memref<128x128xf32, #tpu.memory_space<vmem>>, vector<16xf32>,
        %mul3A_137 = arith.mulf %get3A_136, %gather3A_100 : vector<16xf32>
        %add3A_138 = arith.constant 3 : i32
        %add3A_139 = arith.addi %mul3A_86, %add3A_138 : i32
        %swap3A_140 = arith.index_cast %add3A_139 : i32 to index
        %swap3A_141 = arith.constant 0 : index
        %swap3A_142 = tpu.vector_load %arg28[%swap3A_140, %swap3A_141] {strides = array<i32>} : memref<128x128xf32, #tpu.memory_space<vmem>>, vector<16xf32>,
        tpu.vector_store %arg28[%swap3A_140, %swap3A_141], %mul3A_137 {strides = array<i32>} : memref<128x128xf32, #tpu.memory_space<vmem>>, vector<16xf32>,
        %add3A_143 = arith.constant 0 : i32
        %add3A_144 = arith.addi %mul3A_86, %add3A_143 : i32
        %get3A_145 = arith.index_cast %add3A_144 : i32 to index
        %get3A_146 = arith.constant 16 : index
        %get3A_147 = tpu.vector_load %arg28[%get3A_145, %get3A_146] {strides = array<i32>} : memref<128x128xf32, #tpu.memory_space<vmem>>, vector<16xf32>,
        %mul3A_148 = arith.mulf %get3A_147, %gather3A : vector<16xf32>
        %add3A_149 = arith.constant 0 : i32
        %add3A_150 = arith.addi %mul3A_86, %add3A_149 : i32
        %swap3A_151 = arith.index_cast %add3A_150 : i32 to index
        %swap3A_152 = arith.constant 16 : index
        %swap3A_153 = tpu.vector_load %arg28[%swap3A_151, %swap3A_152] {strides = array<i32>} : memref<128x128xf32, #tpu.memory_space<vmem>>, vector<16xf32>,
        tpu.vector_store %arg28[%swap3A_151, %swap3A_152], %mul3A_148 {strides = array<i32>} : memref<128x128xf32, #tpu.memory_space<vmem>>, vector<16xf32>,
        %add3A_154 = arith.constant 1 : i32
        %add3A_155 = arith.addi %mul3A_86, %add3A_154 : i32
        %get3A_156 = arith.index_cast %add3A_155 : i32 to index
        %get3A_157 = arith.constant 16 : index
        %get3A_158 = tpu.vector_load %arg28[%get3A_156, %get3A_157] {strides = array<i32>} : memref<128x128xf32, #tpu.memory_space<vmem>>, vector<16xf32>,
        %mul3A_159 = arith.mulf %get3A_158, %gather3A_92 : vector<16xf32>
        %add3A_160 = arith.constant 1 : i32
        %add3A_161 = arith.addi %mul3A_86, %add3A_160 : i32
        %swap3A_162 = arith.index_cast %add3A_161 : i32 to index
        %swap3A_163 = arith.constant 16 : index
        %swap3A_164 = tpu.vector_load %arg28[%swap3A_162, %swap3A_163] {strides = array<i32>} : memref<128x128xf32, #tpu.memory_space<vmem>>, vector<16xf32>,
        tpu.vector_store %arg28[%swap3A_162, %swap3A_163], %mul3A_159 {strides = array<i32>} : memref<128x128xf32, #tpu.memory_space<vmem>>, vector<16xf32>,
        %add3A_165 = arith.constant 2 : i32
        %add3A_166 = arith.addi %mul3A_86, %add3A_165 : i32
        %get3A_167 = arith.index_cast %add3A_166 : i32 to index
        %get3A_168 = arith.constant 16 : index
        %get3A_169 = tpu.vector_load %arg28[%get3A_167, %get3A_168] {strides = array<i32>} : memref<128x128xf32, #tpu.memory_space<vmem>>, vector<16xf32>,
        %mul3A_170 = arith.mulf %get3A_169, %gather3A_96 : vector<16xf32>
        %add3A_171 = arith.constant 2 : i32
        %add3A_172 = arith.addi %mul3A_86, %add3A_171 : i32
        %swap3A_173 = arith.index_cast %add3A_172 : i32 to index
        %swap3A_174 = arith.constant 16 : index
        %swap3A_175 = tpu.vector_load %arg28[%swap3A_173, %swap3A_174] {strides = array<i32>} : memref<128x128xf32, #tpu.memory_space<vmem>>, vector<16xf32>,
        tpu.vector_store %arg28[%swap3A_173, %swap3A_174], %mul3A_170 {strides = array<i32>} : memref<128x128xf32, #tpu.memory_space<vmem>>, vector<16xf32>,
        %add3A_176 = arith.constant 3 : i32
        %add3A_177 = arith.addi %mul3A_86, %add3A_176 : i32
        %get3A_178 = arith.index_cast %add3A_177 : i32 to index
        %get3A_179 = arith.constant 16 : index
        %get3A_180 = tpu.vector_load %arg28[%get3A_178, %get3A_179] {strides = array<i32>} : memref<128x128xf32, #tpu.memory_space<vmem>>, vector<16xf32>,
        %mul3A_181 = arith.mulf %get3A_180, %gather3A_100 : vector<16xf32>
        %add3A_182 = arith.constant 3 : i32
        %add3A_183 = arith.addi %mul3A_86, %add3A_182 : i32
        %swap3A_184 = arith.index_cast %add3A_183 : i32 to index
        %swap3A_185 = arith.constant 16 : index
        %swap3A_186 = tpu.vector_load %arg28[%swap3A_184, %swap3A_185] {strides = array<i32>} : memref<128x128xf32, #tpu.memory_space<vmem>>, vector<16xf32>,
        tpu.vector_store %arg28[%swap3A_184, %swap3A_185], %mul3A_181 {strides = array<i32>} : memref<128x128xf32, #tpu.memory_space<vmem>>, vector<16xf32>,
        %add3A_187 = arith.constant 0 : i32
        %add3A_188 = arith.addi %mul3A_86, %add3A_187 : i32
        %get3A_189 = arith.index_cast %add3A_188 : i32 to index
        %get3A_190 = arith.constant 32 : index
        %get3A_191 = tpu.vector_load %arg28[%get3A_189, %get3A_190] {strides = array<i32>} : memref<128x128xf32, #tpu.memory_space<vmem>>, vector<16xf32>,
        %mul3A_192 = arith.mulf %get3A_191, %gather3A : vector<16xf32>
        %add3A_193 = arith.constant 0 : i32
        %add3A_194 = arith.addi %mul3A_86, %add3A_193 : i32
        %swap3A_195 = arith.index_cast %add3A_194 : i32 to index
        %swap3A_196 = arith.constant 32 : index
        %swap3A_197 = tpu.vector_load %arg28[%swap3A_195, %swap3A_196] {strides = array<i32>} : memref<128x128xf32, #tpu.memory_space<vmem>>, vector<16xf32>,
        tpu.vector_store %arg28[%swap3A_195, %swap3A_196], %mul3A_192 {strides = array<i32>} : memref<128x128xf32, #tpu.memory_space<vmem>>, vector<16xf32>,
        %add3A_198 = arith.constant 1 : i32
        %add3A_199 = arith.addi %mul3A_86, %add3A_198 : i32
        %get3A_200 = arith.index_cast %add3A_199 : i32 to index
        %get3A_201 = arith.constant 32 : index
        %get3A_202 = tpu.vector_load %arg28[%get3A_200, %get3A_201] {strides = array<i32>} : memref<128x128xf32, #tpu.memory_space<vmem>>, vector<16xf32>,
        %mul3A_203 = arith.mulf %get3A_202, %gather3A_92 : vector<16xf32>
        %add3A_204 = arith.constant 1 : i32
        %add3A_205 = arith.addi %mul3A_86, %add3A_204 : i32
        %swap3A_206 = arith.index_cast %add3A_205 : i32 to index
        %swap3A_207 = arith.constant 32 : index
        %swap3A_208 = tpu.vector_load %arg28[%swap3A_206, %swap3A_207] {strides = array<i32>} : memref<128x128xf32, #tpu.memory_space<vmem>>, vector<16xf32>,
        tpu.vector_store %arg28[%swap3A_206, %swap3A_207], %mul3A_203 {strides = array<i32>} : memref<128x128xf32, #tpu.memory_space<vmem>>, vector<16xf32>,
        %add3A_209 = arith.constant 2 : i32
        %add3A_210 = arith.addi %mul3A_86, %add3A_209 : i32
        %get3A_211 = arith.index_cast %add3A_210 : i32 to index
        %get3A_212 = arith.constant 32 : index
        %get3A_213 = tpu.vector_load %arg28[%get3A_211, %get3A_212] {strides = array<i32>} : memref<128x128xf32, #tpu.memory_space<vmem>>, vector<16xf32>,
        %mul3A_214 = arith.mulf %get3A_213, %gather3A_96 : vector<16xf32>
        %add3A_215 = arith.constant 2 : i32
        %add3A_216 = arith.addi %mul3A_86, %add3A_215 : i32
        %swap3A_217 = arith.index_cast %add3A_216 : i32 to index
        %swap3A_218 = arith.constant 32 : index
        %swap3A_219 = tpu.vector_load %arg28[%swap3A_217, %swap3A_218] {strides = array<i32>} : memref<128x128xf32, #tpu.memory_space<vmem>>, vector<16xf32>,
        tpu.vector_store %arg28[%swap3A_217, %swap3A_218], %mul3A_214 {strides = array<i32>} : memref<128x128xf32, #tpu.memory_space<vmem>>, vector<16xf32>,
        %add3A_220 = arith.constant 3 : i32
        %add3A_221 = arith.addi %mul3A_86, %add3A_220 : i32
        %get3A_222 = arith.index_cast %add3A_221 : i32 to index
        %get3A_223 = arith.constant 32 : index
        %get3A_224 = tpu.vector_load %arg28[%get3A_222, %get3A_223] {strides = array<i32>} : memref<128x128xf32, #tpu.memory_space<vmem>>, vector<16xf32>,
        %mul3A_225 = arith.mulf %get3A_224, %gather3A_100 : vector<16xf32>
        %add3A_226 = arith.constant 3 : i32
        %add3A_227 = arith.addi %mul3A_86, %add3A_226 : i32
        %swap3A_228 = arith.index_cast %add3A_227 : i32 to index
        %swap3A_229 = arith.constant 32 : index
        %swap3A_230 = tpu.vector_load %arg28[%swap3A_228, %swap3A_229] {strides = array<i32>} : memref<128x128xf32, #tpu.memory_space<vmem>>, vector<16xf32>,
        tpu.vector_store %arg28[%swap3A_228, %swap3A_229], %mul3A_225 {strides = array<i32>} : memref<128x128xf32, #tpu.memory_space<vmem>>, vector<16xf32>,
        %add3A_231 = arith.constant 0 : i32
        %add3A_232 = arith.addi %mul3A_86, %add3A_231 : i32
        %get3A_233 = arith.index_cast %add3A_232 : i32 to index
        %get3A_234 = arith.constant 48 : index
        %get3A_235 = tpu.vector_load %arg28[%get3A_233, %get3A_234] {strides = array<i32>} : memref<128x128xf32, #tpu.memory_space<vmem>>, vector<16xf32>,
        %mul3A_236 = arith.mulf %get3A_235, %gather3A : vector<16xf32>
        %add3A_237 = arith.constant 0 : i32
        %add3A_238 = arith.addi %mul3A_86, %add3A_237 : i32
        %swap3A_239 = arith.index_cast %add3A_238 : i32 to index
        %swap3A_240 = arith.constant 48 : index
        %swap3A_241 = tpu.vector_load %arg28[%swap3A_239, %swap3A_240] {strides = array<i32>} : memref<128x128xf32, #tpu.memory_space<vmem>>, vector<16xf32>,
        tpu.vector_store %arg28[%swap3A_239, %swap3A_240], %mul3A_236 {strides = array<i32>} : memref<128x128xf32, #tpu.memory_space<vmem>>, vector<16xf32>,
        %add3A_242 = arith.constant 1 : i32
        %add3A_243 = arith.addi %mul3A_86, %add3A_242 : i32
        %get3A_244 = arith.index_cast %add3A_243 : i32 to index
        %get3A_245 = arith.constant 48 : index
        %get3A_246 = tpu.vector_load %arg28[%get3A_244, %get3A_245] {strides = array<i32>} : memref<128x128xf32, #tpu.memory_space<vmem>>, vector<16xf32>,
        %mul3A_247 = arith.mulf %get3A_246, %gather3A_92 : vector<16xf32>
        %add3A_248 = arith.constant 1 : i32
        %add3A_249 = arith.addi %mul3A_86, %add3A_248 : i32
        %swap3A_250 = arith.index_cast %add3A_249 : i32 to index
        %swap3A_251 = arith.constant 48 : index
        %swap3A_252 = tpu.vector_load %arg28[%swap3A_250, %swap3A_251] {strides = array<i32>} : memref<128x128xf32, #tpu.memory_space<vmem>>, vector<16xf32>,
        tpu.vector_store %arg28[%swap3A_250, %swap3A_251], %mul3A_247 {strides = array<i32>} : memref<128x128xf32, #tpu.memory_space<vmem>>, vector<16xf32>,
        %add3A_253 = arith.constant 2 : i32
        %add3A_254 = arith.addi %mul3A_86, %add3A_253 : i32
        %get3A_255 = arith.index_cast %add3A_254 : i32 to index
        %get3A_256 = arith.constant 48 : index
        %get3A_257 = tpu.vector_load %arg28[%get3A_255, %get3A_256] {strides = array<i32>} : memref<128x128xf32, #tpu.memory_space<vmem>>, vector<16xf32>,
        %mul3A_258 = arith.mulf %get3A_257, %gather3A_96 : vector<16xf32>
        %add3A_259 = arith.constant 2 : i32
        %add3A_260 = arith.addi %mul3A_86, %add3A_259 : i32
        %swap3A_261 = arith.index_cast %add3A_260 : i32 to index
        %swap3A_262 = arith.constant 48 : index
        %swap3A_263 = tpu.vector_load %arg28[%swap3A_261, %swap3A_262] {strides = array<i32>} : memref<128x128xf32, #tpu.memory_space<vmem>>, vector<16xf32>,
        tpu.vector_store %arg28[%swap3A_261, %swap3A_262], %mul3A_258 {strides = array<i32>} : memref<128x128xf32, #tpu.memory_space<vmem>>, vector<16xf32>,
        %add3A_264 = arith.constant 3 : i32
        %add3A_265 = arith.addi %mul3A_86, %add3A_264 : i32
        %get3A_266 = arith.index_cast %add3A_265 : i32 to index
        %get3A_267 = arith.constant 48 : index
        %get3A_268 = tpu.vector_load %arg28[%get3A_266, %get3A_267] {strides = array<i32>} : memref<128x128xf32, #tpu.memory_space<vmem>>, vector<16xf32>,
        %mul3A_269 = arith.mulf %get3A_268, %gather3A_100 : vector<16xf32>
        %add3A_270 = arith.constant 3 : i32
        %add3A_271 = arith.addi %mul3A_86, %add3A_270 : i32
        %swap3A_272 = arith.index_cast %add3A_271 : i32 to index
        %swap3A_273 = arith.constant 48 : index
        %swap3A_274 = tpu.vector_load %arg28[%swap3A_272, %swap3A_273] {strides = array<i32>} : memref<128x128xf32, #tpu.memory_space<vmem>>, vector<16xf32>,
        tpu.vector_store %arg28[%swap3A_272, %swap3A_273], %mul3A_269 {strides = array<i32>} : memref<128x128xf32, #tpu.memory_space<vmem>>, vector<16xf32>,
        %add3A_275 = arith.constant 0 : i32
        %add3A_276 = arith.addi %mul3A_86, %add3A_275 : i32
        %get3A_277 = arith.index_cast %add3A_276 : i32 to index
        %get3A_278 = arith.constant 64 : index
        %get3A_279 = tpu.vector_load %arg28[%get3A_277, %get3A_278] {strides = array<i32>} : memref<128x128xf32, #tpu.memory_space<vmem>>, vector<16xf32>,
        %mul3A_280 = arith.mulf %get3A_279, %gather3A : vector<16xf32>
        %add3A_281 = arith.constant 0 : i32
        %add3A_282 = arith.addi %mul3A_86, %add3A_281 : i32
        %swap3A_283 = arith.index_cast %add3A_282 : i32 to index
        %swap3A_284 = arith.constant 64 : index
        %swap3A_285 = tpu.vector_load %arg28[%swap3A_283, %swap3A_284] {strides = array<i32>} : memref<128x128xf32, #tpu.memory_space<vmem>>, vector<16xf32>,
        tpu.vector_store %arg28[%swap3A_283, %swap3A_284], %mul3A_280 {strides = array<i32>} : memref<128x128xf32, #tpu.memory_space<vmem>>, vector<16xf32>,
        %add3A_286 = arith.constant 1 : i32
        %add3A_287 = arith.addi %mul3A_86, %add3A_286 : i32
        %get3A_288 = arith.index_cast %add3A_287 : i32 to index
        %get3A_289 = arith.constant 64 : index
        %get3A_290 = tpu.vector_load %arg28[%get3A_288, %get3A_289] {strides = array<i32>} : memref<128x128xf32, #tpu.memory_space<vmem>>, vector<16xf32>,
        %mul3A_291 = arith.mulf %get3A_290, %gather3A_92 : vector<16xf32>
        %add3A_292 = arith.constant 1 : i32
        %add3A_293 = arith.addi %mul3A_86, %add3A_292 : i32
        %swap3A_294 = arith.index_cast %add3A_293 : i32 to index
        %swap3A_295 = arith.constant 64 : index
        %swap3A_296 = tpu.vector_load %arg28[%swap3A_294, %swap3A_295] {strides = array<i32>} : memref<128x128xf32, #tpu.memory_space<vmem>>, vector<16xf32>,
        tpu.vector_store %arg28[%swap3A_294, %swap3A_295], %mul3A_291 {strides = array<i32>} : memref<128x128xf32, #tpu.memory_space<vmem>>, vector<16xf32>,
        %add3A_297 = arith.constant 2 : i32
        %add3A_298 = arith.addi %mul3A_86, %add3A_297 : i32
        %get3A_299 = arith.index_cast %add3A_298 : i32 to index
        %get3A_300 = arith.constant 64 : index
        %get3A_301 = tpu.vector_load %arg28[%get3A_299, %get3A_300] {strides = array<i32>} : memref<128x128xf32, #tpu.memory_space<vmem>>, vector<16xf32>,
        %mul3A_302 = arith.mulf %get3A_301, %gather3A_96 : vector<16xf32>
        %add3A_303 = arith.constant 2 : i32
        %add3A_304 = arith.addi %mul3A_86, %add3A_303 : i32
        %swap3A_305 = arith.index_cast %add3A_304 : i32 to index
        %swap3A_306 = arith.constant 64 : index
        %swap3A_307 = tpu.vector_load %arg28[%swap3A_305, %swap3A_306] {strides = array<i32>} : memref<128x128xf32, #tpu.memory_space<vmem>>, vector<16xf32>,
        tpu.vector_store %arg28[%swap3A_305, %swap3A_306], %mul3A_302 {strides = array<i32>} : memref<128x128xf32, #tpu.memory_space<vmem>>, vector<16xf32>,
        %add3A_308 = arith.constant 3 : i32
        %add3A_309 = arith.addi %mul3A_86, %add3A_308 : i32
        %get3A_310 = arith.index_cast %add3A_309 : i32 to index
        %get3A_311 = arith.constant 64 : index
        %get3A_312 = tpu.vector_load %arg28[%get3A_310, %get3A_311] {strides = array<i32>} : memref<128x128xf32, #tpu.memory_space<vmem>>, vector<16xf32>,
        %mul3A_313 = arith.mulf %get3A_312, %gather3A_100 : vector<16xf32>
        %add3A_314 = arith.constant 3 : i32
        %add3A_315 = arith.addi %mul3A_86, %add3A_314 : i32
        %swap3A_316 = arith.index_cast %add3A_315 : i32 to index
        %swap3A_317 = arith.constant 64 : index
        %swap3A_318 = tpu.vector_load %arg28[%swap3A_316, %swap3A_317] {strides = array<i32>} : memref<128x128xf32, #tpu.memory_space<vmem>>, vector<16xf32>,
        tpu.vector_store %arg28[%swap3A_316, %swap3A_317], %mul3A_313 {strides = array<i32>} : memref<128x128xf32, #tpu.memory_space<vmem>>, vector<16xf32>,
        %add3A_319 = arith.constant 0 : i32
        %add3A_320 = arith.addi %mul3A_86, %add3A_319 : i32
        %get3A_321 = arith.index_cast %add3A_320 : i32 to index
        %get3A_322 = arith.constant 80 : index
        %get3A_323 = tpu.vector_load %arg28[%get3A_321, %get3A_322] {strides = array<i32>} : memref<128x128xf32, #tpu.memory_space<vmem>>, vector<16xf32>,
        %mul3A_324 = arith.mulf %get3A_323, %gather3A : vector<16xf32>
        %add3A_325 = arith.constant 0 : i32
        %add3A_326 = arith.addi %mul3A_86, %add3A_325 : i32
        %swap3A_327 = arith.index_cast %add3A_326 : i32 to index
        %swap3A_328 = arith.constant 80 : index
        %swap3A_329 = tpu.vector_load %arg28[%swap3A_327, %swap3A_328] {strides = array<i32>} : memref<128x128xf32, #tpu.memory_space<vmem>>, vector<16xf32>,
        tpu.vector_store %arg28[%swap3A_327, %swap3A_328], %mul3A_324 {strides = array<i32>} : memref<128x128xf32, #tpu.memory_space<vmem>>, vector<16xf32>,
        %add3A_330 = arith.constant 1 : i32
        %add3A_331 = arith.addi %mul3A_86, %add3A_330 : i32
        %get3A_332 = arith.index_cast %add3A_331 : i32 to index
        %get3A_333 = arith.constant 80 : index
        %get3A_334 = tpu.vector_load %arg28[%get3A_332, %get3A_333] {strides = array<i32>} : memref<128x128xf32, #tpu.memory_space<vmem>>, vector<16xf32>,
        %mul3A_335 = arith.mulf %get3A_334, %gather3A_92 : vector<16xf32>
        %add3A_336 = arith.constant 1 : i32
        %add3A_337 = arith.addi %mul3A_86, %add3A_336 : i32
        %swap3A_338 = arith.index_cast %add3A_337 : i32 to index
        %swap3A_339 = arith.constant 80 : index
        %swap3A_340 = tpu.vector_load %arg28[%swap3A_338, %swap3A_339] {strides = array<i32>} : memref<128x128xf32, #tpu.memory_space<vmem>>, vector<16xf32>,
        tpu.vector_store %arg28[%swap3A_338, %swap3A_339], %mul3A_335 {strides = array<i32>} : memref<128x128xf32, #tpu.memory_space<vmem>>, vector<16xf32>,
        %add3A_341 = arith.constant 2 : i32
        %add3A_342 = arith.addi %mul3A_86, %add3A_341 : i32
        %get3A_343 = arith.index_cast %add3A_342 : i32 to index
        %get3A_344 = arith.constant 80 : index
        %get3A_345 = tpu.vector_load %arg28[%get3A_343, %get3A_344] {strides = array<i32>} : memref<128x128xf32, #tpu.memory_space<vmem>>, vector<16xf32>,
        %mul3A_346 = arith.mulf %get3A_345, %gather3A_96 : vector<16xf32>
        %add3A_347 = arith.constant 2 : i32
        %add3A_348 = arith.addi %mul3A_86, %add3A_347 : i32
        %swap3A_349 = arith.index_cast %add3A_348 : i32 to index
        %swap3A_350 = arith.constant 80 : index
        %swap3A_351 = tpu.vector_load %arg28[%swap3A_349, %swap3A_350] {strides = array<i32>} : memref<128x128xf32, #tpu.memory_space<vmem>>, vector<16xf32>,
        tpu.vector_store %arg28[%swap3A_349, %swap3A_350], %mul3A_346 {strides = array<i32>} : memref<128x128xf32, #tpu.memory_space<vmem>>, vector<16xf32>,
        %add3A_352 = arith.constant 3 : i32
        %add3A_353 = arith.addi %mul3A_86, %add3A_352 : i32
        %get3A_354 = arith.index_cast %add3A_353 : i32 to index
        %get3A_355 = arith.constant 80 : index
        %get3A_356 = tpu.vector_load %arg28[%get3A_354, %get3A_355] {strides = array<i32>} : memref<128x128xf32, #tpu.memory_space<vmem>>, vector<16xf32>,
        %mul3A_357 = arith.mulf %get3A_356, %gather3A_100 : vector<16xf32>
        %add3A_358 = arith.constant 3 : i32
        %add3A_359 = arith.addi %mul3A_86, %add3A_358 : i32
        %swap3A_360 = arith.index_cast %add3A_359 : i32 to index
        %swap3A_361 = arith.constant 80 : index
        %swap3A_362 = tpu.vector_load %arg28[%swap3A_360, %swap3A_361] {strides = array<i32>} : memref<128x128xf32, #tpu.memory_space<vmem>>, vector<16xf32>,
        tpu.vector_store %arg28[%swap3A_360, %swap3A_361], %mul3A_357 {strides = array<i32>} : memref<128x128xf32, #tpu.memory_space<vmem>>, vector<16xf32>,
        %add3A_363 = arith.constant 0 : i32
        %add3A_364 = arith.addi %mul3A_86, %add3A_363 : i32
        %get3A_365 = arith.index_cast %add3A_364 : i32 to index
        %get3A_366 = arith.constant 96 : index
        %get3A_367 = tpu.vector_load %arg28[%get3A_365, %get3A_366] {strides = array<i32>} : memref<128x128xf32, #tpu.memory_space<vmem>>, vector<16xf32>,
        %mul3A_368 = arith.mulf %get3A_367, %gather3A : vector<16xf32>
        %add3A_369 = arith.constant 0 : i32
        %add3A_370 = arith.addi %mul3A_86, %add3A_369 : i32
        %swap3A_371 = arith.index_cast %add3A_370 : i32 to index
        %swap3A_372 = arith.constant 96 : index
        %swap3A_373 = tpu.vector_load %arg28[%swap3A_371, %swap3A_372] {strides = array<i32>} : memref<128x128xf32, #tpu.memory_space<vmem>>, vector<16xf32>,
        tpu.vector_store %arg28[%swap3A_371, %swap3A_372], %mul3A_368 {strides = array<i32>} : memref<128x128xf32, #tpu.memory_space<vmem>>, vector<16xf32>,
        %add3A_374 = arith.constant 1 : i32
        %add3A_375 = arith.addi %mul3A_86, %add3A_374 : i32
        %get3A_376 = arith.index_cast %add3A_375 : i32 to index
        %get3A_377 = arith.constant 96 : index
        %get3A_378 = tpu.vector_load %arg28[%get3A_376, %get3A_377] {strides = array<i32>} : memref<128x128xf32, #tpu.memory_space<vmem>>, vector<16xf32>,
        %mul3A_379 = arith.mulf %get3A_378, %gather3A_92 : vector<16xf32>
        %add3A_380 = arith.constant 1 : i32
        %add3A_381 = arith.addi %mul3A_86, %add3A_380 : i32
        %swap3A_382 = arith.index_cast %add3A_381 : i32 to index
        %swap3A_383 = arith.constant 96 : index
        %swap3A_384 = tpu.vector_load %arg28[%swap3A_382, %swap3A_383] {strides = array<i32>} : memref<128x128xf32, #tpu.memory_space<vmem>>, vector<16xf32>,
        tpu.vector_store %arg28[%swap3A_382, %swap3A_383], %mul3A_379 {strides = array<i32>} : memref<128x128xf32, #tpu.memory_space<vmem>>, vector<16xf32>,
        %add3A_385 = arith.constant 2 : i32
        %add3A_386 = arith.addi %mul3A_86, %add3A_385 : i32
        %get3A_387 = arith.index_cast %add3A_386 : i32 to index
        %get3A_388 = arith.constant 96 : index
        %get3A_389 = tpu.vector_load %arg28[%get3A_387, %get3A_388] {strides = array<i32>} : memref<128x128xf32, #tpu.memory_space<vmem>>, vector<16xf32>,
        %mul3A_390 = arith.mulf %get3A_389, %gather3A_96 : vector<16xf32>
        %add3A_391 = arith.constant 2 : i32
        %add3A_392 = arith.addi %mul3A_86, %add3A_391 : i32
        %swap3A_393 = arith.index_cast %add3A_392 : i32 to index
        %swap3A_394 = arith.constant 96 : index
        %swap3A_395 = tpu.vector_load %arg28[%swap3A_393, %swap3A_394] {strides = array<i32>} : memref<128x128xf32, #tpu.memory_space<vmem>>, vector<16xf32>,
        tpu.vector_store %arg28[%swap3A_393, %swap3A_394], %mul3A_390 {strides = array<i32>} : memref<128x128xf32, #tpu.memory_space<vmem>>, vector<16xf32>,
        %add3A_396 = arith.constant 3 : i32
        %add3A_397 = arith.addi %mul3A_86, %add3A_396 : i32
        %get3A_398 = arith.index_cast %add3A_397 : i32 to index
        %get3A_399 = arith.constant 96 : index
        %get3A_400 = tpu.vector_load %arg28[%get3A_398, %get3A_399] {strides = array<i32>} : memref<128x128xf32, #tpu.memory_space<vmem>>, vector<16xf32>,
        %mul3A_401 = arith.mulf %get3A_400, %gather3A_100 : vector<16xf32>
        %add3A_402 = arith.constant 3 : i32
        %add3A_403 = arith.addi %mul3A_86, %add3A_402 : i32
        %swap3A_404 = arith.index_cast %add3A_403 : i32 to index
        %swap3A_405 = arith.constant 96 : index
        %swap3A_406 = tpu.vector_load %arg28[%swap3A_404, %swap3A_405] {strides = array<i32>} : memref<128x128xf32, #tpu.memory_space<vmem>>, vector<16xf32>,
        tpu.vector_store %arg28[%swap3A_404, %swap3A_405], %mul3A_401 {strides = array<i32>} : memref<128x128xf32, #tpu.memory_space<vmem>>, vector<16xf32>,
        %add3A_407 = arith.constant 0 : i32
        %add3A_408 = arith.addi %mul3A_86, %add3A_407 : i32
        %get3A_409 = arith.index_cast %add3A_408 : i32 to index
        %get3A_410 = arith.constant 112 : index
        %get3A_411 = tpu.vector_load %arg28[%get3A_409, %get3A_410] {strides = array<i32>} : memref<128x128xf32, #tpu.memory_space<vmem>>, vector<16xf32>,
        %mul3A_412 = arith.mulf %get3A_411, %gather3A : vector<16xf32>
        %add3A_413 = arith.constant 0 : i32
        %add3A_414 = arith.addi %mul3A_86, %add3A_413 : i32
        %swap3A_415 = arith.index_cast %add3A_414 : i32 to index
        %swap3A_416 = arith.constant 112 : index
        %swap3A_417 = tpu.vector_load %arg28[%swap3A_415, %swap3A_416] {strides = array<i32>} : memref<128x128xf32, #tpu.memory_space<vmem>>, vector<16xf32>,
        tpu.vector_store %arg28[%swap3A_415, %swap3A_416], %mul3A_412 {strides = array<i32>} : memref<128x128xf32, #tpu.memory_space<vmem>>, vector<16xf32>,
        %add3A_418 = arith.constant 1 : i32
        %add3A_419 = arith.addi %mul3A_86, %add3A_418 : i32
        %get3A_420 = arith.index_cast %add3A_419 : i32 to index
        %get3A_421 = arith.constant 112 : index
        %get3A_422 = tpu.vector_load %arg28[%get3A_420, %get3A_421] {strides = array<i32>} : memref<128x128xf32, #tpu.memory_space<vmem>>, vector<16xf32>,
        %mul3A_423 = arith.mulf %get3A_422, %gather3A_92 : vector<16xf32>
        %add3A_424 = arith.constant 1 : i32
        %add3A_425 = arith.addi %mul3A_86, %add3A_424 : i32
        %swap3A_426 = arith.index_cast %add3A_425 : i32 to index
        %swap3A_427 = arith.constant 112 : index
        %swap3A_428 = tpu.vector_load %arg28[%swap3A_426, %swap3A_427] {strides = array<i32>} : memref<128x128xf32, #tpu.memory_space<vmem>>, vector<16xf32>,
        tpu.vector_store %arg28[%swap3A_426, %swap3A_427], %mul3A_423 {strides = array<i32>} : memref<128x128xf32, #tpu.memory_space<vmem>>, vector<16xf32>,
        %add3A_429 = arith.constant 2 : i32
        %add3A_430 = arith.addi %mul3A_86, %add3A_429 : i32
        %get3A_431 = arith.index_cast %add3A_430 : i32 to index
        %get3A_432 = arith.constant 112 : index
        %get3A_433 = tpu.vector_load %arg28[%get3A_431, %get3A_432] {strides = array<i32>} : memref<128x128xf32, #tpu.memory_space<vmem>>, vector<16xf32>,
        %mul3A_434 = arith.mulf %get3A_433, %gather3A_96 : vector<16xf32>
        %add3A_435 = arith.constant 2 : i32
        %add3A_436 = arith.addi %mul3A_86, %add3A_435 : i32
        %swap3A_437 = arith.index_cast %add3A_436 : i32 to index
        %swap3A_438 = arith.constant 112 : index
        %swap3A_439 = tpu.vector_load %arg28[%swap3A_437, %swap3A_438] {strides = array<i32>} : memref<128x128xf32, #tpu.memory_space<vmem>>, vector<16xf32>,
        tpu.vector_store %arg28[%swap3A_437, %swap3A_438], %mul3A_434 {strides = array<i32>} : memref<128x128xf32, #tpu.memory_space<vmem>>, vector<16xf32>,
        %add3A_440 = arith.constant 3 : i32
        %add3A_441 = arith.addi %mul3A_86, %add3A_440 : i32
        %get3A_442 = arith.index_cast %add3A_441 : i32 to index
        %get3A_443 = arith.constant 112 : index
        %get3A_444 = tpu.vector_load %arg28[%get3A_442, %get3A_443] {strides = array<i32>} : memref<128x128xf32, #tpu.memory_space<vmem>>, vector<16xf32>,
        %mul3A_445 = arith.mulf %get3A_444, %gather3A_100 : vector<16xf32>
        %add3A_446 = arith.constant 3 : i32
        %add3A_447 = arith.addi %mul3A_86, %add3A_446 : i32
        %swap3A_448 = arith.index_cast %add3A_447 : i32 to index
        %swap3A_449 = arith.constant 112 : index
        %swap3A_450 = tpu.vector_load %arg28[%swap3A_448, %swap3A_449] {strides = array<i32>} : memref<128x128xf32, #tpu.memory_space<vmem>>, vector<16xf32>,
        tpu.vector_store %arg28[%swap3A_448, %swap3A_449], %mul3A_445 {strides = array<i32>} : memref<128x128xf32, #tpu.memory_space<vmem>>, vector<16xf32>,
      }
      %scan3A_83 = arith.constant 32 : i32
      "tpu.region"() ({
        %run_scoped3A = tpu.sem_alloc : memref<!tpu.dma_semaphore, #tpu.memory_space<semaphore_mem>>
        %dma_start3A_84 = arith.constant 0 : i32
        %dma_start3A_85 = tpu.memref_slice %arg27[%scan3A_59, %dma_start3A_84] : memref<25x128xi32, #tpu.memory_space<vmem>> -> memref<1x128xi32, #tpu.memory_space<vmem>>
        %dma_start3A_86 = tpu.memref_squeeze %dma_start3A_85 : memref<1x128xi32, #tpu.memory_space<vmem>> -> memref<128xi32, #tpu.memory_space<vmem>>
        %dma_start3A_87 = arith.constant 0 : i32
        %dma_start3A_88 = arith.constant 0 : i32
        %dma_start3A_89 = tpu.memref_slice %arg30[%dma_start3A_87, %dma_start3A_88] : memref<4224x128xf32, #tpu.memory_space<vmem_shared>> -> memref<4224x128xf32, #tpu.memory_space<vmem_shared>>
        tpu.enqueue_indirect_dma source(%arg28 : memref<128x128xf32, #tpu.memory_space<vmem>>) target(%dma_start3A_89 : memref<4224x128xf32, #tpu.memory_space<vmem_shared>>) offsets(%dma_start3A_86 : memref<128xi32, #tpu.memory_space<vmem>>) semaphore(%run_scoped3A : memref<!tpu.dma_semaphore, #tpu.memory_space<semaphore_mem>>) {add = true}
        %dma_wait3A_90 = arith.constant 0 : i32
        %dma_wait3A_91 = tpu.memref_slice %arg27[%scan3A_59, %dma_wait3A_90] : memref<25x128xi32, #tpu.memory_space<vmem>> -> memref<1x128xi32, #tpu.memory_space<vmem>>
        %dma_wait3A_92 = tpu.memref_squeeze %dma_wait3A_91 : memref<1x128xi32, #tpu.memory_space<vmem>> -> memref<128xi32, #tpu.memory_space<vmem>>
        %dma_wait3A_93 = arith.constant 0 : i32
        %dma_wait3A_94 = arith.constant 0 : i32
        %dma_wait3A_95 = tpu.memref_slice %arg30[%dma_wait3A_93, %dma_wait3A_94] : memref<4224x128xf32, #tpu.memory_space<vmem_shared>> -> memref<4224x128xf32, #tpu.memory_space<vmem_shared>>
        tpu.wait_indirect_dma semaphore(%run_scoped3A : memref<!tpu.dma_semaphore, #tpu.memory_space<semaphore_mem>>) src(%arg28 : memref<128x128xf32, #tpu.memory_space<vmem>>) dst(%dma_wait3A_95 : memref<4224x128xf32, #tpu.memory_space<vmem_shared>>)
        tpu.yield
      }) : () -> ()
      "tpu.region"() ({
        %run_scoped3A = tpu.sem_alloc : memref<!tpu.dma_semaphore, #tpu.memory_space<semaphore_mem>>
        %dma_start3A_84 = arith.constant 0 : i32
        %dma_start3A_85 = tpu.memref_slice %arg27[%scan3A_59, %dma_start3A_84] : memref<25x128xi32, #tpu.memory_space<vmem>> -> memref<1x128xi32, #tpu.memory_space<vmem>>
        %dma_start3A_86 = tpu.memref_squeeze %dma_start3A_85 : memref<1x128xi32, #tpu.memory_space<vmem>> -> memref<128xi32, #tpu.memory_space<vmem>>
        %dma_start3A_87 = arith.constant 0 : i32
        %dma_start3A_88 = tpu.memref_slice %arg31[%dma_start3A_87] : memref<4224xf32, #tpu.memory_space<vmem_shared>> -> memref<4224xf32, #tpu.memory_space<vmem_shared>>
        tpu.enqueue_indirect_dma source(%arg29 : memref<128xf32, #tpu.memory_space<vmem>>) target(%dma_start3A_88 : memref<4224xf32, #tpu.memory_space<vmem_shared>>) offsets(%dma_start3A_86 : memref<128xi32, #tpu.memory_space<vmem>>) semaphore(%run_scoped3A : memref<!tpu.dma_semaphore, #tpu.memory_space<semaphore_mem>>) {add = true}
        %dma_wait3A_89 = arith.constant 0 : i32
        %dma_wait3A_90 = tpu.memref_slice %arg27[%scan3A_59, %dma_wait3A_89] : memref<25x128xi32, #tpu.memory_space<vmem>> -> memref<1x128xi32, #tpu.memory_space<vmem>>
        %dma_wait3A_91 = tpu.memref_squeeze %dma_wait3A_90 : memref<1x128xi32, #tpu.memory_space<vmem>> -> memref<128xi32, #tpu.memory_space<vmem>>
        %dma_wait3A_92 = arith.constant 0 : i32
        %dma_wait3A_93 = tpu.memref_slice %arg31[%dma_wait3A_92] : memref<4224xf32, #tpu.memory_space<vmem_shared>> -> memref<4224xf32, #tpu.memory_space<vmem_shared>>
        tpu.wait_indirect_dma semaphore(%run_scoped3A : memref<!tpu.dma_semaphore, #tpu.memory_space<semaphore_mem>>) src(%arg29 : memref<128xf32, #tpu.memory_space<vmem>>) dst(%dma_wait3A_93 : memref<4224xf32, #tpu.memory_space<vmem_shared>>)
        tpu.yield
      }) : () -> ()
    }
    %scan3A_52 = arith.constant 13 : i32
    %barrier3A_53 = arith.constant 0 : index
    tpu.barrier barrier_id(%barrier3A_53)
    %eq3A_54 = arith.constant 0 : i32
    %eq3A_55 = arith.cmpi eq, %arg1, %eq3A_54 : i32
    %convert_element_type3A_56 = arith.extui %eq3A_55 : i1 to i32
    %cond3A_57 = arith.constant 0 : i32
    %cond3A_58 = arith.cmpi ne, %convert_element_type3A_56, %cond3A_57 : i32
    scf.if %cond3A_58 {
      "tpu.region"() ({
        %run_scoped3A = tpu.sem_alloc : memref<!tpu.dma_semaphore, #tpu.memory_space<semaphore_mem>>
        %dma_start3A_59 = arith.constant 0 : i32
        %dma_start3A_60 = arith.constant 0 : i32
        %dma_start3A_61 = tpu.memref_slice %arg22[%arg0, %dma_start3A_59, %dma_start3A_60] : memref<2x4224x128xf32, #tpu.memory_space<hbm>> -> memref<1x4224x128xf32, #tpu.memory_space<hbm>>
        %dma_start3A_62 = tpu.memref_squeeze %dma_start3A_61 : memref<1x4224x128xf32, #tpu.memory_space<hbm>> -> memref<4224x128xf32, #tpu.memory_space<hbm>>
        tpu.enqueue_dma source(%arg30 : memref<4224x128xf32, #tpu.memory_space<vmem_shared>>) target(%dma_start3A_62 : memref<4224x128xf32, #tpu.memory_space<hbm>>) target_semaphore(%run_scoped3A : memref<!tpu.dma_semaphore, #tpu.memory_space<semaphore_mem>>)
        %dma_wait3A_63 = arith.constant 0 : i32
        %dma_wait3A_64 = arith.constant 0 : i32
        %dma_wait3A_65 = tpu.memref_slice %arg22[%arg0, %dma_wait3A_63, %dma_wait3A_64] : memref<2x4224x128xf32, #tpu.memory_space<hbm>> -> memref<1x4224x128xf32, #tpu.memory_space<hbm>>
        %dma_wait3A_66 = tpu.memref_squeeze %dma_wait3A_65 : memref<1x4224x128xf32, #tpu.memory_space<hbm>> -> memref<4224x128xf32, #tpu.memory_space<hbm>>
        tpu.wait_dma2 semaphore(%run_scoped3A : memref<!tpu.dma_semaphore, #tpu.memory_space<semaphore_mem>>) src(%arg30 : memref<4224x128xf32, #tpu.memory_space<vmem_shared>>) dst(%dma_wait3A_66 : memref<4224x128xf32, #tpu.memory_space<hbm>>)
        tpu.yield
      }) : () -> ()
      "tpu.region"() ({
        %run_scoped3A = tpu.sem_alloc : memref<!tpu.dma_semaphore, #tpu.memory_space<semaphore_mem>>
        %dma_start3A_59 = arith.constant 0 : i32
        %dma_start3A_60 = tpu.memref_slice %arg23[%arg0, %dma_start3A_59] : memref<2x4224xf32, #tpu.memory_space<hbm>> -> memref<1x4224xf32, #tpu.memory_space<hbm>>
        %dma_start3A_61 = tpu.memref_squeeze %dma_start3A_60 : memref<1x4224xf32, #tpu.memory_space<hbm>> -> memref<4224xf32, #tpu.memory_space<hbm>>
        tpu.enqueue_dma source(%arg31 : memref<4224xf32, #tpu.memory_space<vmem_shared>>) target(%dma_start3A_61 : memref<4224xf32, #tpu.memory_space<hbm>>) target_semaphore(%run_scoped3A : memref<!tpu.dma_semaphore, #tpu.memory_space<semaphore_mem>>)
        %dma_wait3A_62 = arith.constant 0 : i32
        %dma_wait3A_63 = tpu.memref_slice %arg23[%arg0, %dma_wait3A_62] : memref<2x4224xf32, #tpu.memory_space<hbm>> -> memref<1x4224xf32, #tpu.memory_space<hbm>>
        %dma_wait3A_64 = tpu.memref_squeeze %dma_wait3A_63 : memref<1x4224xf32, #tpu.memory_space<hbm>> -> memref<4224xf32, #tpu.memory_space<hbm>>
        tpu.wait_dma2 semaphore(%run_scoped3A : memref<!tpu.dma_semaphore, #tpu.memory_space<semaphore_mem>>) src(%arg31 : memref<4224xf32, #tpu.memory_space<vmem_shared>>) dst(%dma_wait3A_64 : memref<4224xf32, #tpu.memory_space<hbm>>)
        tpu.yield
      }) : () -> ()
    } else {
    }
    return
  }
}

module attributes {stable_mosaic.version = 14 : i64} {
  func.func @body(%arg0: memref<2048x128xf32, #tpu.memory_space<vmem>>, %arg1: memref<2048x1xf32, #tpu.memory_space<vmem>>, %arg2: memref<64x128xf32, #tpu.memory_space<vmem>>, %arg3: memref<128x128xf32, #tpu.memory_space<vmem>>, %arg4: memref<128x128xf32, #tpu.memory_space<vmem>>, %arg5: memref<128x128xf32, #tpu.memory_space<vmem>>, %arg6: memref<256x1xf32, #tpu.memory_space<vmem>>, %arg7: memref<256x1xf32, #tpu.memory_space<vmem>>, %arg8: memref<256x1xf32, #tpu.memory_space<vmem>>, %arg9: memref<256x1xf32, #tpu.memory_space<vmem>>, %arg10: memref<2048x128xf32, #tpu.memory_space<vmem>>, %arg11: memref<2048x128xf32, #tpu.memory_space<vmem>>, %arg12: memref<4x2048xf32, #tpu.memory_space<vmem>>, %arg13: memref<2x64xf32, #tpu.memory_space<vmem>>, %arg14: memref<64x32xf32, #tpu.memory_space<vmem>>) attributes {dimension_semantics = [], scalar_prefetch = 0 : i64, scratch_operands = 0 : i64, tpu.core_type = #tpu.core_type<tc>} {
    %get3A = arith.constant 0 : index
    %get3A_0 = arith.constant 0 : index
    %get3A_1 = vector.load %arg1[%get3A, %get3A_0] : memref<2048x1xf32, #tpu.memory_space<vmem>>, vector<2048x1xf32>
    %get3A_2 = arith.constant 0 : index
    %get3A_3 = arith.constant 0 : index
    %get3A_4 = vector.load %arg0[%get3A_2, %get3A_3] : memref<2048x128xf32, #tpu.memory_space<vmem>>, vector<2048x128xf32>
    %mul3A = vector.broadcast %get3A_1 : vector<2048x1xf32> to vector<2048x128xf32>
    %mul3A_5 = arith.mulf %mul3A, %get3A_4 : vector<2048x128xf32>
    %swap3A = arith.constant 0 : index
    %swap3A_6 = arith.constant 0 : index
    %swap3A_7 = vector.load %arg10[%swap3A, %swap3A_6] : memref<2048x128xf32, #tpu.memory_space<vmem>>, vector<2048x128xf32>
    tpu.vector_store %arg10[%swap3A, %swap3A_6], %mul3A_5 {strides = array<i32>} : memref<2048x128xf32, #tpu.memory_space<vmem>>, vector<2048x128xf32>,
    %get3A_8 = arith.constant 0 : index
    %get3A_9 = arith.constant 0 : index
    %get3A_10 = vector.load %arg4[%get3A_8, %get3A_9] : memref<128x128xf32, #tpu.memory_space<vmem>>, vector<128x128xf32>
    %dot_general3A = arith.constant dense<0.000000e+00> : vector<2048x128xf32>
    %dot_general3A_11 = tpu.matmul %mul3A_5, %get3A_10, %dot_general3A {dimension_numbers = #tpu.dot_dimension_numbers<[1], [0], [0], [1], [0, 0, 1, 1], [], []>, transpose_lhs_hint = false} : vector<2048x128xf32>, vector<128x128xf32>, vector<2048x128xf32> -> vector<2048x128xf32>
    %swap3A_12 = arith.constant 0 : index
    %swap3A_13 = arith.constant 0 : index
    %swap3A_14 = vector.load %arg11[%swap3A_12, %swap3A_13] : memref<2048x128xf32, #tpu.memory_space<vmem>>, vector<2048x128xf32>
    tpu.vector_store %arg11[%swap3A_12, %swap3A_13], %dot_general3A_11 {strides = array<i32>} : memref<2048x128xf32, #tpu.memory_space<vmem>>, vector<2048x128xf32>,
    %get3A_15 = arith.constant 0 : index
    %get3A_16 = arith.constant 0 : index
    %get3A_17 = vector.load %arg6[%get3A_15, %get3A_16] : memref<256x1xf32, #tpu.memory_space<vmem>>, vector<256x1xf32>
    %slice3A = vector.extract_strided_slice %get3A_17 {offsets = [0, 0], sizes = [128, 1], strides = [1, 1]} : vector<256x1xf32> to vector<128x1xf32>
    %get3A_18 = arith.constant 0 : index
    %get3A_19 = arith.constant 0 : index
    %get3A_20 = vector.load %arg6[%get3A_18, %get3A_19] : memref<256x1xf32, #tpu.memory_space<vmem>>, vector<256x1xf32>
    %slice3A_21 = vector.extract_strided_slice %get3A_20 {offsets = [128, 0], sizes = [128, 1], strides = [1, 1]} : vector<256x1xf32> to vector<128x1xf32>
    %get3A_22 = arith.constant 0 : index
    %get3A_23 = arith.constant 0 : index
    %get3A_24 = vector.load %arg7[%get3A_22, %get3A_23] : memref<256x1xf32, #tpu.memory_space<vmem>>, vector<256x1xf32>
    %slice3A_25 = vector.extract_strided_slice %get3A_24 {offsets = [128, 0], sizes = [128, 1], strides = [1, 1]} : vector<256x1xf32> to vector<128x1xf32>
    %get3A_26 = arith.constant 0 : index
    %get3A_27 = arith.constant 0 : index
    %get3A_28 = vector.load %arg8[%get3A_26, %get3A_27] : memref<256x1xf32, #tpu.memory_space<vmem>>, vector<256x1xf32>
    %slice3A_29 = vector.extract_strided_slice %get3A_28 {offsets = [0, 0], sizes = [128, 1], strides = [1, 1]} : vector<256x1xf32> to vector<128x1xf32>
    %concatenate3A = tpu.concatenate %slice3A, %slice3A_21, %slice3A_25, %slice3A_29 in 1 : vector<128x1xf32>, vector<128x1xf32>, vector<128x1xf32>, vector<128x1xf32> -> vector<128x4xf32>
    %get3A_30 = arith.constant 0 : index
    %get3A_31 = arith.constant 0 : index
    %get3A_32 = vector.load %arg3[%get3A_30, %get3A_31] : memref<128x128xf32, #tpu.memory_space<vmem>>, vector<128x128xf32>
    %dot_general3A_33 = arith.constant dense<0.000000e+00> : vector<128x4xf32>
    %dot_general3A_34 = tpu.matmul %get3A_32, %concatenate3A, %dot_general3A_33 {dimension_numbers = #tpu.dot_dimension_numbers<[1], [0], [0], [1], [0, 0, 1, 1], [], []>, transpose_lhs_hint = false} : vector<128x128xf32>, vector<128x4xf32>, vector<128x4xf32> -> vector<128x4xf32>
    %dot_general3A_35 = arith.constant dense<0.000000e+00> : vector<2048x4xf32>
    %dot_general3A_36 = tpu.matmul %mul3A_5, %dot_general3A_34, %dot_general3A_35 {dimension_numbers = #tpu.dot_dimension_numbers<[1], [0], [0], [1], [0, 0, 1, 1], [], []>, transpose_lhs_hint = false} : vector<2048x128xf32>, vector<128x4xf32>, vector<2048x4xf32> -> vector<2048x4xf32>
    %transpose3A = tpu.transpose %dot_general3A_36, [1, 0] : vector<2048x4xf32> -> vector<4x2048xf32>
    %swap3A_37 = arith.constant 0 : index
    %swap3A_38 = arith.constant 0 : index
    %swap3A_39 = vector.load %arg12[%swap3A_37, %swap3A_38] : memref<4x2048xf32, #tpu.memory_space<vmem>>, vector<4x2048xf32>
    tpu.vector_store %arg12[%swap3A_37, %swap3A_38], %transpose3A {strides = array<i32>} : memref<4x2048xf32, #tpu.memory_space<vmem>>, vector<4x2048xf32>,
    %get3A_40 = arith.constant 0 : index
    %get3A_41 = arith.constant 0 : index
    %get3A_42 = vector.load %arg8[%get3A_40, %get3A_41] : memref<256x1xf32, #tpu.memory_space<vmem>>, vector<256x1xf32>
    %slice3A_43 = vector.extract_strided_slice %get3A_42 {offsets = [128, 0], sizes = [128, 1], strides = [1, 1]} : vector<256x1xf32> to vector<128x1xf32>
    %get3A_44 = arith.constant 0 : index
    %get3A_45 = arith.constant 0 : index
    %get3A_46 = vector.load %arg9[%get3A_44, %get3A_45] : memref<256x1xf32, #tpu.memory_space<vmem>>, vector<256x1xf32>
    %slice3A_47 = vector.extract_strided_slice %get3A_46 {offsets = [128, 0], sizes = [128, 1], strides = [1, 1]} : vector<256x1xf32> to vector<128x1xf32>
    %concatenate3A_48 = tpu.concatenate %slice3A_43, %slice3A_47 in 1 : vector<128x1xf32>, vector<128x1xf32> -> vector<128x2xf32>
    %get3A_49 = arith.constant 0 : index
    %get3A_50 = arith.constant 0 : index
    %get3A_51 = vector.load %arg5[%get3A_49, %get3A_50] : memref<128x128xf32, #tpu.memory_space<vmem>>, vector<128x128xf32>
    %dot_general3A_52 = arith.constant dense<0.000000e+00> : vector<128x2xf32>
    %dot_general3A_53 = tpu.matmul %get3A_51, %concatenate3A_48, %dot_general3A_52 {dimension_numbers = #tpu.dot_dimension_numbers<[1], [0], [0], [1], [0, 0, 1, 1], [], []>, transpose_lhs_hint = false} : vector<128x128xf32>, vector<128x2xf32>, vector<128x2xf32> -> vector<128x2xf32>
    %get3A_54 = arith.constant 0 : index
    %get3A_55 = arith.constant 0 : index
    %get3A_56 = vector.load %arg2[%get3A_54, %get3A_55] : memref<64x128xf32, #tpu.memory_space<vmem>>, vector<64x128xf32>
    %dot_general3A_57 = arith.constant dense<0.000000e+00> : vector<64x2xf32>
    %dot_general3A_58 = tpu.matmul %get3A_56, %dot_general3A_53, %dot_general3A_57 {dimension_numbers = #tpu.dot_dimension_numbers<[1], [0], [0], [1], [0, 0, 1, 1], [], []>, transpose_lhs_hint = false} : vector<64x128xf32>, vector<128x2xf32>, vector<64x2xf32> -> vector<64x2xf32>
    %transpose3A_59 = tpu.transpose %dot_general3A_58, [1, 0] : vector<64x2xf32> -> vector<2x64xf32>
    %swap3A_60 = arith.constant 0 : index
    %swap3A_61 = arith.constant 0 : index
    %swap3A_62 = vector.load %arg13[%swap3A_60, %swap3A_61] : memref<2x64xf32, #tpu.memory_space<vmem>>, vector<2x64xf32>
    tpu.vector_store %arg13[%swap3A_60, %swap3A_61], %transpose3A_59 {strides = array<i32>} : memref<2x64xf32, #tpu.memory_space<vmem>>, vector<2x64xf32>,
    %reshape3A = vector.shape_cast %mul3A_5 : vector<2048x128xf32> to vector<64x32x128xf32>
    %broadcast_in_dim3A = vector.shape_cast %get3A_56 : vector<64x128xf32> to vector<64x1x128xf32>
    %mul3A_63 = vector.broadcast %broadcast_in_dim3A : vector<64x1x128xf32> to vector<64x32x128xf32>
    %mul3A_64 = arith.mulf %reshape3A, %mul3A_63 : vector<64x32x128xf32>
    %reduce_sum3A = arith.constant dense<0.000000e+00> : vector<64x32xf32>
    %reduce_sum3A_65 = vector.multi_reduction <add>, %mul3A_64, %reduce_sum3A [2] : vector<64x32x128xf32> to vector<64x32xf32>
    %mul3A_66 = arith.mulf %get3A_56, %get3A_56 : vector<64x128xf32>
    %reduce_sum3A_67 = arith.constant dense<0.000000e+00> : vector<64xf32>
    %reduce_sum3A_68 = vector.multi_reduction <add>, %mul3A_66, %reduce_sum3A_67 [1] : vector<64x128xf32> to vector<64xf32>
    %broadcast_in_dim3A_69 = vector.shape_cast %reduce_sum3A_68 : vector<64xf32> to vector<64x1xf32>
    %sqrt3A = math.sqrt %broadcast_in_dim3A_69 : vector<64x1xf32>
    %div3A = vector.broadcast %sqrt3A : vector<64x1xf32> to vector<64x32xf32>
    %div3A_70 = arith.divf %reduce_sum3A_65, %div3A : vector<64x32xf32>
    %reduce_max3A = arith.constant dense<0xFF800000> : vector<64xf32>
    %reduce_max3A_71 = vector.multi_reduction <maximumf>, %div3A_70, %reduce_max3A [1] : vector<64x32xf32> to vector<64xf32>
    %broadcast_in_dim3A_72 = vector.shape_cast %reduce_max3A_71 : vector<64xf32> to vector<64x1xf32>
    %sub3A = vector.broadcast %broadcast_in_dim3A_72 : vector<64x1xf32> to vector<64x32xf32>
    %sub3A_73 = arith.subf %div3A_70, %sub3A : vector<64x32xf32>
    %exp3A = math.exp %sub3A_73 : vector<64x32xf32>
    %reduce_sum3A_74 = arith.constant dense<0.000000e+00> : vector<64xf32>
    %reduce_sum3A_75 = vector.multi_reduction <add>, %exp3A, %reduce_sum3A_74 [1] : vector<64x32xf32> to vector<64xf32>
    %broadcast_in_dim3A_76 = vector.shape_cast %reduce_sum3A_75 : vector<64xf32> to vector<64x1xf32>
    %div3A_77 = vector.broadcast %broadcast_in_dim3A_76 : vector<64x1xf32> to vector<64x32xf32>
    %div3A_78 = arith.divf %exp3A, %div3A_77 : vector<64x32xf32>
    %swap3A_79 = arith.constant 0 : index
    %swap3A_80 = arith.constant 0 : index
    %swap3A_81 = vector.load %arg14[%swap3A_79, %swap3A_80] : memref<64x32xf32, #tpu.memory_space<vmem>>, vector<64x32xf32>
    tpu.vector_store %arg14[%swap3A_79, %swap3A_80], %div3A_78 {strides = array<i32>} : memref<64x32xf32, #tpu.memory_space<vmem>>, vector<64x32xf32>,
    return
  }
}

module attributes {stable_mosaic.version = 14 : i64} {
  func.func @body(%arg0: i32, %arg1: memref<2000x128xf32, #tpu.memory_space<vmem>>, %arg2: memref<128x128xf32, #tpu.memory_space<vmem>>, %arg3: memref<128x128xf32, #tpu.memory_space<vmem>>, %arg4: memref<256x1xf32, #tpu.memory_space<vmem>>, %arg5: memref<256x1xf32, #tpu.memory_space<vmem>>, %arg6: memref<2000x128xf32, #tpu.memory_space<vmem>>, %arg7: memref<8x250xf32, #tpu.memory_space<vmem>>, %arg8: memref<8x250xf32, #tpu.memory_space<vmem>>) attributes {dimension_semantics = [#tpu.dimension_semantics<arbitrary>], iteration_bounds = array<i64: 25>, scalar_prefetch = 0 : i64, scratch_operands = 0 : i64, tpu.core_type = #tpu.core_type<tc>, window_params = [{transform_indices = @transform_0, window_bounds = array<i64: 2000, 128>}, {pipeline_mode = #tpu.pipeline_mode<synchronous>, transform_indices = @transform_1, window_bounds = array<i64: 128, 128>}, {pipeline_mode = #tpu.pipeline_mode<synchronous>, transform_indices = @transform_2, window_bounds = array<i64: 128, 128>}, {pipeline_mode = #tpu.pipeline_mode<synchronous>, transform_indices = @transform_3, window_bounds = array<i64: 256, 1>}, {pipeline_mode = #tpu.pipeline_mode<synchronous>, transform_indices = @transform_4, window_bounds = array<i64: 256, 1>}, {transform_indices = @transform_5, window_bounds = array<i64: 2000, 128>}, {transform_indices = @transform_6, window_bounds = array<i64: 8, 250>}, {transform_indices = @transform_7, window_bounds = array<i64: 8, 250>}]} {
    %get3A = arith.constant 0 : index
    %get3A_0 = arith.constant 0 : index
    %get3A_1 = vector.load %arg1[%get3A, %get3A_0] : memref<2000x128xf32, #tpu.memory_space<vmem>>, vector<2000x128xf32>
    %get3A_2 = arith.constant 0 : index
    %get3A_3 = arith.constant 0 : index
    %get3A_4 = vector.load %arg3[%get3A_2, %get3A_3] : memref<128x128xf32, #tpu.memory_space<vmem>>, vector<128x128xf32>
    %dot_general3A = arith.constant dense<0.000000e+00> : vector<2000x128xf32>
    %dot_general3A_5 = tpu.matmul %get3A_1, %get3A_4, %dot_general3A {dimension_numbers = #tpu.dot_dimension_numbers<[1], [0], [0], [1], [0, 0, 1, 1], [], []>, transpose_lhs_hint = false} : vector<2000x128xf32>, vector<128x128xf32>, vector<2000x128xf32> -> vector<2000x128xf32>
    %swap3A = arith.constant 0 : index
    %swap3A_6 = arith.constant 0 : index
    %swap3A_7 = vector.load %arg6[%swap3A, %swap3A_6] : memref<2000x128xf32, #tpu.memory_space<vmem>>, vector<2000x128xf32>
    tpu.vector_store %arg6[%swap3A, %swap3A_6], %dot_general3A_5 {strides = array<i32>} : memref<2000x128xf32, #tpu.memory_space<vmem>>, vector<2000x128xf32>,
    %get3A_8 = arith.constant 0 : index
    %get3A_9 = arith.constant 0 : index
    %get3A_10 = vector.load %arg2[%get3A_8, %get3A_9] : memref<128x128xf32, #tpu.memory_space<vmem>>, vector<128x128xf32>
    %get3A_11 = arith.constant 0 : index
    %get3A_12 = arith.constant 0 : index
    %get3A_13 = vector.load %arg4[%get3A_11, %get3A_12] : memref<256x1xf32, #tpu.memory_space<vmem>>, vector<256x1xf32>
    %slice3A = vector.extract_strided_slice %get3A_13 {offsets = [0, 0], sizes = [128, 1], strides = [1, 1]} : vector<256x1xf32> to vector<128x1xf32>
    %dot_general3A_14 = arith.constant dense<0.000000e+00> : vector<128x1xf32>
    %dot_general3A_15 = tpu.matmul %get3A_10, %slice3A, %dot_general3A_14 {dimension_numbers = #tpu.dot_dimension_numbers<[1], [0], [0], [1], [0, 0, 1, 1], [], []>, transpose_lhs_hint = false} : vector<128x128xf32>, vector<128x1xf32>, vector<128x1xf32> -> vector<128x1xf32>
    %get3A_16 = arith.constant 0 : index
    %get3A_17 = arith.constant 0 : index
    %get3A_18 = vector.load %arg2[%get3A_16, %get3A_17] : memref<128x128xf32, #tpu.memory_space<vmem>>, vector<128x128xf32>
    %get3A_19 = arith.constant 0 : index
    %get3A_20 = arith.constant 0 : index
    %get3A_21 = vector.load %arg5[%get3A_19, %get3A_20] : memref<256x1xf32, #tpu.memory_space<vmem>>, vector<256x1xf32>
    %slice3A_22 = vector.extract_strided_slice %get3A_21 {offsets = [0, 0], sizes = [128, 1], strides = [1, 1]} : vector<256x1xf32> to vector<128x1xf32>
    %dot_general3A_23 = arith.constant dense<0.000000e+00> : vector<128x1xf32>
    %dot_general3A_24 = tpu.matmul %get3A_18, %slice3A_22, %dot_general3A_23 {dimension_numbers = #tpu.dot_dimension_numbers<[1], [0], [0], [1], [0, 0, 1, 1], [], []>, transpose_lhs_hint = false} : vector<128x128xf32>, vector<128x1xf32>, vector<128x1xf32> -> vector<128x1xf32>
    %dot_general3A_25 = arith.constant dense<0.000000e+00> : vector<2000x1xf32>
    %dot_general3A_26 = tpu.matmul %get3A_1, %dot_general3A_15, %dot_general3A_25 {dimension_numbers = #tpu.dot_dimension_numbers<[1], [0], [0], [1], [0, 0, 1, 1], [], []>, transpose_lhs_hint = false} : vector<2000x128xf32>, vector<128x1xf32>, vector<2000x1xf32> -> vector<2000x1xf32>
    %reshape3A = vector.shape_cast %dot_general3A_26 : vector<2000x1xf32> to vector<8x250xf32>
    %swap3A_27 = arith.constant 0 : index
    %swap3A_28 = arith.constant 0 : index
    %swap3A_29 = vector.load %arg7[%swap3A_27, %swap3A_28] : memref<8x250xf32, #tpu.memory_space<vmem>>, vector<8x250xf32>
    tpu.vector_store %arg7[%swap3A_27, %swap3A_28], %reshape3A {strides = array<i32>} : memref<8x250xf32, #tpu.memory_space<vmem>>, vector<8x250xf32>,
    %dot_general3A_30 = arith.constant dense<0.000000e+00> : vector<2000x1xf32>
    %dot_general3A_31 = tpu.matmul %get3A_1, %dot_general3A_24, %dot_general3A_30 {dimension_numbers = #tpu.dot_dimension_numbers<[1], [0], [0], [1], [0, 0, 1, 1], [], []>, transpose_lhs_hint = false} : vector<2000x128xf32>, vector<128x1xf32>, vector<2000x1xf32> -> vector<2000x1xf32>
    %reshape3A_32 = vector.shape_cast %dot_general3A_31 : vector<2000x1xf32> to vector<8x250xf32>
    %swap3A_33 = arith.constant 0 : index
    %swap3A_34 = arith.constant 0 : index
    %swap3A_35 = vector.load %arg8[%swap3A_33, %swap3A_34] : memref<8x250xf32, #tpu.memory_space<vmem>>, vector<8x250xf32>
    tpu.vector_store %arg8[%swap3A_33, %swap3A_34], %reshape3A_32 {strides = array<i32>} : memref<8x250xf32, #tpu.memory_space<vmem>>, vector<8x250xf32>,
    return
  }
  func.func @transform_0(%arg0: i32) -> (i32, i32) {
    %c0_i32 = arith.constant 0 : i32
    %c0_i32_0 = arith.constant 0 : i32
    return %arg0, %c0_i32 : i32, i32
  }
  func.func @transform_1(%arg0: i32) -> (i32, i32) {
    %c0_i32 = arith.constant 0 : i32
    %c0_i32_0 = arith.constant 0 : i32
    %c0_i32_1 = arith.constant 0 : i32
    return %c0_i32, %c0_i32_0 : i32, i32
  }
  func.func @transform_2(%arg0: i32) -> (i32, i32) {
    %c0_i32 = arith.constant 0 : i32
    %c0_i32_0 = arith.constant 0 : i32
    %c0_i32_1 = arith.constant 0 : i32
    return %c0_i32, %c0_i32_0 : i32, i32
  }
  func.func @transform_3(%arg0: i32) -> (i32, i32) {
    %c0_i32 = arith.constant 0 : i32
    %c0_i32_0 = arith.constant 0 : i32
    %c0_i32_1 = arith.constant 0 : i32
    return %c0_i32, %c0_i32_0 : i32, i32
  }
  func.func @transform_4(%arg0: i32) -> (i32, i32) {
    %c0_i32 = arith.constant 0 : i32
    %c0_i32_0 = arith.constant 0 : i32
    %c0_i32_1 = arith.constant 0 : i32
    return %c0_i32, %c0_i32_0 : i32, i32
  }
  func.func @transform_5(%arg0: i32) -> (i32, i32) {
    %c0_i32 = arith.constant 0 : i32
    %c0_i32_0 = arith.constant 0 : i32
    return %arg0, %c0_i32 : i32, i32
  }
  func.func @transform_6(%arg0: i32) -> (i32, i32) {
    %c0_i32 = arith.constant 0 : i32
    %c0_i32_0 = arith.constant 0 : i32
    return %arg0, %c0_i32 : i32, i32
  }
  func.func @transform_7(%arg0: i32) -> (i32, i32) {
    %c0_i32 = arith.constant 0 : i32
    %c0_i32_0 = arith.constant 0 : i32
    return %arg0, %c0_i32 : i32, i32
  }
}

module attributes {stable_mosaic.version = 14 : i64} {
  func.func @body(%arg0: memref<2x4224x128xf32, #tpu.memory_space<vmem>>, %arg1: memref<2x4224xf32, #tpu.memory_space<vmem>>, %arg2: memref<2048x128xf32, #tpu.memory_space<vmem>>, %arg3: memref<64x128xf32, #tpu.memory_space<vmem>>, %arg4: memref<384x128xf32, #tpu.memory_space<vmem>>, %arg5: memref<384x128xf32, #tpu.memory_space<vmem>>, %arg6: memref<2048x128xf32, #tpu.memory_space<vmem>>, %arg7: memref<64x128xf32, #tpu.memory_space<vmem>>) attributes {dimension_semantics = [], scalar_prefetch = 0 : i64, scratch_operands = 0 : i64, tpu.core_type = #tpu.core_type<tc>} {
    %get3A = arith.constant 0 : index
    %get3A_0 = arith.constant 0 : index
    %get3A_1 = arith.constant 0 : index
    %get3A_2 = vector.load %arg0[%get3A, %get3A_0, %get3A_1] : memref<2x4224x128xf32, #tpu.memory_space<vmem>>, vector<1x4224x128xf32>
    %get3A_3 = vector.shape_cast %get3A_2 : vector<1x4224x128xf32> to vector<4224x128xf32>
    %get3A_4 = arith.constant 1 : index
    %get3A_5 = arith.constant 0 : index
    %get3A_6 = arith.constant 0 : index
    %get3A_7 = vector.load %arg0[%get3A_4, %get3A_5, %get3A_6] : memref<2x4224x128xf32, #tpu.memory_space<vmem>>, vector<1x4224x128xf32>
    %get3A_8 = vector.shape_cast %get3A_7 : vector<1x4224x128xf32> to vector<4224x128xf32>
    %add3A = arith.addf %get3A_3, %get3A_8 : vector<4224x128xf32>
    %get3A_9 = arith.constant 0 : index
    %get3A_10 = arith.constant 0 : index
    %get3A_11 = vector.load %arg1[%get3A_9, %get3A_10] : memref<2x4224xf32, #tpu.memory_space<vmem>>, vector<1x4224xf32>
    %get3A_12 = vector.shape_cast %get3A_11 : vector<1x4224xf32> to vector<4224xf32>
    %get3A_13 = arith.constant 1 : index
    %get3A_14 = arith.constant 0 : index
    %get3A_15 = vector.load %arg1[%get3A_13, %get3A_14] : memref<2x4224xf32, #tpu.memory_space<vmem>>, vector<1x4224xf32>
    %get3A_16 = vector.shape_cast %get3A_15 : vector<1x4224xf32> to vector<4224xf32>
    %add3A_17 = arith.addf %get3A_12, %get3A_16 : vector<4224xf32>
    %add3A_18 = arith.constant 1.000000e-16 : f32
    %add3A_19 = vector.broadcast %add3A_18 : f32 to vector<4224xf32>
    %add3A_20 = arith.addf %add3A_17, %add3A_19 : vector<4224xf32>
    %slice3A = vector.extract_strided_slice %add3A {offsets = [0, 0], sizes = [2048, 128], strides = [1, 1]} : vector<4224x128xf32> to vector<2048x128xf32>
    %slice3A_21 = vector.extract_strided_slice %add3A_20 {offsets = [0], sizes = [2048], strides = [1]} : vector<4224xf32> to vector<2048xf32>
    %broadcast_in_dim3A = vector.shape_cast %slice3A_21 : vector<2048xf32> to vector<2048x1xf32>
    %div3A = vector.broadcast %broadcast_in_dim3A : vector<2048x1xf32> to vector<2048x128xf32>
    %div3A_22 = arith.divf %slice3A, %div3A : vector<2048x128xf32>
    %logistic3A = arith.negf %div3A_22 : vector<2048x128xf32>
    %logistic3A_23 = math.exp %logistic3A : vector<2048x128xf32>
    %logistic3A_24 = arith.constant 1.000000e+00 : f32
    %logistic3A_25 = vector.broadcast %logistic3A_24 : f32 to vector<2048x128xf32>
    %logistic3A_26 = arith.addf %logistic3A_25, %logistic3A_23 : vector<2048x128xf32>
    %logistic3A_27 = arith.divf %logistic3A_25, %logistic3A_26 : vector<2048x128xf32>
    %slice3A_28 = vector.extract_strided_slice %add3A {offsets = [2048, 0], sizes = [2048, 128], strides = [1, 1]} : vector<4224x128xf32> to vector<2048x128xf32>
    %slice3A_29 = vector.extract_strided_slice %add3A_20 {offsets = [2048], sizes = [2048], strides = [1]} : vector<4224xf32> to vector<2048xf32>
    %broadcast_in_dim3A_30 = vector.shape_cast %slice3A_29 : vector<2048xf32> to vector<2048x1xf32>
    %div3A_31 = vector.broadcast %broadcast_in_dim3A_30 : vector<2048x1xf32> to vector<2048x128xf32>
    %div3A_32 = arith.divf %slice3A_28, %div3A_31 : vector<2048x128xf32>
    %logistic3A_33 = arith.negf %div3A_32 : vector<2048x128xf32>
    %logistic3A_34 = math.exp %logistic3A_33 : vector<2048x128xf32>
    %logistic3A_35 = arith.constant 1.000000e+00 : f32
    %logistic3A_36 = vector.broadcast %logistic3A_35 : f32 to vector<2048x128xf32>
    %logistic3A_37 = arith.addf %logistic3A_36, %logistic3A_34 : vector<2048x128xf32>
    %logistic3A_38 = arith.divf %logistic3A_36, %logistic3A_37 : vector<2048x128xf32>
    %get3A_39 = arith.constant 0 : index
    %get3A_40 = arith.constant 0 : index
    %get3A_41 = vector.load %arg4[%get3A_39, %get3A_40] : memref<384x128xf32, #tpu.memory_space<vmem>>, vector<384x128xf32>
    %slice3A_42 = vector.extract_strided_slice %get3A_41 {offsets = [0, 0], sizes = [128, 128], strides = [1, 1]} : vector<384x128xf32> to vector<128x128xf32>
    %dot_general3A = arith.constant dense<0.000000e+00> : vector<2048x128xf32>
    %dot_general3A_43 = tpu.matmul %logistic3A_27, %slice3A_42, %dot_general3A {dimension_numbers = #tpu.dot_dimension_numbers<[1], [0], [0], [1], [0, 0, 1, 1], [], []>, transpose_lhs_hint = false} : vector<2048x128xf32>, vector<128x128xf32>, vector<2048x128xf32> -> vector<2048x128xf32>
    %slice3A_44 = vector.extract_strided_slice %get3A_41 {offsets = [128, 0], sizes = [128, 128], strides = [1, 1]} : vector<384x128xf32> to vector<128x128xf32>
    %dot_general3A_45 = arith.constant dense<0.000000e+00> : vector<2048x128xf32>
    %dot_general3A_46 = tpu.matmul %logistic3A_38, %slice3A_44, %dot_general3A_45 {dimension_numbers = #tpu.dot_dimension_numbers<[1], [0], [0], [1], [0, 0, 1, 1], [], []>, transpose_lhs_hint = false} : vector<2048x128xf32>, vector<128x128xf32>, vector<2048x128xf32> -> vector<2048x128xf32>
    %add3A_47 = arith.addf %dot_general3A_43, %dot_general3A_46 : vector<2048x128xf32>
    %get3A_48 = arith.constant 0 : index
    %get3A_49 = arith.constant 0 : index
    %get3A_50 = vector.load %arg2[%get3A_48, %get3A_49] : memref<2048x128xf32, #tpu.memory_space<vmem>>, vector<2048x128xf32>
    %slice3A_51 = vector.extract_strided_slice %get3A_41 {offsets = [256, 0], sizes = [128, 128], strides = [1, 1]} : vector<384x128xf32> to vector<128x128xf32>
    %dot_general3A_52 = arith.constant dense<0.000000e+00> : vector<2048x128xf32>
    %dot_general3A_53 = tpu.matmul %get3A_50, %slice3A_51, %dot_general3A_52 {dimension_numbers = #tpu.dot_dimension_numbers<[1], [0], [0], [1], [0, 0, 1, 1], [], []>, transpose_lhs_hint = false} : vector<2048x128xf32>, vector<128x128xf32>, vector<2048x128xf32> -> vector<2048x128xf32>
    %add3A_54 = arith.addf %add3A_47, %dot_general3A_53 : vector<2048x128xf32>
    %logistic3A_55 = arith.negf %add3A_54 : vector<2048x128xf32>
    %logistic3A_56 = math.exp %logistic3A_55 : vector<2048x128xf32>
    %logistic3A_57 = arith.constant 1.000000e+00 : f32
    %logistic3A_58 = vector.broadcast %logistic3A_57 : f32 to vector<2048x128xf32>
    %logistic3A_59 = arith.addf %logistic3A_58, %logistic3A_56 : vector<2048x128xf32>
    %logistic3A_60 = arith.divf %logistic3A_58, %logistic3A_59 : vector<2048x128xf32>
    %swap3A = arith.constant 0 : index
    %swap3A_61 = arith.constant 0 : index
    %swap3A_62 = vector.load %arg6[%swap3A, %swap3A_61] : memref<2048x128xf32, #tpu.memory_space<vmem>>, vector<2048x128xf32>
    tpu.vector_store %arg6[%swap3A, %swap3A_61], %logistic3A_60 {strides = array<i32>} : memref<2048x128xf32, #tpu.memory_space<vmem>>, vector<2048x128xf32>,
    %slice3A_63 = vector.extract_strided_slice %add3A {offsets = [4096, 0], sizes = [64, 128], strides = [1, 1]} : vector<4224x128xf32> to vector<64x128xf32>
    %slice3A_64 = vector.extract_strided_slice %add3A_20 {offsets = [4096], sizes = [64], strides = [1]} : vector<4224xf32> to vector<64xf32>
    %broadcast_in_dim3A_65 = vector.shape_cast %slice3A_64 : vector<64xf32> to vector<64x1xf32>
    %div3A_66 = vector.broadcast %broadcast_in_dim3A_65 : vector<64x1xf32> to vector<64x128xf32>
    %div3A_67 = arith.divf %slice3A_63, %div3A_66 : vector<64x128xf32>
    %logistic3A_68 = arith.negf %div3A_67 : vector<64x128xf32>
    %logistic3A_69 = math.exp %logistic3A_68 : vector<64x128xf32>
    %logistic3A_70 = arith.constant 1.000000e+00 : f32
    %logistic3A_71 = vector.broadcast %logistic3A_70 : f32 to vector<64x128xf32>
    %logistic3A_72 = arith.addf %logistic3A_71, %logistic3A_69 : vector<64x128xf32>
    %logistic3A_73 = arith.divf %logistic3A_71, %logistic3A_72 : vector<64x128xf32>
    %slice3A_74 = vector.extract_strided_slice %add3A {offsets = [4160, 0], sizes = [64, 128], strides = [1, 1]} : vector<4224x128xf32> to vector<64x128xf32>
    %slice3A_75 = vector.extract_strided_slice %add3A_20 {offsets = [4160], sizes = [64], strides = [1]} : vector<4224xf32> to vector<64xf32>
    %broadcast_in_dim3A_76 = vector.shape_cast %slice3A_75 : vector<64xf32> to vector<64x1xf32>
    %div3A_77 = vector.broadcast %broadcast_in_dim3A_76 : vector<64x1xf32> to vector<64x128xf32>
    %div3A_78 = arith.divf %slice3A_74, %div3A_77 : vector<64x128xf32>
    %logistic3A_79 = arith.negf %div3A_78 : vector<64x128xf32>
    %logistic3A_80 = math.exp %logistic3A_79 : vector<64x128xf32>
    %logistic3A_81 = arith.constant 1.000000e+00 : f32
    %logistic3A_82 = vector.broadcast %logistic3A_81 : f32 to vector<64x128xf32>
    %logistic3A_83 = arith.addf %logistic3A_82, %logistic3A_80 : vector<64x128xf32>
    %logistic3A_84 = arith.divf %logistic3A_82, %logistic3A_83 : vector<64x128xf32>
    %get3A_85 = arith.constant 0 : index
    %get3A_86 = arith.constant 0 : index
    %get3A_87 = vector.load %arg5[%get3A_85, %get3A_86] : memref<384x128xf32, #tpu.memory_space<vmem>>, vector<384x128xf32>
    %slice3A_88 = vector.extract_strided_slice %get3A_87 {offsets = [0, 0], sizes = [128, 128], strides = [1, 1]} : vector<384x128xf32> to vector<128x128xf32>
    %dot_general3A_89 = arith.constant dense<0.000000e+00> : vector<64x128xf32>
    %dot_general3A_90 = tpu.matmul %logistic3A_73, %slice3A_88, %dot_general3A_89 {dimension_numbers = #tpu.dot_dimension_numbers<[1], [0], [0], [1], [0, 0, 1, 1], [], []>, transpose_lhs_hint = false} : vector<64x128xf32>, vector<128x128xf32>, vector<64x128xf32> -> vector<64x128xf32>
    %slice3A_91 = vector.extract_strided_slice %get3A_87 {offsets = [128, 0], sizes = [128, 128], strides = [1, 1]} : vector<384x128xf32> to vector<128x128xf32>
    %dot_general3A_92 = arith.constant dense<0.000000e+00> : vector<64x128xf32>
    %dot_general3A_93 = tpu.matmul %logistic3A_84, %slice3A_91, %dot_general3A_92 {dimension_numbers = #tpu.dot_dimension_numbers<[1], [0], [0], [1], [0, 0, 1, 1], [], []>, transpose_lhs_hint = false} : vector<64x128xf32>, vector<128x128xf32>, vector<64x128xf32> -> vector<64x128xf32>
    %add3A_94 = arith.addf %dot_general3A_90, %dot_general3A_93 : vector<64x128xf32>
    %get3A_95 = arith.constant 0 : index
    %get3A_96 = arith.constant 0 : index
    %get3A_97 = vector.load %arg3[%get3A_95, %get3A_96] : memref<64x128xf32, #tpu.memory_space<vmem>>, vector<64x128xf32>
    %slice3A_98 = vector.extract_strided_slice %get3A_87 {offsets = [256, 0], sizes = [128, 128], strides = [1, 1]} : vector<384x128xf32> to vector<128x128xf32>
    %dot_general3A_99 = arith.constant dense<0.000000e+00> : vector<64x128xf32>
    %dot_general3A_100 = tpu.matmul %get3A_97, %slice3A_98, %dot_general3A_99 {dimension_numbers = #tpu.dot_dimension_numbers<[1], [0], [0], [1], [0, 0, 1, 1], [], []>, transpose_lhs_hint = false} : vector<64x128xf32>, vector<128x128xf32>, vector<64x128xf32> -> vector<64x128xf32>
    %add3A_101 = arith.addf %add3A_94, %dot_general3A_100 : vector<64x128xf32>
    %logistic3A_102 = arith.negf %add3A_101 : vector<64x128xf32>
    %logistic3A_103 = math.exp %logistic3A_102 : vector<64x128xf32>
    %logistic3A_104 = arith.constant 1.000000e+00 : f32
    %logistic3A_105 = vector.broadcast %logistic3A_104 : f32 to vector<64x128xf32>
    %logistic3A_106 = arith.addf %logistic3A_105, %logistic3A_103 : vector<64x128xf32>
    %logistic3A_107 = arith.divf %logistic3A_105, %logistic3A_106 : vector<64x128xf32>
    %swap3A_108 = arith.constant 0 : index
    %swap3A_109 = arith.constant 0 : index
    %swap3A_110 = vector.load %arg7[%swap3A_108, %swap3A_109] : memref<64x128xf32, #tpu.memory_space<vmem>>, vector<64x128xf32>
    tpu.vector_store %arg7[%swap3A_108, %swap3A_109], %logistic3A_107 {strides = array<i32>} : memref<64x128xf32, #tpu.memory_space<vmem>>, vector<64x128xf32>,
    return
  }
}

</mosaic_0001>

<sc_bundles>
// kernel: kernel.6.cloned.1.call-start
scs
__scs_entry_jumppad:
0x0: {  	(pc) =	sbr.rel $0x88, $3  }
0x1: {  	(tag) =	ssettag $0x0;
	lr =	simm.s32 $0x1  }
0x2: {  	[smem:$0x3F8A] =	sst lr;
	_ =	strace $0xD0000000  }
0x3: {  	_ = 	snop  }
0x4: {  	_ = 	snop  }
0x5: {  	_ = 	snop  }
0x6: {  	_ = 	snop  }
0x7: {  	_ = 	snop  }
__scs_overlays_trampoline_lowered:
0x8: {  	[smem:$0x3F99] =	sst s0  }
0x9: {  	[smem:$0x3F9A] =	sst s1  }
0xa: {  	[smem:$0x3F9B] =	sst s2  }
0xb: {  	[smem:$0x3F9C] =	sst s3  }
0xc: {  	[smem:$0x3F9D] =	sst s4  }
0xd: {  	[smem:$0x3F9E] =	sst s5  }
0xe: {  	[smem:$0x3F9F] =	sst s6  }
0xf: {  	[smem:$0x3FA0] =	sst s7  }
0x10: {  	[smem:$0x3FA1] =	sst s8  }
0x11: {  	[smem:$0x3FA2] =	sst s9;
	s0 =	simm.s32 @!p0 $0x0  }
0x12: {  	s1 =	sld [smem:$0x3F88];
	s0 =	simm.s32 @p0 $0x1  }
0x13: {  	[smem:$0x3FA3] =	sst s0;
	s0 =	simm.s32 @!p1 $0x0  }
0x14: {  	s2 =	sld [smem:$0x3F87];
	s0 =	simm.s32 @p1 $0x1  }
0x15: {  	[smem:$0x3FA4] =	sst s0;
	s0 =	simm.s32 @!p2 $0x0  }
0x16: {  	s3 =	sld [smem:$0x3FDB];
	s0 =	simm.s32 @p2 $0x1  }
0x17: {  	s4 =	simm.s32 $0x1BF5;
	[smem:$0x3FA6] =	sst s0  }
0x18: {  	s0 =	sld [smem:$0x3F89];
	_ =	swait.ge [sflag:s4], $0x0  }
0x19: {  	s7 =	sld [smem:$0x3F8A]  }
0x1a: {  	s8 =	sadd.s32 $0xFFFFE003, lr  }
0x1b: {  	s9 =	sadd.s32 $0xFFFFFEF7, lr;
	s5 =	simm.s32 $0xFFFFFFFF;
	p2 =	slt.u32 s8, $0xFFFFF086  }
0x1c: {  	p1 =	slt.u32 s9, $0xF7A;
	s5 =	simm.s32 @!p2 $0x0  }
0x1d: {  	s5 =	simm.s32 @p1 $0x1;
	p0 =	seq.s32 s7, s2  }
0x1e: {  	s7 =	smul.u32 @!p0 $0xF7A, s2;
	p2 =	seq.s32 @!p0 s5, $0x0  }
0x1f: {  	s9 =	smul.u32 $0xF7A, s1;
	s8 =	simm.s32 @!p0 $0x1BF5;
	p2 =	por !p2, p0  }
0x20: {  	[sflag:s8] =	ssyncset.s32 @!p0 $0xFFFFF086;
	s6 =	sadd.s32 @!p0 s3, s7;
	s7 =	simm.s32 @!p0 $0x108  }
0x21: {  	s3 =	sadd.s32 s3, s9;
	s6 =	sadd.s32 @!p0 $0x88, s6;
	s7 =	simm.s32 @p2 $0x1082  }
0x22: {  	[simem:s7], [sflag:s8] =	dma.local @!p0 [hbm:s6], $0xF7A  }
0x23: {  	s9 =	sor.u32 $0xD0000000, s2;
	s6 =	simm.s32 $0x108;
	_ =	swait.ge @!p0 [sflag:s8], $0x0  }
0x24: {  	s3 =	sadd.s32 $0x88, s3;
	s6 =	simm.s32 @!p1 $0x1082;
	[sflag:s4] =	ssyncset.s32 $0xFFFFF086  }
0x25: {  	[simem:s6], [sflag:s4] =	dma.local [hbm:s3], $0xF7A  }
0x26: {  	[smem:$0x3F8A] =	sst s1;
	(tag) =	ssettag s2;
	_ =	strace s9  }
0x27: {  	s1 =	sld [smem:$0x3F9A]  }
0x28: {  	s2 =	sld [smem:$0x3F9B]  }
0x29: {  	s4 =	sld [smem:$0x3F9D]  }
0x2a: {  	p0 =	seq.s32 s5, $0x0;
	s5 =	sld [smem:$0x3F9E]  }
0x2b: {  	s6 =	sld [smem:$0x3F9F]  }
0x2c: {  	s7 =	sld [smem:$0x3FA0]  }
0x2d: {  	s3 =	simm.s32 $0x108;
	s8 =	sld [smem:$0x3FA1]  }
0x2e: {  	s3 =	simm.s32 @!p0 $0x1082;
	s9 =	sld [smem:$0x3FA2]  }
0x2f: {  	lr =	sadd.s32 s0, s3;
	s0 =	sld [smem:$0x3F99]  }
0x30: {  	s3 =	sld [smem:$0x3F9C]  }
0x31: {  	[smem:$0x3FA5] =	sst s10  }
0x32: {  	s10 =	sld [smem:$0x3FA3];
	_ =	sdelay $0x3  }
0x33: {  	p0 =	seq.s32 s10, $0x1;
	s10 =	sld [smem:$0x3FA5];
	_ =	sdelay $0x3  }
0x34: {  	[smem:$0x3FA5] =	sst s10  }
0x35: {  	s10 =	sld [smem:$0x3FA4];
	_ =	sdelay $0x3  }
0x36: {  	p1 =	seq.s32 s10, $0x1;
	s10 =	sld [smem:$0x3FA5];
	_ =	sdelay $0x3  }
0x37: {  	[smem:$0x3FA5] =	sst s10  }
0x38: {  	s10 =	sld [smem:$0x3FA6]  }
0x39: {  	_ = 	snop;
	(pc) =	sbr.ind lr, $3  }
0x3a: {  	_ = 	snop  }
0x3b: {  	_ = 	snop  }
0x3c: {  	p2 =	seq.s32 s10, $0x1;
	s10 =	sld [smem:$0x3FA5]  }
0x3d: {  	_ =	shalt  }
0x3e: {  	_ =	shalt  }
0x3f: {  	_ =	shalt  }
0x40: {  	_ =	shalt  }
0x41: {  	_ =	shalt  }
0x42: {  	_ =	shalt  }
0x43: {  	_ =	shalt  }
0x44: {  	_ =	shalt  }
0x45: {  	_ =	shalt  }
0x46: {  	_ =	shalt  }
0x47: {  	_ =	shalt  }
0x48: {  	_ =	shalt  }
0x49: {  	_ =	shalt  }
0x4a: {  	_ =	shalt  }
0x4b: {  	_ =	shalt  }
0x4c: {  	_ =	shalt  }
0x4d: {  	_ =	shalt  }
0x4e: {  	_ =	shalt  }
0x4f: {  	_ =	shalt  }
0x50: {  	_ =	shalt  }
0x51: {  	_ =	shalt  }
0x52: {  	_ =	shalt  }
0x53: {  	_ =	shalt  }
0x54: {  	_ =	shalt  }
0x55: {  	_ =	shalt  }
0x56: {  	_ =	shalt  }
0x57: {  	_ =	shalt  }
0x58: {  	_ =	shalt  }
0x59: {  	_ =	shalt  }
0x5a: {  	_ =	shalt  }
0x5b: {  	_ =	shalt  }
0x5c: {  	_ =	shalt  }
0x5d: {  	_ =	shalt  }
0x5e: {  	_ =	shalt  }
0x5f: {  	_ =	shalt  }
0x60: {  	_ =	shalt  }
0x61: {  	_ =	shalt  }
0x62: {  	_ =	shalt  }
0x63: {  	_ =	shalt  }
0x64: {  	_ =	shalt  }
0x65: {  	_ =	shalt  }
0x66: {  	_ =	shalt  }
0x67: {  	_ =	shalt  }
0x68: {  	_ =	shalt  }
0x69: {  	_ =	shalt  }
0x6a: {  	_ =	shalt  }
0x6b: {  	_ =	shalt  }
0x6c: {  	_ =	shalt  }
0x6d: {  	_ =	shalt  }
0x6e: {  	_ =	shalt  }
0x6f: {  	_ =	shalt  }
0x70: {  	_ =	shalt  }
0x71: {  	_ =	shalt  }
0x72: {  	_ =	shalt  }
0x73: {  	_ =	shalt  }
0x74: {  	_ =	shalt  }
0x75: {  	_ =	shalt  }
0x76: {  	_ =	shalt  }
0x77: {  	_ =	shalt  }
0x78: {  	_ =	shalt  }
0x79: {  	_ =	shalt  }
0x7a: {  	_ =	shalt  }
0x7b: {  	_ =	shalt  }
0x7c: {  	_ =	shalt  }
0x7d: {  	_ =	shalt  }
0x7e: {  	_ =	shalt  }
0x7f: {  	_ =	shalt  }
0x80: {  	_ =	shalt  }
0x81: {  	_ =	shalt  }
0x82: {  	_ =	shalt  }
0x83: {  	_ =	shalt  }
0x84: {  	_ =	shalt  }
0x85: {  	_ =	shalt  }
0x86: {  	_ =	shalt  }
0x87: {  	_ =	shalt  }
.Lfunc_end0:
.L_simem_size_0:
called_computation_lowered:
.L_overlay_start_0:
0x88: {  	s2 =	sld [smem:$0x3FD9]  }
0x89: {  	s3 =	sld [smem:$0x3FFE];
	_ =	sdelay $0x1  }
0x8a: {  	s1 =	srdreg.scid  }
0x8b: {  	s0 =	sand.u32 $0x1, s1  }
0x8c: {  	s14 =	sshll.u32 s0, $0xA;
	s2 =	sadd.s32 s3, s2  }
0x8d: {  	s2 =	sadd.s32 s2, s14  }
0x8e: {  	[smem:$0x3FB1] =	sst s2  }
0x8f: {  	_ = 	snop  }
0x90: {  	s2 =	sld [smem:$0x3FD0];
	_ =	sdelay $0x1  }
0x91: {  	s15 =	sld [smem:$0x3FC5]  }
0x92: {  	s5 =	simm.s32 $0xA;
	s6 =	simm.s32 $0x10;
	s4 =	sld [smem:$0x3FC4]  }
0x93: {  	[smem:s6], [sflag:s5] =	dma.local [hbm:s2], $0x1  }
0x94: {  	_ =	swait.eq [sflag:s5], $0x1  }
0x95: {  	[sflag:s5] =	ssyncset.done $0x0  }
0x96: {  	s16 =	sld [smem:$0x11];
	[sflag:s5] =	ssyncadd.s32 $0xFFFFFFFF  }
0x97: {  	s17 =	sld [smem:$0x12];
	(tm) =	ssettm $0x1  }
0x98: {  	s18 =	sld [smem:$0x3FFB];
	_ =	sdelay $0x3  }
0x99: {  	_ =	strace s18  }
0x9a: {  	s6 =	sld [smem:$0x3FFC];
	_ =	sdelay $0x3  }
0x9b: {  	_ =	strace s6  }
0x9c: {  	s6 =	sld [smem:$0x3FFD];
	_ =	sdelay $0x3  }
0x9d: {  	_ =	strace s6  }
0x9e: {  	_ =	strace $0x8FFFFFFF  }
0x9f: {  	s19 =	sld [smem:$0x3FDB];
	_ =	sdelay $0x1  }
0xa0: {  	s7 =	simm.s32 $_scs_section_size  }
0xa1: {  	s8 =	simm.s32 $_size__tile_overlayer_lowered;
	s9 =	simm.s32 $_tile_overlayer_lowered  }
0xa2: {  	s22 =	simm.s32 $0x1BFF;
	s21 =	sshll.u32 s9, $0x1;
	s6 =	sadd.s32 s7, s19  }
0xa3: {  	s10 =	simm.s32 $0x0;
	s20 =	sshll.u32 s8, $0x1;
	s8 =	sadd.s32 s21, s6  }
0xa4: {  	[timem:s10], [sflag:s22] =	dma.local [hbm:s8], s20  }
0xa5: {  	_ =	swait.ge [sflag:s22], s20  }
0xa6: {  	s7 =	ssub.s32 $0x0, s20;
	[sflag:s22] =	ssyncset.done $0x0  }
0xa7: {  	[sflag:s22] =	ssyncadd.s32 s7;
	_ =	sdelay $0x1  }
0xa8: {  	s23 =	simm.s32 $0x1B8B  }
0xa9: {  	_ =	swait.ge [sflag:s23], $0x1  }
0xaa: {  	[sflag:s23] =	ssyncset.done $0x0  }
0xab: {  	s25 =	simm.s32 $0x1B8E;
	s24 =	sld [smem:$0x3FFE];
	[sflag:s23] =	ssyncadd.s32 $0xFFFFFFFF  }
0xac: {  	s26 =	simm.s32 $execute0_lowered;
	[smem:$0x3FD2] =	sst s25  }
0xad: {  	s8 =	sshll.u32 s26, $0x1;
	_ =	strace $0x80000046;
	[dreg:$0x1] =	wrdreg $0xFFFFFFFF  }
0xae: {  	s28 =	simm.s32 $_size_execute0_lowered;
	s6 =	sadd.s32 s6, s8;
	[dreg:$0x0] =	wrdreg $0x0  }
0xaf: {  	s8 =	sshll.u32 s28, $0x1;
	[dreg:$0x2] =	wrdreg s6  }
0xb0: {  	[dreg:$0x3] =	wrdreg s8  }
0xb1: {  	[dreg:$0x4] =	wrdreg $0xC0  }
0xb2: {  	_ =	task [dreg:s10], $0x5FFFF  }
0xb3: {  	[dreg:$0x1] =	wrdreg $0xFFFFFFFF  }
0xb4: {  	[dreg:$0x0] =	wrdreg $0x60  }
0xb5: {  	[dreg:$0x2] =	wrdreg s15  }
0xb6: {  	[dreg:$0x3] =	wrdreg s4  }
0xb7: {  	[dreg:$0x4] =	wrdreg s24  }
0xb8: {  	[dreg:$0x5] =	wrdreg s16  }
0xb9: {  	[dreg:$0x6] =	wrdreg s17  }
0xba: {  	[dreg:$0x7] =	wrdreg $0x12C000  }
0xbb: {  	[dreg:$0x8] =	wrdreg $0x1B0000  }
0xbc: {  	[dreg:$0x9] =	wrdreg $0x9  }
0xbd: {  	_ =	task.clear_ibuf [dreg:s10], $0xAFFFF;
	_ =	strace $0x90000046  }
0xbe: {  	s29 =	simm.s32 $0x9;
	_ =	strace $0x80000048  }
0xbf: {  	_ =	swait.ge [sflag:s29], $0x1  }
0xc0: {  	[sflag:s29] =	ssyncadd.s32 $0xFFFFFFFF  }
0xc1: {  	_ =	strace $0x90000048  }
0xc2: {  	_ =	sfence  }
0xc3: {  	s30 =	sld [smem:$0x0];
	_ =	sdelay $0x2  }
0xc4: {  	s31 =	sshll.u32 s1, $0xD;
	s1 =	sshrl.u32 s1, $0x2  }
0xc5: {  	s3 =	sand.u32 $0x4000, s31;
	s1 =	sadd.s32 s1, s30  }
0xc6: {  	s0 =	sor.u32 s3, s0;
	s1 =	sshll.u32 s1, $0x11  }
0xc7: {  	s0 =	sor.u32 s1, s0  }
0xc8: {  	s0 =	sadd.s32 $0x8F2B, s0  }
0xc9: {  	[sflag:s0] =	ssyncadd.remote.s32 $0x1  }
0xca: {  	_ =	sfence.sel $0xFFFF  }
0xcb: {  	[dreg:$0x0] =	wrdreg $0xFFFFFFFF;
	(pc) =	sbr.abs _section_cstart, $3  }
0xcc: {  	[dreg:$0x1] =	wrdreg $0xFFFFFFFF  }
0xcd: {  	_ =	task.clear_ibuf [dreg:s10], $0x2FFFF;
	_ =	strace $0x9FFFFFFF  }
0xce: {  	(tm) =	ssettm $0x7FFFFFFF  }
0xcf: {  	_ =	shalt  }
tec
execute0_lowered:
.L_overlay_start_1:
0x0: {  	(tag) =	ssettag $0x1  }
0x1: {  	s0 =	rddreg [dreg:$0x0]  }
0x2: {  	s2 =	rddreg [dreg:$0x1]  }
0x3: {  	s7 =	rddreg [dreg:$0x2]  }
0x4: {  	s1 =	rddreg [dreg:$0x3]  }
0x5: {  	s3 =	rddreg [dreg:$0x5]  }
0x6: {  	s4 =	rddreg [dreg:$0x6];
	s5 =	srdreg.scid  }
0x7: {  	s9 =	stileid.u32;
	s8 =	sand.u32 $0x1, s5;
	s5 =	simm.s32 $0x0  }
0x8: {  	s14 =	sadd.s32 $0xFA00, s7;
	s18 =	sadd.s32 $0xF800, s7;
	s16 =	sadd.s32 $0xD3200, s7  }
0x9: {  	s21 =	smul.u32 $0xC80, s9;
	s23 =	sshll.u32 s9, $0xB;
	s26 =	sshll.u32 s9, $0x7  }
0xa: {  	s28 =	smul.u32 $0x680, s9;
	s29 =	sadd.s32 $0xF600, s7;
	p0 =	sne.s32 s9, $0x0  }
0xb: {  	s10 =	sshll.u32 s8, $0x4;
	[smem:$0x7FF] =	sst s5;
	s17 =	smul.u32 $0xC800, s8  }
0xc: {  	s19 =	ssub.s32 $0x2, s8;
	s22 =	sshll.u32 s8, $0xF;
	s24 =	smul.u32 $0x6800, s8  }
0xd: {  	s25 =	sshll.u32 s8, $0xB;
	_ =	strace $0x80000047;
	[dreg:$0x8] =	wrdreg s14  }
0xe: {  	s8 =	smul.u32 $0x10800, s8;
	s6 =	sor.u32 s9, s10;
	[dreg:$0x9] =	wrdreg s18  }
0xf: {  	[dreg:$0xa] =	wrdreg s16;
	s20 =	sshrl.u32 s19, $0x1;
	s14 =	sor.u32 s26, s25  }
0x10: {  	[dreg:$0xf] =	wrdreg s29;
	s9 =	simm.s32 $0x1;
	s13 =	sshll.u32 s6, $0x8  }
0x11: {  	s11 =	sshll.u32 s6, $0x9;
	s12 =	sshll.u32 s6, $0x4;
	s0 =	sadd.s32 s0, s13  }
0x12: {  	s6 =	sadd.s32 $0xFC00, s7;
	s2 =	sadd.s32 s2, s13;
	[dreg:$0xb] =	wrdreg s0  }
0x13: {  	s15 =	sadd.s32 s13, s7;
	s13 =	sadd.s32 $0xF400, s7;
	[dreg:$0xc] =	wrdreg s2  }
0x14: {  	s18 =	ssub.s32 s19, s20;
	s2 =	sor.u32 s23, s22;
	[dreg:$0x10] =	wrdreg s13  }
0x15: {  	s16 =	sadd.s32 s28, s24;
	s0 =	sadd.s32 s21, s17;
	[dreg:$0xd] =	wrdreg s2  }
0x16: {  	s19 =	sadd.s32 s8, s7;
	s17 =	sadd.s32 $0xF200, s7;
	[dreg:$0xe] =	wrdreg s0  }
0x17: {  	s20 =	sadd.s32 s10, s7;
	s21 =	sadd.s32 $0xD4C00, s7;
	[dreg:$0x11] =	wrdreg s17  }
0x18: {  	s11 =	sadd.s32 s11, s7;
	s22 =	sadd.s32 $0xF000, s7;
	[dreg:$0x12] =	wrdreg s21  }
0x19: {  	s12 =	sadd.s32 s12, s7;
	s7 =	sadd.s32 $0xD6600, s7;
	[dreg:$0x13] =	wrdreg s22  }
0x1a: {  	s8 =	simm.s32 $0xEB80;
	s23 =	sadd.s32 $0x7000, s11;
	[dreg:$0x14] =	wrdreg s7  }
0x1b: {  	s10 =	simm.s32 $0x12B80;
	s24 =	sadd.s32 $0xB000, s11;
	[dreg:$0x15] =	wrdreg s23  }
0x1c: {  	s30 =	sadd.s32 $0x107E00, s20;
	s25 =	sadd.s32 $0x2E00, s12;
	[dreg:$0x16] =	wrdreg s24  }
0x1d: {  	s31 =	smax.u32 s18, $0x1;
	s26 =	sadd.s32 $0x2C00, s12;
	[dreg:$0x17] =	wrdreg s25  }
0x1e: {  	s28 =	sadd.s32 $0x3000, s15;
	s29 =	sadd.s32 $0x5000, s15;
	[dreg:$0x18] =	wrdreg s26  }
0x1f: {  	s11 =	simm.s32 $0xCB80;
	s15 =	simm.s32 $0x0;
	[dreg:$0x19] =	wrdreg s28  }
0x20: {  	[dreg:$0x1a] =	wrdreg s29;
	s0 =	sadd.s32 $0xE6E00, s19;
	s2 =	simm.s32 $0xC380  }
0x21: {  	s7 =	simm.s32 $0x80;
	[dreg:$0x1b] =	wrdreg s0;
	s0 =	simm.s32 $0x2  }
.LBB2_1:
0x22: {  	s18 =	sshrl.u32 @!p0 s3, $0x3;
	s12 =	simm.s32 @!p0 $0x1C02;
	s13 =	rddreg [dreg:$0x14]  }
0x23: {  	[spmem:s18], [sflag:s12] =	dma.local @!p0 [hbm:s13], $0x10800  }
0x24: {  	s13 =	simm.s32 @!p0 $0x2  }
0x25: {  	_ =	swait.ge @!p0 [sflag:s13], $0x10800  }
0x26: {  	[sflag:s13] =	ssyncset.done @!p0 $0x0  }
0x27: {  	[sflag:s13] =	ssyncadd.s32 @!p0 $0xFFFEF800  }
0x28: {  	s17 =	sshrl.u32 @!p0 s4, $0x3;
	s19 =	rddreg [dreg:$0x4]  }
0x29: {  	[spmem:s17], [sflag:s12] =	dma.local @!p0 [hbm:s19], $0x210  }
0x2a: {  	_ =	swait.ge @!p0 [sflag:s13], $0x210  }
0x2b: {  	[sflag:s13] =	ssyncset.done @!p0 $0x0  }
0x2c: {  	[sflag:s13] =	ssyncadd.s32 @!p0 $0xFFFFFDF0  }
0x2d: {  	[bflag:$0x0] =	sbarrier.arrive $0xFFFF  }
0x2e: {  	s24 =	rddreg [dreg:$0x8]  }
0x2f: {  	[tilespmem:s5], [sflag:$0x2] =	stream.linear.gather [hbm4b:s24+s5], $0x800, $0x38;
	[tilespmem:$0x1B108] =	vst v63  }
0x30: {  	_ =	swait.ge [sflag:s0], $0x800  }
0x31: {  	[sflag:s0] =	ssyncset.done $0x0  }
0x32: {  	s25 =	rddreg [dreg:$0x9];
	[sflag:s0] =	ssyncadd.s32 $0xFFFFF800  }
0x33: {  	[tilespmem:s2], [sflag:$0x2] =	stream.linear.gather [hbm4b:s25+s5], $0x800, $0x38;
	[tilespmem:$0x1B108] =	vst v63  }
0x34: {  	_ =	swait.ge [sflag:s0], $0x800  }
0x35: {  	[sflag:s0] =	ssyncset.done $0x0  }
0x36: {  	s26 =	rddreg [dreg:$0xb];
	[sflag:s0] =	ssyncadd.s32 $0xFFFFF800  }
0x37: {  	[tilespmem:s11], [sflag:$0x2] =	stream.linear.gather [hbm4b:s26+s5], $0x800, $0x38;
	[tilespmem:$0x1B108] =	vst v63  }
0x38: {  	_ =	swait.ge [sflag:s0], $0x800  }
0x39: {  	[sflag:s0] =	ssyncset.done $0x0  }
0x3a: {  	s29 =	simm.s32 $0xDB80;
	s28 =	rddreg [dreg:$0xc];
	[sflag:s0] =	ssyncadd.s32 $0xFFFFF800  }
0x3b: {  	[tilespmem:s29], [sflag:$0x2] =	stream.linear.gather [hbm4b:s28+s5], $0x800, $0x38;
	[tilespmem:$0x1B108] =	vst v63  }
0x3c: {  	_ =	swait.ge [sflag:s0], $0x800  }
0x3d: {  	s21 =	simm.s32 $0x0;
	s19 =	simm.s32 $0xCB80;
	[sflag:s0] =	ssyncset.done $0x0  }
0x3e: {  	s13 =	simm.s32 $0xDB80;
	s20 =	rddreg [dreg:$0xd];
	[sflag:s0] =	ssyncadd.s32 $0xFFFFF800  }
.LBB2_2:
0x3f: {  	v0 =	vmov s19  }
0x40: {  	v1 =	vmov s13  }
0x41: {  	s22 =	sshll.u32 s21, $0x7  }
0x42: {  	s23 =	simm.s32 $0x0;
	s12 =	sadd.s32 $0xCB80, s22  }
0x43: {  	[tilespmem:s8], [sflag:$0x1] =	stream.indirect.gather [hbm4b:s1+s7], $0x80, s12, s7, $0xb8;
	[tilespmem:$0x1B108] =	vst v63  }
0x44: {  	v2 =	vld.idx.msk [tilespmem:v0+s23+$0x0 ss:$0x1], $0xffff  }
0x45: {  	v3 =	vld.idx.msk [tilespmem:v1+s23+$0x0 ss:$0x1], $0xffff;
	_ =	sdelay $0x6  }
0x46: {  	v2 =	vld.idx.msk [tilespmem:v2+s5+$0x0], $0xffff  }
0x47: {  	v3 =	vld.idx.msk [tilespmem:v3+s2+$0x0], $0xffff;
	_ =	sdelay $0x4  }
0x48: {  	v2 =	vadd.f32 v3, v2;
	_ =	sdelay $0x1  }
0x49: {  	v3 =	vmul.f32 $9.999999770e-03, v2;
	_ =	sdelay $0x1  }
0x4a: {  	v2 =	vmax.f32 v2, v3  }
0x4b: {  	v2 =	vmul.f32 $1.442695020e+00, v2;
	_ =	sdelay $0x1  }
0x4c: {  	(erf) = vpow2.f32 v2;
	_ =	sdelay $0x8  }
0x4d: {  	p1 =	slt.u32 s20, $0x10000;
	v2 =	vpop (erf)  }
0x4e: {  	v2 =	vpsel !p1, $0x0, v2  }
0x4f: {  	s12 =	simm.s32 $0x10;
	[tilespmem:s23+$0x12B80] =	vst v2  }
0x50: {  	s24 =	simm.s32 $0x80;
	s23 =	smov.u32 s20;
	v2 =	vld.idx.msk [tilespmem:v0+s12+$0x0 ss:$0x1], $0xffff  }
.LBB2_3:
0x51: {  	p1 =	sne.s32 s24, $0x1C0;
	v3 =	vld.idx.msk [tilespmem:v1+s12+$0x0 ss:$0x1], $0xffff;
	_ =	sdelay $0x6  }
0x52: {  	v2 =	vld.idx.msk [tilespmem:v2+s5+$0x0], $0xffff  }
0x53: {  	v3 =	vld.idx.msk [tilespmem:v3+s2+$0x0], $0xffff;
	_ =	sdelay $0x5  }
0x54: {  	v2 =	vadd.f32 v3, v2;
	_ =	sdelay $0x1  }
0x55: {  	v3 =	vmul.f32 $9.999999770e-03, v2;
	_ =	sdelay $0x1  }
0x56: {  	v2 =	vmax.f32 v2, v3  }
0x57: {  	v2 =	vmul.f32 $1.442695020e+00, v2;
	_ =	sdelay $0x1  }
0x58: {  	(erf) = vpow2.f32 v2;
	_ =	sdelay $0x7  }
.Ltmp0:
0x59: {  	s23 =	sadd.s32 $0x10, s23;
	(pc) =	sbr.rel @p1 .LBB2_3-.Ltmp0, $4  }
0x5a: {  	p2 =	slt.u32 s23, $0x10000;
	v2 =	vpop (erf)  }
0x5b: {  	v2 =	vpsel !p2, $0x0, v2  }
0x5c: {  	[tilespmem:s12+$0x12B80] =	vst v2;
	s12 =	sshra.s32 s24, $0x2  }
0x5d: {  	s24 =	sadd.s32 $0x40, s24;
	v2 =	vld.idx.msk [tilespmem:v0+s12+$0x0 ss:$0x1], $0xffff  }
0x5e: {  	_ =	sdelay $0x3  }
0x5f: {  	v0 =	vld.idx.msk [tilespmem:v1+s12+$0x0 ss:$0x1], $0xffff;
	_ =	sdelay $0x6  }
0x60: {  	v1 =	vld.idx.msk [tilespmem:v2+s5+$0x0], $0xffff  }
0x61: {  	v0 =	vld.idx.msk [tilespmem:v0+s2+$0x0], $0xffff;
	_ =	sdelay $0x4  }
0x62: {  	v0 =	vadd.f32 v0, v1;
	_ =	sdelay $0x1  }
0x63: {  	v1 =	vmul.f32 $9.999999770e-03, v0;
	_ =	sdelay $0x1  }
0x64: {  	v0 =	vmax.f32 v0, v1  }
0x65: {  	v0 =	vmul.f32 $1.442695020e+00, v0;
	_ =	sdelay $0x1  }
0x66: {  	(erf) = vpow2.f32 v0;
	_ =	sdelay $0x7  }
0x67: {  	s23 =	sadd.s32 $0x10, s23  }
0x68: {  	p1 =	slt.u32 s23, $0x10000;
	v0 =	vpop (erf)  }
0x69: {  	v0 =	vpsel !p1, $0x0, v0  }
0x6a: {  	[tilespmem:s12+$0x12B80] =	vst v0  }
0x6b: {  	_ =	swait.ge [sflag:s9], $0x4000  }
0x6c: {  	[sflag:s9] =	ssyncset.done $0x0  }
0x6d: {  	s12 =	simm.s32 $0xEC80;
	[sflag:s9] =	ssyncadd.s32 $0xFFFFC000  }
0x6e: {  	v2 =	vld [tilespmem:s12+$0xFFFFFFF0]  }
0x6f: {  	v3 =	vld [tilespmem:s12+$0xF0]  }
0x70: {  	v1 =	vld [tilespmem:s12+$0xB0]  }
0x71: {  	v4 =	vld [tilespmem:s12+$0xFFFFFFC0]  }
0x72: {  	v5 =	vld [tilespmem:s12+$0x40]  }
0x73: {  	v6 =	vld [tilespmem:s12+$0xFFFFFF50]  }
0x74: {  	s26 =	simm.s32 $0x0;
	v7 =	vld [tilespmem:s12+$0xFFFFFFD0]  }
0x75: {  	s28 =	simm.s32 $0x1;
	s24 =	simm.s32 $0x3;
	v0 =	vmov s26;
	v8 =	vld [tilespmem:s12+$0x50]  }
0x76: {  	s29 =	simm.s32 $0x2;
	v9 =	vmov s28;
	v10 =	vmov s24;
	v0 =	vand.u32 $0xFFFFFFFC, v0;
	v11 =	vld [tilespmem:s12+$0xD0]  }
0x77: {  	v12 =	vbroadcast v0, $0x0;
	v0 =	vand.u32 $0xFFFFFFFD, v9;
	v9 =	vmov s29;
	v13 =	vld [tilespmem:s12+$0xFFFFFF60]  }
0x78: {  	v14 =	vbroadcast v0, $0x0;
	v0 =	vand.u32 $0xFFFFFFFE, v9;
	v9 =	vld [tilespmem:s12+$0xFFFFFFE0]  }
0x79: {  	v16 =	vld [tilespmem:s12+$0x60]  }
0x7a: {  	v17 =	vld [tilespmem:s12+$0xE0]  }
0x7b: {  	v18 =	vld [tilespmem:s12+$0xFFFFFF70]  }
0x7c: {  	v15 =	vbroadcast v0, $0x0;
	v0 =	vld.idx.msk [tilespmem:v10+s10+$0x0], $0xffff  }
0x7d: {  	v10 =	vld [tilespmem:s12+$0x70]  }
0x7e: {  	v21 =	vld [tilespmem:s12+$0xA0]  }
0x7f: {  	v22 =	vld [tilespmem:s12+$0xFFFFFF30]  }
0x80: {  	v59 =	vld [tilespmem:s12+$0xFFFFFFA0]  }
0x81: {  	v23 =	vld [tilespmem:s12+$0x10]  }
0x82: {  	v19 =	vld.idx.msk [tilespmem:v12+s10+$0x0], $0xffff;
	v11 =	vmul.f32 v11, v0  }
0x83: {  	v20 =	vld.idx.msk [tilespmem:v14+s10+$0x0], $0xffff;
	v17 =	vmul.f32 v17, v0  }
0x84: {  	v1 =	vmul.f32 v1, v0;
	v15 =	vld.idx.msk [tilespmem:v15+s10+$0x0], $0xffff;
	[tilespmem:s12+$0xD0] =	vst v11  }
0x85: {  	v24 =	vld [tilespmem:s12+$0xFFFFFF10];
	v3 =	vmul.f32 v3, v0;
	[tilespmem:s12+$0xE0] =	vst v17  }
0x86: {  	v60 =	vld [tilespmem:s12+$0x80];
	v21 =	vmul.f32 v21, v0;
	[tilespmem:s12+$0xB0] =	vst v1  }
0x87: {  	v61 =	vld [tilespmem:s12+$0xFFFFFF80];
	[tilespmem:s12+$0xF0] =	vst v3;
	v6 =	vmul.f32 v6, v19  }
0x88: {  	v62 =	vld [tilespmem:s12+$0xFFFFFF00];
	[tilespmem:s12+$0xA0] =	vst v21;
	v11 =	vmul.f32 v13, v19  }
0x89: {  	v12 =	vld [tilespmem:s12+$0x30];
	v4 =	vmul.f32 v4, v20;
	[tilespmem:s12+$0xFFFFFF50] =	vst v6  }
0x8a: {  	v14 =	vld [tilespmem:s12+$0xFFFFFFB0];
	v9 =	vmul.f32 v9, v20;
	[tilespmem:s12+$0xFFFFFF60] =	vst v11  }
0x8b: {  	v13 =	vld [tilespmem:s12+$0x20];
	v25 =	vmul.f32 v2, v20;
	v6 =	vmul.f32 v7, v20;
	[tilespmem:s12+$0xFFFFFFC0] =	vst v4  }
0x8c: {  	v63 =	vld [tilespmem:s12+$0xFFFFFF40];
	v2 =	vmul.f32 v18, v19;
	v10 =	vmul.f32 v10, v15;
	[tilespmem:s12+$0xFFFFFFE0] =	vst v9  }
0x8d: {  	v3 =	vmul.f32 v61, v20;
	v7 =	vld [tilespmem:s12+$0xFFFFFF20];
	v4 =	vmul.f32 v5, v15;
	[tilespmem:s12+$0xFFFFFFD0] =	vst v6  }
0x8e: {  	v11 =	vld [tilespmem:s12+$0x90];
	v1 =	vmul.f32 v16, v15;
	v5 =	vmul.f32 v12, v15;
	[tilespmem:s12+$0x70] =	vst v10  }
0x8f: {  	v12 =	vld [tilespmem:s12+$0xFFFFFF90];
	v9 =	vmul.f32 v60, v0;
	v6 =	vmul.f32 v8, v15;
	[tilespmem:s12+$0x40] =	vst v4  }
0x90: {  	v8 =	vmul.f32 v14, v20;
	[tilespmem:s12+$0x30] =	vst v5;
	v5 =	vmul.f32 v13, v15;
	v13 =	vld [tilespmem:s12+$0x0]  }
0x91: {  	v10 =	vmul.f32 v23, v15;
	v4 =	vmul.f32 v22, v19;
	[tilespmem:s12+$0x50] =	vst v6  }
0x92: {  	v14 =	vld [tilespmem:s12+$0xC0];
	[tilespmem:s12+$0xFFFFFFB0] =	vst v8;
	v6 =	vmul.f32 v59, v20;
	v7 =	vmul.f32 v7, v19  }
0x93: {  	v8 =	vmul.f32 v11, v0;
	[tilespmem:s12+$0xFFFFFF30] =	vst v4;
	v4 =	vmul.f32 v62, v19  }
0x94: {  	[tilespmem:s12+$0xFFFFFF70] =	vst v2;
	v11 =	vmul.f32 v12, v20;
	v12 =	vmul.f32 v24, v19  }
0x95: {  	s24 =	simm.s32 $0x4;
	s23 =	simm.s32 $0xEE80;
	[tilespmem:s12+$0xFFFFFFF0] =	vst v25;
	v2 =	vmul.f32 v13, v15;
	v13 =	vmul.f32 v63, v19  }
.LBB2_5:
0x96: {  	s26 =	sadd.s32 $0x1, s24  }
0x97: {  	v15 =	vmov s24;
	s28 =	sadd.s32 $0x3, s24;
	v16 =	vld [tilespmem:s23+$0xFFFFFFF0];
	[tilespmem:s12+$0x20] =	vst v5;
	v0 =	vmul.f32 v14, v0;
	s29 =	smov.u32 s24;
	s25 =	sadd.s32 $0x4, s24  }
0x98: {  	p1 =	sne.s32 s24, $0x7C;
	v5 =	vand.u32 $0xFFFFFFFC, v15;
	v14 =	vmov s26;
	s26 =	sadd.s32 $0x2, s29;
	v15 =	vmov s28;
	v17 =	vld [tilespmem:s23+$0xF0];
	[tilespmem:s12+$0xFFFFFFA0] =	vst v6  }
0x99: {  	v5 =	vbroadcast v5, $0x0;
	v6 =	vand.u32 $0xFFFFFFFD, v14;
	v14 =	vmov s26;
	v18 =	vld [tilespmem:s23+$0xB0];
	[tilespmem:s12+$0xFFFFFF20] =	vst v7  }
0x9a: {  	v6 =	vbroadcast v6, $0x0;
	v7 =	vand.u32 $0xFFFFFFFE, v14;
	v14 =	vld [tilespmem:s23+$0xFFFFFFC0];
	[tilespmem:s12+$0x90] =	vst v8  }
0x9b: {  	v7 =	vbroadcast v7, $0x0;
	v8 =	vld [tilespmem:s23+$0x40];
	[tilespmem:s12+$0x10] =	vst v10  }
0x9c: {  	v10 =	vld [tilespmem:s23+$0xFFFFFF50];
	[tilespmem:s12+$0xFFFFFF90] =	vst v11  }
0x9d: {  	v11 =	vld [tilespmem:s23+$0xFFFFFFD0];
	[tilespmem:s12+$0xFFFFFF10] =	vst v12  }
0x9e: {  	v12 =	vld [tilespmem:s23+$0x50];
	[tilespmem:s12+$0xFFFFFF40] =	vst v13  }
0x9f: {  	v13 =	vld [tilespmem:s23+$0xD0];
	[tilespmem:s12+$0x80] =	vst v9  }
0xa0: {  	v9 =	vld [tilespmem:s23+$0xFFFFFF60];
	[tilespmem:s12+$0x60] =	vst v1  }
0xa1: {  	v19 =	vld [tilespmem:s23+$0xFFFFFFE0];
	[tilespmem:s12+$0xC0] =	vst v0  }
0xa2: {  	v1 =	vld [tilespmem:s23+$0x60];
	[tilespmem:s12+$0x0] =	vst v2  }
0xa3: {  	v2 =	vld [tilespmem:s23+$0xE0];
	[tilespmem:s12+$0xFFFFFF80] =	vst v3  }
0xa4: {  	v3 =	vld [tilespmem:s23+$0xFFFFFF70];
	[tilespmem:s12+$0xFFFFFF00] =	vst v4;
	s12 =	smov.u32 s23  }
0xa5: {  	v0 =	vld.idx.msk [tilespmem:v15+s10+$0x0], $0xffff  }
0xa6: {  	v15 =	vld.idx.msk [tilespmem:v5+s10+$0x0], $0xffff  }
0xa7: {  	v4 =	vld.idx.msk [tilespmem:v6+s10+$0x0], $0xffff  }
0xa8: {  	v20 =	vld.idx.msk [tilespmem:v7+s10+$0x0], $0xffff  }
0xa9: {  	v5 =	vld [tilespmem:s23+$0x70]  }
0xaa: {  	v6 =	vld [tilespmem:s23+$0x30]  }
0xab: {  	v13 =	vmul.f32 v13, v0;
	v2 =	vmul.f32 v2, v0;
	v7 =	vld [tilespmem:s23+$0xFFFFFFB0]  }
0xac: {  	v10 =	vmul.f32 v10, v15;
	v9 =	vmul.f32 v9, v15;
	v21 =	vld [tilespmem:s23+$0xFFFFFF30]  }
0xad: {  	v14 =	vmul.f32 v14, v4;
	v11 =	vmul.f32 v11, v4;
	v22 =	vld [tilespmem:s23+$0xA0];
	[tilespmem:s23+$0xD0] =	vst v13  }
0xae: {  	v18 =	vmul.f32 v18, v0;
	v8 =	vmul.f32 v8, v20;
	v13 =	vld [tilespmem:s23+$0x20];
	[tilespmem:s23+$0xE0] =	vst v2  }
0xaf: {  	v2 =	vld [tilespmem:s23+$0xFFFFFFA0];
	v23 =	vmul.f32 v6, v20;
	[tilespmem:s23+$0xFFFFFF50] =	vst v10;
	v10 =	vmul.f32 v12, v20  }
0xb0: {  	v1 =	vmul.f32 v1, v20;
	v12 =	vld [tilespmem:s23+$0xFFFFFF20];
	v24 =	vmul.f32 v7, v4;
	[tilespmem:s23+$0xFFFFFF60] =	vst v9  }
0xb1: {  	v9 =	vld [tilespmem:s23+$0x90];
	v21 =	vmul.f32 v21, v15;
	[tilespmem:s23+$0xFFFFFFC0] =	vst v14;
	v14 =	vmul.f32 v5, v20  }
0xb2: {  	v19 =	vmul.f32 v19, v4;
	v25 =	vld [tilespmem:s23+$0x10];
	v22 =	vmul.f32 v22, v0;
	[tilespmem:s23+$0xFFFFFFD0] =	vst v11  }
0xb3: {  	v11 =	vld [tilespmem:s23+$0xFFFFFF90];
	v5 =	vmul.f32 v13, v20;
	[tilespmem:s23+$0xB0] =	vst v18;
	v13 =	vmul.f32 v16, v4  }
0xb4: {  	v16 =	vld [tilespmem:s23+$0xFFFFFF10];
	v6 =	vmul.f32 v2, v4;
	[tilespmem:s23+$0x40] =	vst v8;
	v2 =	vmul.f32 v3, v15  }
0xb5: {  	v17 =	vmul.f32 v17, v0;
	v3 =	vld [tilespmem:s23+$0x80];
	v7 =	vmul.f32 v12, v15;
	[tilespmem:s23+$0x30] =	vst v23  }
0xb6: {  	v18 =	vld [tilespmem:s23+$0x0];
	v8 =	vmul.f32 v9, v0;
	[tilespmem:s23+$0x50] =	vst v10  }
0xb7: {  	v23 =	vld [tilespmem:s23+$0xFFFFFF80];
	v10 =	vmul.f32 v25, v20;
	[tilespmem:s23+$0xFFFFFFB0] =	vst v24  }
0xb8: {  	v24 =	vld [tilespmem:s23+$0xFFFFFF00];
	v11 =	vmul.f32 v11, v4;
	[tilespmem:s23+$0x70] =	vst v14  }
0xb9: {  	v12 =	vmul.f32 v16, v15;
	v16 =	vld [tilespmem:s23+$0xFFFFFF40];
	[tilespmem:s23+$0xFFFFFFE0] =	vst v19  }
.Ltmp1:
0xba: {  	v9 =	vmul.f32 v3, v0;
	v14 =	vld [tilespmem:s23+$0xC0];
	[tilespmem:s23+$0xFFFFFF70] =	vst v2;
	(pc) =	sbr.rel @p1 .LBB2_5-.Ltmp1, $4  }
0xbb: {  	v2 =	vmul.f32 v18, v20;
	[tilespmem:s23+$0xF0] =	vst v17  }
0xbc: {  	v3 =	vmul.f32 v23, v4;
	[tilespmem:s23+$0xFFFFFF30] =	vst v21  }
0xbd: {  	v4 =	vmul.f32 v24, v15;
	[tilespmem:s23+$0xFFFFFFF0] =	vst v13  }
0xbe: {  	s24 =	smov.u32 s25;
	s23 =	sadd.s32 $0x200, s23;
	[tilespmem:s12+$0xA0] =	vst v22;
	v13 =	vmul.f32 v16, v15  }
0xbf: {  	[tilespmem:s12+$0x20] =	vst v5  }
0xc0: {  	[tilespmem:s12+$0xFFFFFFA0] =	vst v6  }
0xc1: {  	[tilespmem:s12+$0xFFFFFF20] =	vst v7  }
0xc2: {  	[tilespmem:s12+$0x90] =	vst v8  }
0xc3: {  	[tilespmem:s12+$0x10] =	vst v10  }
0xc4: {  	[tilespmem:s12+$0xFFFFFF90] =	vst v11  }
0xc5: {  	[tilespmem:s12+$0xFFFFFF10] =	vst v12  }
0xc6: {  	[tilespmem:s12+$0x80] =	vst v9  }
0xc7: {  	[tilespmem:s12+$0x60] =	vst v1  }
0xc8: {  	[tilespmem:s12+$0x0] =	vst v2  }
0xc9: {  	[tilespmem:s12+$0xFFFFFF80] =	vst v3  }
0xca: {  	v0 =	vmul.f32 v14, v0;
	[tilespmem:s12+$0xFFFFFF00] =	vst v4  }
0xcb: {  	[tilespmem:s12+$0xFFFFFF40] =	vst v13  }
0xcc: {  	s29 =	sadd.s32 $0xDB80, s22;
	[tilespmem:s12+$0xC0] =	vst v0  }
0xcd: {  	[spmem:s3] =	stream.indirect.scatter.add.f32 [tilespmem:s8], [sflag:$0x2], $0x80, s29, s7, $0xb8;
	[tilespmem:$0x1B108] =	vst v63  }
0xce: {  	s21 =	sadd.s32 $0x1, s21;
	_ =	swait.ge [sflag:s0], $0x4000  }
0xcf: {  	p1 =	sne.s32 s21, $0x10;
	[sflag:s0] =	ssyncset.done $0x0  }
.Ltmp2:
0xd0: {  	[sflag:s0] =	ssyncadd.s32 $0xFFFFC000;
	(pc) =	sbr.rel @p1 .LBB2_2-.Ltmp2, $4  }
0xd1: {  	[spmem:s4] =	stream.indirect.scatter.add.f32 [tilespmem:s10], [sflag:$0x2], $0x1, s29, s7, $0xb8;
	[tilespmem:$0x1B108] =	vst v63  }
0xd2: {  	_ =	swait.ge [sflag:s0], $0x80  }
0xd3: {  	s20 =	sadd.s32 $0x80, s20;
	[sflag:s0] =	ssyncset.done $0x0  }
0xd4: {  	s19 =	sadd.s32 $0x80, s19;
	s13 =	sadd.s32 $0x80, s13;
	[sflag:s0] =	ssyncadd.s32 $0xFFFFFF80  }
0xd5: {  	s19 =	simm.s32 $0x0;
	s12 =	rddreg [dreg:$0xa]  }
0xd6: {  	[tilespmem:s19], [sflag:$0x2] =	stream.linear.gather [hbm4b:s12+s19], $0xC380, $0x38;
	[tilespmem:$0x1B108] =	vst v63  }
0xd7: {  	_ =	swait.ge [sflag:s0], $0xC380  }
0xd8: {  	[sflag:s0] =	ssyncset.done $0x0  }
0xd9: {  	s26 =	rddreg [dreg:$0xf];
	[sflag:s0] =	ssyncadd.s32 $0xFFFF3C80  }
0xda: {  	[tilespmem:s2], [sflag:$0x2] =	stream.linear.gather [hbm4b:s26+s19], $0x800, $0x38;
	[tilespmem:$0x1B108] =	vst v63  }
0xdb: {  	_ =	swait.ge [sflag:s0], $0x800  }
0xdc: {  	[sflag:s0] =	ssyncset.done $0x0  }
0xdd: {  	s20 =	simm.s32 $0xCB80;
	s28 =	rddreg [dreg:$0x15];
	[sflag:s0] =	ssyncadd.s32 $0xFFFFF800  }
0xde: {  	[tilespmem:s20], [sflag:$0x2] =	stream.linear.gather [hbm4b:s28+s19], $0xC80, $0x38;
	[tilespmem:$0x1B108] =	vst v63  }
0xdf: {  	_ =	swait.ge [sflag:s0], $0xC80  }
0xe0: {  	[sflag:s0] =	ssyncset.done $0x0  }
0xe1: {  	s21 =	simm.s32 $0xDB80;
	s29 =	rddreg [dreg:$0x16];
	[sflag:s0] =	ssyncadd.s32 $0xFFFFF380  }
0xe2: {  	[tilespmem:s21], [sflag:$0x2] =	stream.linear.gather [hbm4b:s29+s19], $0xC80, $0x38;
	[tilespmem:$0x1B108] =	vst v63  }
0xe3: {  	_ =	swait.ge [sflag:s0], $0xC80  }
0xe4: {  	[sflag:s0] =	ssyncset.done $0x0  }
0xe5: {  	s13 =	rddreg [dreg:$0xe];
	[sflag:s0] =	ssyncadd.s32 $0xFFFFF380  }
.LBB2_8:
0xe6: {  	v0 =	vmov s21  }
0xe7: {  	v1 =	vmov s20  }
0xe8: {  	s22 =	sshll.u32 s19, $0x7  }
0xe9: {  	s23 =	simm.s32 $0x0;
	s12 =	sadd.s32 $0xCB80, s22  }
0xea: {  	[tilespmem:s8], [sflag:$0x1] =	stream.indirect.gather [hbm4b:s6+s7], $0x80, s12, s7, $0xb8;
	[tilespmem:$0x1B108] =	vst v63  }
0xeb: {  	v2 =	vld.idx.msk [tilespmem:v0+s23+$0x0 ss:$0x1], $0xffff  }
0xec: {  	v3 =	vld.idx.msk [tilespmem:v1+s23+$0x0 ss:$0x1], $0xffff;
	_ =	sdelay $0x3  }
0xed: {  	v2 =	vadd.s32 $0xFFFFF800, v2;
	_ =	sdelay $0x3  }
0xee: {  	v3 =	vld.idx.msk [tilespmem:v3+s5+$0x0], $0xffff  }
0xef: {  	v2 =	vld.idx.msk [tilespmem:v2+s2+$0x0], $0xffff;
	_ =	sdelay $0x4  }
0xf0: {  	v2 =	vadd.f32 v2, v3;
	_ =	sdelay $0x1  }
0xf1: {  	v3 =	vmul.f32 $9.999999770e-03, v2;
	_ =	sdelay $0x1  }
0xf2: {  	v2 =	vmax.f32 v2, v3  }
0xf3: {  	v2 =	vmul.f32 $1.442695020e+00, v2;
	_ =	sdelay $0x1  }
0xf4: {  	(erf) = vpow2.f32 v2;
	_ =	sdelay $0x8  }
0xf5: {  	p1 =	slt.u32 s13, $0x186A0;
	v2 =	vpop (erf)  }
0xf6: {  	v2 =	vpsel !p1, $0x0, v2  }
0xf7: {  	s24 =	simm.s32 $0x80;
	s12 =	simm.s32 $0x10;
	[tilespmem:s23+$0x12B80] =	vst v2;
	s23 =	smov.u32 s13  }
.LBB2_9:
0xf8: {  	p1 =	sne.s32 s24, $0x1C0;
	v2 =	vld.idx.msk [tilespmem:v0+s12+$0x0 ss:$0x1], $0xffff;
	_ =	sdelay $0x1  }
0xf9: {  	v3 =	vld.idx.msk [tilespmem:v1+s12+$0x0 ss:$0x1], $0xffff;
	_ =	sdelay $0x3  }
0xfa: {  	v2 =	vadd.s32 $0xFFFFF800, v2;
	_ =	sdelay $0x3  }
0xfb: {  	v3 =	vld.idx.msk [tilespmem:v3+s5+$0x0], $0xffff  }
0xfc: {  	v2 =	vld.idx.msk [tilespmem:v2+s2+$0x0], $0xffff;
	_ =	sdelay $0x5  }
0xfd: {  	v2 =	vadd.f32 v2, v3;
	_ =	sdelay $0x1  }
0xfe: {  	v3 =	vmul.f32 $9.999999770e-03, v2;
	_ =	sdelay $0x1  }
0xff: {  	v2 =	vmax.f32 v2, v3  }
0x100: {  	v2 =	vmul.f32 $1.442695020e+00, v2;
	_ =	sdelay $0x1  }
0x101: {  	(erf) = vpow2.f32 v2;
	_ =	sdelay $0x6  }
.Ltmp3:
0x102: {  	(pc) =	sbr.rel @p1 .LBB2_9-.Ltmp3, $4  }
0x103: {  	s23 =	sadd.s32 $0x10, s23  }
0x104: {  	p2 =	slt.u32 s23, $0x186A0;
	v2 =	vpop (erf)  }
0x105: {  	v2 =	vpsel !p2, $0x0, v2  }
0x106: {  	[tilespmem:s12+$0x12B80] =	vst v2;
	s12 =	sshra.s32 s24, $0x2;
	s24 =	sadd.s32 $0x40, s24  }
0x107: {  	_ =	sdelay $0x3  }
0x108: {  	v0 =	vld.idx.msk [tilespmem:v0+s12+$0x0 ss:$0x1], $0xffff  }
0x109: {  	v1 =	vld.idx.msk [tilespmem:v1+s12+$0x0 ss:$0x1], $0xffff;
	_ =	sdelay $0x3  }
0x10a: {  	v0 =	vadd.s32 $0xFFFFF800, v0;
	_ =	sdelay $0x3  }
0x10b: {  	v1 =	vld.idx.msk [tilespmem:v1+s5+$0x0], $0xffff  }
0x10c: {  	v0 =	vld.idx.msk [tilespmem:v0+s2+$0x0], $0xffff;
	_ =	sdelay $0x4  }
0x10d: {  	v0 =	vadd.f32 v0, v1;
	_ =	sdelay $0x1  }
0x10e: {  	v1 =	vmul.f32 $9.999999770e-03, v0;
	_ =	sdelay $0x1  }
0x10f: {  	v0 =	vmax.f32 v0, v1  }
0x110: {  	v0 =	vmul.f32 $1.442695020e+00, v0;
	_ =	sdelay $0x1  }
0x111: {  	(erf) = vpow2.f32 v0;
	_ =	sdelay $0x7  }
0x112: {  	s23 =	sadd.s32 $0x10, s23  }
0x113: {  	p1 =	slt.u32 s23, $0x186A0;
	v0 =	vpop (erf)  }
0x114: {  	v0 =	vpsel !p1, $0x0, v0  }
0x115: {  	[tilespmem:s12+$0x12B80] =	vst v0  }
0x116: {  	_ =	swait.ge [sflag:s9], $0x4000  }
0x117: {  	[sflag:s9] =	ssyncset.done $0x0  }
0x118: {  	s12 =	simm.s32 $0xEC80;
	[sflag:s9] =	ssyncadd.s32 $0xFFFFC000  }
0x119: {  	v2 =	vld [tilespmem:s12+$0xFFFFFFF0]  }
0x11a: {  	v3 =	vld [tilespmem:s12+$0xF0]  }
0x11b: {  	v1 =	vld [tilespmem:s12+$0xB0]  }
0x11c: {  	v4 =	vld [tilespmem:s12+$0xFFFFFFC0]  }
0x11d: {  	v5 =	vld [tilespmem:s12+$0x40]  }
0x11e: {  	v6 =	vld [tilespmem:s12+$0xFFFFFF50]  }
0x11f: {  	s26 =	simm.s32 $0x0;
	v7 =	vld [tilespmem:s12+$0xFFFFFFD0]  }
0x120: {  	s28 =	simm.s32 $0x1;
	s24 =	simm.s32 $0x3;
	v0 =	vmov s26;
	v8 =	vld [tilespmem:s12+$0x50]  }
0x121: {  	s29 =	simm.s32 $0x2;
	v9 =	vmov s28;
	v10 =	vmov s24;
	v0 =	vand.u32 $0xFFFFFFFC, v0;
	v11 =	vld [tilespmem:s12+$0xD0]  }
0x122: {  	v12 =	vbroadcast v0, $0x0;
	v0 =	vand.u32 $0xFFFFFFFD, v9;
	v9 =	vmov s29;
	v13 =	vld [tilespmem:s12+$0xFFFFFF60]  }
0x123: {  	v14 =	vbroadcast v0, $0x0;
	v0 =	vand.u32 $0xFFFFFFFE, v9;
	v9 =	vld [tilespmem:s12+$0xFFFFFFE0]  }
0x124: {  	v16 =	vld [tilespmem:s12+$0x60]  }
0x125: {  	v17 =	vld [tilespmem:s12+$0xE0]  }
0x126: {  	v18 =	vld [tilespmem:s12+$0xFFFFFF70]  }
0x127: {  	v15 =	vbroadcast v0, $0x0;
	v0 =	vld.idx.msk [tilespmem:v10+s10+$0x0], $0xffff  }
0x128: {  	v10 =	vld [tilespmem:s12+$0x70]  }
0x129: {  	v21 =	vld [tilespmem:s12+$0xA0]  }
0x12a: {  	v22 =	vld [tilespmem:s12+$0xFFFFFF30]  }
0x12b: {  	v59 =	vld [tilespmem:s12+$0xFFFFFFA0]  }
0x12c: {  	v23 =	vld [tilespmem:s12+$0x10]  }
0x12d: {  	v19 =	vld.idx.msk [tilespmem:v12+s10+$0x0], $0xffff;
	v11 =	vmul.f32 v11, v0  }
0x12e: {  	v20 =	vld.idx.msk [tilespmem:v14+s10+$0x0], $0xffff;
	v17 =	vmul.f32 v17, v0  }
0x12f: {  	v1 =	vmul.f32 v1, v0;
	v15 =	vld.idx.msk [tilespmem:v15+s10+$0x0], $0xffff;
	[tilespmem:s12+$0xD0] =	vst v11  }
0x130: {  	v24 =	vld [tilespmem:s12+$0xFFFFFF10];
	v3 =	vmul.f32 v3, v0;
	[tilespmem:s12+$0xE0] =	vst v17  }
0x131: {  	v60 =	vld [tilespmem:s12+$0x80];
	v21 =	vmul.f32 v21, v0;
	[tilespmem:s12+$0xB0] =	vst v1  }
0x132: {  	v61 =	vld [tilespmem:s12+$0xFFFFFF80];
	[tilespmem:s12+$0xF0] =	vst v3;
	v6 =	vmul.f32 v6, v19  }
0x133: {  	v62 =	vld [tilespmem:s12+$0xFFFFFF00];
	[tilespmem:s12+$0xA0] =	vst v21;
	v11 =	vmul.f32 v13, v19  }
0x134: {  	v12 =	vld [tilespmem:s12+$0x30];
	v4 =	vmul.f32 v4, v20;
	[tilespmem:s12+$0xFFFFFF50] =	vst v6  }
0x135: {  	v14 =	vld [tilespmem:s12+$0xFFFFFFB0];
	v9 =	vmul.f32 v9, v20;
	[tilespmem:s12+$0xFFFFFF60] =	vst v11  }
0x136: {  	v13 =	vld [tilespmem:s12+$0x20];
	v25 =	vmul.f32 v2, v20;
	v6 =	vmul.f32 v7, v20;
	[tilespmem:s12+$0xFFFFFFC0] =	vst v4  }
0x137: {  	v63 =	vld [tilespmem:s12+$0xFFFFFF40];
	v2 =	vmul.f32 v18, v19;
	v10 =	vmul.f32 v10, v15;
	[tilespmem:s12+$0xFFFFFFE0] =	vst v9  }
0x138: {  	v3 =	vmul.f32 v61, v20;
	v7 =	vld [tilespmem:s12+$0xFFFFFF20];
	v4 =	vmul.f32 v5, v15;
	[tilespmem:s12+$0xFFFFFFD0] =	vst v6  }
0x139: {  	v11 =	vld [tilespmem:s12+$0x90];
	v1 =	vmul.f32 v16, v15;
	v5 =	vmul.f32 v12, v15;
	[tilespmem:s12+$0x70] =	vst v10  }
0x13a: {  	v12 =	vld [tilespmem:s12+$0xFFFFFF90];
	v9 =	vmul.f32 v60, v0;
	v6 =	vmul.f32 v8, v15;
	[tilespmem:s12+$0x40] =	vst v4  }
0x13b: {  	v8 =	vmul.f32 v14, v20;
	[tilespmem:s12+$0x30] =	vst v5;
	v5 =	vmul.f32 v13, v15;
	v13 =	vld [tilespmem:s12+$0x0]  }
0x13c: {  	v10 =	vmul.f32 v23, v15;
	v4 =	vmul.f32 v22, v19;
	[tilespmem:s12+$0x50] =	vst v6  }
0x13d: {  	v14 =	vld [tilespmem:s12+$0xC0];
	[tilespmem:s12+$0xFFFFFFB0] =	vst v8;
	v6 =	vmul.f32 v59, v20;
	v7 =	vmul.f32 v7, v19  }
0x13e: {  	v8 =	vmul.f32 v11, v0;
	[tilespmem:s12+$0xFFFFFF30] =	vst v4;
	v4 =	vmul.f32 v62, v19  }
0x13f: {  	[tilespmem:s12+$0xFFFFFF70] =	vst v2;
	v11 =	vmul.f32 v12, v20;
	v12 =	vmul.f32 v24, v19  }
0x140: {  	s25 =	simm.s32 $0x4;
	s23 =	simm.s32 $0xEE80;
	[tilespmem:s12+$0xFFFFFFF0] =	vst v25;
	v2 =	vmul.f32 v13, v15;
	v13 =	vmul.f32 v63, v19  }
.LBB2_11:
0x141: {  	s26 =	sadd.s32 $0x1, s25  }
0x142: {  	v15 =	vmov s25;
	s28 =	sadd.s32 $0x3, s25;
	v16 =	vld [tilespmem:s23+$0xFFFFFFF0];
	[tilespmem:s12+$0x20] =	vst v5;
	v0 =	vmul.f32 v14, v0;
	s29 =	smov.u32 s25;
	s24 =	sadd.s32 $0x4, s25  }
0x143: {  	p1 =	sne.s32 s25, $0x7C;
	v5 =	vand.u32 $0xFFFFFFFC, v15;
	v14 =	vmov s26;
	s26 =	sadd.s32 $0x2, s29;
	v15 =	vmov s28;
	v17 =	vld [tilespmem:s23+$0xF0];
	[tilespmem:s12+$0xFFFFFFA0] =	vst v6  }
0x144: {  	v5 =	vbroadcast v5, $0x0;
	v6 =	vand.u32 $0xFFFFFFFD, v14;
	v14 =	vmov s26;
	v18 =	vld [tilespmem:s23+$0xB0];
	[tilespmem:s12+$0xFFFFFF20] =	vst v7  }
0x145: {  	v6 =	vbroadcast v6, $0x0;
	v7 =	vand.u32 $0xFFFFFFFE, v14;
	v14 =	vld [tilespmem:s23+$0xFFFFFFC0];
	[tilespmem:s12+$0x90] =	vst v8  }
0x146: {  	v7 =	vbroadcast v7, $0x0;
	v8 =	vld [tilespmem:s23+$0x40];
	[tilespmem:s12+$0x10] =	vst v10  }
0x147: {  	v10 =	vld [tilespmem:s23+$0xFFFFFF50];
	[tilespmem:s12+$0xFFFFFF90] =	vst v11  }
0x148: {  	v11 =	vld [tilespmem:s23+$0xFFFFFFD0];
	[tilespmem:s12+$0xFFFFFF10] =	vst v12  }
0x149: {  	v12 =	vld [tilespmem:s23+$0x50];
	[tilespmem:s12+$0xFFFFFF40] =	vst v13  }
0x14a: {  	v13 =	vld [tilespmem:s23+$0xD0];
	[tilespmem:s12+$0x80] =	vst v9  }
0x14b: {  	v9 =	vld [tilespmem:s23+$0xFFFFFF60];
	[tilespmem:s12+$0x60] =	vst v1  }
0x14c: {  	v19 =	vld [tilespmem:s23+$0xFFFFFFE0];
	[tilespmem:s12+$0xC0] =	vst v0  }
0x14d: {  	v1 =	vld [tilespmem:s23+$0x60];
	[tilespmem:s12+$0x0] =	vst v2  }
0x14e: {  	v2 =	vld [tilespmem:s23+$0xE0];
	[tilespmem:s12+$0xFFFFFF80] =	vst v3  }
0x14f: {  	v3 =	vld [tilespmem:s23+$0xFFFFFF70];
	[tilespmem:s12+$0xFFFFFF00] =	vst v4;
	s12 =	smov.u32 s23  }
0x150: {  	v0 =	vld.idx.msk [tilespmem:v15+s10+$0x0], $0xffff  }
0x151: {  	v15 =	vld.idx.msk [tilespmem:v5+s10+$0x0], $0xffff  }
0x152: {  	v4 =	vld.idx.msk [tilespmem:v6+s10+$0x0], $0xffff  }
0x153: {  	v20 =	vld.idx.msk [tilespmem:v7+s10+$0x0], $0xffff  }
0x154: {  	v5 =	vld [tilespmem:s23+$0x70]  }
0x155: {  	v6 =	vld [tilespmem:s23+$0x30]  }
0x156: {  	v13 =	vmul.f32 v13, v0;
	v2 =	vmul.f32 v2, v0;
	v7 =	vld [tilespmem:s23+$0xFFFFFFB0]  }
0x157: {  	v10 =	vmul.f32 v10, v15;
	v9 =	vmul.f32 v9, v15;
	v21 =	vld [tilespmem:s23+$0xFFFFFF30]  }
0x158: {  	v14 =	vmul.f32 v14, v4;
	v11 =	vmul.f32 v11, v4;
	v22 =	vld [tilespmem:s23+$0xA0];
	[tilespmem:s23+$0xD0] =	vst v13  }
0x159: {  	v18 =	vmul.f32 v18, v0;
	v8 =	vmul.f32 v8, v20;
	v13 =	vld [tilespmem:s23+$0x20];
	[tilespmem:s23+$0xE0] =	vst v2  }
0x15a: {  	v2 =	vld [tilespmem:s23+$0xFFFFFFA0];
	v23 =	vmul.f32 v6, v20;
	[tilespmem:s23+$0xFFFFFF50] =	vst v10;
	v10 =	vmul.f32 v12, v20  }
0x15b: {  	v1 =	vmul.f32 v1, v20;
	v12 =	vld [tilespmem:s23+$0xFFFFFF20];
	v24 =	vmul.f32 v7, v4;
	[tilespmem:s23+$0xFFFFFF60] =	vst v9  }
0x15c: {  	v9 =	vld [tilespmem:s23+$0x90];
	v21 =	vmul.f32 v21, v15;
	[tilespmem:s23+$0xFFFFFFC0] =	vst v14;
	v14 =	vmul.f32 v5, v20  }
0x15d: {  	v19 =	vmul.f32 v19, v4;
	v25 =	vld [tilespmem:s23+$0x10];
	v22 =	vmul.f32 v22, v0;
	[tilespmem:s23+$0xFFFFFFD0] =	vst v11  }
0x15e: {  	v11 =	vld [tilespmem:s23+$0xFFFFFF90];
	v5 =	vmul.f32 v13, v20;
	[tilespmem:s23+$0xB0] =	vst v18;
	v13 =	vmul.f32 v16, v4  }
0x15f: {  	v16 =	vld [tilespmem:s23+$0xFFFFFF10];
	v6 =	vmul.f32 v2, v4;
	[tilespmem:s23+$0x40] =	vst v8;
	v2 =	vmul.f32 v3, v15  }
0x160: {  	v17 =	vmul.f32 v17, v0;
	v3 =	vld [tilespmem:s23+$0x80];
	v7 =	vmul.f32 v12, v15;
	[tilespmem:s23+$0x30] =	vst v23  }
0x161: {  	v18 =	vld [tilespmem:s23+$0x0];
	v8 =	vmul.f32 v9, v0;
	[tilespmem:s23+$0x50] =	vst v10  }
0x162: {  	v23 =	vld [tilespmem:s23+$0xFFFFFF80];
	v10 =	vmul.f32 v25, v20;
	[tilespmem:s23+$0xFFFFFFB0] =	vst v24  }
0x163: {  	v24 =	vld [tilespmem:s23+$0xFFFFFF00];
	v11 =	vmul.f32 v11, v4;
	[tilespmem:s23+$0x70] =	vst v14  }
0x164: {  	v12 =	vmul.f32 v16, v15;
	v16 =	vld [tilespmem:s23+$0xFFFFFF40];
	[tilespmem:s23+$0xFFFFFFE0] =	vst v19  }
.Ltmp4:
0x165: {  	v9 =	vmul.f32 v3, v0;
	v14 =	vld [tilespmem:s23+$0xC0];
	[tilespmem:s23+$0xFFFFFF70] =	vst v2;
	(pc) =	sbr.rel @p1 .LBB2_11-.Ltmp4, $4  }
0x166: {  	v2 =	vmul.f32 v18, v20;
	[tilespmem:s23+$0xF0] =	vst v17  }
0x167: {  	v3 =	vmul.f32 v23, v4;
	[tilespmem:s23+$0xFFFFFF30] =	vst v21  }
0x168: {  	v4 =	vmul.f32 v24, v15;
	[tilespmem:s23+$0xFFFFFFF0] =	vst v13  }
0x169: {  	s25 =	smov.u32 s24;
	s23 =	sadd.s32 $0x200, s23;
	[tilespmem:s12+$0xA0] =	vst v22;
	v13 =	vmul.f32 v16, v15  }
0x16a: {  	[tilespmem:s12+$0x20] =	vst v5  }
0x16b: {  	[tilespmem:s12+$0xFFFFFFA0] =	vst v6  }
0x16c: {  	[tilespmem:s12+$0xFFFFFF20] =	vst v7  }
0x16d: {  	[tilespmem:s12+$0x90] =	vst v8  }
0x16e: {  	[tilespmem:s12+$0x10] =	vst v10  }
0x16f: {  	[tilespmem:s12+$0xFFFFFF90] =	vst v11  }
0x170: {  	[tilespmem:s12+$0xFFFFFF10] =	vst v12  }
0x171: {  	[tilespmem:s12+$0x80] =	vst v9  }
0x172: {  	[tilespmem:s12+$0x60] =	vst v1  }
0x173: {  	[tilespmem:s12+$0x0] =	vst v2  }
0x174: {  	[tilespmem:s12+$0xFFFFFF80] =	vst v3  }
0x175: {  	v0 =	vmul.f32 v14, v0;
	[tilespmem:s12+$0xFFFFFF00] =	vst v4  }
0x176: {  	[tilespmem:s12+$0xFFFFFF40] =	vst v13  }
0x177: {  	s29 =	sadd.s32 $0xDB80, s22;
	[tilespmem:s12+$0xC0] =	vst v0  }
0x178: {  	[spmem:s3] =	stream.indirect.scatter.add.f32 [tilespmem:s8], [sflag:$0x2], $0x80, s29, s7, $0xb8;
	[tilespmem:$0x1B108] =	vst v63  }
0x179: {  	s19 =	sadd.s32 $0x1, s19;
	_ =	swait.ge [sflag:s0], $0x4000  }
0x17a: {  	p1 =	sne.s32 s19, $0x19;
	[sflag:s0] =	ssyncset.done $0x0  }
.Ltmp5:
0x17b: {  	[sflag:s0] =	ssyncadd.s32 $0xFFFFC000;
	(pc) =	sbr.rel @p1 .LBB2_8-.Ltmp5, $4  }
0x17c: {  	[spmem:s4] =	stream.indirect.scatter.add.f32 [tilespmem:s10], [sflag:$0x2], $0x1, s29, s7, $0xb8;
	[tilespmem:$0x1B108] =	vst v63  }
0x17d: {  	_ =	swait.ge [sflag:s0], $0x80  }
0x17e: {  	s13 =	sadd.s32 $0x80, s13;
	[sflag:s0] =	ssyncset.done $0x0  }
0x17f: {  	s20 =	sadd.s32 $0x80, s20;
	s21 =	sadd.s32 $0x80, s21;
	[sflag:s0] =	ssyncadd.s32 $0xFFFFFF80  }
0x180: {  	s12 =	simm.s32 $0x0;
	s13 =	rddreg [dreg:$0x10]  }
0x181: {  	[tilespmem:s12], [sflag:$0x2] =	stream.linear.gather [hbm4b:s13+s12], $0x800, $0x38;
	[tilespmem:$0x1B108] =	vst v63  }
0x182: {  	_ =	swait.ge [sflag:s0], $0x800  }
0x183: {  	[sflag:s0] =	ssyncset.done $0x0  }
0x184: {  	s25 =	rddreg [dreg:$0x11];
	[sflag:s0] =	ssyncadd.s32 $0xFFFFF800  }
0x185: {  	[tilespmem:s2], [sflag:$0x2] =	stream.linear.gather [hbm4b:s25+s12], $0x40, $0x38;
	[tilespmem:$0x1B108] =	vst v63  }
0x186: {  	_ =	swait.ge [sflag:s0], $0x40  }
0x187: {  	[sflag:s0] =	ssyncset.done $0x0  }
0x188: {  	s26 =	rddreg [dreg:$0x17];
	[sflag:s0] =	ssyncadd.s32 $0xFFFFFFC0  }
0x189: {  	[tilespmem:s11], [sflag:$0x2] =	stream.linear.gather [hbm4b:s26+s12], $0x80, $0x38;
	[tilespmem:$0x1B108] =	vst v63  }
0x18a: {  	_ =	swait.ge [sflag:s0], $0x80  }
0x18b: {  	[sflag:s0] =	ssyncset.done $0x0  }
0x18c: {  	s19 =	simm.s32 $0xDB80;
	s28 =	rddreg [dreg:$0x18];
	[sflag:s0] =	ssyncadd.s32 $0xFFFFFF80  }
0x18d: {  	[tilespmem:s19], [sflag:$0x2] =	stream.linear.gather [hbm4b:s28+s12], $0x80, $0x38;
	[tilespmem:$0x1B108] =	vst v63  }
0x18e: {  	_ =	swait.ge [sflag:s0], $0x80  }
0x18f: {  	[sflag:s0] =	ssyncset.done $0x0  }
0x190: {  	s29 =	simm.s32 $0x0;
	[sflag:s0] =	ssyncadd.s32 $0xFFFFFF80  }
0x191: {  	[tilespmem:s8], [sflag:$0x1] =	stream.indirect.gather [hbm4b:s1+s7], $0x80, s11, s7, $0xb8;
	[tilespmem:$0x1B108] =	vst v63  }
0x192: {  	v0 =	vld [tilespmem:s29+$0xDB80]  }
0x193: {  	v1 =	vld [tilespmem:s29+$0xCB80];
	_ =	sdelay $0x3  }
0x194: {  	v0 =	vadd.s32 $0xFFFFF000, v0;
	_ =	sdelay $0x3  }
0x195: {  	v1 =	vld.idx.msk [tilespmem:v1+s5+$0x0], $0xffff  }
0x196: {  	v0 =	vld.idx.msk [tilespmem:v0+s2+$0x0], $0xffff;
	_ =	sdelay $0x4  }
0x197: {  	v0 =	vadd.f32 v0, v1;
	_ =	sdelay $0x1  }
0x198: {  	v1 =	vmul.f32 $9.999999770e-03, v0;
	_ =	sdelay $0x1  }
0x199: {  	v0 =	vmax.f32 v0, v1  }
0x19a: {  	v0 =	vmul.f32 $1.442695020e+00, v0;
	_ =	sdelay $0x1  }
0x19b: {  	(erf) = vpow2.f32 v0  }
0x19c: {  	s12 =	simm.s32 $0x10  }
0x19d: {  	v0 =	vld [tilespmem:s12+$0xDB80];
	_ =	sdelay $0x2  }
0x19e: {  	v1 =	vld [tilespmem:s12+$0xCB80];
	_ =	sdelay $0x1  }
0x19f: {  	v0 =	vadd.s32 $0xFFFFF000, v0;
	_ =	sdelay $0x1  }
0x1a0: {  	p1 =	slt.u32 s14, $0x800;
	v2 =	vpop (erf)  }
0x1a1: {  	v2 =	vpsel !p1, $0x0, v2  }
0x1a2: {  	[tilespmem:s29+$0x12B80] =	vst v2  }
0x1a3: {  	v0 =	vld.idx.msk [tilespmem:v0+s2+$0x0], $0xffff  }
0x1a4: {  	v1 =	vld.idx.msk [tilespmem:v1+s5+$0x0], $0xffff;
	_ =	sdelay $0x4  }
0x1a5: {  	v0 =	vadd.f32 v0, v1;
	_ =	sdelay $0x1  }
0x1a6: {  	v1 =	vmul.f32 $9.999999770e-03, v0;
	_ =	sdelay $0x1  }
0x1a7: {  	v0 =	vmax.f32 v0, v1  }
0x1a8: {  	v0 =	vmul.f32 $1.442695020e+00, v0;
	_ =	sdelay $0x1  }
0x1a9: {  	(erf) = vpow2.f32 v0  }
0x1aa: {  	s20 =	simm.s32 $0x20  }
0x1ab: {  	s13 =	smov.u32 s14;
	s19 =	simm.s32 $0xC0;
	v0 =	vld [tilespmem:s20+$0xDB80]  }
.LBB2_14:
0x1ac: {  	p1 =	sne.s32 s19, $0x1C0;
	_ =	sdelay $0x1  }
0x1ad: {  	v1 =	vld [tilespmem:s20+$0xCB80];
	_ =	sdelay $0x1  }
0x1ae: {  	v0 =	vadd.s32 $0xFFFFF000, v0  }
0x1af: {  	s13 =	sadd.s32 $0x10, s13  }
0x1b0: {  	p2 =	slt.u32 s13, $0x800;
	v2 =	vpop (erf)  }
0x1b1: {  	v2 =	vpsel !p2, $0x0, v2  }
0x1b2: {  	[tilespmem:s12+$0x12B80] =	vst v2;
	s12 =	smov.u32 s20  }
0x1b3: {  	v0 =	vld.idx.msk [tilespmem:v0+s2+$0x0], $0xffff  }
0x1b4: {  	v1 =	vld.idx.msk [tilespmem:v1+s5+$0x0], $0xffff;
	_ =	sdelay $0x5  }
0x1b5: {  	v0 =	vadd.f32 v0, v1;
	_ =	sdelay $0x1  }
0x1b6: {  	v1 =	vmul.f32 $9.999999770e-03, v0;
	_ =	sdelay $0x1  }
0x1b7: {  	v0 =	vmax.f32 v0, v1  }
.Ltmp6:
0x1b8: {  	v0 =	vmul.f32 $1.442695020e+00, v0;
	(pc) =	sbr.rel @p1 .LBB2_14-.Ltmp6, $4  }
0x1b9: {  	_ = 	snop  }
0x1ba: {  	(erf) = vpow2.f32 v0  }
0x1bb: {  	s20 =	sshra.s32 s19, $0x2  }
0x1bc: {  	s19 =	sadd.s32 $0x40, s19;
	v0 =	vld [tilespmem:s20+$0xDB80]  }
0x1bd: {  	_ =	sdelay $0x1  }
0x1be: {  	v1 =	vld [tilespmem:s20+$0xCB80];
	_ =	sdelay $0x1  }
0x1bf: {  	v0 =	vadd.s32 $0xFFFFF000, v0  }
0x1c0: {  	s13 =	sadd.s32 $0x10, s13  }
0x1c1: {  	p1 =	slt.u32 s13, $0x800;
	v2 =	vpop (erf)  }
0x1c2: {  	v2 =	vpsel !p1, $0x0, v2  }
0x1c3: {  	[tilespmem:s12+$0x12B80] =	vst v2  }
0x1c4: {  	v0 =	vld.idx.msk [tilespmem:v0+s2+$0x0], $0xffff  }
0x1c5: {  	v1 =	vld.idx.msk [tilespmem:v1+s5+$0x0], $0xffff;
	_ =	sdelay $0x4  }
0x1c6: {  	v0 =	vadd.f32 v0, v1;
	_ =	sdelay $0x1  }
0x1c7: {  	v1 =	vmul.f32 $9.999999770e-03, v0;
	_ =	sdelay $0x1  }
0x1c8: {  	v0 =	vmax.f32 v0, v1  }
0x1c9: {  	v0 =	vmul.f32 $1.442695020e+00, v0;
	_ =	sdelay $0x1  }
0x1ca: {  	(erf) = vpow2.f32 v0;
	_ =	sdelay $0x7  }
0x1cb: {  	s25 =	sadd.s32 $0x10, s13  }
0x1cc: {  	p6 =	slt.u32 s25, $0x800;
	v0 =	vpop (erf)  }
0x1cd: {  	v0 =	vpsel !p6, $0x0, v0  }
0x1ce: {  	[tilespmem:s20+$0x12B80] =	vst v0  }
0x1cf: {  	_ =	swait.ge [sflag:s9], $0x4000  }
0x1d0: {  	[sflag:s9] =	ssyncset.done $0x0  }
0x1d1: {  	s12 =	simm.s32 $0xEC80;
	[sflag:s9] =	ssyncadd.s32 $0xFFFFC000  }
0x1d2: {  	v2 =	vld [tilespmem:s12+$0xFFFFFFF0]  }
0x1d3: {  	v3 =	vld [tilespmem:s12+$0xF0]  }
0x1d4: {  	v1 =	vld [tilespmem:s12+$0xB0]  }
0x1d5: {  	v4 =	vld [tilespmem:s12+$0xFFFFFFC0]  }
0x1d6: {  	v5 =	vld [tilespmem:s12+$0x40]  }
0x1d7: {  	v6 =	vld [tilespmem:s12+$0xFFFFFF50]  }
0x1d8: {  	s26 =	simm.s32 $0x0;
	v7 =	vld [tilespmem:s12+$0xFFFFFFD0]  }
0x1d9: {  	s28 =	simm.s32 $0x1;
	s19 =	simm.s32 $0x3;
	v0 =	vmov s26;
	v8 =	vld [tilespmem:s12+$0x50]  }
0x1da: {  	s29 =	simm.s32 $0x2;
	v9 =	vmov s28;
	v10 =	vmov s19;
	v0 =	vand.u32 $0xFFFFFFFC, v0;
	v11 =	vld [tilespmem:s12+$0xD0]  }
0x1db: {  	v12 =	vbroadcast v0, $0x0;
	v0 =	vand.u32 $0xFFFFFFFD, v9;
	v9 =	vmov s29;
	v13 =	vld [tilespmem:s12+$0xFFFFFF60]  }
0x1dc: {  	v14 =	vbroadcast v0, $0x0;
	v0 =	vand.u32 $0xFFFFFFFE, v9;
	v9 =	vld [tilespmem:s12+$0xFFFFFFE0]  }
0x1dd: {  	v16 =	vld [tilespmem:s12+$0x60]  }
0x1de: {  	v17 =	vld [tilespmem:s12+$0xE0]  }
0x1df: {  	v18 =	vld [tilespmem:s12+$0xFFFFFF70]  }
0x1e0: {  	v15 =	vbroadcast v0, $0x0;
	v0 =	vld.idx.msk [tilespmem:v10+s10+$0x0], $0xffff  }
0x1e1: {  	v10 =	vld [tilespmem:s12+$0x70]  }
0x1e2: {  	v21 =	vld [tilespmem:s12+$0xA0]  }
0x1e3: {  	v22 =	vld [tilespmem:s12+$0xFFFFFF30]  }
0x1e4: {  	v59 =	vld [tilespmem:s12+$0xFFFFFFA0]  }
0x1e5: {  	v23 =	vld [tilespmem:s12+$0x10]  }
0x1e6: {  	v19 =	vld.idx.msk [tilespmem:v12+s10+$0x0], $0xffff;
	v11 =	vmul.f32 v11, v0  }
0x1e7: {  	v20 =	vld.idx.msk [tilespmem:v14+s10+$0x0], $0xffff;
	v17 =	vmul.f32 v17, v0  }
0x1e8: {  	v1 =	vmul.f32 v1, v0;
	v15 =	vld.idx.msk [tilespmem:v15+s10+$0x0], $0xffff;
	[tilespmem:s12+$0xD0] =	vst v11  }
0x1e9: {  	v24 =	vld [tilespmem:s12+$0xFFFFFF10];
	v3 =	vmul.f32 v3, v0;
	[tilespmem:s12+$0xE0] =	vst v17  }
0x1ea: {  	v60 =	vld [tilespmem:s12+$0x80];
	v21 =	vmul.f32 v21, v0;
	[tilespmem:s12+$0xB0] =	vst v1  }
0x1eb: {  	v61 =	vld [tilespmem:s12+$0xFFFFFF80];
	[tilespmem:s12+$0xF0] =	vst v3;
	v6 =	vmul.f32 v6, v19  }
0x1ec: {  	v62 =	vld [tilespmem:s12+$0xFFFFFF00];
	[tilespmem:s12+$0xA0] =	vst v21;
	v11 =	vmul.f32 v13, v19  }
0x1ed: {  	v12 =	vld [tilespmem:s12+$0x30];
	v4 =	vmul.f32 v4, v20;
	[tilespmem:s12+$0xFFFFFF50] =	vst v6  }
0x1ee: {  	v14 =	vld [tilespmem:s12+$0xFFFFFFB0];
	v9 =	vmul.f32 v9, v20;
	[tilespmem:s12+$0xFFFFFF60] =	vst v11  }
0x1ef: {  	v13 =	vld [tilespmem:s12+$0x20];
	v25 =	vmul.f32 v2, v20;
	v6 =	vmul.f32 v7, v20;
	[tilespmem:s12+$0xFFFFFFC0] =	vst v4  }
0x1f0: {  	v63 =	vld [tilespmem:s12+$0xFFFFFF40];
	v2 =	vmul.f32 v18, v19;
	v10 =	vmul.f32 v10, v15;
	[tilespmem:s12+$0xFFFFFFE0] =	vst v9  }
0x1f1: {  	v3 =	vmul.f32 v61, v20;
	v7 =	vld [tilespmem:s12+$0xFFFFFF20];
	v4 =	vmul.f32 v5, v15;
	[tilespmem:s12+$0xFFFFFFD0] =	vst v6  }
0x1f2: {  	v11 =	vld [tilespmem:s12+$0x90];
	v1 =	vmul.f32 v16, v15;
	v5 =	vmul.f32 v12, v15;
	[tilespmem:s12+$0x70] =	vst v10  }
0x1f3: {  	v12 =	vld [tilespmem:s12+$0xFFFFFF90];
	v9 =	vmul.f32 v60, v0;
	v6 =	vmul.f32 v8, v15;
	[tilespmem:s12+$0x40] =	vst v4  }
0x1f4: {  	v8 =	vmul.f32 v14, v20;
	[tilespmem:s12+$0x30] =	vst v5;
	v5 =	vmul.f32 v13, v15;
	v13 =	vld [tilespmem:s12+$0x0]  }
0x1f5: {  	v10 =	vmul.f32 v23, v15;
	v4 =	vmul.f32 v22, v19;
	[tilespmem:s12+$0x50] =	vst v6  }
0x1f6: {  	v14 =	vld [tilespmem:s12+$0xC0];
	[tilespmem:s12+$0xFFFFFFB0] =	vst v8;
	v6 =	vmul.f32 v59, v20;
	v7 =	vmul.f32 v7, v19  }
0x1f7: {  	v8 =	vmul.f32 v11, v0;
	[tilespmem:s12+$0xFFFFFF30] =	vst v4;
	v4 =	vmul.f32 v62, v19  }
0x1f8: {  	[tilespmem:s12+$0xFFFFFF70] =	vst v2;
	v11 =	vmul.f32 v12, v20;
	v12 =	vmul.f32 v24, v19  }
0x1f9: {  	s13 =	simm.s32 $0xEE80;
	s20 =	simm.s32 $0x4;
	[tilespmem:s12+$0xFFFFFFF0] =	vst v25;
	v2 =	vmul.f32 v13, v15;
	v13 =	vmul.f32 v63, v19  }
.LBB2_16:
0x1fa: {  	s21 =	sadd.s32 $0x1, s20  }
0x1fb: {  	v15 =	vmov s20;
	s22 =	sadd.s32 $0x3, s20;
	v16 =	vld [tilespmem:s13+$0xFFFFFFF0];
	[tilespmem:s12+$0x20] =	vst v5;
	v0 =	vmul.f32 v14, v0;
	s23 =	smov.u32 s20;
	s19 =	sadd.s32 $0x4, s20  }
0x1fc: {  	p1 =	sne.s32 s20, $0x7C;
	v5 =	vand.u32 $0xFFFFFFFC, v15;
	v14 =	vmov s21;
	s21 =	sadd.s32 $0x2, s23;
	v15 =	vmov s22;
	v17 =	vld [tilespmem:s13+$0xF0];
	[tilespmem:s12+$0xFFFFFFA0] =	vst v6  }
0x1fd: {  	v5 =	vbroadcast v5, $0x0;
	v6 =	vand.u32 $0xFFFFFFFD, v14;
	v14 =	vmov s21;
	v18 =	vld [tilespmem:s13+$0xB0];
	[tilespmem:s12+$0xFFFFFF20] =	vst v7  }
0x1fe: {  	v6 =	vbroadcast v6, $0x0;
	v7 =	vand.u32 $0xFFFFFFFE, v14;
	v14 =	vld [tilespmem:s13+$0xFFFFFFC0];
	[tilespmem:s12+$0x90] =	vst v8  }
0x1ff: {  	v7 =	vbroadcast v7, $0x0;
	v8 =	vld [tilespmem:s13+$0x40];
	[tilespmem:s12+$0x10] =	vst v10  }
0x200: {  	v10 =	vld [tilespmem:s13+$0xFFFFFF50];
	[tilespmem:s12+$0xFFFFFF90] =	vst v11  }
0x201: {  	v11 =	vld [tilespmem:s13+$0xFFFFFFD0];
	[tilespmem:s12+$0xFFFFFF10] =	vst v12  }
0x202: {  	v12 =	vld [tilespmem:s13+$0x50];
	[tilespmem:s12+$0xFFFFFF40] =	vst v13  }
0x203: {  	v13 =	vld [tilespmem:s13+$0xD0];
	[tilespmem:s12+$0x80] =	vst v9  }
0x204: {  	v9 =	vld [tilespmem:s13+$0xFFFFFF60];
	[tilespmem:s12+$0x60] =	vst v1  }
0x205: {  	v19 =	vld [tilespmem:s13+$0xFFFFFFE0];
	[tilespmem:s12+$0xC0] =	vst v0  }
0x206: {  	v1 =	vld [tilespmem:s13+$0x60];
	[tilespmem:s12+$0x0] =	vst v2  }
0x207: {  	v2 =	vld [tilespmem:s13+$0xE0];
	[tilespmem:s12+$0xFFFFFF80] =	vst v3  }
0x208: {  	v3 =	vld [tilespmem:s13+$0xFFFFFF70];
	[tilespmem:s12+$0xFFFFFF00] =	vst v4;
	s12 =	smov.u32 s13  }
0x209: {  	v0 =	vld.idx.msk [tilespmem:v15+s10+$0x0], $0xffff  }
0x20a: {  	v15 =	vld.idx.msk [tilespmem:v5+s10+$0x0], $0xffff  }
0x20b: {  	v4 =	vld.idx.msk [tilespmem:v6+s10+$0x0], $0xffff  }
0x20c: {  	v20 =	vld.idx.msk [tilespmem:v7+s10+$0x0], $0xffff  }
0x20d: {  	v5 =	vld [tilespmem:s13+$0x70]  }
0x20e: {  	v6 =	vld [tilespmem:s13+$0x30]  }
0x20f: {  	v13 =	vmul.f32 v13, v0;
	v2 =	vmul.f32 v2, v0;
	v7 =	vld [tilespmem:s13+$0xFFFFFFB0]  }
0x210: {  	v10 =	vmul.f32 v10, v15;
	v9 =	vmul.f32 v9, v15;
	v21 =	vld [tilespmem:s13+$0xFFFFFF30]  }
0x211: {  	v14 =	vmul.f32 v14, v4;
	v11 =	vmul.f32 v11, v4;
	v22 =	vld [tilespmem:s13+$0xA0];
	[tilespmem:s13+$0xD0] =	vst v13  }
0x212: {  	v18 =	vmul.f32 v18, v0;
	v8 =	vmul.f32 v8, v20;
	v13 =	vld [tilespmem:s13+$0x20];
	[tilespmem:s13+$0xE0] =	vst v2  }
0x213: {  	v2 =	vld [tilespmem:s13+$0xFFFFFFA0];
	v23 =	vmul.f32 v6, v20;
	[tilespmem:s13+$0xFFFFFF50] =	vst v10;
	v10 =	vmul.f32 v12, v20  }
0x214: {  	v1 =	vmul.f32 v1, v20;
	v12 =	vld [tilespmem:s13+$0xFFFFFF20];
	v24 =	vmul.f32 v7, v4;
	[tilespmem:s13+$0xFFFFFF60] =	vst v9  }
0x215: {  	v9 =	vld [tilespmem:s13+$0x90];
	v21 =	vmul.f32 v21, v15;
	[tilespmem:s13+$0xFFFFFFC0] =	vst v14;
	v14 =	vmul.f32 v5, v20  }
0x216: {  	v19 =	vmul.f32 v19, v4;
	v25 =	vld [tilespmem:s13+$0x10];
	v22 =	vmul.f32 v22, v0;
	[tilespmem:s13+$0xFFFFFFD0] =	vst v11  }
0x217: {  	v11 =	vld [tilespmem:s13+$0xFFFFFF90];
	v5 =	vmul.f32 v13, v20;
	[tilespmem:s13+$0xB0] =	vst v18;
	v13 =	vmul.f32 v16, v4  }
0x218: {  	v16 =	vld [tilespmem:s13+$0xFFFFFF10];
	v6 =	vmul.f32 v2, v4;
	[tilespmem:s13+$0x40] =	vst v8;
	v2 =	vmul.f32 v3, v15  }
0x219: {  	v17 =	vmul.f32 v17, v0;
	v3 =	vld [tilespmem:s13+$0x80];
	v7 =	vmul.f32 v12, v15;
	[tilespmem:s13+$0x30] =	vst v23  }
0x21a: {  	v18 =	vld [tilespmem:s13+$0x0];
	v8 =	vmul.f32 v9, v0;
	[tilespmem:s13+$0x50] =	vst v10  }
0x21b: {  	v23 =	vld [tilespmem:s13+$0xFFFFFF80];
	v10 =	vmul.f32 v25, v20;
	[tilespmem:s13+$0xFFFFFFB0] =	vst v24  }
0x21c: {  	v24 =	vld [tilespmem:s13+$0xFFFFFF00];
	v11 =	vmul.f32 v11, v4;
	[tilespmem:s13+$0x70] =	vst v14  }
0x21d: {  	v12 =	vmul.f32 v16, v15;
	v16 =	vld [tilespmem:s13+$0xFFFFFF40];
	[tilespmem:s13+$0xFFFFFFE0] =	vst v19  }
.Ltmp7:
0x21e: {  	v9 =	vmul.f32 v3, v0;
	v14 =	vld [tilespmem:s13+$0xC0];
	[tilespmem:s13+$0xFFFFFF70] =	vst v2;
	(pc) =	sbr.rel @p1 .LBB2_16-.Ltmp7, $4  }
0x21f: {  	v2 =	vmul.f32 v18, v20;
	[tilespmem:s13+$0xF0] =	vst v17  }
0x220: {  	v3 =	vmul.f32 v23, v4;
	[tilespmem:s13+$0xFFFFFF30] =	vst v21  }
0x221: {  	v4 =	vmul.f32 v24, v15;
	[tilespmem:s13+$0xFFFFFFF0] =	vst v13  }
0x222: {  	s20 =	smov.u32 s19;
	s13 =	sadd.s32 $0x200, s13;
	[tilespmem:s12+$0xA0] =	vst v22;
	v13 =	vmul.f32 v16, v15  }
0x223: {  	[tilespmem:s12+$0x20] =	vst v5  }
0x224: {  	[tilespmem:s12+$0xFFFFFFA0] =	vst v6  }
0x225: {  	[tilespmem:s12+$0xFFFFFF20] =	vst v7  }
0x226: {  	[tilespmem:s12+$0x90] =	vst v8  }
0x227: {  	[tilespmem:s12+$0x10] =	vst v10  }
0x228: {  	[tilespmem:s12+$0xFFFFFF90] =	vst v11  }
0x229: {  	[tilespmem:s12+$0xFFFFFF10] =	vst v12  }
0x22a: {  	[tilespmem:s12+$0x80] =	vst v9  }
0x22b: {  	[tilespmem:s12+$0x60] =	vst v1  }
0x22c: {  	[tilespmem:s12+$0x0] =	vst v2  }
0x22d: {  	[tilespmem:s12+$0xFFFFFF80] =	vst v3  }
0x22e: {  	v0 =	vmul.f32 v14, v0;
	[tilespmem:s12+$0xFFFFFF00] =	vst v4  }
0x22f: {  	[tilespmem:s12+$0xFFFFFF40] =	vst v13  }
0x230: {  	s19 =	simm.s32 $0xDB80;
	[tilespmem:s12+$0xC0] =	vst v0  }
0x231: {  	[spmem:s3] =	stream.indirect.scatter.add.f32 [tilespmem:s8], [sflag:$0x2], $0x80, s19, s7, $0xb8;
	[tilespmem:$0x1B108] =	vst v63  }
0x232: {  	_ =	swait.ge [sflag:s0], $0x4000  }
0x233: {  	[sflag:s0] =	ssyncset.done $0x0  }
0x234: {  	[sflag:s0] =	ssyncadd.s32 $0xFFFFC000  }
0x235: {  	[spmem:s4] =	stream.indirect.scatter.add.f32 [tilespmem:s10], [sflag:$0x2], $0x1, s19, s7, $0xb8;
	[tilespmem:$0x1B108] =	vst v63  }
0x236: {  	_ =	swait.ge [sflag:s0], $0x80  }
0x237: {  	[sflag:s0] =	ssyncset.done $0x0  }
0x238: {  	s20 =	simm.s32 $0x0;
	s25 =	rddreg [dreg:$0x12];
	[sflag:s0] =	ssyncadd.s32 $0xFFFFFF80  }
0x239: {  	[tilespmem:s20], [sflag:$0x2] =	stream.linear.gather [hbm4b:s25+s20], $0xC380, $0x38;
	[tilespmem:$0x1B108] =	vst v63  }
0x23a: {  	_ =	swait.ge [sflag:s0], $0xC380  }
0x23b: {  	[sflag:s0] =	ssyncset.done $0x0  }
0x23c: {  	s26 =	rddreg [dreg:$0x13];
	[sflag:s0] =	ssyncadd.s32 $0xFFFF3C80  }
0x23d: {  	[tilespmem:s2], [sflag:$0x2] =	stream.linear.gather [hbm4b:s26+s20], $0x40, $0x38;
	[tilespmem:$0x1B108] =	vst v63  }
0x23e: {  	_ =	swait.ge [sflag:s0], $0x40  }
0x23f: {  	[sflag:s0] =	ssyncset.done $0x0  }
0x240: {  	s21 =	simm.s32 $0xCB80;
	s28 =	rddreg [dreg:$0x19];
	[sflag:s0] =	ssyncadd.s32 $0xFFFFFFC0  }
0x241: {  	[tilespmem:s21], [sflag:$0x2] =	stream.linear.gather [hbm4b:s28+s20], $0x680, $0x38;
	[tilespmem:$0x1B108] =	vst v63  }
0x242: {  	_ =	swait.ge [sflag:s0], $0x680  }
0x243: {  	[sflag:s0] =	ssyncset.done $0x0  }
0x244: {  	s29 =	rddreg [dreg:$0x1a];
	[sflag:s0] =	ssyncadd.s32 $0xFFFFF980  }
0x245: {  	[tilespmem:s19], [sflag:$0x2] =	stream.linear.gather [hbm4b:s29+s20], $0x680, $0x38;
	[tilespmem:$0x1B108] =	vst v63  }
0x246: {  	_ =	swait.ge [sflag:s0], $0x680  }
0x247: {  	[sflag:s0] =	ssyncset.done $0x0  }
0x248: {  	s13 =	smov.u32 s16;
	[sflag:s0] =	ssyncadd.s32 $0xFFFFF980  }
.LBB2_18:
0x249: {  	v0 =	vmov s19  }
0x24a: {  	v1 =	vmov s21  }
0x24b: {  	s22 =	sshll.u32 s20, $0x7  }
0x24c: {  	s23 =	simm.s32 $0x0;
	s12 =	sadd.s32 $0xCB80, s22  }
0x24d: {  	[tilespmem:s8], [sflag:$0x1] =	stream.indirect.gather [hbm4b:s6+s7], $0x80, s12, s7, $0xb8;
	[tilespmem:$0x1B108] =	vst v63  }
0x24e: {  	v2 =	vld.idx.msk [tilespmem:v0+s23+$0x0 ss:$0x1], $0xffff  }
0x24f: {  	v3 =	vld.idx.msk [tilespmem:v1+s23+$0x0 ss:$0x1], $0xffff;
	_ =	sdelay $0x3  }
0x250: {  	v2 =	vadd.s32 $0xFFFFEFC0, v2;
	_ =	sdelay $0x3  }
0x251: {  	v3 =	vld.idx.msk [tilespmem:v3+s5+$0x0], $0xffff  }
0x252: {  	v2 =	vld.idx.msk [tilespmem:v2+s2+$0x0], $0xffff;
	_ =	sdelay $0x4  }
0x253: {  	v2 =	vadd.f32 v2, v3;
	_ =	sdelay $0x1  }
0x254: {  	v3 =	vmul.f32 $9.999999770e-03, v2;
	_ =	sdelay $0x1  }
0x255: {  	v2 =	vmax.f32 v2, v3  }
0x256: {  	v2 =	vmul.f32 $1.442695020e+00, v2;
	_ =	sdelay $0x1  }
0x257: {  	(erf) = vpow2.f32 v2;
	_ =	sdelay $0x8  }
0x258: {  	p1 =	slt.u32 s13, $0xC350;
	v2 =	vpop (erf)  }
0x259: {  	v2 =	vpsel !p1, $0x0, v2  }
0x25a: {  	s24 =	simm.s32 $0x80;
	s12 =	simm.s32 $0x10;
	[tilespmem:s23+$0x12B80] =	vst v2;
	s23 =	smov.u32 s13  }
.LBB2_19:
0x25b: {  	p1 =	sne.s32 s24, $0x1C0;
	v2 =	vld.idx.msk [tilespmem:v0+s12+$0x0 ss:$0x1], $0xffff;
	_ =	sdelay $0x1  }
0x25c: {  	v3 =	vld.idx.msk [tilespmem:v1+s12+$0x0 ss:$0x1], $0xffff;
	_ =	sdelay $0x3  }
0x25d: {  	v2 =	vadd.s32 $0xFFFFEFC0, v2;
	_ =	sdelay $0x3  }
0x25e: {  	v3 =	vld.idx.msk [tilespmem:v3+s5+$0x0], $0xffff  }
0x25f: {  	v2 =	vld.idx.msk [tilespmem:v2+s2+$0x0], $0xffff;
	_ =	sdelay $0x5  }
0x260: {  	v2 =	vadd.f32 v2, v3;
	_ =	sdelay $0x1  }
0x261: {  	v3 =	vmul.f32 $9.999999770e-03, v2;
	_ =	sdelay $0x1  }
0x262: {  	v2 =	vmax.f32 v2, v3  }
0x263: {  	v2 =	vmul.f32 $1.442695020e+00, v2;
	_ =	sdelay $0x1  }
0x264: {  	(erf) = vpow2.f32 v2;
	_ =	sdelay $0x6  }
.Ltmp8:
0x265: {  	(pc) =	sbr.rel @p1 .LBB2_19-.Ltmp8, $4  }
0x266: {  	s23 =	sadd.s32 $0x10, s23  }
0x267: {  	p2 =	slt.u32 s23, $0xC350;
	v2 =	vpop (erf)  }
0x268: {  	v2 =	vpsel !p2, $0x0, v2  }
0x269: {  	[tilespmem:s12+$0x12B80] =	vst v2;
	s12 =	sshra.s32 s24, $0x2;
	s24 =	sadd.s32 $0x40, s24  }
0x26a: {  	_ =	sdelay $0x3  }
0x26b: {  	v0 =	vld.idx.msk [tilespmem:v0+s12+$0x0 ss:$0x1], $0xffff  }
0x26c: {  	v1 =	vld.idx.msk [tilespmem:v1+s12+$0x0 ss:$0x1], $0xffff;
	_ =	sdelay $0x3  }
0x26d: {  	v0 =	vadd.s32 $0xFFFFEFC0, v0;
	_ =	sdelay $0x3  }
0x26e: {  	v1 =	vld.idx.msk [tilespmem:v1+s5+$0x0], $0xffff  }
0x26f: {  	v0 =	vld.idx.msk [tilespmem:v0+s2+$0x0], $0xffff;
	_ =	sdelay $0x4  }
0x270: {  	v0 =	vadd.f32 v0, v1;
	_ =	sdelay $0x1  }
0x271: {  	v1 =	vmul.f32 $9.999999770e-03, v0;
	_ =	sdelay $0x1  }
0x272: {  	v0 =	vmax.f32 v0, v1  }
0x273: {  	v0 =	vmul.f32 $1.442695020e+00, v0;
	_ =	sdelay $0x1  }
0x274: {  	(erf) = vpow2.f32 v0;
	_ =	sdelay $0x7  }
0x275: {  	s23 =	sadd.s32 $0x10, s23  }
0x276: {  	p1 =	slt.u32 s23, $0xC350;
	v0 =	vpop (erf)  }
0x277: {  	v0 =	vpsel !p1, $0x0, v0  }
0x278: {  	[tilespmem:s12+$0x12B80] =	vst v0  }
0x279: {  	_ =	swait.ge [sflag:s9], $0x4000  }
0x27a: {  	[sflag:s9] =	ssyncset.done $0x0  }
0x27b: {  	s12 =	simm.s32 $0xEC80;
	[sflag:s9] =	ssyncadd.s32 $0xFFFFC000  }
0x27c: {  	v2 =	vld [tilespmem:s12+$0xFFFFFFF0]  }
0x27d: {  	v3 =	vld [tilespmem:s12+$0xF0]  }
0x27e: {  	v1 =	vld [tilespmem:s12+$0xB0]  }
0x27f: {  	v4 =	vld [tilespmem:s12+$0xFFFFFFC0]  }
0x280: {  	v5 =	vld [tilespmem:s12+$0x40]  }
0x281: {  	v6 =	vld [tilespmem:s12+$0xFFFFFF50]  }
0x282: {  	s26 =	simm.s32 $0x0;
	v7 =	vld [tilespmem:s12+$0xFFFFFFD0]  }
0x283: {  	s28 =	simm.s32 $0x1;
	s24 =	simm.s32 $0x3;
	v0 =	vmov s26;
	v8 =	vld [tilespmem:s12+$0x50]  }
0x284: {  	s29 =	simm.s32 $0x2;
	v9 =	vmov s28;
	v10 =	vmov s24;
	v0 =	vand.u32 $0xFFFFFFFC, v0;
	v11 =	vld [tilespmem:s12+$0xD0]  }
0x285: {  	v12 =	vbroadcast v0, $0x0;
	v0 =	vand.u32 $0xFFFFFFFD, v9;
	v9 =	vmov s29;
	v13 =	vld [tilespmem:s12+$0xFFFFFF60]  }
0x286: {  	v14 =	vbroadcast v0, $0x0;
	v0 =	vand.u32 $0xFFFFFFFE, v9;
	v9 =	vld [tilespmem:s12+$0xFFFFFFE0]  }
0x287: {  	v16 =	vld [tilespmem:s12+$0x60]  }
0x288: {  	v17 =	vld [tilespmem:s12+$0xE0]  }
0x289: {  	v18 =	vld [tilespmem:s12+$0xFFFFFF70]  }
0x28a: {  	v15 =	vbroadcast v0, $0x0;
	v0 =	vld.idx.msk [tilespmem:v10+s10+$0x0], $0xffff  }
0x28b: {  	v10 =	vld [tilespmem:s12+$0x70]  }
0x28c: {  	v21 =	vld [tilespmem:s12+$0xA0]  }
0x28d: {  	v22 =	vld [tilespmem:s12+$0xFFFFFF30]  }
0x28e: {  	v59 =	vld [tilespmem:s12+$0xFFFFFFA0]  }
0x28f: {  	v23 =	vld [tilespmem:s12+$0x10]  }
0x290: {  	v19 =	vld.idx.msk [tilespmem:v12+s10+$0x0], $0xffff;
	v11 =	vmul.f32 v11, v0  }
0x291: {  	v20 =	vld.idx.msk [tilespmem:v14+s10+$0x0], $0xffff;
	v17 =	vmul.f32 v17, v0  }
0x292: {  	v1 =	vmul.f32 v1, v0;
	v15 =	vld.idx.msk [tilespmem:v15+s10+$0x0], $0xffff;
	[tilespmem:s12+$0xD0] =	vst v11  }
0x293: {  	v24 =	vld [tilespmem:s12+$0xFFFFFF10];
	v3 =	vmul.f32 v3, v0;
	[tilespmem:s12+$0xE0] =	vst v17  }
0x294: {  	v60 =	vld [tilespmem:s12+$0x80];
	v21 =	vmul.f32 v21, v0;
	[tilespmem:s12+$0xB0] =	vst v1  }
0x295: {  	v61 =	vld [tilespmem:s12+$0xFFFFFF80];
	[tilespmem:s12+$0xF0] =	vst v3;
	v6 =	vmul.f32 v6, v19  }
0x296: {  	v62 =	vld [tilespmem:s12+$0xFFFFFF00];
	[tilespmem:s12+$0xA0] =	vst v21;
	v11 =	vmul.f32 v13, v19  }
0x297: {  	v12 =	vld [tilespmem:s12+$0x30];
	v4 =	vmul.f32 v4, v20;
	[tilespmem:s12+$0xFFFFFF50] =	vst v6  }
0x298: {  	v14 =	vld [tilespmem:s12+$0xFFFFFFB0];
	v9 =	vmul.f32 v9, v20;
	[tilespmem:s12+$0xFFFFFF60] =	vst v11  }
0x299: {  	v13 =	vld [tilespmem:s12+$0x20];
	v25 =	vmul.f32 v2, v20;
	v6 =	vmul.f32 v7, v20;
	[tilespmem:s12+$0xFFFFFFC0] =	vst v4  }
0x29a: {  	v63 =	vld [tilespmem:s12+$0xFFFFFF40];
	v2 =	vmul.f32 v18, v19;
	v10 =	vmul.f32 v10, v15;
	[tilespmem:s12+$0xFFFFFFE0] =	vst v9  }
0x29b: {  	v3 =	vmul.f32 v61, v20;
	v7 =	vld [tilespmem:s12+$0xFFFFFF20];
	v4 =	vmul.f32 v5, v15;
	[tilespmem:s12+$0xFFFFFFD0] =	vst v6  }
0x29c: {  	v11 =	vld [tilespmem:s12+$0x90];
	v1 =	vmul.f32 v16, v15;
	v5 =	vmul.f32 v12, v15;
	[tilespmem:s12+$0x70] =	vst v10  }
0x29d: {  	v12 =	vld [tilespmem:s12+$0xFFFFFF90];
	v9 =	vmul.f32 v60, v0;
	v6 =	vmul.f32 v8, v15;
	[tilespmem:s12+$0x40] =	vst v4  }
0x29e: {  	v8 =	vmul.f32 v14, v20;
	[tilespmem:s12+$0x30] =	vst v5;
	v5 =	vmul.f32 v13, v15;
	v13 =	vld [tilespmem:s12+$0x0]  }
0x29f: {  	v10 =	vmul.f32 v23, v15;
	v4 =	vmul.f32 v22, v19;
	[tilespmem:s12+$0x50] =	vst v6  }
0x2a0: {  	v14 =	vld [tilespmem:s12+$0xC0];
	[tilespmem:s12+$0xFFFFFFB0] =	vst v8;
	v6 =	vmul.f32 v59, v20;
	v7 =	vmul.f32 v7, v19  }
0x2a1: {  	v8 =	vmul.f32 v11, v0;
	[tilespmem:s12+$0xFFFFFF30] =	vst v4;
	v4 =	vmul.f32 v62, v19  }
0x2a2: {  	[tilespmem:s12+$0xFFFFFF70] =	vst v2;
	v11 =	vmul.f32 v12, v20;
	v12 =	vmul.f32 v24, v19  }
0x2a3: {  	s25 =	simm.s32 $0x4;
	s23 =	simm.s32 $0xEE80;
	[tilespmem:s12+$0xFFFFFFF0] =	vst v25;
	v2 =	vmul.f32 v13, v15;
	v13 =	vmul.f32 v63, v19  }
.LBB2_21:
0x2a4: {  	s26 =	sadd.s32 $0x1, s25  }
0x2a5: {  	v15 =	vmov s25;
	s28 =	sadd.s32 $0x3, s25;
	v16 =	vld [tilespmem:s23+$0xFFFFFFF0];
	[tilespmem:s12+$0x20] =	vst v5;
	v0 =	vmul.f32 v14, v0;
	s29 =	smov.u32 s25;
	s24 =	sadd.s32 $0x4, s25  }
0x2a6: {  	p1 =	sne.s32 s25, $0x7C;
	v5 =	vand.u32 $0xFFFFFFFC, v15;
	v14 =	vmov s26;
	s26 =	sadd.s32 $0x2, s29;
	v15 =	vmov s28;
	v17 =	vld [tilespmem:s23+$0xF0];
	[tilespmem:s12+$0xFFFFFFA0] =	vst v6  }
0x2a7: {  	v5 =	vbroadcast v5, $0x0;
	v6 =	vand.u32 $0xFFFFFFFD, v14;
	v14 =	vmov s26;
	v18 =	vld [tilespmem:s23+$0xB0];
	[tilespmem:s12+$0xFFFFFF20] =	vst v7  }
0x2a8: {  	v6 =	vbroadcast v6, $0x0;
	v7 =	vand.u32 $0xFFFFFFFE, v14;
	v14 =	vld [tilespmem:s23+$0xFFFFFFC0];
	[tilespmem:s12+$0x90] =	vst v8  }
0x2a9: {  	v7 =	vbroadcast v7, $0x0;
	v8 =	vld [tilespmem:s23+$0x40];
	[tilespmem:s12+$0x10] =	vst v10  }
0x2aa: {  	v10 =	vld [tilespmem:s23+$0xFFFFFF50];
	[tilespmem:s12+$0xFFFFFF90] =	vst v11  }
0x2ab: {  	v11 =	vld [tilespmem:s23+$0xFFFFFFD0];
	[tilespmem:s12+$0xFFFFFF10] =	vst v12  }
0x2ac: {  	v12 =	vld [tilespmem:s23+$0x50];
	[tilespmem:s12+$0xFFFFFF40] =	vst v13  }
0x2ad: {  	v13 =	vld [tilespmem:s23+$0xD0];
	[tilespmem:s12+$0x80] =	vst v9  }
0x2ae: {  	v9 =	vld [tilespmem:s23+$0xFFFFFF60];
	[tilespmem:s12+$0x60] =	vst v1  }
0x2af: {  	v19 =	vld [tilespmem:s23+$0xFFFFFFE0];
	[tilespmem:s12+$0xC0] =	vst v0  }
0x2b0: {  	v1 =	vld [tilespmem:s23+$0x60];
	[tilespmem:s12+$0x0] =	vst v2  }
0x2b1: {  	v2 =	vld [tilespmem:s23+$0xE0];
	[tilespmem:s12+$0xFFFFFF80] =	vst v3  }
0x2b2: {  	v3 =	vld [tilespmem:s23+$0xFFFFFF70];
	[tilespmem:s12+$0xFFFFFF00] =	vst v4;
	s12 =	smov.u32 s23  }
0x2b3: {  	v0 =	vld.idx.msk [tilespmem:v15+s10+$0x0], $0xffff  }
0x2b4: {  	v15 =	vld.idx.msk [tilespmem:v5+s10+$0x0], $0xffff  }
0x2b5: {  	v4 =	vld.idx.msk [tilespmem:v6+s10+$0x0], $0xffff  }
0x2b6: {  	v20 =	vld.idx.msk [tilespmem:v7+s10+$0x0], $0xffff  }
0x2b7: {  	v5 =	vld [tilespmem:s23+$0x70]  }
0x2b8: {  	v6 =	vld [tilespmem:s23+$0x30]  }
0x2b9: {  	v13 =	vmul.f32 v13, v0;
	v2 =	vmul.f32 v2, v0;
	v7 =	vld [tilespmem:s23+$0xFFFFFFB0]  }
0x2ba: {  	v10 =	vmul.f32 v10, v15;
	v9 =	vmul.f32 v9, v15;
	v21 =	vld [tilespmem:s23+$0xFFFFFF30]  }
0x2bb: {  	v14 =	vmul.f32 v14, v4;
	v11 =	vmul.f32 v11, v4;
	v22 =	vld [tilespmem:s23+$0xA0];
	[tilespmem:s23+$0xD0] =	vst v13  }
0x2bc: {  	v18 =	vmul.f32 v18, v0;
	v8 =	vmul.f32 v8, v20;
	v13 =	vld [tilespmem:s23+$0x20];
	[tilespmem:s23+$0xE0] =	vst v2  }
0x2bd: {  	v2 =	vld [tilespmem:s23+$0xFFFFFFA0];
	v23 =	vmul.f32 v6, v20;
	[tilespmem:s23+$0xFFFFFF50] =	vst v10;
	v10 =	vmul.f32 v12, v20  }
0x2be: {  	v1 =	vmul.f32 v1, v20;
	v12 =	vld [tilespmem:s23+$0xFFFFFF20];
	v24 =	vmul.f32 v7, v4;
	[tilespmem:s23+$0xFFFFFF60] =	vst v9  }
0x2bf: {  	v9 =	vld [tilespmem:s23+$0x90];
	v21 =	vmul.f32 v21, v15;
	[tilespmem:s23+$0xFFFFFFC0] =	vst v14;
	v14 =	vmul.f32 v5, v20  }
0x2c0: {  	v19 =	vmul.f32 v19, v4;
	v25 =	vld [tilespmem:s23+$0x10];
	v22 =	vmul.f32 v22, v0;
	[tilespmem:s23+$0xFFFFFFD0] =	vst v11  }
0x2c1: {  	v11 =	vld [tilespmem:s23+$0xFFFFFF90];
	v5 =	vmul.f32 v13, v20;
	[tilespmem:s23+$0xB0] =	vst v18;
	v13 =	vmul.f32 v16, v4  }
0x2c2: {  	v16 =	vld [tilespmem:s23+$0xFFFFFF10];
	v6 =	vmul.f32 v2, v4;
	[tilespmem:s23+$0x40] =	vst v8;
	v2 =	vmul.f32 v3, v15  }
0x2c3: {  	v17 =	vmul.f32 v17, v0;
	v3 =	vld [tilespmem:s23+$0x80];
	v7 =	vmul.f32 v12, v15;
	[tilespmem:s23+$0x30] =	vst v23  }
0x2c4: {  	v18 =	vld [tilespmem:s23+$0x0];
	v8 =	vmul.f32 v9, v0;
	[tilespmem:s23+$0x50] =	vst v10  }
0x2c5: {  	v23 =	vld [tilespmem:s23+$0xFFFFFF80];
	v10 =	vmul.f32 v25, v20;
	[tilespmem:s23+$0xFFFFFFB0] =	vst v24  }
0x2c6: {  	v24 =	vld [tilespmem:s23+$0xFFFFFF00];
	v11 =	vmul.f32 v11, v4;
	[tilespmem:s23+$0x70] =	vst v14  }
0x2c7: {  	v12 =	vmul.f32 v16, v15;
	v16 =	vld [tilespmem:s23+$0xFFFFFF40];
	[tilespmem:s23+$0xFFFFFFE0] =	vst v19  }
.Ltmp9:
0x2c8: {  	v9 =	vmul.f32 v3, v0;
	v14 =	vld [tilespmem:s23+$0xC0];
	[tilespmem:s23+$0xFFFFFF70] =	vst v2;
	(pc) =	sbr.rel @p1 .LBB2_21-.Ltmp9, $4  }
0x2c9: {  	v2 =	vmul.f32 v18, v20;
	[tilespmem:s23+$0xF0] =	vst v17  }
0x2ca: {  	v3 =	vmul.f32 v23, v4;
	[tilespmem:s23+$0xFFFFFF30] =	vst v21  }
0x2cb: {  	v4 =	vmul.f32 v24, v15;
	[tilespmem:s23+$0xFFFFFFF0] =	vst v13  }
0x2cc: {  	s25 =	smov.u32 s24;
	s23 =	sadd.s32 $0x200, s23;
	[tilespmem:s12+$0xA0] =	vst v22;
	v13 =	vmul.f32 v16, v15  }
0x2cd: {  	[tilespmem:s12+$0x20] =	vst v5  }
0x2ce: {  	[tilespmem:s12+$0xFFFFFFA0] =	vst v6  }
0x2cf: {  	[tilespmem:s12+$0xFFFFFF20] =	vst v7  }
0x2d0: {  	[tilespmem:s12+$0x90] =	vst v8  }
0x2d1: {  	[tilespmem:s12+$0x10] =	vst v10  }
0x2d2: {  	[tilespmem:s12+$0xFFFFFF90] =	vst v11  }
0x2d3: {  	[tilespmem:s12+$0xFFFFFF10] =	vst v12  }
0x2d4: {  	[tilespmem:s12+$0x80] =	vst v9  }
0x2d5: {  	[tilespmem:s12+$0x60] =	vst v1  }
0x2d6: {  	[tilespmem:s12+$0x0] =	vst v2  }
0x2d7: {  	[tilespmem:s12+$0xFFFFFF80] =	vst v3  }
0x2d8: {  	v0 =	vmul.f32 v14, v0;
	[tilespmem:s12+$0xFFFFFF00] =	vst v4  }
0x2d9: {  	[tilespmem:s12+$0xFFFFFF40] =	vst v13  }
0x2da: {  	s29 =	sadd.s32 $0xDB80, s22;
	[tilespmem:s12+$0xC0] =	vst v0  }
0x2db: {  	[spmem:s3] =	stream.indirect.scatter.add.f32 [tilespmem:s8], [sflag:$0x2], $0x80, s29, s7, $0xb8;
	[tilespmem:$0x1B108] =	vst v63  }
0x2dc: {  	s20 =	sadd.s32 $0x1, s20;
	_ =	swait.ge [sflag:s0], $0x4000  }
0x2dd: {  	p1 =	sne.s32 s20, $0xD;
	[sflag:s0] =	ssyncset.done $0x0  }
.Ltmp10:
0x2de: {  	[sflag:s0] =	ssyncadd.s32 $0xFFFFC000;
	(pc) =	sbr.rel @p1 .LBB2_18-.Ltmp10, $4  }
0x2df: {  	[spmem:s4] =	stream.indirect.scatter.add.f32 [tilespmem:s10], [sflag:$0x2], $0x1, s29, s7, $0xb8;
	[tilespmem:$0x1B108] =	vst v63  }
0x2e0: {  	_ =	swait.ge [sflag:s0], $0x80  }
0x2e1: {  	s13 =	sadd.s32 $0x80, s13;
	[sflag:s0] =	ssyncset.done $0x0  }
0x2e2: {  	s21 =	sadd.s32 $0x80, s21;
	s19 =	sadd.s32 $0x80, s19;
	[sflag:s0] =	ssyncadd.s32 $0xFFFFFF80  }
0x2e3: {  	[bflag:$0x0] =	sbarrier.arrive $0xFFFF  }
0x2e4: {  	s12 =	simm.s32 @!p0 $0x1C02;
	s13 =	rddreg [dreg:$0x1b]  }
0x2e5: {  	[hbm:s13], [sflag:s12] =	dma.local @!p0 [spmem:s18], $0x10800  }
0x2e6: {  	s13 =	simm.s32 @!p0 $0x2  }
0x2e7: {  	s19 =	simm.s32 @!p0 $0x20;
	s15 =	sadd.s32 $0x1, s15;
	_ =	swait.ge @!p0 [sflag:s13], $0x10800  }
0x2e8: {  	s20 =	simm.s32 @!p0 $0x10;
	p1 =	sne.s32 s15, s31;
	[sflag:s13] =	ssyncset.done @!p0 $0x0  }
.Ltmp11:
0x2e9: {  	s18 =	simm.s32 @!p0 $0x1;
	[sflag:s13] =	ssyncadd.s32 @!p0 $0xFFFEF800;
	(pc) =	sbr.rel @p1 .LBB2_1-.Ltmp11, $4  }
0x2ea: {  	[hbm:s30@s19], [sflag:s12] =	dma.strided @!p0 [spmem:s17@s20], $0x210, s18, $0x10   }
0x2eb: {  	_ =	swait.ge @!p0 [sflag:s13], $0x210  }
0x2ec: {  	[sflag:s13] =	ssyncset.done @!p0 $0x0  }
0x2ed: {  	[sflag:s13] =	ssyncadd.s32 @!p0 $0xFFFFFDF0  }
0x2ee: {  	_ =	sfence.sel $0x180000  }
0x2ef: {  	[bflag:$0x0] =	sbarrier.arrive $0xFFFF  }
0x2f0: {  	_ =	strace $0x90000047  }
0x2f1: {  	[bflag:$0x2] =	sbarrier.arrive $0xFFFF  }
0x2f2: {  	s0 =	rddreg [dreg:$0x7]  }
0x2f3: {  	s0 =	sadd.s32 @!p0 $0x100000, s0  }
0x2f4: {  	[sflag:s0] =	ssyncadd.tile.s32 @!p0 $0x1;
	_ =	shalt  }
.Lfunc_end2:
_tile_overlayer_lowered:
.L_overlay_start_2:
0x2f5: {  	(tag) =	ssettag $0x2  }
0x2f6: {  	s0 =	rddreg [dreg:$0x0];
	s2 =	stileid.u32  }
0x2f7: {  	s1 =	rddreg [dreg:$0x1];
	p0 =	sne.s32 s2, $0x0  }
0x2f8: {  	s3 =	rddreg [dreg:$0x2];
	[bflag:$0x3] =	sbarrier.arrive $0xFFFF;
	s2 =	simm.s32 @!p0 $0x1C02  }
0x2f9: {  	[timem:s3], [sflag:s2] =	dma.local @!p0 [hbm:s0], s1  }
0x2fa: {  	s0 =	simm.s32 @!p0 $0x2  }
0x2fb: {  	_ =	swait.ge @!p0 [sflag:s0], s1  }
0x2fc: {  	s1 =	ssub.s32 @!p0 $0x0, s1;
	[sflag:s0] =	ssyncset.done @!p0 $0x0  }
0x2fd: {  	[sflag:s0] =	ssyncadd.s32 @!p0 s1  }
0x2fe: {  	[bflag:$0x3] =	sbarrier.arrive $0xFFFF  }
0x2ff: {  	_ =	shalt  }

</sc_bundles>
